<compile_context>
chip_gen: v7x
topology: tpu7x:2x2x1
jax: 0.10.2.dev20260603
libtpu: 0.0.44.dev20260713+nightly
codegen_flags: <defaults>
</compile_context>

<pallas_src>
import functools

import jax
import jax.numpy as jnp
from jax import lax
from jax.experimental import pallas as pl
from jax.experimental.pallas import tpu as pltpu
from jax.experimental.pallas import tpu_sc as plsc

N = 100000
CIN = 32
COUT = 32
KK = 27
KG = 7
B_, D_, H_, W_ = 4, 64, 64, 64
DP = 66

NP = 102400
CH = 3200
SUB = 128
NSUB = CH // SUB
CHA = 6400
NSUBA = CHA // SUB
NPB = NP // SUB

VOLB = B_ * DP * DP * DP
SAFE = (DP + 1) * DP + 1
VPADR = 4096
VOLP = 1163008
ZROWS = 512
NF = N + ZROWS

MEMW = VOLP // 16
MB = 8192
NMB = MEMW // MB
MREM = MEMW - NMB * MB

_mesh1 = plsc.VectorSubcoreMesh(core_axis_name="c", subcore_axis_name="s",
                                num_cores=1)
_mesh2 = plsc.VectorSubcoreMesh(core_axis_name="c", subcore_axis_name="s")
_sc_params = pltpu.CompilerParams(use_tc_tiling_on_sc=False)


def _iota16():
    return lax.iota(jnp.int32, 16)


def _build_vol(cbi, czi, cyi, cxi):

    @functools.partial(
        pl.kernel,
        out_type=(jax.ShapeDtypeStruct((VOLP,), jnp.int32),
                  jax.ShapeDtypeStruct((NPB, SUB), jnp.int32)),
        mesh=_mesh1,
        compiler_params=_sc_params,
        scratch_types=[
            pltpu.VMEM((MB,), jnp.int32),
            pltpu.VMEM((CHA,), jnp.int32),
            pltpu.VMEM((CHA,), jnp.int32),
            pltpu.VMEM((CHA,), jnp.int32),
            pltpu.VMEM((CHA,), jnp.int32),
            pltpu.VMEM((NSUBA, SUB), jnp.int32),
            pltpu.VMEM((NSUBA, SUB), jnp.int32),
            pltpu.SemaphoreType.DMA,
        ],
    )
    def k(cb_h, cz_h, cy_h, cx_h, volf, flat3,
          mbuf, cb, cz, cy, cx, fl2, id2, sem):
        s = lax.axis_index("s")

        def fill(i, _):
            mbuf[pl.ds(i * 16, 16)] = N + ((i * 16 + _iota16()) & (ZROWS - 1))
            return 0

        lax.fori_loop(0, MB // 16, fill, 0)

        base_m = s * MEMW

        def mset(i, _):
            pltpu.async_copy(mbuf, volf.at[pl.ds(base_m + i * MB, MB)], sem)
            return 0

        lax.fori_loop(0, NMB, mset, 0)
        pltpu.async_copy(mbuf.at[pl.ds(0, MREM)],
                         volf.at[pl.ds(base_m + NMB * MB, MREM)], sem)

        pb = s * CHA
        pltpu.sync_copy(cb_h.at[pl.ds(pb, CHA)], cb)
        pltpu.sync_copy(cz_h.at[pl.ds(pb, CHA)], cz)
        pltpu.sync_copy(cy_h.at[pl.ds(pb, CHA)], cy)
        pltpu.sync_copy(cx_h.at[pl.ds(pb, CHA)], cx)

        def comp(g_, _):
            off = g_ * 16
            r = g_ >> 3
            u = (g_ & 7) * 16
            gid = pb + off + _iota16()
            b16 = cb[pl.ds(off, 16)]
            z16 = cz[pl.ds(off, 16)]
            y16 = cy[pl.ds(off, 16)]
            x16 = cx[pl.ds(off, 16)]
            flat = ((b16 * DP + z16 + 1) * DP + y16 + 1) * DP + x16 + 1
            ispad = gid >= N
            flat = jnp.where(ispad, VOLB + SAFE + (gid & (VPADR - 1)), flat)
            idv = jnp.where(ispad, N + (gid & (ZROWS - 1)), gid)
            fl2[r, pl.ds(u, 16)] = flat
            id2[r, pl.ds(u, 16)] = idv
            return 0

        lax.fori_loop(0, CHA // 16, comp, 0)
        pltpu.sync_copy(fl2, flat3.at[pl.ds(s * NSUBA, NSUBA), :])

        def mdrain(i, _):
            pltpu.make_async_copy(
                mbuf, volf.at[pl.ds(base_m + i * MB, MB)], sem).wait()
            return 0

        lax.fori_loop(0, NMB, mdrain, 0)
        pltpu.make_async_copy(
            mbuf.at[pl.ds(0, MREM)],
            volf.at[pl.ds(base_m + NMB * MB, MREM)], sem).wait()
        plsc.subcore_barrier()

        def fire(j, _):
            pltpu.async_copy(id2.at[j], volf.at[fl2.at[j]], sem)
            return 0

        lax.fori_loop(0, NSUBA, fire, 0)

        def drain(j, _):
            pltpu.make_async_copy(id2.at[j], volf.at[fl2.at[j]], sem).wait()
            return 0

        lax.fori_loop(0, NSUBA, drain, 0)

    return k(cbi, czi, cyi, cxi)


def _rulebook_gather(volf, flat3, fx, q):

    @functools.partial(
        pl.kernel,
        out_type=jax.ShapeDtypeStruct((NPB, SUB, 128), jnp.bfloat16),
        mesh=_mesh2,
        compiler_params=_sc_params,
        scratch_types=[
            pltpu.VMEM((NSUB, SUB), jnp.int32),
            pltpu.VMEM((NSUB, SUB), jnp.int32),
            pltpu.VMEM((NSUB, SUB), jnp.int32),
            pltpu.VMEM((NSUB, SUB, CIN), jnp.bfloat16),
            pltpu.SemaphoreType.DMA,
        ],
    )
    def k(volf_h, flat3_h, fx_h, g, fl2, nix, nid, rows, sem):
        c = lax.axis_index("c")
        s = lax.axis_index("s")
        wid = s * 2 + c

        pltpu.sync_copy(flat3_h.at[pl.ds(wid * NSUB, NSUB), :], fl2)

        def per_k(kk, _):
            dz = kk // 9 - 1
            dy = (kk // 3) % 3 - 1
            dx = kk % 3 - 1
            delta = (dz * DP + dy) * DP + dx

            def comp2(g_, _):
                r = g_ >> 3
                u = (g_ & 7) * 16
                nix[r, pl.ds(u, 16)] = fl2[r, pl.ds(u, 16)] + delta
                return 0

            @pl.when(kk >= KK)
            def _():
                def zro(i, _):
                    rows[i // SUB, i % SUB, :] = jnp.zeros((CIN,),
                                                           jnp.bfloat16)
                    return 0

                lax.fori_loop(0, NSUB * SUB, zro, 0)

            @pl.when(kk < KK)
            def _():
                lax.fori_loop(0, CH // 16, comp2, 0)

                def fire1(j, _):
                    pltpu.async_copy(volf_h.at[nix.at[j]], nid.at[j], sem)
                    return 0

                lax.fori_loop(0, NSUB, fire1, 0)

                def drain1(j, _):
                    pltpu.make_async_copy(volf_h.at[nix.at[j]], nid.at[j],
                                          sem).wait()
                    return 0

                lax.fori_loop(0, NSUB, drain1, 0)

                def fire2(j, _):
                    pltpu.async_copy(fx_h.at[nid.at[j]], rows.at[j], sem)
                    return 0

                lax.fori_loop(0, NSUB, fire2, 0)

                def drain2(j, _):
                    pltpu.make_async_copy(fx_h.at[nid.at[j]], rows.at[j],
                                          sem).wait()
                    return 0

                lax.fori_loop(0, NSUB, drain2, 0)

            jj = kk & 3
            pltpu.sync_copy(
                rows,
                g.at[pl.ds(wid * NSUB, NSUB), :,
                     pl.ds(jj * CIN, CIN)])
            return 0

        lax.fori_loop(4 * q, 4 * q + 4, per_k, 0)

    return k(volf, flat3, fx)


def _matmul_acc(acc, g3q, wq):
    M = 4096
    MB3 = M // SUB

    def body(a_ref, g_ref, w_ref, o_ref):
        o_ref[...] = a_ref[...] + jnp.dot(
            g_ref[...].reshape(M, 128), w_ref[...],
            preferred_element_type=jnp.float32)

    return pl.pallas_call(
        body,
        grid=(NP // M,),
        in_specs=[
            pl.BlockSpec((M, COUT), lambda i: (i, 0)),
            pl.BlockSpec((MB3, SUB, 128), lambda i: (i, 0, 0)),
            pl.BlockSpec((128, COUT), lambda i: (0, 0)),
        ],
        out_specs=pl.BlockSpec((M, COUT), lambda i: (i, 0)),
        out_shape=jax.ShapeDtypeStruct((NP, COUT), jnp.float32),
        input_output_aliases={0: 0},
    )(acc, g3q, wq)


def kernel(feats, coords, W, b):
    dtype_ = feats.dtype
    coords = coords.astype(jnp.int32)
    zpad = jnp.zeros((NP - N,), jnp.int32)
    cbi = jnp.concatenate([coords[:, 0], zpad])
    czi = jnp.concatenate([coords[:, 1], zpad])
    cyi = jnp.concatenate([coords[:, 2], zpad])
    cxi = jnp.concatenate([coords[:, 3], zpad])
    fx = jnp.concatenate(
        [feats.astype(jnp.bfloat16),
         jnp.zeros((ZROWS, CIN), jnp.bfloat16)], axis=0)
    volf, flat3 = _build_vol(cbi, czi, cyi, cxi)
    wpad = jnp.concatenate(
        [W.astype(jnp.float32),
         jnp.zeros((4 * KG - KK, CIN, COUT), jnp.float32)], axis=0)
    w4 = wpad.reshape(KG, 4 * CIN, COUT).astype(jnp.bfloat16)
    out = jnp.zeros((NP, COUT), jnp.float32) + b.astype(jnp.float32)
    for q in range(KG):
        g3q = _rulebook_gather(volf, flat3, fx, q)
        out = _matmul_acc(out, g3q, w4[q])
    return out[:N].astype(dtype_)

# --- scband reference (transcript-rebuilt; emitter-appended) ---
"""Pipeline reference for scband-sparse-conv3d-52432960749801 (READ-ONLY COPY).

The authoritative reference and input builder live on the scoring server;
editing this copy changes nothing except your own understanding.
"""

import jax, jax.numpy as jnp
import numpy as np

B, D, H, Wd = 4, 64, 64, 64
N = 100000
C_in, C_out = 32, 32
K = 3


def setup_inputs(seed: int = 0) -> dict:
    key = jax.random.key(seed)
    k1, k2, k3 = jax.random.split(key, 3)
    rng = np.random.default_rng(0)
    # unique active voxel sites (submanifold sparse tensor has no duplicate coords)
    flat = np.sort(rng.choice(B * D * H * Wd, size=N, replace=False))
    b_idx = flat // (D * H * Wd)
    rem = flat % (D * H * Wd)
    z = rem // (H * Wd)
    rem2 = rem % (H * Wd)
    y = rem2 // Wd
    x = rem2 % Wd
    coords = jnp.asarray(np.stack([b_idx, z, y, x], axis=1).astype(np.int32))
    feats = jax.random.normal(k1, (N, C_in), dtype=jnp.float32)
    W = jax.random.normal(k2, (K ** 3, C_in, C_out), dtype=jnp.float32) * (1.0 / np.sqrt(K ** 3 * C_in))
    b = jax.random.normal(k3, (C_out,), dtype=jnp.float32) * 0.01
    return {"feats": feats, "coords": coords, "W": W, "b": b}


def reference(feats, coords, W, b):
    # SubMConv3d (stride=1, no padding arg -> submanifold conv): output defined only
    # at input active sites; out[p] = bias + sum_k in[p + offset_k] @ W[k] over active neighbors.
    dtype_ = feats.dtype
    f = feats.astype(jnp.float32)
    coords = coords.astype(jnp.int32)
    flat_all = ((coords[:, 0] * D + coords[:, 1]) * H + coords[:, 2]) * Wd + coords[:, 3]
    # hash table realized as a dense index volume: vol[flat_coord] = row id, -1 if inactive
    vol = jnp.full((B * D * H * Wd,), -1, dtype=jnp.int32).at[flat_all].set(
        jnp.arange(N, dtype=jnp.int32))
    out = jnp.zeros((N, C_out), dtype=jnp.float32) + b.astype(jnp.float32)
    r = K // 2
    kidx = 0
    for dz in range(-r, r + 1):
        for dy in range(-r, r + 1):
            for dx in range(-r, r + 1):
                nz = coords[:, 1] + dz
                ny = coords[:, 2] + dy
                nx = coords[:, 3] + dx
                inb = (nz >= 0) & (nz < D) & (ny >= 0) & (ny < H) & (nx >= 0) & (nx < Wd)
                nflat = ((coords[:, 0] * D + jnp.clip(nz, 0, D - 1)) * H
                         + jnp.clip(ny, 0, H - 1)) * Wd + jnp.clip(nx, 0, Wd - 1)
                nid = vol[nflat]
                valid = inb & (nid >= 0)
                g = jnp.where(valid[:, None], f[jnp.where(valid, nid, 0)], 0.0)
                out = out + g @ W[kidx].astype(jnp.float32)
                kidx += 1
    return out.astype(dtype_)

if __name__ == "__main__":
    import jax
    _d = setup_inputs()
    print(jax.jit(kernel)(*tuple(_d.values())))

</pallas_src>

<mosaic_0001>
#map = affine_map<(d0, d1) -> (0)>
#map1 = affine_map<(d0, d1) -> (0, 0)>
module attributes {stable_mosaic.version = 14 : i64} {
  func.func @k(%arg0: i32, %arg1: i32, %arg2: memref<102400xi32, #tpu.memory_space<hbm>>, %arg3: memref<102400xi32, #tpu.memory_space<hbm>>, %arg4: memref<102400xi32, #tpu.memory_space<hbm>>, %arg5: memref<102400xi32, #tpu.memory_space<hbm>>, %arg6: memref<1163008xi32, #tpu.memory_space<hbm>>, %arg7: memref<800x128xi32, #tpu.memory_space<hbm>>, %arg8: memref<8192xi32, #tpu.memory_space<vmem>>, %arg9: memref<6400xi32, #tpu.memory_space<vmem>>, %arg10: memref<6400xi32, #tpu.memory_space<vmem>>, %arg11: memref<6400xi32, #tpu.memory_space<vmem>>, %arg12: memref<6400xi32, #tpu.memory_space<vmem>>, %arg13: memref<50x128xi32, #tpu.memory_space<vmem>>, %arg14: memref<50x128xi32, #tpu.memory_space<vmem>>, %arg15: memref<!tpu.dma_semaphore, #tpu.memory_space<semaphore_mem>>) attributes {dimension_semantics = [#tpu.dimension_semantics<core_parallel>, #tpu.dimension_semantics<subcore_parallel>], iteration_bounds = array<i64: 1, 16>, scalar_prefetch = 0 : i64, scratch_operands = 8 : i64, tpu.core_type = #tpu.core_type<sc_vector_subcore>, window_params = [{transform_indices = #map}, {transform_indices = #map}, {transform_indices = #map}, {transform_indices = #map}, {transform_indices = #map}, {transform_indices = #map1}]} {
    %scan3A = arith.constant 0 : i32
    %scan3A_0 = arith.constant 0 : i32
    %scan3A_1 = arith.constant 512 : i32
    %scan3A_2 = arith.addi %scan3A_0, %scan3A_1 : i32
    %scan3A_3 = arith.constant 1 : i32
    %scan3A_4 = scf.for %scan3A_59 = %scan3A_0 to %scan3A_2 step %scan3A_3 iter_args(%scan3A_60 = %scan3A) -> (i32)  : i32 {
      %mul3A_61 = arith.constant 16 : i32
      %mul3A_62 = arith.muli %scan3A_59, %mul3A_61 : i32
      %iota3A = tpu.iota {dimensions = array<i32: 0>} : vector<16xi32>
      %add3A_63 = vector.broadcast %mul3A_62 : i32 to vector<16xi32>
      %add3A_64 = arith.addi %add3A_63, %iota3A : vector<16xi32>
      %and3A = arith.constant 511 : i32
      %and3A_65 = vector.broadcast %and3A : i32 to vector<16xi32>
      %and3A_66 = arith.andi %add3A_64, %and3A_65 : vector<16xi32>
      %add3A_67 = arith.constant 100000 : i32
      %add3A_68 = vector.broadcast %add3A_67 : i32 to vector<16xi32>
      %add3A_69 = arith.addi %add3A_68, %and3A_66 : vector<16xi32>
      %mul3A_70 = arith.constant 16 : i32
      %mul3A_71 = arith.muli %scan3A_59, %mul3A_70 : i32
      %swap3A = arith.index_cast %mul3A_71 : i32 to index
      %swap3A_72 = tpu.vector_load %arg8[%swap3A] {strides = array<i32>} : memref<8192xi32, #tpu.memory_space<vmem>>, vector<16xi32>,
      %swap3A_73 = vector.shape_cast %swap3A_72 : vector<16xi32> to vector<16xi32>
      %swap3A_74 = vector.shape_cast %add3A_69 : vector<16xi32> to vector<16xi32>
      tpu.vector_store %arg8[%swap3A], %swap3A_74 {strides = array<i32>} : memref<8192xi32, #tpu.memory_space<vmem>>, vector<16xi32>,
      %scan3A_75 = arith.constant 0 : i32
      scf.yield %scan3A_75 : i32
    }
    %scan3A_5 = arith.constant 512 : i32
    %mul3A = arith.constant 72688 : i32
    %mul3A_6 = arith.muli %arg1, %mul3A : i32
    %scan3A_7 = arith.constant 0 : i32
    %scan3A_8 = arith.constant 0 : i32
    %scan3A_9 = arith.constant 8 : i32
    %scan3A_10 = arith.addi %scan3A_8, %scan3A_9 : i32
    %scan3A_11 = arith.constant 1 : i32
    %scan3A_12 = scf.for %scan3A_59 = %scan3A_8 to %scan3A_10 step %scan3A_11 iter_args(%scan3A_60 = %scan3A_7) -> (i32)  : i32 {
      %mul3A_61 = arith.constant 8192 : i32
      %mul3A_62 = arith.muli %scan3A_59, %mul3A_61 : i32
      %add3A_63 = arith.addi %mul3A_6, %mul3A_62 : i32
      %dma_start3A_64 = tpu.memref_slice %arg6[%add3A_63] : memref<1163008xi32, #tpu.memory_space<hbm>> -> memref<8192xi32, #tpu.memory_space<hbm>>
      %dma_start3A_65 = tpu.memref_slice %arg6[%add3A_63] : memref<1163008xi32, #tpu.memory_space<hbm>> -> memref<8192xi32, #tpu.memory_space<hbm>>
      tpu.enqueue_dma source(%arg8 : memref<8192xi32, #tpu.memory_space<vmem>>) target(%dma_start3A_65 : memref<8192xi32, #tpu.memory_space<hbm>>) target_semaphore(%arg15 : memref<!tpu.dma_semaphore, #tpu.memory_space<semaphore_mem>>)
      %scan3A_66 = arith.constant 0 : i32
      scf.yield %scan3A_66 : i32
    }
    %scan3A_13 = arith.constant 8 : i32
    %add3A = arith.constant 65536 : i32
    %add3A_14 = arith.addi %mul3A_6, %add3A : i32
    %dma_start3A = arith.constant 0 : i32
    %dma_start3A_15 = tpu.memref_slice %arg8[%dma_start3A] : memref<8192xi32, #tpu.memory_space<vmem>> -> memref<7152xi32, #tpu.memory_space<vmem>>
    %dma_start3A_16 = tpu.memref_slice %arg6[%add3A_14] : memref<1163008xi32, #tpu.memory_space<hbm>> -> memref<7152xi32, #tpu.memory_space<hbm>>
    %dma_start3A_17 = tpu.memref_slice %arg6[%add3A_14] : memref<1163008xi32, #tpu.memory_space<hbm>> -> memref<7152xi32, #tpu.memory_space<hbm>>
    %dma_start3A_18 = arith.constant 0 : i32
    %dma_start3A_19 = tpu.memref_slice %arg8[%dma_start3A_18] : memref<8192xi32, #tpu.memory_space<vmem>> -> memref<7152xi32, #tpu.memory_space<vmem>>
    tpu.enqueue_dma source(%dma_start3A_19 : memref<7152xi32, #tpu.memory_space<vmem>>) target(%dma_start3A_17 : memref<7152xi32, #tpu.memory_space<hbm>>) target_semaphore(%arg15 : memref<!tpu.dma_semaphore, #tpu.memory_space<semaphore_mem>>)
    %mul3A_20 = arith.constant 6400 : i32
    %mul3A_21 = arith.muli %arg1, %mul3A_20 : i32
    "tpu.region"() ({
      %run_scoped3A = tpu.sem_alloc : memref<!tpu.dma_semaphore, #tpu.memory_space<semaphore_mem>>
      %dma_start3A_59 = tpu.memref_slice %arg2[%mul3A_21] : memref<102400xi32, #tpu.memory_space<hbm>> -> memref<6400xi32, #tpu.memory_space<hbm>>
      %dma_start3A_60 = tpu.memref_slice %arg2[%mul3A_21] : memref<102400xi32, #tpu.memory_space<hbm>> -> memref<6400xi32, #tpu.memory_space<hbm>>
      tpu.enqueue_dma source(%dma_start3A_60 : memref<6400xi32, #tpu.memory_space<hbm>>) target(%arg9 : memref<6400xi32, #tpu.memory_space<vmem>>) target_semaphore(%run_scoped3A : memref<!tpu.dma_semaphore, #tpu.memory_space<semaphore_mem>>)
      %dma_wait3A_61 = tpu.memref_slice %arg2[%mul3A_21] : memref<102400xi32, #tpu.memory_space<hbm>> -> memref<6400xi32, #tpu.memory_space<hbm>>
      %dma_wait3A_62 = tpu.memref_slice %arg2[%mul3A_21] : memref<102400xi32, #tpu.memory_space<hbm>> -> memref<6400xi32, #tpu.memory_space<hbm>>
      tpu.wait_dma2 semaphore(%run_scoped3A : memref<!tpu.dma_semaphore, #tpu.memory_space<semaphore_mem>>) src(%dma_wait3A_62 : memref<6400xi32, #tpu.memory_space<hbm>>) dst(%arg9 : memref<6400xi32, #tpu.memory_space<vmem>>)
      tpu.yield
    }) : () -> ()
    "tpu.region"() ({
      %run_scoped3A = tpu.sem_alloc : memref<!tpu.dma_semaphore, #tpu.memory_space<semaphore_mem>>
      %dma_start3A_59 = tpu.memref_slice %arg3[%mul3A_21] : memref<102400xi32, #tpu.memory_space<hbm>> -> memref<6400xi32, #tpu.memory_space<hbm>>
      %dma_start3A_60 = tpu.memref_slice %arg3[%mul3A_21] : memref<102400xi32, #tpu.memory_space<hbm>> -> memref<6400xi32, #tpu.memory_space<hbm>>
      tpu.enqueue_dma source(%dma_start3A_60 : memref<6400xi32, #tpu.memory_space<hbm>>) target(%arg10 : memref<6400xi32, #tpu.memory_space<vmem>>) target_semaphore(%run_scoped3A : memref<!tpu.dma_semaphore, #tpu.memory_space<semaphore_mem>>)
      %dma_wait3A_61 = tpu.memref_slice %arg3[%mul3A_21] : memref<102400xi32, #tpu.memory_space<hbm>> -> memref<6400xi32, #tpu.memory_space<hbm>>
      %dma_wait3A_62 = tpu.memref_slice %arg3[%mul3A_21] : memref<102400xi32, #tpu.memory_space<hbm>> -> memref<6400xi32, #tpu.memory_space<hbm>>
      tpu.wait_dma2 semaphore(%run_scoped3A : memref<!tpu.dma_semaphore, #tpu.memory_space<semaphore_mem>>) src(%dma_wait3A_62 : memref<6400xi32, #tpu.memory_space<hbm>>) dst(%arg10 : memref<6400xi32, #tpu.memory_space<vmem>>)
      tpu.yield
    }) : () -> ()
    "tpu.region"() ({
      %run_scoped3A = tpu.sem_alloc : memref<!tpu.dma_semaphore, #tpu.memory_space<semaphore_mem>>
      %dma_start3A_59 = tpu.memref_slice %arg4[%mul3A_21] : memref<102400xi32, #tpu.memory_space<hbm>> -> memref<6400xi32, #tpu.memory_space<hbm>>
      %dma_start3A_60 = tpu.memref_slice %arg4[%mul3A_21] : memref<102400xi32, #tpu.memory_space<hbm>> -> memref<6400xi32, #tpu.memory_space<hbm>>
      tpu.enqueue_dma source(%dma_start3A_60 : memref<6400xi32, #tpu.memory_space<hbm>>) target(%arg11 : memref<6400xi32, #tpu.memory_space<vmem>>) target_semaphore(%run_scoped3A : memref<!tpu.dma_semaphore, #tpu.memory_space<semaphore_mem>>)
      %dma_wait3A_61 = tpu.memref_slice %arg4[%mul3A_21] : memref<102400xi32, #tpu.memory_space<hbm>> -> memref<6400xi32, #tpu.memory_space<hbm>>
      %dma_wait3A_62 = tpu.memref_slice %arg4[%mul3A_21] : memref<102400xi32, #tpu.memory_space<hbm>> -> memref<6400xi32, #tpu.memory_space<hbm>>
      tpu.wait_dma2 semaphore(%run_scoped3A : memref<!tpu.dma_semaphore, #tpu.memory_space<semaphore_mem>>) src(%dma_wait3A_62 : memref<6400xi32, #tpu.memory_space<hbm>>) dst(%arg11 : memref<6400xi32, #tpu.memory_space<vmem>>)
      tpu.yield
    }) : () -> ()
    "tpu.region"() ({
      %run_scoped3A = tpu.sem_alloc : memref<!tpu.dma_semaphore, #tpu.memory_space<semaphore_mem>>
      %dma_start3A_59 = tpu.memref_slice %arg5[%mul3A_21] : memref<102400xi32, #tpu.memory_space<hbm>> -> memref<6400xi32, #tpu.memory_space<hbm>>
      %dma_start3A_60 = tpu.memref_slice %arg5[%mul3A_21] : memref<102400xi32, #tpu.memory_space<hbm>> -> memref<6400xi32, #tpu.memory_space<hbm>>
      tpu.enqueue_dma source(%dma_start3A_60 : memref<6400xi32, #tpu.memory_space<hbm>>) target(%arg12 : memref<6400xi32, #tpu.memory_space<vmem>>) target_semaphore(%run_scoped3A : memref<!tpu.dma_semaphore, #tpu.memory_space<semaphore_mem>>)
      %dma_wait3A_61 = tpu.memref_slice %arg5[%mul3A_21] : memref<102400xi32, #tpu.memory_space<hbm>> -> memref<6400xi32, #tpu.memory_space<hbm>>
      %dma_wait3A_62 = tpu.memref_slice %arg5[%mul3A_21] : memref<102400xi32, #tpu.memory_space<hbm>> -> memref<6400xi32, #tpu.memory_space<hbm>>
      tpu.wait_dma2 semaphore(%run_scoped3A : memref<!tpu.dma_semaphore, #tpu.memory_space<semaphore_mem>>) src(%dma_wait3A_62 : memref<6400xi32, #tpu.memory_space<hbm>>) dst(%arg12 : memref<6400xi32, #tpu.memory_space<vmem>>)
      tpu.yield
    }) : () -> ()
    %scan3A_22 = arith.constant 0 : i32
    %scan3A_23 = arith.constant 0 : i32
    %scan3A_24 = arith.constant 400 : i32
    %scan3A_25 = arith.addi %scan3A_23, %scan3A_24 : i32
    %scan3A_26 = arith.constant 1 : i32
    %scan3A_27 = scf.for %scan3A_59 = %scan3A_23 to %scan3A_25 step %scan3A_26 iter_args(%scan3A_60 = %scan3A_22) -> (i32)  : i32 {
      %mul3A_61 = arith.constant 16 : i32
      %mul3A_62 = arith.muli %scan3A_59, %mul3A_61 : i32
      %shift_right_arithmetic3A = arith.constant 3 : i32
      %shift_right_arithmetic3A_63 = arith.shrsi %scan3A_59, %shift_right_arithmetic3A : i32
      %and3A = arith.constant 7 : i32
      %and3A_64 = arith.andi %scan3A_59, %and3A : i32
      %mul3A_65 = arith.constant 16 : i32
      %mul3A_66 = arith.muli %and3A_64, %mul3A_65 : i32
      %add3A_67 = arith.addi %mul3A_21, %mul3A_62 : i32
      %iota3A = tpu.iota {dimensions = array<i32: 0>} : vector<16xi32>
      %add3A_68 = vector.broadcast %add3A_67 : i32 to vector<16xi32>
      %add3A_69 = arith.addi %add3A_68, %iota3A : vector<16xi32>
      %get3A = arith.index_cast %mul3A_62 : i32 to index
      %get3A_70 = tpu.vector_load %arg9[%get3A] {strides = array<i32>} : memref<6400xi32, #tpu.memory_space<vmem>>, vector<16xi32>,
      %get3A_71 = vector.shape_cast %get3A_70 : vector<16xi32> to vector<16xi32>
      %get3A_72 = arith.index_cast %mul3A_62 : i32 to index
      %get3A_73 = tpu.vector_load %arg10[%get3A_72] {strides = array<i32>} : memref<6400xi32, #tpu.memory_space<vmem>>, vector<16xi32>,
      %get3A_74 = vector.shape_cast %get3A_73 : vector<16xi32> to vector<16xi32>
      %get3A_75 = arith.index_cast %mul3A_62 : i32 to index
      %get3A_76 = tpu.vector_load %arg11[%get3A_75] {strides = array<i32>} : memref<6400xi32, #tpu.memory_space<vmem>>, vector<16xi32>,
      %get3A_77 = vector.shape_cast %get3A_76 : vector<16xi32> to vector<16xi32>
      %get3A_78 = arith.index_cast %mul3A_62 : i32 to index
      %get3A_79 = tpu.vector_load %arg12[%get3A_78] {strides = array<i32>} : memref<6400xi32, #tpu.memory_space<vmem>>, vector<16xi32>,
      %get3A_80 = vector.shape_cast %get3A_79 : vector<16xi32> to vector<16xi32>
      %mul3A_81 = arith.constant 66 : i32
      %mul3A_82 = vector.broadcast %mul3A_81 : i32 to vector<16xi32>
      %mul3A_83 = arith.muli %get3A_71, %mul3A_82 : vector<16xi32>
      %add3A_84 = arith.addi %mul3A_83, %get3A_74 : vector<16xi32>
      %add3A_85 = arith.constant 1 : i32
      %add3A_86 = vector.broadcast %add3A_85 : i32 to vector<16xi32>
      %add3A_87 = arith.addi %add3A_84, %add3A_86 : vector<16xi32>
      %mul3A_88 = arith.constant 66 : i32
      %mul3A_89 = vector.broadcast %mul3A_88 : i32 to vector<16xi32>
      %mul3A_90 = arith.muli %add3A_87, %mul3A_89 : vector<16xi32>
      %add3A_91 = arith.addi %mul3A_90, %get3A_77 : vector<16xi32>
      %add3A_92 = arith.constant 1 : i32
      %add3A_93 = vector.broadcast %add3A_92 : i32 to vector<16xi32>
      %add3A_94 = arith.addi %add3A_91, %add3A_93 : vector<16xi32>
      %mul3A_95 = arith.constant 66 : i32
      %mul3A_96 = vector.broadcast %mul3A_95 : i32 to vector<16xi32>
      %mul3A_97 = arith.muli %add3A_94, %mul3A_96 : vector<16xi32>
      %add3A_98 = arith.addi %mul3A_97, %get3A_80 : vector<16xi32>
      %add3A_99 = arith.constant 1 : i32
      %add3A_100 = vector.broadcast %add3A_99 : i32 to vector<16xi32>
      %add3A_101 = arith.addi %add3A_98, %add3A_100 : vector<16xi32>
      %ge3A = arith.constant 100000 : i32
      %ge3A_102 = vector.broadcast %ge3A : i32 to vector<16xi32>
      %ge3A_103 = arith.cmpi sge, %add3A_69, %ge3A_102 : vector<16xi32>
      %and3A_104 = arith.constant 4095 : i32
      %and3A_105 = vector.broadcast %and3A_104 : i32 to vector<16xi32>
      %and3A_106 = arith.andi %add3A_69, %and3A_105 : vector<16xi32>
      %add3A_107 = arith.constant 1154407 : i32
      %add3A_108 = vector.broadcast %add3A_107 : i32 to vector<16xi32>
      %add3A_109 = arith.addi %add3A_108, %and3A_106 : vector<16xi32>
      %select_n3A = arith.select %ge3A_103, %add3A_109, %add3A_101 : vector<16xi1>, vector<16xi32>
      %and3A_110 = arith.constant 511 : i32
      %and3A_111 = vector.broadcast %and3A_110 : i32 to vector<16xi32>
      %and3A_112 = arith.andi %add3A_69, %and3A_111 : vector<16xi32>
      %add3A_113 = arith.constant 100000 : i32
      %add3A_114 = vector.broadcast %add3A_113 : i32 to vector<16xi32>
      %add3A_115 = arith.addi %add3A_114, %and3A_112 : vector<16xi32>
      %select_n3A_116 = arith.select %ge3A_103, %add3A_115, %add3A_69 : vector<16xi1>, vector<16xi32>
      %swap3A = arith.index_cast %shift_right_arithmetic3A_63 : i32 to index
      %swap3A_117 = arith.index_cast %mul3A_66 : i32 to index
      %swap3A_118 = tpu.vector_load %arg13[%swap3A, %swap3A_117] {strides = array<i32>} : memref<50x128xi32, #tpu.memory_space<vmem>>, vector<1x16xi32>,
      %swap3A_119 = vector.shape_cast %swap3A_118 : vector<1x16xi32> to vector<16xi32>
      %swap3A_120 = vector.shape_cast %select_n3A : vector<16xi32> to vector<1x16xi32>
      tpu.vector_store %arg13[%swap3A, %swap3A_117], %swap3A_120 {strides = array<i32>} : memref<50x128xi32, #tpu.memory_space<vmem>>, vector<1x16xi32>,
      %swap3A_121 = arith.index_cast %shift_right_arithmetic3A_63 : i32 to index
      %swap3A_122 = arith.index_cast %mul3A_66 : i32 to index
      %swap3A_123 = tpu.vector_load %arg14[%swap3A_121, %swap3A_122] {strides = array<i32>} : memref<50x128xi32, #tpu.memory_space<vmem>>, vector<1x16xi32>,
      %swap3A_124 = vector.shape_cast %swap3A_123 : vector<1x16xi32> to vector<16xi32>
      %swap3A_125 = vector.shape_cast %select_n3A_116 : vector<16xi32> to vector<1x16xi32>
      tpu.vector_store %arg14[%swap3A_121, %swap3A_122], %swap3A_125 {strides = array<i32>} : memref<50x128xi32, #tpu.memory_space<vmem>>, vector<1x16xi32>,
      %scan3A_126 = arith.constant 0 : i32
      scf.yield %scan3A_126 : i32
    }
    %scan3A_28 = arith.constant 400 : i32
    %mul3A_29 = arith.constant 50 : i32
    %mul3A_30 = arith.muli %arg1, %mul3A_29 : i32
    "tpu.region"() ({
      %run_scoped3A = tpu.sem_alloc : memref<!tpu.dma_semaphore, #tpu.memory_space<semaphore_mem>>
      %dma_start3A_59 = arith.constant 0 : i32
      %dma_start3A_60 = tpu.memref_slice %arg7[%mul3A_30, %dma_start3A_59] : memref<800x128xi32, #tpu.memory_space<hbm>> -> memref<50x128xi32, #tpu.memory_space<hbm>>
      %dma_start3A_61 = arith.constant 0 : i32
      %dma_start3A_62 = tpu.memref_slice %arg7[%mul3A_30, %dma_start3A_61] : memref<800x128xi32, #tpu.memory_space<hbm>> -> memref<50x128xi32, #tpu.memory_space<hbm>>
      tpu.enqueue_dma source(%arg13 : memref<50x128xi32, #tpu.memory_space<vmem>>) target(%dma_start3A_62 : memref<50x128xi32, #tpu.memory_space<hbm>>) target_semaphore(%run_scoped3A : memref<!tpu.dma_semaphore, #tpu.memory_space<semaphore_mem>>)
      %dma_wait3A_63 = arith.constant 0 : i32
      %dma_wait3A_64 = tpu.memref_slice %arg7[%mul3A_30, %dma_wait3A_63] : memref<800x128xi32, #tpu.memory_space<hbm>> -> memref<50x128xi32, #tpu.memory_space<hbm>>
      %dma_wait3A_65 = arith.constant 0 : i32
      %dma_wait3A_66 = tpu.memref_slice %arg7[%mul3A_30, %dma_wait3A_65] : memref<800x128xi32, #tpu.memory_space<hbm>> -> memref<50x128xi32, #tpu.memory_space<hbm>>
      tpu.wait_dma2 semaphore(%run_scoped3A : memref<!tpu.dma_semaphore, #tpu.memory_space<semaphore_mem>>) src(%arg13 : memref<50x128xi32, #tpu.memory_space<vmem>>) dst(%dma_wait3A_66 : memref<50x128xi32, #tpu.memory_space<hbm>>)
      tpu.yield
    }) : () -> ()
    %scan3A_31 = arith.constant 0 : i32
    %scan3A_32 = arith.constant 0 : i32
    %scan3A_33 = arith.constant 8 : i32
    %scan3A_34 = arith.addi %scan3A_32, %scan3A_33 : i32
    %scan3A_35 = arith.constant 1 : i32
    %scan3A_36 = scf.for %scan3A_59 = %scan3A_32 to %scan3A_34 step %scan3A_35 iter_args(%scan3A_60 = %scan3A_31) -> (i32)  : i32 {
      %mul3A_61 = arith.constant 8192 : i32
      %mul3A_62 = arith.muli %scan3A_59, %mul3A_61 : i32
      %add3A_63 = arith.addi %mul3A_6, %mul3A_62 : i32
      %dma_wait3A_64 = tpu.memref_slice %arg6[%add3A_63] : memref<1163008xi32, #tpu.memory_space<hbm>> -> memref<8192xi32, #tpu.memory_space<hbm>>
      %dma_wait3A_65 = tpu.memref_slice %arg6[%add3A_63] : memref<1163008xi32, #tpu.memory_space<hbm>> -> memref<8192xi32, #tpu.memory_space<hbm>>
      tpu.wait_dma2 semaphore(%arg15 : memref<!tpu.dma_semaphore, #tpu.memory_space<semaphore_mem>>) src(%arg8 : memref<8192xi32, #tpu.memory_space<vmem>>) dst(%dma_wait3A_65 : memref<8192xi32, #tpu.memory_space<hbm>>)
      %scan3A_66 = arith.constant 0 : i32
      scf.yield %scan3A_66 : i32
    }
    %scan3A_37 = arith.constant 8 : i32
    %add3A_38 = arith.constant 65536 : i32
    %add3A_39 = arith.addi %mul3A_6, %add3A_38 : i32
    %dma_wait3A = arith.constant 0 : i32
    %dma_wait3A_40 = tpu.memref_slice %arg8[%dma_wait3A] : memref<8192xi32, #tpu.memory_space<vmem>> -> memref<7152xi32, #tpu.memory_space<vmem>>
    %dma_wait3A_41 = tpu.memref_slice %arg6[%add3A_39] : memref<1163008xi32, #tpu.memory_space<hbm>> -> memref<7152xi32, #tpu.memory_space<hbm>>
    %dma_wait3A_42 = tpu.memref_slice %arg6[%add3A_39] : memref<1163008xi32, #tpu.memory_space<hbm>> -> memref<7152xi32, #tpu.memory_space<hbm>>
    %dma_wait3A_43 = arith.constant 0 : i32
    %dma_wait3A_44 = tpu.memref_slice %arg8[%dma_wait3A_43] : memref<8192xi32, #tpu.memory_space<vmem>> -> memref<7152xi32, #tpu.memory_space<vmem>>
    tpu.wait_dma2 semaphore(%arg15 : memref<!tpu.dma_semaphore, #tpu.memory_space<semaphore_mem>>) src(%dma_wait3A_44 : memref<7152xi32, #tpu.memory_space<vmem>>) dst(%dma_wait3A_42 : memref<7152xi32, #tpu.memory_space<hbm>>)
    %barrier3A = arith.constant 0 : index
    tpu.barrier barrier_id(%barrier3A)
    %scan3A_45 = arith.constant 0 : i32
    %scan3A_46 = arith.constant 0 : i32
    %scan3A_47 = arith.constant 50 : i32
    %scan3A_48 = arith.addi %scan3A_46, %scan3A_47 : i32
    %scan3A_49 = arith.constant 1 : i32
    %scan3A_50 = scf.for %scan3A_59 = %scan3A_46 to %scan3A_48 step %scan3A_49 iter_args(%scan3A_60 = %scan3A_45) -> (i32)  : i32 {
      %dma_start3A_61 = arith.constant 0 : i32
      %dma_start3A_62 = tpu.memref_slice %arg14[%scan3A_59, %dma_start3A_61] : memref<50x128xi32, #tpu.memory_space<vmem>> -> memref<1x128xi32, #tpu.memory_space<vmem>>
      %dma_start3A_63 = tpu.memref_squeeze %dma_start3A_62 : memref<1x128xi32, #tpu.memory_space<vmem>> -> memref<128xi32, #tpu.memory_space<vmem>>
      %dma_start3A_64 = arith.constant 0 : i32
      %dma_start3A_65 = tpu.memref_slice %arg13[%scan3A_59, %dma_start3A_64] : memref<50x128xi32, #tpu.memory_space<vmem>> -> memref<1x128xi32, #tpu.memory_space<vmem>>
      %dma_start3A_66 = tpu.memref_squeeze %dma_start3A_65 : memref<1x128xi32, #tpu.memory_space<vmem>> -> memref<128xi32, #tpu.memory_space<vmem>>
      %dma_start3A_67 = arith.constant 0 : i32
      %dma_start3A_68 = tpu.memref_slice %arg6[%dma_start3A_67] : memref<1163008xi32, #tpu.memory_space<hbm>> -> memref<1163008xi32, #tpu.memory_space<hbm>>
      tpu.enqueue_indirect_dma source(%dma_start3A_63 : memref<128xi32, #tpu.memory_space<vmem>>) target(%dma_start3A_68 : memref<1163008xi32, #tpu.memory_space<hbm>>) offsets(%dma_start3A_66 : memref<128xi32, #tpu.memory_space<vmem>>) semaphore(%arg15 : memref<!tpu.dma_semaphore, #tpu.memory_space<semaphore_mem>>)
      %scan3A_69 = arith.constant 0 : i32
      scf.yield %scan3A_69 : i32
    }
    %scan3A_51 = arith.constant 50 : i32
    %scan3A_52 = arith.constant 0 : i32
    %scan3A_53 = arith.constant 0 : i32
    %scan3A_54 = arith.constant 50 : i32
    %scan3A_55 = arith.addi %scan3A_53, %scan3A_54 : i32
    %scan3A_56 = arith.constant 1 : i32
    %scan3A_57 = scf.for %scan3A_59 = %scan3A_53 to %scan3A_55 step %scan3A_56 iter_args(%scan3A_60 = %scan3A_52) -> (i32)  : i32 {
      %dma_wait3A_61 = arith.constant 0 : i32
      %dma_wait3A_62 = tpu.memref_slice %arg14[%scan3A_59, %dma_wait3A_61] : memref<50x128xi32, #tpu.memory_space<vmem>> -> memref<1x128xi32, #tpu.memory_space<vmem>>
      %dma_wait3A_63 = tpu.memref_squeeze %dma_wait3A_62 : memref<1x128xi32, #tpu.memory_space<vmem>> -> memref<128xi32, #tpu.memory_space<vmem>>
      %dma_wait3A_64 = arith.constant 0 : i32
      %dma_wait3A_65 = tpu.memref_slice %arg13[%scan3A_59, %dma_wait3A_64] : memref<50x128xi32, #tpu.memory_space<vmem>> -> memref<1x128xi32, #tpu.memory_space<vmem>>
      %dma_wait3A_66 = tpu.memref_squeeze %dma_wait3A_65 : memref<1x128xi32, #tpu.memory_space<vmem>> -> memref<128xi32, #tpu.memory_space<vmem>>
      %dma_wait3A_67 = arith.constant 0 : i32
      %dma_wait3A_68 = tpu.memref_slice %arg6[%dma_wait3A_67] : memref<1163008xi32, #tpu.memory_space<hbm>> -> memref<1163008xi32, #tpu.memory_space<hbm>>
      tpu.wait_indirect_dma semaphore(%arg15 : memref<!tpu.dma_semaphore, #tpu.memory_space<semaphore_mem>>) src(%dma_wait3A_63 : memref<128xi32, #tpu.memory_space<vmem>>) dst(%dma_wait3A_68 : memref<1163008xi32, #tpu.memory_space<hbm>>)
      %scan3A_69 = arith.constant 0 : i32
      scf.yield %scan3A_69 : i32
    }
    %scan3A_58 = arith.constant 50 : i32
    return
  }
}

#map = affine_map<(d0, d1) -> (0)>
#map1 = affine_map<(d0, d1) -> (0, 0)>
#map2 = affine_map<(d0, d1) -> (0, 0, 0)>
module attributes {stable_mosaic.version = 14 : i64} {
  func.func @k(%arg0: i32, %arg1: i32, %arg2: memref<1163008xi32, #tpu.memory_space<hbm>>, %arg3: memref<800x128xi32, #tpu.memory_space<hbm>>, %arg4: memref<100512x32xbf16, #tpu.memory_space<hbm>>, %arg5: memref<800x128x128xbf16, #tpu.memory_space<hbm>>, %arg6: memref<25x128xi32, #tpu.memory_space<vmem>>, %arg7: memref<25x128xi32, #tpu.memory_space<vmem>>, %arg8: memref<25x128xi32, #tpu.memory_space<vmem>>, %arg9: memref<25x128x32xbf16, #tpu.memory_space<vmem>>, %arg10: memref<!tpu.dma_semaphore, #tpu.memory_space<semaphore_mem>>) attributes {dimension_semantics = [#tpu.dimension_semantics<core_parallel>, #tpu.dimension_semantics<subcore_parallel>], iteration_bounds = array<i64: 2, 16>, scalar_prefetch = 0 : i64, scratch_operands = 5 : i64, tpu.core_type = #tpu.core_type<sc_vector_subcore>, window_params = [{transform_indices = #map}, {transform_indices = #map1}, {transform_indices = #map1}, {transform_indices = #map2}]} {
    %mul3A = arith.constant 2 : i32
    %mul3A_0 = arith.muli %arg1, %mul3A : i32
    %add3A = arith.addi %mul3A_0, %arg0 : i32
    %mul3A_1 = arith.constant 25 : i32
    %mul3A_2 = arith.muli %add3A, %mul3A_1 : i32
    "tpu.region"() ({
      %run_scoped3A = tpu.sem_alloc : memref<!tpu.dma_semaphore, #tpu.memory_space<semaphore_mem>>
      %dma_start3A = arith.constant 0 : i32
      %dma_start3A_9 = tpu.memref_slice %arg3[%mul3A_2, %dma_start3A] : memref<800x128xi32, #tpu.memory_space<hbm>> -> memref<25x128xi32, #tpu.memory_space<hbm>>
      %dma_start3A_10 = arith.constant 0 : i32
      %dma_start3A_11 = tpu.memref_slice %arg3[%mul3A_2, %dma_start3A_10] : memref<800x128xi32, #tpu.memory_space<hbm>> -> memref<25x128xi32, #tpu.memory_space<hbm>>
      tpu.enqueue_dma source(%dma_start3A_11 : memref<25x128xi32, #tpu.memory_space<hbm>>) target(%arg6 : memref<25x128xi32, #tpu.memory_space<vmem>>) target_semaphore(%run_scoped3A : memref<!tpu.dma_semaphore, #tpu.memory_space<semaphore_mem>>)
      %dma_wait3A = arith.constant 0 : i32
      %dma_wait3A_12 = tpu.memref_slice %arg3[%mul3A_2, %dma_wait3A] : memref<800x128xi32, #tpu.memory_space<hbm>> -> memref<25x128xi32, #tpu.memory_space<hbm>>
      %dma_wait3A_13 = arith.constant 0 : i32
      %dma_wait3A_14 = tpu.memref_slice %arg3[%mul3A_2, %dma_wait3A_13] : memref<800x128xi32, #tpu.memory_space<hbm>> -> memref<25x128xi32, #tpu.memory_space<hbm>>
      tpu.wait_dma2 semaphore(%run_scoped3A : memref<!tpu.dma_semaphore, #tpu.memory_space<semaphore_mem>>) src(%dma_wait3A_14 : memref<25x128xi32, #tpu.memory_space<hbm>>) dst(%arg6 : memref<25x128xi32, #tpu.memory_space<vmem>>)
      tpu.yield
    }) : () -> ()
    %scan3A = arith.constant 0 : i32
    %scan3A_3 = arith.constant 0 : i32
    %scan3A_4 = arith.constant 4 : i32
    %scan3A_5 = arith.addi %scan3A_3, %scan3A_4 : i32
    %scan3A_6 = arith.constant 1 : i32
    %scan3A_7 = scf.for %scan3A_9 = %scan3A_3 to %scan3A_5 step %scan3A_6 iter_args(%scan3A_10 = %scan3A) -> (i32)  : i32 {
      %jit3A = arith.constant 9 : i32
      %div3A = arith.divsi %scan3A_9, %jit3A : i32
      %sign3A = arith.constant 0 : i32
      %sign3A_11 = arith.cmpi sgt, %scan3A_9, %sign3A : i32
      %sign3A_12 = arith.extui %sign3A_11 : i1 to i32
      %sign3A_13 = arith.constant 0 : i32
      %sign3A_14 = arith.cmpi slt, %scan3A_9, %sign3A_13 : i32
      %sign3A_15 = arith.extui %sign3A_14 : i1 to i32
      %sign3A_16 = arith.subi %sign3A_12, %sign3A_15 : i32
      %sign3A_17 = arith.constant 0 : i32
      %sign3A_18 = arith.cmpi sgt, %jit3A, %sign3A_17 : i32
      %sign3A_19 = arith.extui %sign3A_18 : i1 to i32
      %sign3A_20 = arith.constant 0 : i32
      %sign3A_21 = arith.cmpi slt, %jit3A, %sign3A_20 : i32
      %sign3A_22 = arith.extui %sign3A_21 : i1 to i32
      %sign3A_23 = arith.subi %sign3A_19, %sign3A_22 : i32
      %ne3A = arith.cmpi ne, %sign3A_16, %sign3A_23 : i32
      %rem3A = arith.remsi %scan3A_9, %jit3A : i32
      %ne3A_24 = arith.constant 0 : i32
      %ne3A_25 = arith.cmpi ne, %rem3A, %ne3A_24 : i32
      %and3A = arith.andi %ne3A, %ne3A_25 : i1
      %sub3A = arith.constant 1 : i32
      %sub3A_26 = arith.subi %div3A, %sub3A : i32
      %select_n3A = arith.select %and3A, %sub3A_26, %div3A : i32
      %sub3A_27 = arith.constant 1 : i32
      %sub3A_28 = arith.subi %select_n3A, %sub3A_27 : i32
      %jit3A_29 = arith.constant 3 : i32
      %div3A_30 = arith.divsi %scan3A_9, %jit3A_29 : i32
      %sign3A_31 = arith.constant 0 : i32
      %sign3A_32 = arith.cmpi sgt, %scan3A_9, %sign3A_31 : i32
      %sign3A_33 = arith.extui %sign3A_32 : i1 to i32
      %sign3A_34 = arith.constant 0 : i32
      %sign3A_35 = arith.cmpi slt, %scan3A_9, %sign3A_34 : i32
      %sign3A_36 = arith.extui %sign3A_35 : i1 to i32
      %sign3A_37 = arith.subi %sign3A_33, %sign3A_36 : i32
      %sign3A_38 = arith.constant 0 : i32
      %sign3A_39 = arith.cmpi sgt, %jit3A_29, %sign3A_38 : i32
      %sign3A_40 = arith.extui %sign3A_39 : i1 to i32
      %sign3A_41 = arith.constant 0 : i32
      %sign3A_42 = arith.cmpi slt, %jit3A_29, %sign3A_41 : i32
      %sign3A_43 = arith.extui %sign3A_42 : i1 to i32
      %sign3A_44 = arith.subi %sign3A_40, %sign3A_43 : i32
      %ne3A_45 = arith.cmpi ne, %sign3A_37, %sign3A_44 : i32
      %rem3A_46 = arith.remsi %scan3A_9, %jit3A_29 : i32
      %ne3A_47 = arith.constant 0 : i32
      %ne3A_48 = arith.cmpi ne, %rem3A_46, %ne3A_47 : i32
      %and3A_49 = arith.andi %ne3A_45, %ne3A_48 : i1
      %sub3A_50 = arith.constant 1 : i32
      %sub3A_51 = arith.subi %div3A_30, %sub3A_50 : i32
      %select_n3A_52 = arith.select %and3A_49, %sub3A_51, %div3A_30 : i32
      %jit3A_53 = arith.constant 3 : i32
      %eq3A = arith.constant 0 : i32
      %eq3A_54 = arith.cmpi eq, %jit3A_53, %eq3A : i32
      %jit3A_55 = arith.constant 1 : i32
      %select_n3A_56 = arith.select %eq3A_54, %jit3A_55, %jit3A_53 : i32
      %rem3A_57 = arith.remsi %select_n3A_52, %select_n3A_56 : i32
      %ne3A_58 = arith.constant 0 : i32
      %ne3A_59 = arith.cmpi ne, %rem3A_57, %ne3A_58 : i32
      %lt3A = arith.constant 0 : i32
      %lt3A_60 = arith.cmpi slt, %rem3A_57, %lt3A : i32
      %lt3A_61 = arith.constant 0 : i32
      %lt3A_62 = arith.cmpi slt, %select_n3A_56, %lt3A_61 : i32
      %ne3A_63 = arith.xori %lt3A_60, %lt3A_62 : i1
      %and3A_64 = arith.andi %ne3A_63, %ne3A_59 : i1
      %add3A_65 = arith.addi %rem3A_57, %select_n3A_56 : i32
      %select_n3A_66 = arith.select %and3A_64, %add3A_65, %rem3A_57 : i32
      %sub3A_67 = arith.constant 1 : i32
      %sub3A_68 = arith.subi %select_n3A_66, %sub3A_67 : i32
      %jit3A_69 = arith.constant 3 : i32
      %eq3A_70 = arith.constant 0 : i32
      %eq3A_71 = arith.cmpi eq, %jit3A_69, %eq3A_70 : i32
      %jit3A_72 = arith.constant 1 : i32
      %select_n3A_73 = arith.select %eq3A_71, %jit3A_72, %jit3A_69 : i32
      %rem3A_74 = arith.remsi %scan3A_9, %select_n3A_73 : i32
      %ne3A_75 = arith.constant 0 : i32
      %ne3A_76 = arith.cmpi ne, %rem3A_74, %ne3A_75 : i32
      %lt3A_77 = arith.constant 0 : i32
      %lt3A_78 = arith.cmpi slt, %rem3A_74, %lt3A_77 : i32
      %lt3A_79 = arith.constant 0 : i32
      %lt3A_80 = arith.cmpi slt, %select_n3A_73, %lt3A_79 : i32
      %ne3A_81 = arith.xori %lt3A_78, %lt3A_80 : i1
      %and3A_82 = arith.andi %ne3A_81, %ne3A_76 : i1
      %add3A_83 = arith.addi %rem3A_74, %select_n3A_73 : i32
      %select_n3A_84 = arith.select %and3A_82, %add3A_83, %rem3A_74 : i32
      %sub3A_85 = arith.constant 1 : i32
      %sub3A_86 = arith.subi %select_n3A_84, %sub3A_85 : i32
      %mul3A_87 = arith.constant 66 : i32
      %mul3A_88 = arith.muli %sub3A_28, %mul3A_87 : i32
      %add3A_89 = arith.addi %mul3A_88, %sub3A_68 : i32
      %mul3A_90 = arith.constant 66 : i32
      %mul3A_91 = arith.muli %add3A_89, %mul3A_90 : i32
      %add3A_92 = arith.addi %mul3A_91, %sub3A_86 : i32
      %ge3A = arith.constant 27 : i32
      %ge3A_93 = arith.cmpi sge, %scan3A_9, %ge3A : i32
      %convert_element_type3A = arith.extui %ge3A_93 : i1 to i32
      %cond3A = arith.constant 0 : i32
      %cond3A_94 = arith.cmpi ne, %convert_element_type3A, %cond3A : i32
      scf.if %cond3A_94 {
        %scan3A_107 = arith.constant 0 : i32
        %scan3A_108 = arith.constant 0 : i32
        %scan3A_109 = arith.constant 3200 : i32
        %scan3A_110 = arith.addi %scan3A_108, %scan3A_109 : i32
        %scan3A_111 = arith.constant 1 : i32
        %scan3A_112 = scf.for %scan3A_114 = %scan3A_108 to %scan3A_110 step %scan3A_111 iter_args(%scan3A_115 = %scan3A_107) -> (i32)  : i32 {
          %broadcast_in_dim3A = arith.constant 0.000000e+00 : bf16
          %broadcast_in_dim3A_116 = vector.broadcast %broadcast_in_dim3A : bf16 to vector<32xbf16>
          %jit3A_117 = arith.constant 128 : i32
          %div3A_118 = arith.divsi %scan3A_114, %jit3A_117 : i32
          %sign3A_119 = arith.constant 0 : i32
          %sign3A_120 = arith.cmpi sgt, %scan3A_114, %sign3A_119 : i32
          %sign3A_121 = arith.extui %sign3A_120 : i1 to i32
          %sign3A_122 = arith.constant 0 : i32
          %sign3A_123 = arith.cmpi slt, %scan3A_114, %sign3A_122 : i32
          %sign3A_124 = arith.extui %sign3A_123 : i1 to i32
          %sign3A_125 = arith.subi %sign3A_121, %sign3A_124 : i32
          %sign3A_126 = arith.constant 0 : i32
          %sign3A_127 = arith.cmpi sgt, %jit3A_117, %sign3A_126 : i32
          %sign3A_128 = arith.extui %sign3A_127 : i1 to i32
          %sign3A_129 = arith.constant 0 : i32
          %sign3A_130 = arith.cmpi slt, %jit3A_117, %sign3A_129 : i32
          %sign3A_131 = arith.extui %sign3A_130 : i1 to i32
          %sign3A_132 = arith.subi %sign3A_128, %sign3A_131 : i32
          %ne3A_133 = arith.cmpi ne, %sign3A_125, %sign3A_132 : i32
          %rem3A_134 = arith.remsi %scan3A_114, %jit3A_117 : i32
          %ne3A_135 = arith.constant 0 : i32
          %ne3A_136 = arith.cmpi ne, %rem3A_134, %ne3A_135 : i32
          %and3A_137 = arith.andi %ne3A_133, %ne3A_136 : i1
          %sub3A_138 = arith.constant 1 : i32
          %sub3A_139 = arith.subi %div3A_118, %sub3A_138 : i32
          %select_n3A_140 = arith.select %and3A_137, %sub3A_139, %div3A_118 : i32
          %jit3A_141 = arith.constant 128 : i32
          %eq3A_142 = arith.constant 0 : i32
          %eq3A_143 = arith.cmpi eq, %jit3A_141, %eq3A_142 : i32
          %jit3A_144 = arith.constant 1 : i32
          %select_n3A_145 = arith.select %eq3A_143, %jit3A_144, %jit3A_141 : i32
          %rem3A_146 = arith.remsi %scan3A_114, %select_n3A_145 : i32
          %ne3A_147 = arith.constant 0 : i32
          %ne3A_148 = arith.cmpi ne, %rem3A_146, %ne3A_147 : i32
          %lt3A_149 = arith.constant 0 : i32
          %lt3A_150 = arith.cmpi slt, %rem3A_146, %lt3A_149 : i32
          %lt3A_151 = arith.constant 0 : i32
          %lt3A_152 = arith.cmpi slt, %select_n3A_145, %lt3A_151 : i32
          %ne3A_153 = arith.xori %lt3A_150, %lt3A_152 : i1
          %and3A_154 = arith.andi %ne3A_153, %ne3A_148 : i1
          %add3A_155 = arith.addi %rem3A_146, %select_n3A_145 : i32
          %select_n3A_156 = arith.select %and3A_154, %add3A_155, %rem3A_146 : i32
          %swap3A = arith.index_cast %select_n3A_140 : i32 to index
          %swap3A_157 = arith.index_cast %select_n3A_156 : i32 to index
          %swap3A_158 = arith.constant 0 : index
          %swap3A_159 = tpu.vector_load %arg9[%swap3A, %swap3A_157, %swap3A_158] {strides = array<i32>} : memref<25x128x32xbf16, #tpu.memory_space<vmem>>, vector<1x1x32xbf16>,
          %swap3A_160 = vector.shape_cast %swap3A_159 : vector<1x1x32xbf16> to vector<32xbf16>
          %swap3A_161 = vector.shape_cast %broadcast_in_dim3A_116 : vector<32xbf16> to vector<1x1x32xbf16>
          tpu.vector_store %arg9[%swap3A, %swap3A_157, %swap3A_158], %swap3A_161 {strides = array<i32>} : memref<25x128x32xbf16, #tpu.memory_space<vmem>>, vector<1x1x32xbf16>,
          %scan3A_162 = arith.constant 0 : i32
          scf.yield %scan3A_162 : i32
        }
        %scan3A_113 = arith.constant 3200 : i32
      } else {
      }
      %lt3A_95 = arith.constant 27 : i32
      %lt3A_96 = arith.cmpi slt, %scan3A_9, %lt3A_95 : i32
      %convert_element_type3A_97 = arith.extui %lt3A_96 : i1 to i32
      %cond3A_98 = arith.constant 0 : i32
      %cond3A_99 = arith.cmpi ne, %convert_element_type3A_97, %cond3A_98 : i32
      scf.if %cond3A_99 {
        %scan3A_107 = arith.constant 0 : i32
        %scan3A_108 = arith.constant 0 : i32
        %scan3A_109 = arith.constant 200 : i32
        %scan3A_110 = arith.addi %scan3A_108, %scan3A_109 : i32
        %scan3A_111 = arith.constant 1 : i32
        %scan3A_112 = scf.for %scan3A_142 = %scan3A_108 to %scan3A_110 step %scan3A_111 iter_args(%scan3A_143 = %scan3A_107) -> (i32)  : i32 {
          %shift_right_arithmetic3A = arith.constant 3 : i32
          %shift_right_arithmetic3A_144 = arith.shrsi %scan3A_142, %shift_right_arithmetic3A : i32
          %and3A_145 = arith.constant 7 : i32
          %and3A_146 = arith.andi %scan3A_142, %and3A_145 : i32
          %mul3A_147 = arith.constant 16 : i32
          %mul3A_148 = arith.muli %and3A_146, %mul3A_147 : i32
          %get3A = arith.index_cast %shift_right_arithmetic3A_144 : i32 to index
          %get3A_149 = arith.index_cast %mul3A_148 : i32 to index
          %get3A_150 = tpu.vector_load %arg6[%get3A, %get3A_149] {strides = array<i32>} : memref<25x128xi32, #tpu.memory_space<vmem>>, vector<1x16xi32>,
          %get3A_151 = vector.shape_cast %get3A_150 : vector<1x16xi32> to vector<16xi32>
          %add3A_152 = vector.broadcast %add3A_92 : i32 to vector<16xi32>
          %add3A_153 = arith.addi %get3A_151, %add3A_152 : vector<16xi32>
          %swap3A = arith.index_cast %shift_right_arithmetic3A_144 : i32 to index
          %swap3A_154 = arith.index_cast %mul3A_148 : i32 to index
          %swap3A_155 = tpu.vector_load %arg7[%swap3A, %swap3A_154] {strides = array<i32>} : memref<25x128xi32, #tpu.memory_space<vmem>>, vector<1x16xi32>,
          %swap3A_156 = vector.shape_cast %swap3A_155 : vector<1x16xi32> to vector<16xi32>
          %swap3A_157 = vector.shape_cast %add3A_153 : vector<16xi32> to vector<1x16xi32>
          tpu.vector_store %arg7[%swap3A, %swap3A_154], %swap3A_157 {strides = array<i32>} : memref<25x128xi32, #tpu.memory_space<vmem>>, vector<1x16xi32>,
          %scan3A_158 = arith.constant 0 : i32
          scf.yield %scan3A_158 : i32
        }
        %scan3A_113 = arith.constant 200 : i32
        %scan3A_114 = arith.constant 0 : i32
        %scan3A_115 = arith.constant 0 : i32
        %scan3A_116 = arith.constant 25 : i32
        %scan3A_117 = arith.addi %scan3A_115, %scan3A_116 : i32
        %scan3A_118 = arith.constant 1 : i32
        %scan3A_119 = scf.for %scan3A_142 = %scan3A_115 to %scan3A_117 step %scan3A_118 iter_args(%scan3A_143 = %scan3A_114) -> (i32)  : i32 {
          %dma_start3A = arith.constant 0 : i32
          %dma_start3A_144 = tpu.memref_slice %arg8[%scan3A_142, %dma_start3A] : memref<25x128xi32, #tpu.memory_space<vmem>> -> memref<1x128xi32, #tpu.memory_space<vmem>>
          %dma_start3A_145 = tpu.memref_squeeze %dma_start3A_144 : memref<1x128xi32, #tpu.memory_space<vmem>> -> memref<128xi32, #tpu.memory_space<vmem>>
          %dma_start3A_146 = arith.constant 0 : i32
          %dma_start3A_147 = tpu.memref_slice %arg7[%scan3A_142, %dma_start3A_146] : memref<25x128xi32, #tpu.memory_space<vmem>> -> memref<1x128xi32, #tpu.memory_space<vmem>>
          %dma_start3A_148 = tpu.memref_squeeze %dma_start3A_147 : memref<1x128xi32, #tpu.memory_space<vmem>> -> memref<128xi32, #tpu.memory_space<vmem>>
          %dma_start3A_149 = arith.constant 0 : i32
          %dma_start3A_150 = tpu.memref_slice %arg2[%dma_start3A_149] : memref<1163008xi32, #tpu.memory_space<hbm>> -> memref<1163008xi32, #tpu.memory_space<hbm>>
          tpu.enqueue_indirect_dma source(%dma_start3A_150 : memref<1163008xi32, #tpu.memory_space<hbm>>) target(%dma_start3A_145 : memref<128xi32, #tpu.memory_space<vmem>>) offsets(%dma_start3A_148 : memref<128xi32, #tpu.memory_space<vmem>>) semaphore(%arg10 : memref<!tpu.dma_semaphore, #tpu.memory_space<semaphore_mem>>)
          %scan3A_151 = arith.constant 0 : i32
          scf.yield %scan3A_151 : i32
        }
        %scan3A_120 = arith.constant 25 : i32
        %scan3A_121 = arith.constant 0 : i32
        %scan3A_122 = arith.constant 0 : i32
        %scan3A_123 = arith.constant 25 : i32
        %scan3A_124 = arith.addi %scan3A_122, %scan3A_123 : i32
        %scan3A_125 = arith.constant 1 : i32
        %scan3A_126 = scf.for %scan3A_142 = %scan3A_122 to %scan3A_124 step %scan3A_125 iter_args(%scan3A_143 = %scan3A_121) -> (i32)  : i32 {
          %dma_wait3A = arith.constant 0 : i32
          %dma_wait3A_144 = tpu.memref_slice %arg8[%scan3A_142, %dma_wait3A] : memref<25x128xi32, #tpu.memory_space<vmem>> -> memref<1x128xi32, #tpu.memory_space<vmem>>
          %dma_wait3A_145 = tpu.memref_squeeze %dma_wait3A_144 : memref<1x128xi32, #tpu.memory_space<vmem>> -> memref<128xi32, #tpu.memory_space<vmem>>
          %dma_wait3A_146 = arith.constant 0 : i32
          %dma_wait3A_147 = tpu.memref_slice %arg7[%scan3A_142, %dma_wait3A_146] : memref<25x128xi32, #tpu.memory_space<vmem>> -> memref<1x128xi32, #tpu.memory_space<vmem>>
          %dma_wait3A_148 = tpu.memref_squeeze %dma_wait3A_147 : memref<1x128xi32, #tpu.memory_space<vmem>> -> memref<128xi32, #tpu.memory_space<vmem>>
          %dma_wait3A_149 = arith.constant 0 : i32
          %dma_wait3A_150 = tpu.memref_slice %arg2[%dma_wait3A_149] : memref<1163008xi32, #tpu.memory_space<hbm>> -> memref<1163008xi32, #tpu.memory_space<hbm>>
          tpu.wait_indirect_dma semaphore(%arg10 : memref<!tpu.dma_semaphore, #tpu.memory_space<semaphore_mem>>) src(%dma_wait3A_150 : memref<1163008xi32, #tpu.memory_space<hbm>>) dst(%dma_wait3A_145 : memref<128xi32, #tpu.memory_space<vmem>>)
          %scan3A_151 = arith.constant 0 : i32
          scf.yield %scan3A_151 : i32
        }
        %scan3A_127 = arith.constant 25 : i32
        %scan3A_128 = arith.constant 0 : i32
        %scan3A_129 = arith.constant 0 : i32
        %scan3A_130 = arith.constant 25 : i32
        %scan3A_131 = arith.addi %scan3A_129, %scan3A_130 : i32
        %scan3A_132 = arith.constant 1 : i32
        %scan3A_133 = scf.for %scan3A_142 = %scan3A_129 to %scan3A_131 step %scan3A_132 iter_args(%scan3A_143 = %scan3A_128) -> (i32)  : i32 {
          %dma_start3A = arith.constant 0 : i32
          %dma_start3A_144 = arith.constant 0 : i32
          %dma_start3A_145 = tpu.memref_slice %arg9[%scan3A_142, %dma_start3A, %dma_start3A_144] : memref<25x128x32xbf16, #tpu.memory_space<vmem>> -> memref<1x128x32xbf16, #tpu.memory_space<vmem>>
          %dma_start3A_146 = tpu.memref_squeeze %dma_start3A_145 : memref<1x128x32xbf16, #tpu.memory_space<vmem>> -> memref<128x32xbf16, #tpu.memory_space<vmem>>
          %dma_start3A_147 = arith.constant 0 : i32
          %dma_start3A_148 = tpu.memref_slice %arg8[%scan3A_142, %dma_start3A_147] : memref<25x128xi32, #tpu.memory_space<vmem>> -> memref<1x128xi32, #tpu.memory_space<vmem>>
          %dma_start3A_149 = tpu.memref_squeeze %dma_start3A_148 : memref<1x128xi32, #tpu.memory_space<vmem>> -> memref<128xi32, #tpu.memory_space<vmem>>
          %dma_start3A_150 = arith.constant 0 : i32
          %dma_start3A_151 = arith.constant 0 : i32
          %dma_start3A_152 = tpu.memref_slice %arg4[%dma_start3A_150, %dma_start3A_151] : memref<100512x32xbf16, #tpu.memory_space<hbm>> -> memref<100512x32xbf16, #tpu.memory_space<hbm>>
          tpu.enqueue_indirect_dma source(%dma_start3A_152 : memref<100512x32xbf16, #tpu.memory_space<hbm>>) target(%dma_start3A_146 : memref<128x32xbf16, #tpu.memory_space<vmem>>) offsets(%dma_start3A_149 : memref<128xi32, #tpu.memory_space<vmem>>) semaphore(%arg10 : memref<!tpu.dma_semaphore, #tpu.memory_space<semaphore_mem>>)
          %scan3A_153 = arith.constant 0 : i32
          scf.yield %scan3A_153 : i32
        }
        %scan3A_134 = arith.constant 25 : i32
        %scan3A_135 = arith.constant 0 : i32
        %scan3A_136 = arith.constant 0 : i32
        %scan3A_137 = arith.constant 25 : i32
        %scan3A_138 = arith.addi %scan3A_136, %scan3A_137 : i32
        %scan3A_139 = arith.constant 1 : i32
        %scan3A_140 = scf.for %scan3A_142 = %scan3A_136 to %scan3A_138 step %scan3A_139 iter_args(%scan3A_143 = %scan3A_135) -> (i32)  : i32 {
          %dma_wait3A = arith.constant 0 : i32
          %dma_wait3A_144 = arith.constant 0 : i32
          %dma_wait3A_145 = tpu.memref_slice %arg9[%scan3A_142, %dma_wait3A, %dma_wait3A_144] : memref<25x128x32xbf16, #tpu.memory_space<vmem>> -> memref<1x128x32xbf16, #tpu.memory_space<vmem>>
          %dma_wait3A_146 = tpu.memref_squeeze %dma_wait3A_145 : memref<1x128x32xbf16, #tpu.memory_space<vmem>> -> memref<128x32xbf16, #tpu.memory_space<vmem>>
          %dma_wait3A_147 = arith.constant 0 : i32
          %dma_wait3A_148 = tpu.memref_slice %arg8[%scan3A_142, %dma_wait3A_147] : memref<25x128xi32, #tpu.memory_space<vmem>> -> memref<1x128xi32, #tpu.memory_space<vmem>>
          %dma_wait3A_149 = tpu.memref_squeeze %dma_wait3A_148 : memref<1x128xi32, #tpu.memory_space<vmem>> -> memref<128xi32, #tpu.memory_space<vmem>>
          %dma_wait3A_150 = arith.constant 0 : i32
          %dma_wait3A_151 = arith.constant 0 : i32
          %dma_wait3A_152 = tpu.memref_slice %arg4[%dma_wait3A_150, %dma_wait3A_151] : memref<100512x32xbf16, #tpu.memory_space<hbm>> -> memref<100512x32xbf16, #tpu.memory_space<hbm>>
          tpu.wait_indirect_dma semaphore(%arg10 : memref<!tpu.dma_semaphore, #tpu.memory_space<semaphore_mem>>) src(%dma_wait3A_152 : memref<100512x32xbf16, #tpu.memory_space<hbm>>) dst(%dma_wait3A_146 : memref<128x32xbf16, #tpu.memory_space<vmem>>)
          %scan3A_153 = arith.constant 0 : i32
          scf.yield %scan3A_153 : i32
        }
        %scan3A_141 = arith.constant 25 : i32
      } else {
      }
      %and3A_100 = arith.constant 3 : i32
      %and3A_101 = arith.andi %scan3A_9, %and3A_100 : i32
      %mul3A_102 = arith.constant 25 : i32
      %mul3A_103 = arith.muli %add3A, %mul3A_102 : i32
      %mul3A_104 = arith.constant 32 : i32
      %mul3A_105 = arith.muli %and3A_101, %mul3A_104 : i32
      "tpu.region"() ({
        %run_scoped3A = tpu.sem_alloc : memref<!tpu.dma_semaphore, #tpu.memory_space<semaphore_mem>>
        %dma_start3A = arith.constant 0 : i32
        %dma_start3A_107 = tpu.memref_slice %arg5[%mul3A_103, %dma_start3A, %mul3A_105] : memref<800x128x128xbf16, #tpu.memory_space<hbm>> -> memref<25x128x32xbf16, #tpu.memory_space<hbm>>
        %dma_start3A_108 = arith.constant 0 : i32
        %dma_start3A_109 = tpu.memref_slice %arg5[%mul3A_103, %dma_start3A_108, %mul3A_105] : memref<800x128x128xbf16, #tpu.memory_space<hbm>> -> memref<25x128x32xbf16, #tpu.memory_space<hbm>>
        tpu.enqueue_dma source(%arg9 : memref<25x128x32xbf16, #tpu.memory_space<vmem>>) target(%dma_start3A_109 : memref<25x128x32xbf16, #tpu.memory_space<hbm>>) target_semaphore(%run_scoped3A : memref<!tpu.dma_semaphore, #tpu.memory_space<semaphore_mem>>)
        %dma_wait3A = arith.constant 0 : i32
        %dma_wait3A_110 = tpu.memref_slice %arg5[%mul3A_103, %dma_wait3A, %mul3A_105] : memref<800x128x128xbf16, #tpu.memory_space<hbm>> -> memref<25x128x32xbf16, #tpu.memory_space<hbm>>
        %dma_wait3A_111 = arith.constant 0 : i32
        %dma_wait3A_112 = tpu.memref_slice %arg5[%mul3A_103, %dma_wait3A_111, %mul3A_105] : memref<800x128x128xbf16, #tpu.memory_space<hbm>> -> memref<25x128x32xbf16, #tpu.memory_space<hbm>>
        tpu.wait_dma2 semaphore(%run_scoped3A : memref<!tpu.dma_semaphore, #tpu.memory_space<semaphore_mem>>) src(%arg9 : memref<25x128x32xbf16, #tpu.memory_space<vmem>>) dst(%dma_wait3A_112 : memref<25x128x32xbf16, #tpu.memory_space<hbm>>)
        tpu.yield
      }) : () -> ()
      %scan3A_106 = arith.constant 0 : i32
      scf.yield %scan3A_106 : i32
    }
    %scan3A_8 = arith.constant 4 : i32
    return
  }
}

#map = affine_map<(d0, d1) -> (0)>
#map1 = affine_map<(d0, d1) -> (0, 0)>
#map2 = affine_map<(d0, d1) -> (0, 0, 0)>
module attributes {stable_mosaic.version = 14 : i64} {
  func.func @k(%arg0: i32, %arg1: i32, %arg2: memref<1163008xi32, #tpu.memory_space<hbm>>, %arg3: memref<800x128xi32, #tpu.memory_space<hbm>>, %arg4: memref<100512x32xbf16, #tpu.memory_space<hbm>>, %arg5: memref<800x128x128xbf16, #tpu.memory_space<hbm>>, %arg6: memref<25x128xi32, #tpu.memory_space<vmem>>, %arg7: memref<25x128xi32, #tpu.memory_space<vmem>>, %arg8: memref<25x128xi32, #tpu.memory_space<vmem>>, %arg9: memref<25x128x32xbf16, #tpu.memory_space<vmem>>, %arg10: memref<!tpu.dma_semaphore, #tpu.memory_space<semaphore_mem>>) attributes {dimension_semantics = [#tpu.dimension_semantics<core_parallel>, #tpu.dimension_semantics<subcore_parallel>], iteration_bounds = array<i64: 2, 16>, scalar_prefetch = 0 : i64, scratch_operands = 5 : i64, tpu.core_type = #tpu.core_type<sc_vector_subcore>, window_params = [{transform_indices = #map}, {transform_indices = #map1}, {transform_indices = #map1}, {transform_indices = #map2}]} {
    %mul3A = arith.constant 2 : i32
    %mul3A_0 = arith.muli %arg1, %mul3A : i32
    %add3A = arith.addi %mul3A_0, %arg0 : i32
    %mul3A_1 = arith.constant 25 : i32
    %mul3A_2 = arith.muli %add3A, %mul3A_1 : i32
    "tpu.region"() ({
      %run_scoped3A = tpu.sem_alloc : memref<!tpu.dma_semaphore, #tpu.memory_space<semaphore_mem>>
      %dma_start3A = arith.constant 0 : i32
      %dma_start3A_9 = tpu.memref_slice %arg3[%mul3A_2, %dma_start3A] : memref<800x128xi32, #tpu.memory_space<hbm>> -> memref<25x128xi32, #tpu.memory_space<hbm>>
      %dma_start3A_10 = arith.constant 0 : i32
      %dma_start3A_11 = tpu.memref_slice %arg3[%mul3A_2, %dma_start3A_10] : memref<800x128xi32, #tpu.memory_space<hbm>> -> memref<25x128xi32, #tpu.memory_space<hbm>>
      tpu.enqueue_dma source(%dma_start3A_11 : memref<25x128xi32, #tpu.memory_space<hbm>>) target(%arg6 : memref<25x128xi32, #tpu.memory_space<vmem>>) target_semaphore(%run_scoped3A : memref<!tpu.dma_semaphore, #tpu.memory_space<semaphore_mem>>)
      %dma_wait3A = arith.constant 0 : i32
      %dma_wait3A_12 = tpu.memref_slice %arg3[%mul3A_2, %dma_wait3A] : memref<800x128xi32, #tpu.memory_space<hbm>> -> memref<25x128xi32, #tpu.memory_space<hbm>>
      %dma_wait3A_13 = arith.constant 0 : i32
      %dma_wait3A_14 = tpu.memref_slice %arg3[%mul3A_2, %dma_wait3A_13] : memref<800x128xi32, #tpu.memory_space<hbm>> -> memref<25x128xi32, #tpu.memory_space<hbm>>
      tpu.wait_dma2 semaphore(%run_scoped3A : memref<!tpu.dma_semaphore, #tpu.memory_space<semaphore_mem>>) src(%dma_wait3A_14 : memref<25x128xi32, #tpu.memory_space<hbm>>) dst(%arg6 : memref<25x128xi32, #tpu.memory_space<vmem>>)
      tpu.yield
    }) : () -> ()
    %scan3A = arith.constant 0 : i32
    %scan3A_3 = arith.constant 4 : i32
    %scan3A_4 = arith.constant 4 : i32
    %scan3A_5 = arith.addi %scan3A_3, %scan3A_4 : i32
    %scan3A_6 = arith.constant 1 : i32
    %scan3A_7 = scf.for %scan3A_9 = %scan3A_3 to %scan3A_5 step %scan3A_6 iter_args(%scan3A_10 = %scan3A) -> (i32)  : i32 {
      %jit3A = arith.constant 9 : i32
      %div3A = arith.divsi %scan3A_9, %jit3A : i32
      %sign3A = arith.constant 0 : i32
      %sign3A_11 = arith.cmpi sgt, %scan3A_9, %sign3A : i32
      %sign3A_12 = arith.extui %sign3A_11 : i1 to i32
      %sign3A_13 = arith.constant 0 : i32
      %sign3A_14 = arith.cmpi slt, %scan3A_9, %sign3A_13 : i32
      %sign3A_15 = arith.extui %sign3A_14 : i1 to i32
      %sign3A_16 = arith.subi %sign3A_12, %sign3A_15 : i32
      %sign3A_17 = arith.constant 0 : i32
      %sign3A_18 = arith.cmpi sgt, %jit3A, %sign3A_17 : i32
      %sign3A_19 = arith.extui %sign3A_18 : i1 to i32
      %sign3A_20 = arith.constant 0 : i32
      %sign3A_21 = arith.cmpi slt, %jit3A, %sign3A_20 : i32
      %sign3A_22 = arith.extui %sign3A_21 : i1 to i32
      %sign3A_23 = arith.subi %sign3A_19, %sign3A_22 : i32
      %ne3A = arith.cmpi ne, %sign3A_16, %sign3A_23 : i32
      %rem3A = arith.remsi %scan3A_9, %jit3A : i32
      %ne3A_24 = arith.constant 0 : i32
      %ne3A_25 = arith.cmpi ne, %rem3A, %ne3A_24 : i32
      %and3A = arith.andi %ne3A, %ne3A_25 : i1
      %sub3A = arith.constant 1 : i32
      %sub3A_26 = arith.subi %div3A, %sub3A : i32
      %select_n3A = arith.select %and3A, %sub3A_26, %div3A : i32
      %sub3A_27 = arith.constant 1 : i32
      %sub3A_28 = arith.subi %select_n3A, %sub3A_27 : i32
      %jit3A_29 = arith.constant 3 : i32
      %div3A_30 = arith.divsi %scan3A_9, %jit3A_29 : i32
      %sign3A_31 = arith.constant 0 : i32
      %sign3A_32 = arith.cmpi sgt, %scan3A_9, %sign3A_31 : i32
      %sign3A_33 = arith.extui %sign3A_32 : i1 to i32
      %sign3A_34 = arith.constant 0 : i32
      %sign3A_35 = arith.cmpi slt, %scan3A_9, %sign3A_34 : i32
      %sign3A_36 = arith.extui %sign3A_35 : i1 to i32
      %sign3A_37 = arith.subi %sign3A_33, %sign3A_36 : i32
      %sign3A_38 = arith.constant 0 : i32
      %sign3A_39 = arith.cmpi sgt, %jit3A_29, %sign3A_38 : i32
      %sign3A_40 = arith.extui %sign3A_39 : i1 to i32
      %sign3A_41 = arith.constant 0 : i32
      %sign3A_42 = arith.cmpi slt, %jit3A_29, %sign3A_41 : i32
      %sign3A_43 = arith.extui %sign3A_42 : i1 to i32
      %sign3A_44 = arith.subi %sign3A_40, %sign3A_43 : i32
      %ne3A_45 = arith.cmpi ne, %sign3A_37, %sign3A_44 : i32
      %rem3A_46 = arith.remsi %scan3A_9, %jit3A_29 : i32
      %ne3A_47 = arith.constant 0 : i32
      %ne3A_48 = arith.cmpi ne, %rem3A_46, %ne3A_47 : i32
      %and3A_49 = arith.andi %ne3A_45, %ne3A_48 : i1
      %sub3A_50 = arith.constant 1 : i32
      %sub3A_51 = arith.subi %div3A_30, %sub3A_50 : i32
      %select_n3A_52 = arith.select %and3A_49, %sub3A_51, %div3A_30 : i32
      %jit3A_53 = arith.constant 3 : i32
      %eq3A = arith.constant 0 : i32
      %eq3A_54 = arith.cmpi eq, %jit3A_53, %eq3A : i32
      %jit3A_55 = arith.constant 1 : i32
      %select_n3A_56 = arith.select %eq3A_54, %jit3A_55, %jit3A_53 : i32
      %rem3A_57 = arith.remsi %select_n3A_52, %select_n3A_56 : i32
      %ne3A_58 = arith.constant 0 : i32
      %ne3A_59 = arith.cmpi ne, %rem3A_57, %ne3A_58 : i32
      %lt3A = arith.constant 0 : i32
      %lt3A_60 = arith.cmpi slt, %rem3A_57, %lt3A : i32
      %lt3A_61 = arith.constant 0 : i32
      %lt3A_62 = arith.cmpi slt, %select_n3A_56, %lt3A_61 : i32
      %ne3A_63 = arith.xori %lt3A_60, %lt3A_62 : i1
      %and3A_64 = arith.andi %ne3A_63, %ne3A_59 : i1
      %add3A_65 = arith.addi %rem3A_57, %select_n3A_56 : i32
      %select_n3A_66 = arith.select %and3A_64, %add3A_65, %rem3A_57 : i32
      %sub3A_67 = arith.constant 1 : i32
      %sub3A_68 = arith.subi %select_n3A_66, %sub3A_67 : i32
      %jit3A_69 = arith.constant 3 : i32
      %eq3A_70 = arith.constant 0 : i32
      %eq3A_71 = arith.cmpi eq, %jit3A_69, %eq3A_70 : i32
      %jit3A_72 = arith.constant 1 : i32
      %select_n3A_73 = arith.select %eq3A_71, %jit3A_72, %jit3A_69 : i32
      %rem3A_74 = arith.remsi %scan3A_9, %select_n3A_73 : i32
      %ne3A_75 = arith.constant 0 : i32
      %ne3A_76 = arith.cmpi ne, %rem3A_74, %ne3A_75 : i32
      %lt3A_77 = arith.constant 0 : i32
      %lt3A_78 = arith.cmpi slt, %rem3A_74, %lt3A_77 : i32
      %lt3A_79 = arith.constant 0 : i32
      %lt3A_80 = arith.cmpi slt, %select_n3A_73, %lt3A_79 : i32
      %ne3A_81 = arith.xori %lt3A_78, %lt3A_80 : i1
      %and3A_82 = arith.andi %ne3A_81, %ne3A_76 : i1
      %add3A_83 = arith.addi %rem3A_74, %select_n3A_73 : i32
      %select_n3A_84 = arith.select %and3A_82, %add3A_83, %rem3A_74 : i32
      %sub3A_85 = arith.constant 1 : i32
      %sub3A_86 = arith.subi %select_n3A_84, %sub3A_85 : i32
      %mul3A_87 = arith.constant 66 : i32
      %mul3A_88 = arith.muli %sub3A_28, %mul3A_87 : i32
      %add3A_89 = arith.addi %mul3A_88, %sub3A_68 : i32
      %mul3A_90 = arith.constant 66 : i32
      %mul3A_91 = arith.muli %add3A_89, %mul3A_90 : i32
      %add3A_92 = arith.addi %mul3A_91, %sub3A_86 : i32
      %ge3A = arith.constant 27 : i32
      %ge3A_93 = arith.cmpi sge, %scan3A_9, %ge3A : i32
      %convert_element_type3A = arith.extui %ge3A_93 : i1 to i32
      %cond3A = arith.constant 0 : i32
      %cond3A_94 = arith.cmpi ne, %convert_element_type3A, %cond3A : i32
      scf.if %cond3A_94 {
        %scan3A_107 = arith.constant 0 : i32
        %scan3A_108 = arith.constant 0 : i32
        %scan3A_109 = arith.constant 3200 : i32
        %scan3A_110 = arith.addi %scan3A_108, %scan3A_109 : i32
        %scan3A_111 = arith.constant 1 : i32
        %scan3A_112 = scf.for %scan3A_114 = %scan3A_108 to %scan3A_110 step %scan3A_111 iter_args(%scan3A_115 = %scan3A_107) -> (i32)  : i32 {
          %broadcast_in_dim3A = arith.constant 0.000000e+00 : bf16
          %broadcast_in_dim3A_116 = vector.broadcast %broadcast_in_dim3A : bf16 to vector<32xbf16>
          %jit3A_117 = arith.constant 128 : i32
          %div3A_118 = arith.divsi %scan3A_114, %jit3A_117 : i32
          %sign3A_119 = arith.constant 0 : i32
          %sign3A_120 = arith.cmpi sgt, %scan3A_114, %sign3A_119 : i32
          %sign3A_121 = arith.extui %sign3A_120 : i1 to i32
          %sign3A_122 = arith.constant 0 : i32
          %sign3A_123 = arith.cmpi slt, %scan3A_114, %sign3A_122 : i32
          %sign3A_124 = arith.extui %sign3A_123 : i1 to i32
          %sign3A_125 = arith.subi %sign3A_121, %sign3A_124 : i32
          %sign3A_126 = arith.constant 0 : i32
          %sign3A_127 = arith.cmpi sgt, %jit3A_117, %sign3A_126 : i32
          %sign3A_128 = arith.extui %sign3A_127 : i1 to i32
          %sign3A_129 = arith.constant 0 : i32
          %sign3A_130 = arith.cmpi slt, %jit3A_117, %sign3A_129 : i32
          %sign3A_131 = arith.extui %sign3A_130 : i1 to i32
          %sign3A_132 = arith.subi %sign3A_128, %sign3A_131 : i32
          %ne3A_133 = arith.cmpi ne, %sign3A_125, %sign3A_132 : i32
          %rem3A_134 = arith.remsi %scan3A_114, %jit3A_117 : i32
          %ne3A_135 = arith.constant 0 : i32
          %ne3A_136 = arith.cmpi ne, %rem3A_134, %ne3A_135 : i32
          %and3A_137 = arith.andi %ne3A_133, %ne3A_136 : i1
          %sub3A_138 = arith.constant 1 : i32
          %sub3A_139 = arith.subi %div3A_118, %sub3A_138 : i32
          %select_n3A_140 = arith.select %and3A_137, %sub3A_139, %div3A_118 : i32
          %jit3A_141 = arith.constant 128 : i32
          %eq3A_142 = arith.constant 0 : i32
          %eq3A_143 = arith.cmpi eq, %jit3A_141, %eq3A_142 : i32
          %jit3A_144 = arith.constant 1 : i32
          %select_n3A_145 = arith.select %eq3A_143, %jit3A_144, %jit3A_141 : i32
          %rem3A_146 = arith.remsi %scan3A_114, %select_n3A_145 : i32
          %ne3A_147 = arith.constant 0 : i32
          %ne3A_148 = arith.cmpi ne, %rem3A_146, %ne3A_147 : i32
          %lt3A_149 = arith.constant 0 : i32
          %lt3A_150 = arith.cmpi slt, %rem3A_146, %lt3A_149 : i32
          %lt3A_151 = arith.constant 0 : i32
          %lt3A_152 = arith.cmpi slt, %select_n3A_145, %lt3A_151 : i32
          %ne3A_153 = arith.xori %lt3A_150, %lt3A_152 : i1
          %and3A_154 = arith.andi %ne3A_153, %ne3A_148 : i1
          %add3A_155 = arith.addi %rem3A_146, %select_n3A_145 : i32
          %select_n3A_156 = arith.select %and3A_154, %add3A_155, %rem3A_146 : i32
          %swap3A = arith.index_cast %select_n3A_140 : i32 to index
          %swap3A_157 = arith.index_cast %select_n3A_156 : i32 to index
          %swap3A_158 = arith.constant 0 : index
          %swap3A_159 = tpu.vector_load %arg9[%swap3A, %swap3A_157, %swap3A_158] {strides = array<i32>} : memref<25x128x32xbf16, #tpu.memory_space<vmem>>, vector<1x1x32xbf16>,
          %swap3A_160 = vector.shape_cast %swap3A_159 : vector<1x1x32xbf16> to vector<32xbf16>
          %swap3A_161 = vector.shape_cast %broadcast_in_dim3A_116 : vector<32xbf16> to vector<1x1x32xbf16>
          tpu.vector_store %arg9[%swap3A, %swap3A_157, %swap3A_158], %swap3A_161 {strides = array<i32>} : memref<25x128x32xbf16, #tpu.memory_space<vmem>>, vector<1x1x32xbf16>,
          %scan3A_162 = arith.constant 0 : i32
          scf.yield %scan3A_162 : i32
        }
        %scan3A_113 = arith.constant 3200 : i32
      } else {
      }
      %lt3A_95 = arith.constant 27 : i32
      %lt3A_96 = arith.cmpi slt, %scan3A_9, %lt3A_95 : i32
      %convert_element_type3A_97 = arith.extui %lt3A_96 : i1 to i32
      %cond3A_98 = arith.constant 0 : i32
      %cond3A_99 = arith.cmpi ne, %convert_element_type3A_97, %cond3A_98 : i32
      scf.if %cond3A_99 {
        %scan3A_107 = arith.constant 0 : i32
        %scan3A_108 = arith.constant 0 : i32
        %scan3A_109 = arith.constant 200 : i32
        %scan3A_110 = arith.addi %scan3A_108, %scan3A_109 : i32
        %scan3A_111 = arith.constant 1 : i32
        %scan3A_112 = scf.for %scan3A_142 = %scan3A_108 to %scan3A_110 step %scan3A_111 iter_args(%scan3A_143 = %scan3A_107) -> (i32)  : i32 {
          %shift_right_arithmetic3A = arith.constant 3 : i32
          %shift_right_arithmetic3A_144 = arith.shrsi %scan3A_142, %shift_right_arithmetic3A : i32
          %and3A_145 = arith.constant 7 : i32
          %and3A_146 = arith.andi %scan3A_142, %and3A_145 : i32
          %mul3A_147 = arith.constant 16 : i32
          %mul3A_148 = arith.muli %and3A_146, %mul3A_147 : i32
          %get3A = arith.index_cast %shift_right_arithmetic3A_144 : i32 to index
          %get3A_149 = arith.index_cast %mul3A_148 : i32 to index
          %get3A_150 = tpu.vector_load %arg6[%get3A, %get3A_149] {strides = array<i32>} : memref<25x128xi32, #tpu.memory_space<vmem>>, vector<1x16xi32>,
          %get3A_151 = vector.shape_cast %get3A_150 : vector<1x16xi32> to vector<16xi32>
          %add3A_152 = vector.broadcast %add3A_92 : i32 to vector<16xi32>
          %add3A_153 = arith.addi %get3A_151, %add3A_152 : vector<16xi32>
          %swap3A = arith.index_cast %shift_right_arithmetic3A_144 : i32 to index
          %swap3A_154 = arith.index_cast %mul3A_148 : i32 to index
          %swap3A_155 = tpu.vector_load %arg7[%swap3A, %swap3A_154] {strides = array<i32>} : memref<25x128xi32, #tpu.memory_space<vmem>>, vector<1x16xi32>,
          %swap3A_156 = vector.shape_cast %swap3A_155 : vector<1x16xi32> to vector<16xi32>
          %swap3A_157 = vector.shape_cast %add3A_153 : vector<16xi32> to vector<1x16xi32>
          tpu.vector_store %arg7[%swap3A, %swap3A_154], %swap3A_157 {strides = array<i32>} : memref<25x128xi32, #tpu.memory_space<vmem>>, vector<1x16xi32>,
          %scan3A_158 = arith.constant 0 : i32
          scf.yield %scan3A_158 : i32
        }
        %scan3A_113 = arith.constant 200 : i32
        %scan3A_114 = arith.constant 0 : i32
        %scan3A_115 = arith.constant 0 : i32
        %scan3A_116 = arith.constant 25 : i32
        %scan3A_117 = arith.addi %scan3A_115, %scan3A_116 : i32
        %scan3A_118 = arith.constant 1 : i32
        %scan3A_119 = scf.for %scan3A_142 = %scan3A_115 to %scan3A_117 step %scan3A_118 iter_args(%scan3A_143 = %scan3A_114) -> (i32)  : i32 {
          %dma_start3A = arith.constant 0 : i32
          %dma_start3A_144 = tpu.memref_slice %arg8[%scan3A_142, %dma_start3A] : memref<25x128xi32, #tpu.memory_space<vmem>> -> memref<1x128xi32, #tpu.memory_space<vmem>>
          %dma_start3A_145 = tpu.memref_squeeze %dma_start3A_144 : memref<1x128xi32, #tpu.memory_space<vmem>> -> memref<128xi32, #tpu.memory_space<vmem>>
          %dma_start3A_146 = arith.constant 0 : i32
          %dma_start3A_147 = tpu.memref_slice %arg7[%scan3A_142, %dma_start3A_146] : memref<25x128xi32, #tpu.memory_space<vmem>> -> memref<1x128xi32, #tpu.memory_space<vmem>>
          %dma_start3A_148 = tpu.memref_squeeze %dma_start3A_147 : memref<1x128xi32, #tpu.memory_space<vmem>> -> memref<128xi32, #tpu.memory_space<vmem>>
          %dma_start3A_149 = arith.constant 0 : i32
          %dma_start3A_150 = tpu.memref_slice %arg2[%dma_start3A_149] : memref<1163008xi32, #tpu.memory_space<hbm>> -> memref<1163008xi32, #tpu.memory_space<hbm>>
          tpu.enqueue_indirect_dma source(%dma_start3A_150 : memref<1163008xi32, #tpu.memory_space<hbm>>) target(%dma_start3A_145 : memref<128xi32, #tpu.memory_space<vmem>>) offsets(%dma_start3A_148 : memref<128xi32, #tpu.memory_space<vmem>>) semaphore(%arg10 : memref<!tpu.dma_semaphore, #tpu.memory_space<semaphore_mem>>)
          %scan3A_151 = arith.constant 0 : i32
          scf.yield %scan3A_151 : i32
        }
        %scan3A_120 = arith.constant 25 : i32
        %scan3A_121 = arith.constant 0 : i32
        %scan3A_122 = arith.constant 0 : i32
        %scan3A_123 = arith.constant 25 : i32
        %scan3A_124 = arith.addi %scan3A_122, %scan3A_123 : i32
        %scan3A_125 = arith.constant 1 : i32
        %scan3A_126 = scf.for %scan3A_142 = %scan3A_122 to %scan3A_124 step %scan3A_125 iter_args(%scan3A_143 = %scan3A_121) -> (i32)  : i32 {
          %dma_wait3A = arith.constant 0 : i32
          %dma_wait3A_144 = tpu.memref_slice %arg8[%scan3A_142, %dma_wait3A] : memref<25x128xi32, #tpu.memory_space<vmem>> -> memref<1x128xi32, #tpu.memory_space<vmem>>
          %dma_wait3A_145 = tpu.memref_squeeze %dma_wait3A_144 : memref<1x128xi32, #tpu.memory_space<vmem>> -> memref<128xi32, #tpu.memory_space<vmem>>
          %dma_wait3A_146 = arith.constant 0 : i32
          %dma_wait3A_147 = tpu.memref_slice %arg7[%scan3A_142, %dma_wait3A_146] : memref<25x128xi32, #tpu.memory_space<vmem>> -> memref<1x128xi32, #tpu.memory_space<vmem>>
          %dma_wait3A_148 = tpu.memref_squeeze %dma_wait3A_147 : memref<1x128xi32, #tpu.memory_space<vmem>> -> memref<128xi32, #tpu.memory_space<vmem>>
          %dma_wait3A_149 = arith.constant 0 : i32
          %dma_wait3A_150 = tpu.memref_slice %arg2[%dma_wait3A_149] : memref<1163008xi32, #tpu.memory_space<hbm>> -> memref<1163008xi32, #tpu.memory_space<hbm>>
          tpu.wait_indirect_dma semaphore(%arg10 : memref<!tpu.dma_semaphore, #tpu.memory_space<semaphore_mem>>) src(%dma_wait3A_150 : memref<1163008xi32, #tpu.memory_space<hbm>>) dst(%dma_wait3A_145 : memref<128xi32, #tpu.memory_space<vmem>>)
          %scan3A_151 = arith.constant 0 : i32
          scf.yield %scan3A_151 : i32
        }
        %scan3A_127 = arith.constant 25 : i32
        %scan3A_128 = arith.constant 0 : i32
        %scan3A_129 = arith.constant 0 : i32
        %scan3A_130 = arith.constant 25 : i32
        %scan3A_131 = arith.addi %scan3A_129, %scan3A_130 : i32
        %scan3A_132 = arith.constant 1 : i32
        %scan3A_133 = scf.for %scan3A_142 = %scan3A_129 to %scan3A_131 step %scan3A_132 iter_args(%scan3A_143 = %scan3A_128) -> (i32)  : i32 {
          %dma_start3A = arith.constant 0 : i32
          %dma_start3A_144 = arith.constant 0 : i32
          %dma_start3A_145 = tpu.memref_slice %arg9[%scan3A_142, %dma_start3A, %dma_start3A_144] : memref<25x128x32xbf16, #tpu.memory_space<vmem>> -> memref<1x128x32xbf16, #tpu.memory_space<vmem>>
          %dma_start3A_146 = tpu.memref_squeeze %dma_start3A_145 : memref<1x128x32xbf16, #tpu.memory_space<vmem>> -> memref<128x32xbf16, #tpu.memory_space<vmem>>
          %dma_start3A_147 = arith.constant 0 : i32
          %dma_start3A_148 = tpu.memref_slice %arg8[%scan3A_142, %dma_start3A_147] : memref<25x128xi32, #tpu.memory_space<vmem>> -> memref<1x128xi32, #tpu.memory_space<vmem>>
          %dma_start3A_149 = tpu.memref_squeeze %dma_start3A_148 : memref<1x128xi32, #tpu.memory_space<vmem>> -> memref<128xi32, #tpu.memory_space<vmem>>
          %dma_start3A_150 = arith.constant 0 : i32
          %dma_start3A_151 = arith.constant 0 : i32
          %dma_start3A_152 = tpu.memref_slice %arg4[%dma_start3A_150, %dma_start3A_151] : memref<100512x32xbf16, #tpu.memory_space<hbm>> -> memref<100512x32xbf16, #tpu.memory_space<hbm>>
          tpu.enqueue_indirect_dma source(%dma_start3A_152 : memref<100512x32xbf16, #tpu.memory_space<hbm>>) target(%dma_start3A_146 : memref<128x32xbf16, #tpu.memory_space<vmem>>) offsets(%dma_start3A_149 : memref<128xi32, #tpu.memory_space<vmem>>) semaphore(%arg10 : memref<!tpu.dma_semaphore, #tpu.memory_space<semaphore_mem>>)
          %scan3A_153 = arith.constant 0 : i32
          scf.yield %scan3A_153 : i32
        }
        %scan3A_134 = arith.constant 25 : i32
        %scan3A_135 = arith.constant 0 : i32
        %scan3A_136 = arith.constant 0 : i32
        %scan3A_137 = arith.constant 25 : i32
        %scan3A_138 = arith.addi %scan3A_136, %scan3A_137 : i32
        %scan3A_139 = arith.constant 1 : i32
        %scan3A_140 = scf.for %scan3A_142 = %scan3A_136 to %scan3A_138 step %scan3A_139 iter_args(%scan3A_143 = %scan3A_135) -> (i32)  : i32 {
          %dma_wait3A = arith.constant 0 : i32
          %dma_wait3A_144 = arith.constant 0 : i32
          %dma_wait3A_145 = tpu.memref_slice %arg9[%scan3A_142, %dma_wait3A, %dma_wait3A_144] : memref<25x128x32xbf16, #tpu.memory_space<vmem>> -> memref<1x128x32xbf16, #tpu.memory_space<vmem>>
          %dma_wait3A_146 = tpu.memref_squeeze %dma_wait3A_145 : memref<1x128x32xbf16, #tpu.memory_space<vmem>> -> memref<128x32xbf16, #tpu.memory_space<vmem>>
          %dma_wait3A_147 = arith.constant 0 : i32
          %dma_wait3A_148 = tpu.memref_slice %arg8[%scan3A_142, %dma_wait3A_147] : memref<25x128xi32, #tpu.memory_space<vmem>> -> memref<1x128xi32, #tpu.memory_space<vmem>>
          %dma_wait3A_149 = tpu.memref_squeeze %dma_wait3A_148 : memref<1x128xi32, #tpu.memory_space<vmem>> -> memref<128xi32, #tpu.memory_space<vmem>>
          %dma_wait3A_150 = arith.constant 0 : i32
          %dma_wait3A_151 = arith.constant 0 : i32
          %dma_wait3A_152 = tpu.memref_slice %arg4[%dma_wait3A_150, %dma_wait3A_151] : memref<100512x32xbf16, #tpu.memory_space<hbm>> -> memref<100512x32xbf16, #tpu.memory_space<hbm>>
          tpu.wait_indirect_dma semaphore(%arg10 : memref<!tpu.dma_semaphore, #tpu.memory_space<semaphore_mem>>) src(%dma_wait3A_152 : memref<100512x32xbf16, #tpu.memory_space<hbm>>) dst(%dma_wait3A_146 : memref<128x32xbf16, #tpu.memory_space<vmem>>)
          %scan3A_153 = arith.constant 0 : i32
          scf.yield %scan3A_153 : i32
        }
        %scan3A_141 = arith.constant 25 : i32
      } else {
      }
      %and3A_100 = arith.constant 3 : i32
      %and3A_101 = arith.andi %scan3A_9, %and3A_100 : i32
      %mul3A_102 = arith.constant 25 : i32
      %mul3A_103 = arith.muli %add3A, %mul3A_102 : i32
      %mul3A_104 = arith.constant 32 : i32
      %mul3A_105 = arith.muli %and3A_101, %mul3A_104 : i32
      "tpu.region"() ({
        %run_scoped3A = tpu.sem_alloc : memref<!tpu.dma_semaphore, #tpu.memory_space<semaphore_mem>>
        %dma_start3A = arith.constant 0 : i32
        %dma_start3A_107 = tpu.memref_slice %arg5[%mul3A_103, %dma_start3A, %mul3A_105] : memref<800x128x128xbf16, #tpu.memory_space<hbm>> -> memref<25x128x32xbf16, #tpu.memory_space<hbm>>
        %dma_start3A_108 = arith.constant 0 : i32
        %dma_start3A_109 = tpu.memref_slice %arg5[%mul3A_103, %dma_start3A_108, %mul3A_105] : memref<800x128x128xbf16, #tpu.memory_space<hbm>> -> memref<25x128x32xbf16, #tpu.memory_space<hbm>>
        tpu.enqueue_dma source(%arg9 : memref<25x128x32xbf16, #tpu.memory_space<vmem>>) target(%dma_start3A_109 : memref<25x128x32xbf16, #tpu.memory_space<hbm>>) target_semaphore(%run_scoped3A : memref<!tpu.dma_semaphore, #tpu.memory_space<semaphore_mem>>)
        %dma_wait3A = arith.constant 0 : i32
        %dma_wait3A_110 = tpu.memref_slice %arg5[%mul3A_103, %dma_wait3A, %mul3A_105] : memref<800x128x128xbf16, #tpu.memory_space<hbm>> -> memref<25x128x32xbf16, #tpu.memory_space<hbm>>
        %dma_wait3A_111 = arith.constant 0 : i32
        %dma_wait3A_112 = tpu.memref_slice %arg5[%mul3A_103, %dma_wait3A_111, %mul3A_105] : memref<800x128x128xbf16, #tpu.memory_space<hbm>> -> memref<25x128x32xbf16, #tpu.memory_space<hbm>>
        tpu.wait_dma2 semaphore(%run_scoped3A : memref<!tpu.dma_semaphore, #tpu.memory_space<semaphore_mem>>) src(%arg9 : memref<25x128x32xbf16, #tpu.memory_space<vmem>>) dst(%dma_wait3A_112 : memref<25x128x32xbf16, #tpu.memory_space<hbm>>)
        tpu.yield
      }) : () -> ()
      %scan3A_106 = arith.constant 0 : i32
      scf.yield %scan3A_106 : i32
    }
    %scan3A_8 = arith.constant 4 : i32
    return
  }
}

#map = affine_map<(d0, d1) -> (0)>
#map1 = affine_map<(d0, d1) -> (0, 0)>
#map2 = affine_map<(d0, d1) -> (0, 0, 0)>
module attributes {stable_mosaic.version = 14 : i64} {
  func.func @k(%arg0: i32, %arg1: i32, %arg2: memref<1163008xi32, #tpu.memory_space<hbm>>, %arg3: memref<800x128xi32, #tpu.memory_space<hbm>>, %arg4: memref<100512x32xbf16, #tpu.memory_space<hbm>>, %arg5: memref<800x128x128xbf16, #tpu.memory_space<hbm>>, %arg6: memref<25x128xi32, #tpu.memory_space<vmem>>, %arg7: memref<25x128xi32, #tpu.memory_space<vmem>>, %arg8: memref<25x128xi32, #tpu.memory_space<vmem>>, %arg9: memref<25x128x32xbf16, #tpu.memory_space<vmem>>, %arg10: memref<!tpu.dma_semaphore, #tpu.memory_space<semaphore_mem>>) attributes {dimension_semantics = [#tpu.dimension_semantics<core_parallel>, #tpu.dimension_semantics<subcore_parallel>], iteration_bounds = array<i64: 2, 16>, scalar_prefetch = 0 : i64, scratch_operands = 5 : i64, tpu.core_type = #tpu.core_type<sc_vector_subcore>, window_params = [{transform_indices = #map}, {transform_indices = #map1}, {transform_indices = #map1}, {transform_indices = #map2}]} {
    %mul3A = arith.constant 2 : i32
    %mul3A_0 = arith.muli %arg1, %mul3A : i32
    %add3A = arith.addi %mul3A_0, %arg0 : i32
    %mul3A_1 = arith.constant 25 : i32
    %mul3A_2 = arith.muli %add3A, %mul3A_1 : i32
    "tpu.region"() ({
      %run_scoped3A = tpu.sem_alloc : memref<!tpu.dma_semaphore, #tpu.memory_space<semaphore_mem>>
      %dma_start3A = arith.constant 0 : i32
      %dma_start3A_9 = tpu.memref_slice %arg3[%mul3A_2, %dma_start3A] : memref<800x128xi32, #tpu.memory_space<hbm>> -> memref<25x128xi32, #tpu.memory_space<hbm>>
      %dma_start3A_10 = arith.constant 0 : i32
      %dma_start3A_11 = tpu.memref_slice %arg3[%mul3A_2, %dma_start3A_10] : memref<800x128xi32, #tpu.memory_space<hbm>> -> memref<25x128xi32, #tpu.memory_space<hbm>>
      tpu.enqueue_dma source(%dma_start3A_11 : memref<25x128xi32, #tpu.memory_space<hbm>>) target(%arg6 : memref<25x128xi32, #tpu.memory_space<vmem>>) target_semaphore(%run_scoped3A : memref<!tpu.dma_semaphore, #tpu.memory_space<semaphore_mem>>)
      %dma_wait3A = arith.constant 0 : i32
      %dma_wait3A_12 = tpu.memref_slice %arg3[%mul3A_2, %dma_wait3A] : memref<800x128xi32, #tpu.memory_space<hbm>> -> memref<25x128xi32, #tpu.memory_space<hbm>>
      %dma_wait3A_13 = arith.constant 0 : i32
      %dma_wait3A_14 = tpu.memref_slice %arg3[%mul3A_2, %dma_wait3A_13] : memref<800x128xi32, #tpu.memory_space<hbm>> -> memref<25x128xi32, #tpu.memory_space<hbm>>
      tpu.wait_dma2 semaphore(%run_scoped3A : memref<!tpu.dma_semaphore, #tpu.memory_space<semaphore_mem>>) src(%dma_wait3A_14 : memref<25x128xi32, #tpu.memory_space<hbm>>) dst(%arg6 : memref<25x128xi32, #tpu.memory_space<vmem>>)
      tpu.yield
    }) : () -> ()
    %scan3A = arith.constant 0 : i32
    %scan3A_3 = arith.constant 8 : i32
    %scan3A_4 = arith.constant 4 : i32
    %scan3A_5 = arith.addi %scan3A_3, %scan3A_4 : i32
    %scan3A_6 = arith.constant 1 : i32
    %scan3A_7 = scf.for %scan3A_9 = %scan3A_3 to %scan3A_5 step %scan3A_6 iter_args(%scan3A_10 = %scan3A) -> (i32)  : i32 {
      %jit3A = arith.constant 9 : i32
      %div3A = arith.divsi %scan3A_9, %jit3A : i32
      %sign3A = arith.constant 0 : i32
      %sign3A_11 = arith.cmpi sgt, %scan3A_9, %sign3A : i32
      %sign3A_12 = arith.extui %sign3A_11 : i1 to i32
      %sign3A_13 = arith.constant 0 : i32
      %sign3A_14 = arith.cmpi slt, %scan3A_9, %sign3A_13 : i32
      %sign3A_15 = arith.extui %sign3A_14 : i1 to i32
      %sign3A_16 = arith.subi %sign3A_12, %sign3A_15 : i32
      %sign3A_17 = arith.constant 0 : i32
      %sign3A_18 = arith.cmpi sgt, %jit3A, %sign3A_17 : i32
      %sign3A_19 = arith.extui %sign3A_18 : i1 to i32
      %sign3A_20 = arith.constant 0 : i32
      %sign3A_21 = arith.cmpi slt, %jit3A, %sign3A_20 : i32
      %sign3A_22 = arith.extui %sign3A_21 : i1 to i32
      %sign3A_23 = arith.subi %sign3A_19, %sign3A_22 : i32
      %ne3A = arith.cmpi ne, %sign3A_16, %sign3A_23 : i32
      %rem3A = arith.remsi %scan3A_9, %jit3A : i32
      %ne3A_24 = arith.constant 0 : i32
      %ne3A_25 = arith.cmpi ne, %rem3A, %ne3A_24 : i32
      %and3A = arith.andi %ne3A, %ne3A_25 : i1
      %sub3A = arith.constant 1 : i32
      %sub3A_26 = arith.subi %div3A, %sub3A : i32
      %select_n3A = arith.select %and3A, %sub3A_26, %div3A : i32
      %sub3A_27 = arith.constant 1 : i32
      %sub3A_28 = arith.subi %select_n3A, %sub3A_27 : i32
      %jit3A_29 = arith.constant 3 : i32
      %div3A_30 = arith.divsi %scan3A_9, %jit3A_29 : i32
      %sign3A_31 = arith.constant 0 : i32
      %sign3A_32 = arith.cmpi sgt, %scan3A_9, %sign3A_31 : i32
      %sign3A_33 = arith.extui %sign3A_32 : i1 to i32
      %sign3A_34 = arith.constant 0 : i32
      %sign3A_35 = arith.cmpi slt, %scan3A_9, %sign3A_34 : i32
      %sign3A_36 = arith.extui %sign3A_35 : i1 to i32
      %sign3A_37 = arith.subi %sign3A_33, %sign3A_36 : i32
      %sign3A_38 = arith.constant 0 : i32
      %sign3A_39 = arith.cmpi sgt, %jit3A_29, %sign3A_38 : i32
      %sign3A_40 = arith.extui %sign3A_39 : i1 to i32
      %sign3A_41 = arith.constant 0 : i32
      %sign3A_42 = arith.cmpi slt, %jit3A_29, %sign3A_41 : i32
      %sign3A_43 = arith.extui %sign3A_42 : i1 to i32
      %sign3A_44 = arith.subi %sign3A_40, %sign3A_43 : i32
      %ne3A_45 = arith.cmpi ne, %sign3A_37, %sign3A_44 : i32
      %rem3A_46 = arith.remsi %scan3A_9, %jit3A_29 : i32
      %ne3A_47 = arith.constant 0 : i32
      %ne3A_48 = arith.cmpi ne, %rem3A_46, %ne3A_47 : i32
      %and3A_49 = arith.andi %ne3A_45, %ne3A_48 : i1
      %sub3A_50 = arith.constant 1 : i32
      %sub3A_51 = arith.subi %div3A_30, %sub3A_50 : i32
      %select_n3A_52 = arith.select %and3A_49, %sub3A_51, %div3A_30 : i32
      %jit3A_53 = arith.constant 3 : i32
      %eq3A = arith.constant 0 : i32
      %eq3A_54 = arith.cmpi eq, %jit3A_53, %eq3A : i32
      %jit3A_55 = arith.constant 1 : i32
      %select_n3A_56 = arith.select %eq3A_54, %jit3A_55, %jit3A_53 : i32
      %rem3A_57 = arith.remsi %select_n3A_52, %select_n3A_56 : i32
      %ne3A_58 = arith.constant 0 : i32
      %ne3A_59 = arith.cmpi ne, %rem3A_57, %ne3A_58 : i32
      %lt3A = arith.constant 0 : i32
      %lt3A_60 = arith.cmpi slt, %rem3A_57, %lt3A : i32
      %lt3A_61 = arith.constant 0 : i32
      %lt3A_62 = arith.cmpi slt, %select_n3A_56, %lt3A_61 : i32
      %ne3A_63 = arith.xori %lt3A_60, %lt3A_62 : i1
      %and3A_64 = arith.andi %ne3A_63, %ne3A_59 : i1
      %add3A_65 = arith.addi %rem3A_57, %select_n3A_56 : i32
      %select_n3A_66 = arith.select %and3A_64, %add3A_65, %rem3A_57 : i32
      %sub3A_67 = arith.constant 1 : i32
      %sub3A_68 = arith.subi %select_n3A_66, %sub3A_67 : i32
      %jit3A_69 = arith.constant 3 : i32
      %eq3A_70 = arith.constant 0 : i32
      %eq3A_71 = arith.cmpi eq, %jit3A_69, %eq3A_70 : i32
      %jit3A_72 = arith.constant 1 : i32
      %select_n3A_73 = arith.select %eq3A_71, %jit3A_72, %jit3A_69 : i32
      %rem3A_74 = arith.remsi %scan3A_9, %select_n3A_73 : i32
      %ne3A_75 = arith.constant 0 : i32
      %ne3A_76 = arith.cmpi ne, %rem3A_74, %ne3A_75 : i32
      %lt3A_77 = arith.constant 0 : i32
      %lt3A_78 = arith.cmpi slt, %rem3A_74, %lt3A_77 : i32
      %lt3A_79 = arith.constant 0 : i32
      %lt3A_80 = arith.cmpi slt, %select_n3A_73, %lt3A_79 : i32
      %ne3A_81 = arith.xori %lt3A_78, %lt3A_80 : i1
      %and3A_82 = arith.andi %ne3A_81, %ne3A_76 : i1
      %add3A_83 = arith.addi %rem3A_74, %select_n3A_73 : i32
      %select_n3A_84 = arith.select %and3A_82, %add3A_83, %rem3A_74 : i32
      %sub3A_85 = arith.constant 1 : i32
      %sub3A_86 = arith.subi %select_n3A_84, %sub3A_85 : i32
      %mul3A_87 = arith.constant 66 : i32
      %mul3A_88 = arith.muli %sub3A_28, %mul3A_87 : i32
      %add3A_89 = arith.addi %mul3A_88, %sub3A_68 : i32
      %mul3A_90 = arith.constant 66 : i32
      %mul3A_91 = arith.muli %add3A_89, %mul3A_90 : i32
      %add3A_92 = arith.addi %mul3A_91, %sub3A_86 : i32
      %ge3A = arith.constant 27 : i32
      %ge3A_93 = arith.cmpi sge, %scan3A_9, %ge3A : i32
      %convert_element_type3A = arith.extui %ge3A_93 : i1 to i32
      %cond3A = arith.constant 0 : i32
      %cond3A_94 = arith.cmpi ne, %convert_element_type3A, %cond3A : i32
      scf.if %cond3A_94 {
        %scan3A_107 = arith.constant 0 : i32
        %scan3A_108 = arith.constant 0 : i32
        %scan3A_109 = arith.constant 3200 : i32
        %scan3A_110 = arith.addi %scan3A_108, %scan3A_109 : i32
        %scan3A_111 = arith.constant 1 : i32
        %scan3A_112 = scf.for %scan3A_114 = %scan3A_108 to %scan3A_110 step %scan3A_111 iter_args(%scan3A_115 = %scan3A_107) -> (i32)  : i32 {
          %broadcast_in_dim3A = arith.constant 0.000000e+00 : bf16
          %broadcast_in_dim3A_116 = vector.broadcast %broadcast_in_dim3A : bf16 to vector<32xbf16>
          %jit3A_117 = arith.constant 128 : i32
          %div3A_118 = arith.divsi %scan3A_114, %jit3A_117 : i32
          %sign3A_119 = arith.constant 0 : i32
          %sign3A_120 = arith.cmpi sgt, %scan3A_114, %sign3A_119 : i32
          %sign3A_121 = arith.extui %sign3A_120 : i1 to i32
          %sign3A_122 = arith.constant 0 : i32
          %sign3A_123 = arith.cmpi slt, %scan3A_114, %sign3A_122 : i32
          %sign3A_124 = arith.extui %sign3A_123 : i1 to i32
          %sign3A_125 = arith.subi %sign3A_121, %sign3A_124 : i32
          %sign3A_126 = arith.constant 0 : i32
          %sign3A_127 = arith.cmpi sgt, %jit3A_117, %sign3A_126 : i32
          %sign3A_128 = arith.extui %sign3A_127 : i1 to i32
          %sign3A_129 = arith.constant 0 : i32
          %sign3A_130 = arith.cmpi slt, %jit3A_117, %sign3A_129 : i32
          %sign3A_131 = arith.extui %sign3A_130 : i1 to i32
          %sign3A_132 = arith.subi %sign3A_128, %sign3A_131 : i32
          %ne3A_133 = arith.cmpi ne, %sign3A_125, %sign3A_132 : i32
          %rem3A_134 = arith.remsi %scan3A_114, %jit3A_117 : i32
          %ne3A_135 = arith.constant 0 : i32
          %ne3A_136 = arith.cmpi ne, %rem3A_134, %ne3A_135 : i32
          %and3A_137 = arith.andi %ne3A_133, %ne3A_136 : i1
          %sub3A_138 = arith.constant 1 : i32
          %sub3A_139 = arith.subi %div3A_118, %sub3A_138 : i32
          %select_n3A_140 = arith.select %and3A_137, %sub3A_139, %div3A_118 : i32
          %jit3A_141 = arith.constant 128 : i32
          %eq3A_142 = arith.constant 0 : i32
          %eq3A_143 = arith.cmpi eq, %jit3A_141, %eq3A_142 : i32
          %jit3A_144 = arith.constant 1 : i32
          %select_n3A_145 = arith.select %eq3A_143, %jit3A_144, %jit3A_141 : i32
          %rem3A_146 = arith.remsi %scan3A_114, %select_n3A_145 : i32
          %ne3A_147 = arith.constant 0 : i32
          %ne3A_148 = arith.cmpi ne, %rem3A_146, %ne3A_147 : i32
          %lt3A_149 = arith.constant 0 : i32
          %lt3A_150 = arith.cmpi slt, %rem3A_146, %lt3A_149 : i32
          %lt3A_151 = arith.constant 0 : i32
          %lt3A_152 = arith.cmpi slt, %select_n3A_145, %lt3A_151 : i32
          %ne3A_153 = arith.xori %lt3A_150, %lt3A_152 : i1
          %and3A_154 = arith.andi %ne3A_153, %ne3A_148 : i1
          %add3A_155 = arith.addi %rem3A_146, %select_n3A_145 : i32
          %select_n3A_156 = arith.select %and3A_154, %add3A_155, %rem3A_146 : i32
          %swap3A = arith.index_cast %select_n3A_140 : i32 to index
          %swap3A_157 = arith.index_cast %select_n3A_156 : i32 to index
          %swap3A_158 = arith.constant 0 : index
          %swap3A_159 = tpu.vector_load %arg9[%swap3A, %swap3A_157, %swap3A_158] {strides = array<i32>} : memref<25x128x32xbf16, #tpu.memory_space<vmem>>, vector<1x1x32xbf16>,
          %swap3A_160 = vector.shape_cast %swap3A_159 : vector<1x1x32xbf16> to vector<32xbf16>
          %swap3A_161 = vector.shape_cast %broadcast_in_dim3A_116 : vector<32xbf16> to vector<1x1x32xbf16>
          tpu.vector_store %arg9[%swap3A, %swap3A_157, %swap3A_158], %swap3A_161 {strides = array<i32>} : memref<25x128x32xbf16, #tpu.memory_space<vmem>>, vector<1x1x32xbf16>,
          %scan3A_162 = arith.constant 0 : i32
          scf.yield %scan3A_162 : i32
        }
        %scan3A_113 = arith.constant 3200 : i32
      } else {
      }
      %lt3A_95 = arith.constant 27 : i32
      %lt3A_96 = arith.cmpi slt, %scan3A_9, %lt3A_95 : i32
      %convert_element_type3A_97 = arith.extui %lt3A_96 : i1 to i32
      %cond3A_98 = arith.constant 0 : i32
      %cond3A_99 = arith.cmpi ne, %convert_element_type3A_97, %cond3A_98 : i32
      scf.if %cond3A_99 {
        %scan3A_107 = arith.constant 0 : i32
        %scan3A_108 = arith.constant 0 : i32
        %scan3A_109 = arith.constant 200 : i32
        %scan3A_110 = arith.addi %scan3A_108, %scan3A_109 : i32
        %scan3A_111 = arith.constant 1 : i32
        %scan3A_112 = scf.for %scan3A_142 = %scan3A_108 to %scan3A_110 step %scan3A_111 iter_args(%scan3A_143 = %scan3A_107) -> (i32)  : i32 {
          %shift_right_arithmetic3A = arith.constant 3 : i32
          %shift_right_arithmetic3A_144 = arith.shrsi %scan3A_142, %shift_right_arithmetic3A : i32
          %and3A_145 = arith.constant 7 : i32
          %and3A_146 = arith.andi %scan3A_142, %and3A_145 : i32
          %mul3A_147 = arith.constant 16 : i32
          %mul3A_148 = arith.muli %and3A_146, %mul3A_147 : i32
          %get3A = arith.index_cast %shift_right_arithmetic3A_144 : i32 to index
          %get3A_149 = arith.index_cast %mul3A_148 : i32 to index
          %get3A_150 = tpu.vector_load %arg6[%get3A, %get3A_149] {strides = array<i32>} : memref<25x128xi32, #tpu.memory_space<vmem>>, vector<1x16xi32>,
          %get3A_151 = vector.shape_cast %get3A_150 : vector<1x16xi32> to vector<16xi32>
          %add3A_152 = vector.broadcast %add3A_92 : i32 to vector<16xi32>
          %add3A_153 = arith.addi %get3A_151, %add3A_152 : vector<16xi32>
          %swap3A = arith.index_cast %shift_right_arithmetic3A_144 : i32 to index
          %swap3A_154 = arith.index_cast %mul3A_148 : i32 to index
          %swap3A_155 = tpu.vector_load %arg7[%swap3A, %swap3A_154] {strides = array<i32>} : memref<25x128xi32, #tpu.memory_space<vmem>>, vector<1x16xi32>,
          %swap3A_156 = vector.shape_cast %swap3A_155 : vector<1x16xi32> to vector<16xi32>
          %swap3A_157 = vector.shape_cast %add3A_153 : vector<16xi32> to vector<1x16xi32>
          tpu.vector_store %arg7[%swap3A, %swap3A_154], %swap3A_157 {strides = array<i32>} : memref<25x128xi32, #tpu.memory_space<vmem>>, vector<1x16xi32>,
          %scan3A_158 = arith.constant 0 : i32
          scf.yield %scan3A_158 : i32
        }
        %scan3A_113 = arith.constant 200 : i32
        %scan3A_114 = arith.constant 0 : i32
        %scan3A_115 = arith.constant 0 : i32
        %scan3A_116 = arith.constant 25 : i32
        %scan3A_117 = arith.addi %scan3A_115, %scan3A_116 : i32
        %scan3A_118 = arith.constant 1 : i32
        %scan3A_119 = scf.for %scan3A_142 = %scan3A_115 to %scan3A_117 step %scan3A_118 iter_args(%scan3A_143 = %scan3A_114) -> (i32)  : i32 {
          %dma_start3A = arith.constant 0 : i32
          %dma_start3A_144 = tpu.memref_slice %arg8[%scan3A_142, %dma_start3A] : memref<25x128xi32, #tpu.memory_space<vmem>> -> memref<1x128xi32, #tpu.memory_space<vmem>>
          %dma_start3A_145 = tpu.memref_squeeze %dma_start3A_144 : memref<1x128xi32, #tpu.memory_space<vmem>> -> memref<128xi32, #tpu.memory_space<vmem>>
          %dma_start3A_146 = arith.constant 0 : i32
          %dma_start3A_147 = tpu.memref_slice %arg7[%scan3A_142, %dma_start3A_146] : memref<25x128xi32, #tpu.memory_space<vmem>> -> memref<1x128xi32, #tpu.memory_space<vmem>>
          %dma_start3A_148 = tpu.memref_squeeze %dma_start3A_147 : memref<1x128xi32, #tpu.memory_space<vmem>> -> memref<128xi32, #tpu.memory_space<vmem>>
          %dma_start3A_149 = arith.constant 0 : i32
          %dma_start3A_150 = tpu.memref_slice %arg2[%dma_start3A_149] : memref<1163008xi32, #tpu.memory_space<hbm>> -> memref<1163008xi32, #tpu.memory_space<hbm>>
          tpu.enqueue_indirect_dma source(%dma_start3A_150 : memref<1163008xi32, #tpu.memory_space<hbm>>) target(%dma_start3A_145 : memref<128xi32, #tpu.memory_space<vmem>>) offsets(%dma_start3A_148 : memref<128xi32, #tpu.memory_space<vmem>>) semaphore(%arg10 : memref<!tpu.dma_semaphore, #tpu.memory_space<semaphore_mem>>)
          %scan3A_151 = arith.constant 0 : i32
          scf.yield %scan3A_151 : i32
        }
        %scan3A_120 = arith.constant 25 : i32
        %scan3A_121 = arith.constant 0 : i32
        %scan3A_122 = arith.constant 0 : i32
        %scan3A_123 = arith.constant 25 : i32
        %scan3A_124 = arith.addi %scan3A_122, %scan3A_123 : i32
        %scan3A_125 = arith.constant 1 : i32
        %scan3A_126 = scf.for %scan3A_142 = %scan3A_122 to %scan3A_124 step %scan3A_125 iter_args(%scan3A_143 = %scan3A_121) -> (i32)  : i32 {
          %dma_wait3A = arith.constant 0 : i32
          %dma_wait3A_144 = tpu.memref_slice %arg8[%scan3A_142, %dma_wait3A] : memref<25x128xi32, #tpu.memory_space<vmem>> -> memref<1x128xi32, #tpu.memory_space<vmem>>
          %dma_wait3A_145 = tpu.memref_squeeze %dma_wait3A_144 : memref<1x128xi32, #tpu.memory_space<vmem>> -> memref<128xi32, #tpu.memory_space<vmem>>
          %dma_wait3A_146 = arith.constant 0 : i32
          %dma_wait3A_147 = tpu.memref_slice %arg7[%scan3A_142, %dma_wait3A_146] : memref<25x128xi32, #tpu.memory_space<vmem>> -> memref<1x128xi32, #tpu.memory_space<vmem>>
          %dma_wait3A_148 = tpu.memref_squeeze %dma_wait3A_147 : memref<1x128xi32, #tpu.memory_space<vmem>> -> memref<128xi32, #tpu.memory_space<vmem>>
          %dma_wait3A_149 = arith.constant 0 : i32
          %dma_wait3A_150 = tpu.memref_slice %arg2[%dma_wait3A_149] : memref<1163008xi32, #tpu.memory_space<hbm>> -> memref<1163008xi32, #tpu.memory_space<hbm>>
          tpu.wait_indirect_dma semaphore(%arg10 : memref<!tpu.dma_semaphore, #tpu.memory_space<semaphore_mem>>) src(%dma_wait3A_150 : memref<1163008xi32, #tpu.memory_space<hbm>>) dst(%dma_wait3A_145 : memref<128xi32, #tpu.memory_space<vmem>>)
          %scan3A_151 = arith.constant 0 : i32
          scf.yield %scan3A_151 : i32
        }
        %scan3A_127 = arith.constant 25 : i32
        %scan3A_128 = arith.constant 0 : i32
        %scan3A_129 = arith.constant 0 : i32
        %scan3A_130 = arith.constant 25 : i32
        %scan3A_131 = arith.addi %scan3A_129, %scan3A_130 : i32
        %scan3A_132 = arith.constant 1 : i32
        %scan3A_133 = scf.for %scan3A_142 = %scan3A_129 to %scan3A_131 step %scan3A_132 iter_args(%scan3A_143 = %scan3A_128) -> (i32)  : i32 {
          %dma_start3A = arith.constant 0 : i32
          %dma_start3A_144 = arith.constant 0 : i32
          %dma_start3A_145 = tpu.memref_slice %arg9[%scan3A_142, %dma_start3A, %dma_start3A_144] : memref<25x128x32xbf16, #tpu.memory_space<vmem>> -> memref<1x128x32xbf16, #tpu.memory_space<vmem>>
          %dma_start3A_146 = tpu.memref_squeeze %dma_start3A_145 : memref<1x128x32xbf16, #tpu.memory_space<vmem>> -> memref<128x32xbf16, #tpu.memory_space<vmem>>
          %dma_start3A_147 = arith.constant 0 : i32
          %dma_start3A_148 = tpu.memref_slice %arg8[%scan3A_142, %dma_start3A_147] : memref<25x128xi32, #tpu.memory_space<vmem>> -> memref<1x128xi32, #tpu.memory_space<vmem>>
          %dma_start3A_149 = tpu.memref_squeeze %dma_start3A_148 : memref<1x128xi32, #tpu.memory_space<vmem>> -> memref<128xi32, #tpu.memory_space<vmem>>
          %dma_start3A_150 = arith.constant 0 : i32
          %dma_start3A_151 = arith.constant 0 : i32
          %dma_start3A_152 = tpu.memref_slice %arg4[%dma_start3A_150, %dma_start3A_151] : memref<100512x32xbf16, #tpu.memory_space<hbm>> -> memref<100512x32xbf16, #tpu.memory_space<hbm>>
          tpu.enqueue_indirect_dma source(%dma_start3A_152 : memref<100512x32xbf16, #tpu.memory_space<hbm>>) target(%dma_start3A_146 : memref<128x32xbf16, #tpu.memory_space<vmem>>) offsets(%dma_start3A_149 : memref<128xi32, #tpu.memory_space<vmem>>) semaphore(%arg10 : memref<!tpu.dma_semaphore, #tpu.memory_space<semaphore_mem>>)
          %scan3A_153 = arith.constant 0 : i32
          scf.yield %scan3A_153 : i32
        }
        %scan3A_134 = arith.constant 25 : i32
        %scan3A_135 = arith.constant 0 : i32
        %scan3A_136 = arith.constant 0 : i32
        %scan3A_137 = arith.constant 25 : i32
        %scan3A_138 = arith.addi %scan3A_136, %scan3A_137 : i32
        %scan3A_139 = arith.constant 1 : i32
        %scan3A_140 = scf.for %scan3A_142 = %scan3A_136 to %scan3A_138 step %scan3A_139 iter_args(%scan3A_143 = %scan3A_135) -> (i32)  : i32 {
          %dma_wait3A = arith.constant 0 : i32
          %dma_wait3A_144 = arith.constant 0 : i32
          %dma_wait3A_145 = tpu.memref_slice %arg9[%scan3A_142, %dma_wait3A, %dma_wait3A_144] : memref<25x128x32xbf16, #tpu.memory_space<vmem>> -> memref<1x128x32xbf16, #tpu.memory_space<vmem>>
          %dma_wait3A_146 = tpu.memref_squeeze %dma_wait3A_145 : memref<1x128x32xbf16, #tpu.memory_space<vmem>> -> memref<128x32xbf16, #tpu.memory_space<vmem>>
          %dma_wait3A_147 = arith.constant 0 : i32
          %dma_wait3A_148 = tpu.memref_slice %arg8[%scan3A_142, %dma_wait3A_147] : memref<25x128xi32, #tpu.memory_space<vmem>> -> memref<1x128xi32, #tpu.memory_space<vmem>>
          %dma_wait3A_149 = tpu.memref_squeeze %dma_wait3A_148 : memref<1x128xi32, #tpu.memory_space<vmem>> -> memref<128xi32, #tpu.memory_space<vmem>>
          %dma_wait3A_150 = arith.constant 0 : i32
          %dma_wait3A_151 = arith.constant 0 : i32
          %dma_wait3A_152 = tpu.memref_slice %arg4[%dma_wait3A_150, %dma_wait3A_151] : memref<100512x32xbf16, #tpu.memory_space<hbm>> -> memref<100512x32xbf16, #tpu.memory_space<hbm>>
          tpu.wait_indirect_dma semaphore(%arg10 : memref<!tpu.dma_semaphore, #tpu.memory_space<semaphore_mem>>) src(%dma_wait3A_152 : memref<100512x32xbf16, #tpu.memory_space<hbm>>) dst(%dma_wait3A_146 : memref<128x32xbf16, #tpu.memory_space<vmem>>)
          %scan3A_153 = arith.constant 0 : i32
          scf.yield %scan3A_153 : i32
        }
        %scan3A_141 = arith.constant 25 : i32
      } else {
      }
      %and3A_100 = arith.constant 3 : i32
      %and3A_101 = arith.andi %scan3A_9, %and3A_100 : i32
      %mul3A_102 = arith.constant 25 : i32
      %mul3A_103 = arith.muli %add3A, %mul3A_102 : i32
      %mul3A_104 = arith.constant 32 : i32
      %mul3A_105 = arith.muli %and3A_101, %mul3A_104 : i32
      "tpu.region"() ({
        %run_scoped3A = tpu.sem_alloc : memref<!tpu.dma_semaphore, #tpu.memory_space<semaphore_mem>>
        %dma_start3A = arith.constant 0 : i32
        %dma_start3A_107 = tpu.memref_slice %arg5[%mul3A_103, %dma_start3A, %mul3A_105] : memref<800x128x128xbf16, #tpu.memory_space<hbm>> -> memref<25x128x32xbf16, #tpu.memory_space<hbm>>
        %dma_start3A_108 = arith.constant 0 : i32
        %dma_start3A_109 = tpu.memref_slice %arg5[%mul3A_103, %dma_start3A_108, %mul3A_105] : memref<800x128x128xbf16, #tpu.memory_space<hbm>> -> memref<25x128x32xbf16, #tpu.memory_space<hbm>>
        tpu.enqueue_dma source(%arg9 : memref<25x128x32xbf16, #tpu.memory_space<vmem>>) target(%dma_start3A_109 : memref<25x128x32xbf16, #tpu.memory_space<hbm>>) target_semaphore(%run_scoped3A : memref<!tpu.dma_semaphore, #tpu.memory_space<semaphore_mem>>)
        %dma_wait3A = arith.constant 0 : i32
        %dma_wait3A_110 = tpu.memref_slice %arg5[%mul3A_103, %dma_wait3A, %mul3A_105] : memref<800x128x128xbf16, #tpu.memory_space<hbm>> -> memref<25x128x32xbf16, #tpu.memory_space<hbm>>
        %dma_wait3A_111 = arith.constant 0 : i32
        %dma_wait3A_112 = tpu.memref_slice %arg5[%mul3A_103, %dma_wait3A_111, %mul3A_105] : memref<800x128x128xbf16, #tpu.memory_space<hbm>> -> memref<25x128x32xbf16, #tpu.memory_space<hbm>>
        tpu.wait_dma2 semaphore(%run_scoped3A : memref<!tpu.dma_semaphore, #tpu.memory_space<semaphore_mem>>) src(%arg9 : memref<25x128x32xbf16, #tpu.memory_space<vmem>>) dst(%dma_wait3A_112 : memref<25x128x32xbf16, #tpu.memory_space<hbm>>)
        tpu.yield
      }) : () -> ()
      %scan3A_106 = arith.constant 0 : i32
      scf.yield %scan3A_106 : i32
    }
    %scan3A_8 = arith.constant 4 : i32
    return
  }
}

#map = affine_map<(d0, d1) -> (0)>
#map1 = affine_map<(d0, d1) -> (0, 0)>
#map2 = affine_map<(d0, d1) -> (0, 0, 0)>
module attributes {stable_mosaic.version = 14 : i64} {
  func.func @k(%arg0: i32, %arg1: i32, %arg2: memref<1163008xi32, #tpu.memory_space<hbm>>, %arg3: memref<800x128xi32, #tpu.memory_space<hbm>>, %arg4: memref<100512x32xbf16, #tpu.memory_space<hbm>>, %arg5: memref<800x128x128xbf16, #tpu.memory_space<hbm>>, %arg6: memref<25x128xi32, #tpu.memory_space<vmem>>, %arg7: memref<25x128xi32, #tpu.memory_space<vmem>>, %arg8: memref<25x128xi32, #tpu.memory_space<vmem>>, %arg9: memref<25x128x32xbf16, #tpu.memory_space<vmem>>, %arg10: memref<!tpu.dma_semaphore, #tpu.memory_space<semaphore_mem>>) attributes {dimension_semantics = [#tpu.dimension_semantics<core_parallel>, #tpu.dimension_semantics<subcore_parallel>], iteration_bounds = array<i64: 2, 16>, scalar_prefetch = 0 : i64, scratch_operands = 5 : i64, tpu.core_type = #tpu.core_type<sc_vector_subcore>, window_params = [{transform_indices = #map}, {transform_indices = #map1}, {transform_indices = #map1}, {transform_indices = #map2}]} {
    %mul3A = arith.constant 2 : i32
    %mul3A_0 = arith.muli %arg1, %mul3A : i32
    %add3A = arith.addi %mul3A_0, %arg0 : i32
    %mul3A_1 = arith.constant 25 : i32
    %mul3A_2 = arith.muli %add3A, %mul3A_1 : i32
    "tpu.region"() ({
      %run_scoped3A = tpu.sem_alloc : memref<!tpu.dma_semaphore, #tpu.memory_space<semaphore_mem>>
      %dma_start3A = arith.constant 0 : i32
      %dma_start3A_9 = tpu.memref_slice %arg3[%mul3A_2, %dma_start3A] : memref<800x128xi32, #tpu.memory_space<hbm>> -> memref<25x128xi32, #tpu.memory_space<hbm>>
      %dma_start3A_10 = arith.constant 0 : i32
      %dma_start3A_11 = tpu.memref_slice %arg3[%mul3A_2, %dma_start3A_10] : memref<800x128xi32, #tpu.memory_space<hbm>> -> memref<25x128xi32, #tpu.memory_space<hbm>>
      tpu.enqueue_dma source(%dma_start3A_11 : memref<25x128xi32, #tpu.memory_space<hbm>>) target(%arg6 : memref<25x128xi32, #tpu.memory_space<vmem>>) target_semaphore(%run_scoped3A : memref<!tpu.dma_semaphore, #tpu.memory_space<semaphore_mem>>)
      %dma_wait3A = arith.constant 0 : i32
      %dma_wait3A_12 = tpu.memref_slice %arg3[%mul3A_2, %dma_wait3A] : memref<800x128xi32, #tpu.memory_space<hbm>> -> memref<25x128xi32, #tpu.memory_space<hbm>>
      %dma_wait3A_13 = arith.constant 0 : i32
      %dma_wait3A_14 = tpu.memref_slice %arg3[%mul3A_2, %dma_wait3A_13] : memref<800x128xi32, #tpu.memory_space<hbm>> -> memref<25x128xi32, #tpu.memory_space<hbm>>
      tpu.wait_dma2 semaphore(%run_scoped3A : memref<!tpu.dma_semaphore, #tpu.memory_space<semaphore_mem>>) src(%dma_wait3A_14 : memref<25x128xi32, #tpu.memory_space<hbm>>) dst(%arg6 : memref<25x128xi32, #tpu.memory_space<vmem>>)
      tpu.yield
    }) : () -> ()
    %scan3A = arith.constant 0 : i32
    %scan3A_3 = arith.constant 12 : i32
    %scan3A_4 = arith.constant 4 : i32
    %scan3A_5 = arith.addi %scan3A_3, %scan3A_4 : i32
    %scan3A_6 = arith.constant 1 : i32
    %scan3A_7 = scf.for %scan3A_9 = %scan3A_3 to %scan3A_5 step %scan3A_6 iter_args(%scan3A_10 = %scan3A) -> (i32)  : i32 {
      %jit3A = arith.constant 9 : i32
      %div3A = arith.divsi %scan3A_9, %jit3A : i32
      %sign3A = arith.constant 0 : i32
      %sign3A_11 = arith.cmpi sgt, %scan3A_9, %sign3A : i32
      %sign3A_12 = arith.extui %sign3A_11 : i1 to i32
      %sign3A_13 = arith.constant 0 : i32
      %sign3A_14 = arith.cmpi slt, %scan3A_9, %sign3A_13 : i32
      %sign3A_15 = arith.extui %sign3A_14 : i1 to i32
      %sign3A_16 = arith.subi %sign3A_12, %sign3A_15 : i32
      %sign3A_17 = arith.constant 0 : i32
      %sign3A_18 = arith.cmpi sgt, %jit3A, %sign3A_17 : i32
      %sign3A_19 = arith.extui %sign3A_18 : i1 to i32
      %sign3A_20 = arith.constant 0 : i32
      %sign3A_21 = arith.cmpi slt, %jit3A, %sign3A_20 : i32
      %sign3A_22 = arith.extui %sign3A_21 : i1 to i32
      %sign3A_23 = arith.subi %sign3A_19, %sign3A_22 : i32
      %ne3A = arith.cmpi ne, %sign3A_16, %sign3A_23 : i32
      %rem3A = arith.remsi %scan3A_9, %jit3A : i32
      %ne3A_24 = arith.constant 0 : i32
      %ne3A_25 = arith.cmpi ne, %rem3A, %ne3A_24 : i32
      %and3A = arith.andi %ne3A, %ne3A_25 : i1
      %sub3A = arith.constant 1 : i32
      %sub3A_26 = arith.subi %div3A, %sub3A : i32
      %select_n3A = arith.select %and3A, %sub3A_26, %div3A : i32
      %sub3A_27 = arith.constant 1 : i32
      %sub3A_28 = arith.subi %select_n3A, %sub3A_27 : i32
      %jit3A_29 = arith.constant 3 : i32
      %div3A_30 = arith.divsi %scan3A_9, %jit3A_29 : i32
      %sign3A_31 = arith.constant 0 : i32
      %sign3A_32 = arith.cmpi sgt, %scan3A_9, %sign3A_31 : i32
      %sign3A_33 = arith.extui %sign3A_32 : i1 to i32
      %sign3A_34 = arith.constant 0 : i32
      %sign3A_35 = arith.cmpi slt, %scan3A_9, %sign3A_34 : i32
      %sign3A_36 = arith.extui %sign3A_35 : i1 to i32
      %sign3A_37 = arith.subi %sign3A_33, %sign3A_36 : i32
      %sign3A_38 = arith.constant 0 : i32
      %sign3A_39 = arith.cmpi sgt, %jit3A_29, %sign3A_38 : i32
      %sign3A_40 = arith.extui %sign3A_39 : i1 to i32
      %sign3A_41 = arith.constant 0 : i32
      %sign3A_42 = arith.cmpi slt, %jit3A_29, %sign3A_41 : i32
      %sign3A_43 = arith.extui %sign3A_42 : i1 to i32
      %sign3A_44 = arith.subi %sign3A_40, %sign3A_43 : i32
      %ne3A_45 = arith.cmpi ne, %sign3A_37, %sign3A_44 : i32
      %rem3A_46 = arith.remsi %scan3A_9, %jit3A_29 : i32
      %ne3A_47 = arith.constant 0 : i32
      %ne3A_48 = arith.cmpi ne, %rem3A_46, %ne3A_47 : i32
      %and3A_49 = arith.andi %ne3A_45, %ne3A_48 : i1
      %sub3A_50 = arith.constant 1 : i32
      %sub3A_51 = arith.subi %div3A_30, %sub3A_50 : i32
      %select_n3A_52 = arith.select %and3A_49, %sub3A_51, %div3A_30 : i32
      %jit3A_53 = arith.constant 3 : i32
      %eq3A = arith.constant 0 : i32
      %eq3A_54 = arith.cmpi eq, %jit3A_53, %eq3A : i32
      %jit3A_55 = arith.constant 1 : i32
      %select_n3A_56 = arith.select %eq3A_54, %jit3A_55, %jit3A_53 : i32
      %rem3A_57 = arith.remsi %select_n3A_52, %select_n3A_56 : i32
      %ne3A_58 = arith.constant 0 : i32
      %ne3A_59 = arith.cmpi ne, %rem3A_57, %ne3A_58 : i32
      %lt3A = arith.constant 0 : i32
      %lt3A_60 = arith.cmpi slt, %rem3A_57, %lt3A : i32
      %lt3A_61 = arith.constant 0 : i32
      %lt3A_62 = arith.cmpi slt, %select_n3A_56, %lt3A_61 : i32
      %ne3A_63 = arith.xori %lt3A_60, %lt3A_62 : i1
      %and3A_64 = arith.andi %ne3A_63, %ne3A_59 : i1
      %add3A_65 = arith.addi %rem3A_57, %select_n3A_56 : i32
      %select_n3A_66 = arith.select %and3A_64, %add3A_65, %rem3A_57 : i32
      %sub3A_67 = arith.constant 1 : i32
      %sub3A_68 = arith.subi %select_n3A_66, %sub3A_67 : i32
      %jit3A_69 = arith.constant 3 : i32
      %eq3A_70 = arith.constant 0 : i32
      %eq3A_71 = arith.cmpi eq, %jit3A_69, %eq3A_70 : i32
      %jit3A_72 = arith.constant 1 : i32
      %select_n3A_73 = arith.select %eq3A_71, %jit3A_72, %jit3A_69 : i32
      %rem3A_74 = arith.remsi %scan3A_9, %select_n3A_73 : i32
      %ne3A_75 = arith.constant 0 : i32
      %ne3A_76 = arith.cmpi ne, %rem3A_74, %ne3A_75 : i32
      %lt3A_77 = arith.constant 0 : i32
      %lt3A_78 = arith.cmpi slt, %rem3A_74, %lt3A_77 : i32
      %lt3A_79 = arith.constant 0 : i32
      %lt3A_80 = arith.cmpi slt, %select_n3A_73, %lt3A_79 : i32
      %ne3A_81 = arith.xori %lt3A_78, %lt3A_80 : i1
      %and3A_82 = arith.andi %ne3A_81, %ne3A_76 : i1
      %add3A_83 = arith.addi %rem3A_74, %select_n3A_73 : i32
      %select_n3A_84 = arith.select %and3A_82, %add3A_83, %rem3A_74 : i32
      %sub3A_85 = arith.constant 1 : i32
      %sub3A_86 = arith.subi %select_n3A_84, %sub3A_85 : i32
      %mul3A_87 = arith.constant 66 : i32
      %mul3A_88 = arith.muli %sub3A_28, %mul3A_87 : i32
      %add3A_89 = arith.addi %mul3A_88, %sub3A_68 : i32
      %mul3A_90 = arith.constant 66 : i32
      %mul3A_91 = arith.muli %add3A_89, %mul3A_90 : i32
      %add3A_92 = arith.addi %mul3A_91, %sub3A_86 : i32
      %ge3A = arith.constant 27 : i32
      %ge3A_93 = arith.cmpi sge, %scan3A_9, %ge3A : i32
      %convert_element_type3A = arith.extui %ge3A_93 : i1 to i32
      %cond3A = arith.constant 0 : i32
      %cond3A_94 = arith.cmpi ne, %convert_element_type3A, %cond3A : i32
      scf.if %cond3A_94 {
        %scan3A_107 = arith.constant 0 : i32
        %scan3A_108 = arith.constant 0 : i32
        %scan3A_109 = arith.constant 3200 : i32
        %scan3A_110 = arith.addi %scan3A_108, %scan3A_109 : i32
        %scan3A_111 = arith.constant 1 : i32
        %scan3A_112 = scf.for %scan3A_114 = %scan3A_108 to %scan3A_110 step %scan3A_111 iter_args(%scan3A_115 = %scan3A_107) -> (i32)  : i32 {
          %broadcast_in_dim3A = arith.constant 0.000000e+00 : bf16
          %broadcast_in_dim3A_116 = vector.broadcast %broadcast_in_dim3A : bf16 to vector<32xbf16>
          %jit3A_117 = arith.constant 128 : i32
          %div3A_118 = arith.divsi %scan3A_114, %jit3A_117 : i32
          %sign3A_119 = arith.constant 0 : i32
          %sign3A_120 = arith.cmpi sgt, %scan3A_114, %sign3A_119 : i32
          %sign3A_121 = arith.extui %sign3A_120 : i1 to i32
          %sign3A_122 = arith.constant 0 : i32
          %sign3A_123 = arith.cmpi slt, %scan3A_114, %sign3A_122 : i32
          %sign3A_124 = arith.extui %sign3A_123 : i1 to i32
          %sign3A_125 = arith.subi %sign3A_121, %sign3A_124 : i32
          %sign3A_126 = arith.constant 0 : i32
          %sign3A_127 = arith.cmpi sgt, %jit3A_117, %sign3A_126 : i32
          %sign3A_128 = arith.extui %sign3A_127 : i1 to i32
          %sign3A_129 = arith.constant 0 : i32
          %sign3A_130 = arith.cmpi slt, %jit3A_117, %sign3A_129 : i32
          %sign3A_131 = arith.extui %sign3A_130 : i1 to i32
          %sign3A_132 = arith.subi %sign3A_128, %sign3A_131 : i32
          %ne3A_133 = arith.cmpi ne, %sign3A_125, %sign3A_132 : i32
          %rem3A_134 = arith.remsi %scan3A_114, %jit3A_117 : i32
          %ne3A_135 = arith.constant 0 : i32
          %ne3A_136 = arith.cmpi ne, %rem3A_134, %ne3A_135 : i32
          %and3A_137 = arith.andi %ne3A_133, %ne3A_136 : i1
          %sub3A_138 = arith.constant 1 : i32
          %sub3A_139 = arith.subi %div3A_118, %sub3A_138 : i32
          %select_n3A_140 = arith.select %and3A_137, %sub3A_139, %div3A_118 : i32
          %jit3A_141 = arith.constant 128 : i32
          %eq3A_142 = arith.constant 0 : i32
          %eq3A_143 = arith.cmpi eq, %jit3A_141, %eq3A_142 : i32
          %jit3A_144 = arith.constant 1 : i32
          %select_n3A_145 = arith.select %eq3A_143, %jit3A_144, %jit3A_141 : i32
          %rem3A_146 = arith.remsi %scan3A_114, %select_n3A_145 : i32
          %ne3A_147 = arith.constant 0 : i32
          %ne3A_148 = arith.cmpi ne, %rem3A_146, %ne3A_147 : i32
          %lt3A_149 = arith.constant 0 : i32
          %lt3A_150 = arith.cmpi slt, %rem3A_146, %lt3A_149 : i32
          %lt3A_151 = arith.constant 0 : i32
          %lt3A_152 = arith.cmpi slt, %select_n3A_145, %lt3A_151 : i32
          %ne3A_153 = arith.xori %lt3A_150, %lt3A_152 : i1
          %and3A_154 = arith.andi %ne3A_153, %ne3A_148 : i1
          %add3A_155 = arith.addi %rem3A_146, %select_n3A_145 : i32
          %select_n3A_156 = arith.select %and3A_154, %add3A_155, %rem3A_146 : i32
          %swap3A = arith.index_cast %select_n3A_140 : i32 to index
          %swap3A_157 = arith.index_cast %select_n3A_156 : i32 to index
          %swap3A_158 = arith.constant 0 : index
          %swap3A_159 = tpu.vector_load %arg9[%swap3A, %swap3A_157, %swap3A_158] {strides = array<i32>} : memref<25x128x32xbf16, #tpu.memory_space<vmem>>, vector<1x1x32xbf16>,
          %swap3A_160 = vector.shape_cast %swap3A_159 : vector<1x1x32xbf16> to vector<32xbf16>
          %swap3A_161 = vector.shape_cast %broadcast_in_dim3A_116 : vector<32xbf16> to vector<1x1x32xbf16>
          tpu.vector_store %arg9[%swap3A, %swap3A_157, %swap3A_158], %swap3A_161 {strides = array<i32>} : memref<25x128x32xbf16, #tpu.memory_space<vmem>>, vector<1x1x32xbf16>,
          %scan3A_162 = arith.constant 0 : i32
          scf.yield %scan3A_162 : i32
        }
        %scan3A_113 = arith.constant 3200 : i32
      } else {
      }
      %lt3A_95 = arith.constant 27 : i32
      %lt3A_96 = arith.cmpi slt, %scan3A_9, %lt3A_95 : i32
      %convert_element_type3A_97 = arith.extui %lt3A_96 : i1 to i32
      %cond3A_98 = arith.constant 0 : i32
      %cond3A_99 = arith.cmpi ne, %convert_element_type3A_97, %cond3A_98 : i32
      scf.if %cond3A_99 {
        %scan3A_107 = arith.constant 0 : i32
        %scan3A_108 = arith.constant 0 : i32
        %scan3A_109 = arith.constant 200 : i32
        %scan3A_110 = arith.addi %scan3A_108, %scan3A_109 : i32
        %scan3A_111 = arith.constant 1 : i32
        %scan3A_112 = scf.for %scan3A_142 = %scan3A_108 to %scan3A_110 step %scan3A_111 iter_args(%scan3A_143 = %scan3A_107) -> (i32)  : i32 {
          %shift_right_arithmetic3A = arith.constant 3 : i32
          %shift_right_arithmetic3A_144 = arith.shrsi %scan3A_142, %shift_right_arithmetic3A : i32
          %and3A_145 = arith.constant 7 : i32
          %and3A_146 = arith.andi %scan3A_142, %and3A_145 : i32
          %mul3A_147 = arith.constant 16 : i32
          %mul3A_148 = arith.muli %and3A_146, %mul3A_147 : i32
          %get3A = arith.index_cast %shift_right_arithmetic3A_144 : i32 to index
          %get3A_149 = arith.index_cast %mul3A_148 : i32 to index
          %get3A_150 = tpu.vector_load %arg6[%get3A, %get3A_149] {strides = array<i32>} : memref<25x128xi32, #tpu.memory_space<vmem>>, vector<1x16xi32>,
          %get3A_151 = vector.shape_cast %get3A_150 : vector<1x16xi32> to vector<16xi32>
          %add3A_152 = vector.broadcast %add3A_92 : i32 to vector<16xi32>
          %add3A_153 = arith.addi %get3A_151, %add3A_152 : vector<16xi32>
          %swap3A = arith.index_cast %shift_right_arithmetic3A_144 : i32 to index
          %swap3A_154 = arith.index_cast %mul3A_148 : i32 to index
          %swap3A_155 = tpu.vector_load %arg7[%swap3A, %swap3A_154] {strides = array<i32>} : memref<25x128xi32, #tpu.memory_space<vmem>>, vector<1x16xi32>,
          %swap3A_156 = vector.shape_cast %swap3A_155 : vector<1x16xi32> to vector<16xi32>
          %swap3A_157 = vector.shape_cast %add3A_153 : vector<16xi32> to vector<1x16xi32>
          tpu.vector_store %arg7[%swap3A, %swap3A_154], %swap3A_157 {strides = array<i32>} : memref<25x128xi32, #tpu.memory_space<vmem>>, vector<1x16xi32>,
          %scan3A_158 = arith.constant 0 : i32
          scf.yield %scan3A_158 : i32
        }
        %scan3A_113 = arith.constant 200 : i32
        %scan3A_114 = arith.constant 0 : i32
        %scan3A_115 = arith.constant 0 : i32
        %scan3A_116 = arith.constant 25 : i32
        %scan3A_117 = arith.addi %scan3A_115, %scan3A_116 : i32
        %scan3A_118 = arith.constant 1 : i32
        %scan3A_119 = scf.for %scan3A_142 = %scan3A_115 to %scan3A_117 step %scan3A_118 iter_args(%scan3A_143 = %scan3A_114) -> (i32)  : i32 {
          %dma_start3A = arith.constant 0 : i32
          %dma_start3A_144 = tpu.memref_slice %arg8[%scan3A_142, %dma_start3A] : memref<25x128xi32, #tpu.memory_space<vmem>> -> memref<1x128xi32, #tpu.memory_space<vmem>>
          %dma_start3A_145 = tpu.memref_squeeze %dma_start3A_144 : memref<1x128xi32, #tpu.memory_space<vmem>> -> memref<128xi32, #tpu.memory_space<vmem>>
          %dma_start3A_146 = arith.constant 0 : i32
          %dma_start3A_147 = tpu.memref_slice %arg7[%scan3A_142, %dma_start3A_146] : memref<25x128xi32, #tpu.memory_space<vmem>> -> memref<1x128xi32, #tpu.memory_space<vmem>>
          %dma_start3A_148 = tpu.memref_squeeze %dma_start3A_147 : memref<1x128xi32, #tpu.memory_space<vmem>> -> memref<128xi32, #tpu.memory_space<vmem>>
          %dma_start3A_149 = arith.constant 0 : i32
          %dma_start3A_150 = tpu.memref_slice %arg2[%dma_start3A_149] : memref<1163008xi32, #tpu.memory_space<hbm>> -> memref<1163008xi32, #tpu.memory_space<hbm>>
          tpu.enqueue_indirect_dma source(%dma_start3A_150 : memref<1163008xi32, #tpu.memory_space<hbm>>) target(%dma_start3A_145 : memref<128xi32, #tpu.memory_space<vmem>>) offsets(%dma_start3A_148 : memref<128xi32, #tpu.memory_space<vmem>>) semaphore(%arg10 : memref<!tpu.dma_semaphore, #tpu.memory_space<semaphore_mem>>)
          %scan3A_151 = arith.constant 0 : i32
          scf.yield %scan3A_151 : i32
        }
        %scan3A_120 = arith.constant 25 : i32
        %scan3A_121 = arith.constant 0 : i32
        %scan3A_122 = arith.constant 0 : i32
        %scan3A_123 = arith.constant 25 : i32
        %scan3A_124 = arith.addi %scan3A_122, %scan3A_123 : i32
        %scan3A_125 = arith.constant 1 : i32
        %scan3A_126 = scf.for %scan3A_142 = %scan3A_122 to %scan3A_124 step %scan3A_125 iter_args(%scan3A_143 = %scan3A_121) -> (i32)  : i32 {
          %dma_wait3A = arith.constant 0 : i32
          %dma_wait3A_144 = tpu.memref_slice %arg8[%scan3A_142, %dma_wait3A] : memref<25x128xi32, #tpu.memory_space<vmem>> -> memref<1x128xi32, #tpu.memory_space<vmem>>
          %dma_wait3A_145 = tpu.memref_squeeze %dma_wait3A_144 : memref<1x128xi32, #tpu.memory_space<vmem>> -> memref<128xi32, #tpu.memory_space<vmem>>
          %dma_wait3A_146 = arith.constant 0 : i32
          %dma_wait3A_147 = tpu.memref_slice %arg7[%scan3A_142, %dma_wait3A_146] : memref<25x128xi32, #tpu.memory_space<vmem>> -> memref<1x128xi32, #tpu.memory_space<vmem>>
          %dma_wait3A_148 = tpu.memref_squeeze %dma_wait3A_147 : memref<1x128xi32, #tpu.memory_space<vmem>> -> memref<128xi32, #tpu.memory_space<vmem>>
          %dma_wait3A_149 = arith.constant 0 : i32
          %dma_wait3A_150 = tpu.memref_slice %arg2[%dma_wait3A_149] : memref<1163008xi32, #tpu.memory_space<hbm>> -> memref<1163008xi32, #tpu.memory_space<hbm>>
          tpu.wait_indirect_dma semaphore(%arg10 : memref<!tpu.dma_semaphore, #tpu.memory_space<semaphore_mem>>) src(%dma_wait3A_150 : memref<1163008xi32, #tpu.memory_space<hbm>>) dst(%dma_wait3A_145 : memref<128xi32, #tpu.memory_space<vmem>>)
          %scan3A_151 = arith.constant 0 : i32
          scf.yield %scan3A_151 : i32
        }
        %scan3A_127 = arith.constant 25 : i32
        %scan3A_128 = arith.constant 0 : i32
        %scan3A_129 = arith.constant 0 : i32
        %scan3A_130 = arith.constant 25 : i32
        %scan3A_131 = arith.addi %scan3A_129, %scan3A_130 : i32
        %scan3A_132 = arith.constant 1 : i32
        %scan3A_133 = scf.for %scan3A_142 = %scan3A_129 to %scan3A_131 step %scan3A_132 iter_args(%scan3A_143 = %scan3A_128) -> (i32)  : i32 {
          %dma_start3A = arith.constant 0 : i32
          %dma_start3A_144 = arith.constant 0 : i32
          %dma_start3A_145 = tpu.memref_slice %arg9[%scan3A_142, %dma_start3A, %dma_start3A_144] : memref<25x128x32xbf16, #tpu.memory_space<vmem>> -> memref<1x128x32xbf16, #tpu.memory_space<vmem>>
          %dma_start3A_146 = tpu.memref_squeeze %dma_start3A_145 : memref<1x128x32xbf16, #tpu.memory_space<vmem>> -> memref<128x32xbf16, #tpu.memory_space<vmem>>
          %dma_start3A_147 = arith.constant 0 : i32
          %dma_start3A_148 = tpu.memref_slice %arg8[%scan3A_142, %dma_start3A_147] : memref<25x128xi32, #tpu.memory_space<vmem>> -> memref<1x128xi32, #tpu.memory_space<vmem>>
          %dma_start3A_149 = tpu.memref_squeeze %dma_start3A_148 : memref<1x128xi32, #tpu.memory_space<vmem>> -> memref<128xi32, #tpu.memory_space<vmem>>
          %dma_start3A_150 = arith.constant 0 : i32
          %dma_start3A_151 = arith.constant 0 : i32
          %dma_start3A_152 = tpu.memref_slice %arg4[%dma_start3A_150, %dma_start3A_151] : memref<100512x32xbf16, #tpu.memory_space<hbm>> -> memref<100512x32xbf16, #tpu.memory_space<hbm>>
          tpu.enqueue_indirect_dma source(%dma_start3A_152 : memref<100512x32xbf16, #tpu.memory_space<hbm>>) target(%dma_start3A_146 : memref<128x32xbf16, #tpu.memory_space<vmem>>) offsets(%dma_start3A_149 : memref<128xi32, #tpu.memory_space<vmem>>) semaphore(%arg10 : memref<!tpu.dma_semaphore, #tpu.memory_space<semaphore_mem>>)
          %scan3A_153 = arith.constant 0 : i32
          scf.yield %scan3A_153 : i32
        }
        %scan3A_134 = arith.constant 25 : i32
        %scan3A_135 = arith.constant 0 : i32
        %scan3A_136 = arith.constant 0 : i32
        %scan3A_137 = arith.constant 25 : i32
        %scan3A_138 = arith.addi %scan3A_136, %scan3A_137 : i32
        %scan3A_139 = arith.constant 1 : i32
        %scan3A_140 = scf.for %scan3A_142 = %scan3A_136 to %scan3A_138 step %scan3A_139 iter_args(%scan3A_143 = %scan3A_135) -> (i32)  : i32 {
          %dma_wait3A = arith.constant 0 : i32
          %dma_wait3A_144 = arith.constant 0 : i32
          %dma_wait3A_145 = tpu.memref_slice %arg9[%scan3A_142, %dma_wait3A, %dma_wait3A_144] : memref<25x128x32xbf16, #tpu.memory_space<vmem>> -> memref<1x128x32xbf16, #tpu.memory_space<vmem>>
          %dma_wait3A_146 = tpu.memref_squeeze %dma_wait3A_145 : memref<1x128x32xbf16, #tpu.memory_space<vmem>> -> memref<128x32xbf16, #tpu.memory_space<vmem>>
          %dma_wait3A_147 = arith.constant 0 : i32
          %dma_wait3A_148 = tpu.memref_slice %arg8[%scan3A_142, %dma_wait3A_147] : memref<25x128xi32, #tpu.memory_space<vmem>> -> memref<1x128xi32, #tpu.memory_space<vmem>>
          %dma_wait3A_149 = tpu.memref_squeeze %dma_wait3A_148 : memref<1x128xi32, #tpu.memory_space<vmem>> -> memref<128xi32, #tpu.memory_space<vmem>>
          %dma_wait3A_150 = arith.constant 0 : i32
          %dma_wait3A_151 = arith.constant 0 : i32
          %dma_wait3A_152 = tpu.memref_slice %arg4[%dma_wait3A_150, %dma_wait3A_151] : memref<100512x32xbf16, #tpu.memory_space<hbm>> -> memref<100512x32xbf16, #tpu.memory_space<hbm>>
          tpu.wait_indirect_dma semaphore(%arg10 : memref<!tpu.dma_semaphore, #tpu.memory_space<semaphore_mem>>) src(%dma_wait3A_152 : memref<100512x32xbf16, #tpu.memory_space<hbm>>) dst(%dma_wait3A_146 : memref<128x32xbf16, #tpu.memory_space<vmem>>)
          %scan3A_153 = arith.constant 0 : i32
          scf.yield %scan3A_153 : i32
        }
        %scan3A_141 = arith.constant 25 : i32
      } else {
      }
      %and3A_100 = arith.constant 3 : i32
      %and3A_101 = arith.andi %scan3A_9, %and3A_100 : i32
      %mul3A_102 = arith.constant 25 : i32
      %mul3A_103 = arith.muli %add3A, %mul3A_102 : i32
      %mul3A_104 = arith.constant 32 : i32
      %mul3A_105 = arith.muli %and3A_101, %mul3A_104 : i32
      "tpu.region"() ({
        %run_scoped3A = tpu.sem_alloc : memref<!tpu.dma_semaphore, #tpu.memory_space<semaphore_mem>>
        %dma_start3A = arith.constant 0 : i32
        %dma_start3A_107 = tpu.memref_slice %arg5[%mul3A_103, %dma_start3A, %mul3A_105] : memref<800x128x128xbf16, #tpu.memory_space<hbm>> -> memref<25x128x32xbf16, #tpu.memory_space<hbm>>
        %dma_start3A_108 = arith.constant 0 : i32
        %dma_start3A_109 = tpu.memref_slice %arg5[%mul3A_103, %dma_start3A_108, %mul3A_105] : memref<800x128x128xbf16, #tpu.memory_space<hbm>> -> memref<25x128x32xbf16, #tpu.memory_space<hbm>>
        tpu.enqueue_dma source(%arg9 : memref<25x128x32xbf16, #tpu.memory_space<vmem>>) target(%dma_start3A_109 : memref<25x128x32xbf16, #tpu.memory_space<hbm>>) target_semaphore(%run_scoped3A : memref<!tpu.dma_semaphore, #tpu.memory_space<semaphore_mem>>)
        %dma_wait3A = arith.constant 0 : i32
        %dma_wait3A_110 = tpu.memref_slice %arg5[%mul3A_103, %dma_wait3A, %mul3A_105] : memref<800x128x128xbf16, #tpu.memory_space<hbm>> -> memref<25x128x32xbf16, #tpu.memory_space<hbm>>
        %dma_wait3A_111 = arith.constant 0 : i32
        %dma_wait3A_112 = tpu.memref_slice %arg5[%mul3A_103, %dma_wait3A_111, %mul3A_105] : memref<800x128x128xbf16, #tpu.memory_space<hbm>> -> memref<25x128x32xbf16, #tpu.memory_space<hbm>>
        tpu.wait_dma2 semaphore(%run_scoped3A : memref<!tpu.dma_semaphore, #tpu.memory_space<semaphore_mem>>) src(%arg9 : memref<25x128x32xbf16, #tpu.memory_space<vmem>>) dst(%dma_wait3A_112 : memref<25x128x32xbf16, #tpu.memory_space<hbm>>)
        tpu.yield
      }) : () -> ()
      %scan3A_106 = arith.constant 0 : i32
      scf.yield %scan3A_106 : i32
    }
    %scan3A_8 = arith.constant 4 : i32
    return
  }
}

#map = affine_map<(d0, d1) -> (0)>
#map1 = affine_map<(d0, d1) -> (0, 0)>
#map2 = affine_map<(d0, d1) -> (0, 0, 0)>
module attributes {stable_mosaic.version = 14 : i64} {
  func.func @k(%arg0: i32, %arg1: i32, %arg2: memref<1163008xi32, #tpu.memory_space<hbm>>, %arg3: memref<800x128xi32, #tpu.memory_space<hbm>>, %arg4: memref<100512x32xbf16, #tpu.memory_space<hbm>>, %arg5: memref<800x128x128xbf16, #tpu.memory_space<hbm>>, %arg6: memref<25x128xi32, #tpu.memory_space<vmem>>, %arg7: memref<25x128xi32, #tpu.memory_space<vmem>>, %arg8: memref<25x128xi32, #tpu.memory_space<vmem>>, %arg9: memref<25x128x32xbf16, #tpu.memory_space<vmem>>, %arg10: memref<!tpu.dma_semaphore, #tpu.memory_space<semaphore_mem>>) attributes {dimension_semantics = [#tpu.dimension_semantics<core_parallel>, #tpu.dimension_semantics<subcore_parallel>], iteration_bounds = array<i64: 2, 16>, scalar_prefetch = 0 : i64, scratch_operands = 5 : i64, tpu.core_type = #tpu.core_type<sc_vector_subcore>, window_params = [{transform_indices = #map}, {transform_indices = #map1}, {transform_indices = #map1}, {transform_indices = #map2}]} {
    %mul3A = arith.constant 2 : i32
    %mul3A_0 = arith.muli %arg1, %mul3A : i32
    %add3A = arith.addi %mul3A_0, %arg0 : i32
    %mul3A_1 = arith.constant 25 : i32
    %mul3A_2 = arith.muli %add3A, %mul3A_1 : i32
    "tpu.region"() ({
      %run_scoped3A = tpu.sem_alloc : memref<!tpu.dma_semaphore, #tpu.memory_space<semaphore_mem>>
      %dma_start3A = arith.constant 0 : i32
      %dma_start3A_9 = tpu.memref_slice %arg3[%mul3A_2, %dma_start3A] : memref<800x128xi32, #tpu.memory_space<hbm>> -> memref<25x128xi32, #tpu.memory_space<hbm>>
      %dma_start3A_10 = arith.constant 0 : i32
      %dma_start3A_11 = tpu.memref_slice %arg3[%mul3A_2, %dma_start3A_10] : memref<800x128xi32, #tpu.memory_space<hbm>> -> memref<25x128xi32, #tpu.memory_space<hbm>>
      tpu.enqueue_dma source(%dma_start3A_11 : memref<25x128xi32, #tpu.memory_space<hbm>>) target(%arg6 : memref<25x128xi32, #tpu.memory_space<vmem>>) target_semaphore(%run_scoped3A : memref<!tpu.dma_semaphore, #tpu.memory_space<semaphore_mem>>)
      %dma_wait3A = arith.constant 0 : i32
      %dma_wait3A_12 = tpu.memref_slice %arg3[%mul3A_2, %dma_wait3A] : memref<800x128xi32, #tpu.memory_space<hbm>> -> memref<25x128xi32, #tpu.memory_space<hbm>>
      %dma_wait3A_13 = arith.constant 0 : i32
      %dma_wait3A_14 = tpu.memref_slice %arg3[%mul3A_2, %dma_wait3A_13] : memref<800x128xi32, #tpu.memory_space<hbm>> -> memref<25x128xi32, #tpu.memory_space<hbm>>
      tpu.wait_dma2 semaphore(%run_scoped3A : memref<!tpu.dma_semaphore, #tpu.memory_space<semaphore_mem>>) src(%dma_wait3A_14 : memref<25x128xi32, #tpu.memory_space<hbm>>) dst(%arg6 : memref<25x128xi32, #tpu.memory_space<vmem>>)
      tpu.yield
    }) : () -> ()
    %scan3A = arith.constant 0 : i32
    %scan3A_3 = arith.constant 16 : i32
    %scan3A_4 = arith.constant 4 : i32
    %scan3A_5 = arith.addi %scan3A_3, %scan3A_4 : i32
    %scan3A_6 = arith.constant 1 : i32
    %scan3A_7 = scf.for %scan3A_9 = %scan3A_3 to %scan3A_5 step %scan3A_6 iter_args(%scan3A_10 = %scan3A) -> (i32)  : i32 {
      %jit3A = arith.constant 9 : i32
      %div3A = arith.divsi %scan3A_9, %jit3A : i32
      %sign3A = arith.constant 0 : i32
      %sign3A_11 = arith.cmpi sgt, %scan3A_9, %sign3A : i32
      %sign3A_12 = arith.extui %sign3A_11 : i1 to i32
      %sign3A_13 = arith.constant 0 : i32
      %sign3A_14 = arith.cmpi slt, %scan3A_9, %sign3A_13 : i32
      %sign3A_15 = arith.extui %sign3A_14 : i1 to i32
      %sign3A_16 = arith.subi %sign3A_12, %sign3A_15 : i32
      %sign3A_17 = arith.constant 0 : i32
      %sign3A_18 = arith.cmpi sgt, %jit3A, %sign3A_17 : i32
      %sign3A_19 = arith.extui %sign3A_18 : i1 to i32
      %sign3A_20 = arith.constant 0 : i32
      %sign3A_21 = arith.cmpi slt, %jit3A, %sign3A_20 : i32
      %sign3A_22 = arith.extui %sign3A_21 : i1 to i32
      %sign3A_23 = arith.subi %sign3A_19, %sign3A_22 : i32
      %ne3A = arith.cmpi ne, %sign3A_16, %sign3A_23 : i32
      %rem3A = arith.remsi %scan3A_9, %jit3A : i32
      %ne3A_24 = arith.constant 0 : i32
      %ne3A_25 = arith.cmpi ne, %rem3A, %ne3A_24 : i32
      %and3A = arith.andi %ne3A, %ne3A_25 : i1
      %sub3A = arith.constant 1 : i32
      %sub3A_26 = arith.subi %div3A, %sub3A : i32
      %select_n3A = arith.select %and3A, %sub3A_26, %div3A : i32
      %sub3A_27 = arith.constant 1 : i32
      %sub3A_28 = arith.subi %select_n3A, %sub3A_27 : i32
      %jit3A_29 = arith.constant 3 : i32
      %div3A_30 = arith.divsi %scan3A_9, %jit3A_29 : i32
      %sign3A_31 = arith.constant 0 : i32
      %sign3A_32 = arith.cmpi sgt, %scan3A_9, %sign3A_31 : i32
      %sign3A_33 = arith.extui %sign3A_32 : i1 to i32
      %sign3A_34 = arith.constant 0 : i32
      %sign3A_35 = arith.cmpi slt, %scan3A_9, %sign3A_34 : i32
      %sign3A_36 = arith.extui %sign3A_35 : i1 to i32
      %sign3A_37 = arith.subi %sign3A_33, %sign3A_36 : i32
      %sign3A_38 = arith.constant 0 : i32
      %sign3A_39 = arith.cmpi sgt, %jit3A_29, %sign3A_38 : i32
      %sign3A_40 = arith.extui %sign3A_39 : i1 to i32
      %sign3A_41 = arith.constant 0 : i32
      %sign3A_42 = arith.cmpi slt, %jit3A_29, %sign3A_41 : i32
      %sign3A_43 = arith.extui %sign3A_42 : i1 to i32
      %sign3A_44 = arith.subi %sign3A_40, %sign3A_43 : i32
      %ne3A_45 = arith.cmpi ne, %sign3A_37, %sign3A_44 : i32
      %rem3A_46 = arith.remsi %scan3A_9, %jit3A_29 : i32
      %ne3A_47 = arith.constant 0 : i32
      %ne3A_48 = arith.cmpi ne, %rem3A_46, %ne3A_47 : i32
      %and3A_49 = arith.andi %ne3A_45, %ne3A_48 : i1
      %sub3A_50 = arith.constant 1 : i32
      %sub3A_51 = arith.subi %div3A_30, %sub3A_50 : i32
      %select_n3A_52 = arith.select %and3A_49, %sub3A_51, %div3A_30 : i32
      %jit3A_53 = arith.constant 3 : i32
      %eq3A = arith.constant 0 : i32
      %eq3A_54 = arith.cmpi eq, %jit3A_53, %eq3A : i32
      %jit3A_55 = arith.constant 1 : i32
      %select_n3A_56 = arith.select %eq3A_54, %jit3A_55, %jit3A_53 : i32
      %rem3A_57 = arith.remsi %select_n3A_52, %select_n3A_56 : i32
      %ne3A_58 = arith.constant 0 : i32
      %ne3A_59 = arith.cmpi ne, %rem3A_57, %ne3A_58 : i32
      %lt3A = arith.constant 0 : i32
      %lt3A_60 = arith.cmpi slt, %rem3A_57, %lt3A : i32
      %lt3A_61 = arith.constant 0 : i32
      %lt3A_62 = arith.cmpi slt, %select_n3A_56, %lt3A_61 : i32
      %ne3A_63 = arith.xori %lt3A_60, %lt3A_62 : i1
      %and3A_64 = arith.andi %ne3A_63, %ne3A_59 : i1
      %add3A_65 = arith.addi %rem3A_57, %select_n3A_56 : i32
      %select_n3A_66 = arith.select %and3A_64, %add3A_65, %rem3A_57 : i32
      %sub3A_67 = arith.constant 1 : i32
      %sub3A_68 = arith.subi %select_n3A_66, %sub3A_67 : i32
      %jit3A_69 = arith.constant 3 : i32
      %eq3A_70 = arith.constant 0 : i32
      %eq3A_71 = arith.cmpi eq, %jit3A_69, %eq3A_70 : i32
      %jit3A_72 = arith.constant 1 : i32
      %select_n3A_73 = arith.select %eq3A_71, %jit3A_72, %jit3A_69 : i32
      %rem3A_74 = arith.remsi %scan3A_9, %select_n3A_73 : i32
      %ne3A_75 = arith.constant 0 : i32
      %ne3A_76 = arith.cmpi ne, %rem3A_74, %ne3A_75 : i32
      %lt3A_77 = arith.constant 0 : i32
      %lt3A_78 = arith.cmpi slt, %rem3A_74, %lt3A_77 : i32
      %lt3A_79 = arith.constant 0 : i32
      %lt3A_80 = arith.cmpi slt, %select_n3A_73, %lt3A_79 : i32
      %ne3A_81 = arith.xori %lt3A_78, %lt3A_80 : i1
      %and3A_82 = arith.andi %ne3A_81, %ne3A_76 : i1
      %add3A_83 = arith.addi %rem3A_74, %select_n3A_73 : i32
      %select_n3A_84 = arith.select %and3A_82, %add3A_83, %rem3A_74 : i32
      %sub3A_85 = arith.constant 1 : i32
      %sub3A_86 = arith.subi %select_n3A_84, %sub3A_85 : i32
      %mul3A_87 = arith.constant 66 : i32
      %mul3A_88 = arith.muli %sub3A_28, %mul3A_87 : i32
      %add3A_89 = arith.addi %mul3A_88, %sub3A_68 : i32
      %mul3A_90 = arith.constant 66 : i32
      %mul3A_91 = arith.muli %add3A_89, %mul3A_90 : i32
      %add3A_92 = arith.addi %mul3A_91, %sub3A_86 : i32
      %ge3A = arith.constant 27 : i32
      %ge3A_93 = arith.cmpi sge, %scan3A_9, %ge3A : i32
      %convert_element_type3A = arith.extui %ge3A_93 : i1 to i32
      %cond3A = arith.constant 0 : i32
      %cond3A_94 = arith.cmpi ne, %convert_element_type3A, %cond3A : i32
      scf.if %cond3A_94 {
        %scan3A_107 = arith.constant 0 : i32
        %scan3A_108 = arith.constant 0 : i32
        %scan3A_109 = arith.constant 3200 : i32
        %scan3A_110 = arith.addi %scan3A_108, %scan3A_109 : i32
        %scan3A_111 = arith.constant 1 : i32
        %scan3A_112 = scf.for %scan3A_114 = %scan3A_108 to %scan3A_110 step %scan3A_111 iter_args(%scan3A_115 = %scan3A_107) -> (i32)  : i32 {
          %broadcast_in_dim3A = arith.constant 0.000000e+00 : bf16
          %broadcast_in_dim3A_116 = vector.broadcast %broadcast_in_dim3A : bf16 to vector<32xbf16>
          %jit3A_117 = arith.constant 128 : i32
          %div3A_118 = arith.divsi %scan3A_114, %jit3A_117 : i32
          %sign3A_119 = arith.constant 0 : i32
          %sign3A_120 = arith.cmpi sgt, %scan3A_114, %sign3A_119 : i32
          %sign3A_121 = arith.extui %sign3A_120 : i1 to i32
          %sign3A_122 = arith.constant 0 : i32
          %sign3A_123 = arith.cmpi slt, %scan3A_114, %sign3A_122 : i32
          %sign3A_124 = arith.extui %sign3A_123 : i1 to i32
          %sign3A_125 = arith.subi %sign3A_121, %sign3A_124 : i32
          %sign3A_126 = arith.constant 0 : i32
          %sign3A_127 = arith.cmpi sgt, %jit3A_117, %sign3A_126 : i32
          %sign3A_128 = arith.extui %sign3A_127 : i1 to i32
          %sign3A_129 = arith.constant 0 : i32
          %sign3A_130 = arith.cmpi slt, %jit3A_117, %sign3A_129 : i32
          %sign3A_131 = arith.extui %sign3A_130 : i1 to i32
          %sign3A_132 = arith.subi %sign3A_128, %sign3A_131 : i32
          %ne3A_133 = arith.cmpi ne, %sign3A_125, %sign3A_132 : i32
          %rem3A_134 = arith.remsi %scan3A_114, %jit3A_117 : i32
          %ne3A_135 = arith.constant 0 : i32
          %ne3A_136 = arith.cmpi ne, %rem3A_134, %ne3A_135 : i32
          %and3A_137 = arith.andi %ne3A_133, %ne3A_136 : i1
          %sub3A_138 = arith.constant 1 : i32
          %sub3A_139 = arith.subi %div3A_118, %sub3A_138 : i32
          %select_n3A_140 = arith.select %and3A_137, %sub3A_139, %div3A_118 : i32
          %jit3A_141 = arith.constant 128 : i32
          %eq3A_142 = arith.constant 0 : i32
          %eq3A_143 = arith.cmpi eq, %jit3A_141, %eq3A_142 : i32
          %jit3A_144 = arith.constant 1 : i32
          %select_n3A_145 = arith.select %eq3A_143, %jit3A_144, %jit3A_141 : i32
          %rem3A_146 = arith.remsi %scan3A_114, %select_n3A_145 : i32
          %ne3A_147 = arith.constant 0 : i32
          %ne3A_148 = arith.cmpi ne, %rem3A_146, %ne3A_147 : i32
          %lt3A_149 = arith.constant 0 : i32
          %lt3A_150 = arith.cmpi slt, %rem3A_146, %lt3A_149 : i32
          %lt3A_151 = arith.constant 0 : i32
          %lt3A_152 = arith.cmpi slt, %select_n3A_145, %lt3A_151 : i32
          %ne3A_153 = arith.xori %lt3A_150, %lt3A_152 : i1
          %and3A_154 = arith.andi %ne3A_153, %ne3A_148 : i1
          %add3A_155 = arith.addi %rem3A_146, %select_n3A_145 : i32
          %select_n3A_156 = arith.select %and3A_154, %add3A_155, %rem3A_146 : i32
          %swap3A = arith.index_cast %select_n3A_140 : i32 to index
          %swap3A_157 = arith.index_cast %select_n3A_156 : i32 to index
          %swap3A_158 = arith.constant 0 : index
          %swap3A_159 = tpu.vector_load %arg9[%swap3A, %swap3A_157, %swap3A_158] {strides = array<i32>} : memref<25x128x32xbf16, #tpu.memory_space<vmem>>, vector<1x1x32xbf16>,
          %swap3A_160 = vector.shape_cast %swap3A_159 : vector<1x1x32xbf16> to vector<32xbf16>
          %swap3A_161 = vector.shape_cast %broadcast_in_dim3A_116 : vector<32xbf16> to vector<1x1x32xbf16>
          tpu.vector_store %arg9[%swap3A, %swap3A_157, %swap3A_158], %swap3A_161 {strides = array<i32>} : memref<25x128x32xbf16, #tpu.memory_space<vmem>>, vector<1x1x32xbf16>,
          %scan3A_162 = arith.constant 0 : i32
          scf.yield %scan3A_162 : i32
        }
        %scan3A_113 = arith.constant 3200 : i32
      } else {
      }
      %lt3A_95 = arith.constant 27 : i32
      %lt3A_96 = arith.cmpi slt, %scan3A_9, %lt3A_95 : i32
      %convert_element_type3A_97 = arith.extui %lt3A_96 : i1 to i32
      %cond3A_98 = arith.constant 0 : i32
      %cond3A_99 = arith.cmpi ne, %convert_element_type3A_97, %cond3A_98 : i32
      scf.if %cond3A_99 {
        %scan3A_107 = arith.constant 0 : i32
        %scan3A_108 = arith.constant 0 : i32
        %scan3A_109 = arith.constant 200 : i32
        %scan3A_110 = arith.addi %scan3A_108, %scan3A_109 : i32
        %scan3A_111 = arith.constant 1 : i32
        %scan3A_112 = scf.for %scan3A_142 = %scan3A_108 to %scan3A_110 step %scan3A_111 iter_args(%scan3A_143 = %scan3A_107) -> (i32)  : i32 {
          %shift_right_arithmetic3A = arith.constant 3 : i32
          %shift_right_arithmetic3A_144 = arith.shrsi %scan3A_142, %shift_right_arithmetic3A : i32
          %and3A_145 = arith.constant 7 : i32
          %and3A_146 = arith.andi %scan3A_142, %and3A_145 : i32
          %mul3A_147 = arith.constant 16 : i32
          %mul3A_148 = arith.muli %and3A_146, %mul3A_147 : i32
          %get3A = arith.index_cast %shift_right_arithmetic3A_144 : i32 to index
          %get3A_149 = arith.index_cast %mul3A_148 : i32 to index
          %get3A_150 = tpu.vector_load %arg6[%get3A, %get3A_149] {strides = array<i32>} : memref<25x128xi32, #tpu.memory_space<vmem>>, vector<1x16xi32>,
          %get3A_151 = vector.shape_cast %get3A_150 : vector<1x16xi32> to vector<16xi32>
          %add3A_152 = vector.broadcast %add3A_92 : i32 to vector<16xi32>
          %add3A_153 = arith.addi %get3A_151, %add3A_152 : vector<16xi32>
          %swap3A = arith.index_cast %shift_right_arithmetic3A_144 : i32 to index
          %swap3A_154 = arith.index_cast %mul3A_148 : i32 to index
          %swap3A_155 = tpu.vector_load %arg7[%swap3A, %swap3A_154] {strides = array<i32>} : memref<25x128xi32, #tpu.memory_space<vmem>>, vector<1x16xi32>,
          %swap3A_156 = vector.shape_cast %swap3A_155 : vector<1x16xi32> to vector<16xi32>
          %swap3A_157 = vector.shape_cast %add3A_153 : vector<16xi32> to vector<1x16xi32>
          tpu.vector_store %arg7[%swap3A, %swap3A_154], %swap3A_157 {strides = array<i32>} : memref<25x128xi32, #tpu.memory_space<vmem>>, vector<1x16xi32>,
          %scan3A_158 = arith.constant 0 : i32
          scf.yield %scan3A_158 : i32
        }
        %scan3A_113 = arith.constant 200 : i32
        %scan3A_114 = arith.constant 0 : i32
        %scan3A_115 = arith.constant 0 : i32
        %scan3A_116 = arith.constant 25 : i32
        %scan3A_117 = arith.addi %scan3A_115, %scan3A_116 : i32
        %scan3A_118 = arith.constant 1 : i32
        %scan3A_119 = scf.for %scan3A_142 = %scan3A_115 to %scan3A_117 step %scan3A_118 iter_args(%scan3A_143 = %scan3A_114) -> (i32)  : i32 {
          %dma_start3A = arith.constant 0 : i32
          %dma_start3A_144 = tpu.memref_slice %arg8[%scan3A_142, %dma_start3A] : memref<25x128xi32, #tpu.memory_space<vmem>> -> memref<1x128xi32, #tpu.memory_space<vmem>>
          %dma_start3A_145 = tpu.memref_squeeze %dma_start3A_144 : memref<1x128xi32, #tpu.memory_space<vmem>> -> memref<128xi32, #tpu.memory_space<vmem>>
          %dma_start3A_146 = arith.constant 0 : i32
          %dma_start3A_147 = tpu.memref_slice %arg7[%scan3A_142, %dma_start3A_146] : memref<25x128xi32, #tpu.memory_space<vmem>> -> memref<1x128xi32, #tpu.memory_space<vmem>>
          %dma_start3A_148 = tpu.memref_squeeze %dma_start3A_147 : memref<1x128xi32, #tpu.memory_space<vmem>> -> memref<128xi32, #tpu.memory_space<vmem>>
          %dma_start3A_149 = arith.constant 0 : i32
          %dma_start3A_150 = tpu.memref_slice %arg2[%dma_start3A_149] : memref<1163008xi32, #tpu.memory_space<hbm>> -> memref<1163008xi32, #tpu.memory_space<hbm>>
          tpu.enqueue_indirect_dma source(%dma_start3A_150 : memref<1163008xi32, #tpu.memory_space<hbm>>) target(%dma_start3A_145 : memref<128xi32, #tpu.memory_space<vmem>>) offsets(%dma_start3A_148 : memref<128xi32, #tpu.memory_space<vmem>>) semaphore(%arg10 : memref<!tpu.dma_semaphore, #tpu.memory_space<semaphore_mem>>)
          %scan3A_151 = arith.constant 0 : i32
          scf.yield %scan3A_151 : i32
        }
        %scan3A_120 = arith.constant 25 : i32
        %scan3A_121 = arith.constant 0 : i32
        %scan3A_122 = arith.constant 0 : i32
        %scan3A_123 = arith.constant 25 : i32
        %scan3A_124 = arith.addi %scan3A_122, %scan3A_123 : i32
        %scan3A_125 = arith.constant 1 : i32
        %scan3A_126 = scf.for %scan3A_142 = %scan3A_122 to %scan3A_124 step %scan3A_125 iter_args(%scan3A_143 = %scan3A_121) -> (i32)  : i32 {
          %dma_wait3A = arith.constant 0 : i32
          %dma_wait3A_144 = tpu.memref_slice %arg8[%scan3A_142, %dma_wait3A] : memref<25x128xi32, #tpu.memory_space<vmem>> -> memref<1x128xi32, #tpu.memory_space<vmem>>
          %dma_wait3A_145 = tpu.memref_squeeze %dma_wait3A_144 : memref<1x128xi32, #tpu.memory_space<vmem>> -> memref<128xi32, #tpu.memory_space<vmem>>
          %dma_wait3A_146 = arith.constant 0 : i32
          %dma_wait3A_147 = tpu.memref_slice %arg7[%scan3A_142, %dma_wait3A_146] : memref<25x128xi32, #tpu.memory_space<vmem>> -> memref<1x128xi32, #tpu.memory_space<vmem>>
          %dma_wait3A_148 = tpu.memref_squeeze %dma_wait3A_147 : memref<1x128xi32, #tpu.memory_space<vmem>> -> memref<128xi32, #tpu.memory_space<vmem>>
          %dma_wait3A_149 = arith.constant 0 : i32
          %dma_wait3A_150 = tpu.memref_slice %arg2[%dma_wait3A_149] : memref<1163008xi32, #tpu.memory_space<hbm>> -> memref<1163008xi32, #tpu.memory_space<hbm>>
          tpu.wait_indirect_dma semaphore(%arg10 : memref<!tpu.dma_semaphore, #tpu.memory_space<semaphore_mem>>) src(%dma_wait3A_150 : memref<1163008xi32, #tpu.memory_space<hbm>>) dst(%dma_wait3A_145 : memref<128xi32, #tpu.memory_space<vmem>>)
          %scan3A_151 = arith.constant 0 : i32
          scf.yield %scan3A_151 : i32
        }
        %scan3A_127 = arith.constant 25 : i32
        %scan3A_128 = arith.constant 0 : i32
        %scan3A_129 = arith.constant 0 : i32
        %scan3A_130 = arith.constant 25 : i32
        %scan3A_131 = arith.addi %scan3A_129, %scan3A_130 : i32
        %scan3A_132 = arith.constant 1 : i32
        %scan3A_133 = scf.for %scan3A_142 = %scan3A_129 to %scan3A_131 step %scan3A_132 iter_args(%scan3A_143 = %scan3A_128) -> (i32)  : i32 {
          %dma_start3A = arith.constant 0 : i32
          %dma_start3A_144 = arith.constant 0 : i32
          %dma_start3A_145 = tpu.memref_slice %arg9[%scan3A_142, %dma_start3A, %dma_start3A_144] : memref<25x128x32xbf16, #tpu.memory_space<vmem>> -> memref<1x128x32xbf16, #tpu.memory_space<vmem>>
          %dma_start3A_146 = tpu.memref_squeeze %dma_start3A_145 : memref<1x128x32xbf16, #tpu.memory_space<vmem>> -> memref<128x32xbf16, #tpu.memory_space<vmem>>
          %dma_start3A_147 = arith.constant 0 : i32
          %dma_start3A_148 = tpu.memref_slice %arg8[%scan3A_142, %dma_start3A_147] : memref<25x128xi32, #tpu.memory_space<vmem>> -> memref<1x128xi32, #tpu.memory_space<vmem>>
          %dma_start3A_149 = tpu.memref_squeeze %dma_start3A_148 : memref<1x128xi32, #tpu.memory_space<vmem>> -> memref<128xi32, #tpu.memory_space<vmem>>
          %dma_start3A_150 = arith.constant 0 : i32
          %dma_start3A_151 = arith.constant 0 : i32
          %dma_start3A_152 = tpu.memref_slice %arg4[%dma_start3A_150, %dma_start3A_151] : memref<100512x32xbf16, #tpu.memory_space<hbm>> -> memref<100512x32xbf16, #tpu.memory_space<hbm>>
          tpu.enqueue_indirect_dma source(%dma_start3A_152 : memref<100512x32xbf16, #tpu.memory_space<hbm>>) target(%dma_start3A_146 : memref<128x32xbf16, #tpu.memory_space<vmem>>) offsets(%dma_start3A_149 : memref<128xi32, #tpu.memory_space<vmem>>) semaphore(%arg10 : memref<!tpu.dma_semaphore, #tpu.memory_space<semaphore_mem>>)
          %scan3A_153 = arith.constant 0 : i32
          scf.yield %scan3A_153 : i32
        }
        %scan3A_134 = arith.constant 25 : i32
        %scan3A_135 = arith.constant 0 : i32
        %scan3A_136 = arith.constant 0 : i32
        %scan3A_137 = arith.constant 25 : i32
        %scan3A_138 = arith.addi %scan3A_136, %scan3A_137 : i32
        %scan3A_139 = arith.constant 1 : i32
        %scan3A_140 = scf.for %scan3A_142 = %scan3A_136 to %scan3A_138 step %scan3A_139 iter_args(%scan3A_143 = %scan3A_135) -> (i32)  : i32 {
          %dma_wait3A = arith.constant 0 : i32
          %dma_wait3A_144 = arith.constant 0 : i32
          %dma_wait3A_145 = tpu.memref_slice %arg9[%scan3A_142, %dma_wait3A, %dma_wait3A_144] : memref<25x128x32xbf16, #tpu.memory_space<vmem>> -> memref<1x128x32xbf16, #tpu.memory_space<vmem>>
          %dma_wait3A_146 = tpu.memref_squeeze %dma_wait3A_145 : memref<1x128x32xbf16, #tpu.memory_space<vmem>> -> memref<128x32xbf16, #tpu.memory_space<vmem>>
          %dma_wait3A_147 = arith.constant 0 : i32
          %dma_wait3A_148 = tpu.memref_slice %arg8[%scan3A_142, %dma_wait3A_147] : memref<25x128xi32, #tpu.memory_space<vmem>> -> memref<1x128xi32, #tpu.memory_space<vmem>>
          %dma_wait3A_149 = tpu.memref_squeeze %dma_wait3A_148 : memref<1x128xi32, #tpu.memory_space<vmem>> -> memref<128xi32, #tpu.memory_space<vmem>>
          %dma_wait3A_150 = arith.constant 0 : i32
          %dma_wait3A_151 = arith.constant 0 : i32
          %dma_wait3A_152 = tpu.memref_slice %arg4[%dma_wait3A_150, %dma_wait3A_151] : memref<100512x32xbf16, #tpu.memory_space<hbm>> -> memref<100512x32xbf16, #tpu.memory_space<hbm>>
          tpu.wait_indirect_dma semaphore(%arg10 : memref<!tpu.dma_semaphore, #tpu.memory_space<semaphore_mem>>) src(%dma_wait3A_152 : memref<100512x32xbf16, #tpu.memory_space<hbm>>) dst(%dma_wait3A_146 : memref<128x32xbf16, #tpu.memory_space<vmem>>)
          %scan3A_153 = arith.constant 0 : i32
          scf.yield %scan3A_153 : i32
        }
        %scan3A_141 = arith.constant 25 : i32
      } else {
      }
      %and3A_100 = arith.constant 3 : i32
      %and3A_101 = arith.andi %scan3A_9, %and3A_100 : i32
      %mul3A_102 = arith.constant 25 : i32
      %mul3A_103 = arith.muli %add3A, %mul3A_102 : i32
      %mul3A_104 = arith.constant 32 : i32
      %mul3A_105 = arith.muli %and3A_101, %mul3A_104 : i32
      "tpu.region"() ({
        %run_scoped3A = tpu.sem_alloc : memref<!tpu.dma_semaphore, #tpu.memory_space<semaphore_mem>>
        %dma_start3A = arith.constant 0 : i32
        %dma_start3A_107 = tpu.memref_slice %arg5[%mul3A_103, %dma_start3A, %mul3A_105] : memref<800x128x128xbf16, #tpu.memory_space<hbm>> -> memref<25x128x32xbf16, #tpu.memory_space<hbm>>
        %dma_start3A_108 = arith.constant 0 : i32
        %dma_start3A_109 = tpu.memref_slice %arg5[%mul3A_103, %dma_start3A_108, %mul3A_105] : memref<800x128x128xbf16, #tpu.memory_space<hbm>> -> memref<25x128x32xbf16, #tpu.memory_space<hbm>>
        tpu.enqueue_dma source(%arg9 : memref<25x128x32xbf16, #tpu.memory_space<vmem>>) target(%dma_start3A_109 : memref<25x128x32xbf16, #tpu.memory_space<hbm>>) target_semaphore(%run_scoped3A : memref<!tpu.dma_semaphore, #tpu.memory_space<semaphore_mem>>)
        %dma_wait3A = arith.constant 0 : i32
        %dma_wait3A_110 = tpu.memref_slice %arg5[%mul3A_103, %dma_wait3A, %mul3A_105] : memref<800x128x128xbf16, #tpu.memory_space<hbm>> -> memref<25x128x32xbf16, #tpu.memory_space<hbm>>
        %dma_wait3A_111 = arith.constant 0 : i32
        %dma_wait3A_112 = tpu.memref_slice %arg5[%mul3A_103, %dma_wait3A_111, %mul3A_105] : memref<800x128x128xbf16, #tpu.memory_space<hbm>> -> memref<25x128x32xbf16, #tpu.memory_space<hbm>>
        tpu.wait_dma2 semaphore(%run_scoped3A : memref<!tpu.dma_semaphore, #tpu.memory_space<semaphore_mem>>) src(%arg9 : memref<25x128x32xbf16, #tpu.memory_space<vmem>>) dst(%dma_wait3A_112 : memref<25x128x32xbf16, #tpu.memory_space<hbm>>)
        tpu.yield
      }) : () -> ()
      %scan3A_106 = arith.constant 0 : i32
      scf.yield %scan3A_106 : i32
    }
    %scan3A_8 = arith.constant 4 : i32
    return
  }
}

#map = affine_map<(d0, d1) -> (0)>
#map1 = affine_map<(d0, d1) -> (0, 0)>
#map2 = affine_map<(d0, d1) -> (0, 0, 0)>
module attributes {stable_mosaic.version = 14 : i64} {
  func.func @k(%arg0: i32, %arg1: i32, %arg2: memref<1163008xi32, #tpu.memory_space<hbm>>, %arg3: memref<800x128xi32, #tpu.memory_space<hbm>>, %arg4: memref<100512x32xbf16, #tpu.memory_space<hbm>>, %arg5: memref<800x128x128xbf16, #tpu.memory_space<hbm>>, %arg6: memref<25x128xi32, #tpu.memory_space<vmem>>, %arg7: memref<25x128xi32, #tpu.memory_space<vmem>>, %arg8: memref<25x128xi32, #tpu.memory_space<vmem>>, %arg9: memref<25x128x32xbf16, #tpu.memory_space<vmem>>, %arg10: memref<!tpu.dma_semaphore, #tpu.memory_space<semaphore_mem>>) attributes {dimension_semantics = [#tpu.dimension_semantics<core_parallel>, #tpu.dimension_semantics<subcore_parallel>], iteration_bounds = array<i64: 2, 16>, scalar_prefetch = 0 : i64, scratch_operands = 5 : i64, tpu.core_type = #tpu.core_type<sc_vector_subcore>, window_params = [{transform_indices = #map}, {transform_indices = #map1}, {transform_indices = #map1}, {transform_indices = #map2}]} {
    %mul3A = arith.constant 2 : i32
    %mul3A_0 = arith.muli %arg1, %mul3A : i32
    %add3A = arith.addi %mul3A_0, %arg0 : i32
    %mul3A_1 = arith.constant 25 : i32
    %mul3A_2 = arith.muli %add3A, %mul3A_1 : i32
    "tpu.region"() ({
      %run_scoped3A = tpu.sem_alloc : memref<!tpu.dma_semaphore, #tpu.memory_space<semaphore_mem>>
      %dma_start3A = arith.constant 0 : i32
      %dma_start3A_9 = tpu.memref_slice %arg3[%mul3A_2, %dma_start3A] : memref<800x128xi32, #tpu.memory_space<hbm>> -> memref<25x128xi32, #tpu.memory_space<hbm>>
      %dma_start3A_10 = arith.constant 0 : i32
      %dma_start3A_11 = tpu.memref_slice %arg3[%mul3A_2, %dma_start3A_10] : memref<800x128xi32, #tpu.memory_space<hbm>> -> memref<25x128xi32, #tpu.memory_space<hbm>>
      tpu.enqueue_dma source(%dma_start3A_11 : memref<25x128xi32, #tpu.memory_space<hbm>>) target(%arg6 : memref<25x128xi32, #tpu.memory_space<vmem>>) target_semaphore(%run_scoped3A : memref<!tpu.dma_semaphore, #tpu.memory_space<semaphore_mem>>)
      %dma_wait3A = arith.constant 0 : i32
      %dma_wait3A_12 = tpu.memref_slice %arg3[%mul3A_2, %dma_wait3A] : memref<800x128xi32, #tpu.memory_space<hbm>> -> memref<25x128xi32, #tpu.memory_space<hbm>>
      %dma_wait3A_13 = arith.constant 0 : i32
      %dma_wait3A_14 = tpu.memref_slice %arg3[%mul3A_2, %dma_wait3A_13] : memref<800x128xi32, #tpu.memory_space<hbm>> -> memref<25x128xi32, #tpu.memory_space<hbm>>
      tpu.wait_dma2 semaphore(%run_scoped3A : memref<!tpu.dma_semaphore, #tpu.memory_space<semaphore_mem>>) src(%dma_wait3A_14 : memref<25x128xi32, #tpu.memory_space<hbm>>) dst(%arg6 : memref<25x128xi32, #tpu.memory_space<vmem>>)
      tpu.yield
    }) : () -> ()
    %scan3A = arith.constant 0 : i32
    %scan3A_3 = arith.constant 24 : i32
    %scan3A_4 = arith.constant 4 : i32
    %scan3A_5 = arith.addi %scan3A_3, %scan3A_4 : i32
    %scan3A_6 = arith.constant 1 : i32
    %scan3A_7 = scf.for %scan3A_9 = %scan3A_3 to %scan3A_5 step %scan3A_6 iter_args(%scan3A_10 = %scan3A) -> (i32)  : i32 {
      %jit3A = arith.constant 9 : i32
      %div3A = arith.divsi %scan3A_9, %jit3A : i32
      %sign3A = arith.constant 0 : i32
      %sign3A_11 = arith.cmpi sgt, %scan3A_9, %sign3A : i32
      %sign3A_12 = arith.extui %sign3A_11 : i1 to i32
      %sign3A_13 = arith.constant 0 : i32
      %sign3A_14 = arith.cmpi slt, %scan3A_9, %sign3A_13 : i32
      %sign3A_15 = arith.extui %sign3A_14 : i1 to i32
      %sign3A_16 = arith.subi %sign3A_12, %sign3A_15 : i32
      %sign3A_17 = arith.constant 0 : i32
      %sign3A_18 = arith.cmpi sgt, %jit3A, %sign3A_17 : i32
      %sign3A_19 = arith.extui %sign3A_18 : i1 to i32
      %sign3A_20 = arith.constant 0 : i32
      %sign3A_21 = arith.cmpi slt, %jit3A, %sign3A_20 : i32
      %sign3A_22 = arith.extui %sign3A_21 : i1 to i32
      %sign3A_23 = arith.subi %sign3A_19, %sign3A_22 : i32
      %ne3A = arith.cmpi ne, %sign3A_16, %sign3A_23 : i32
      %rem3A = arith.remsi %scan3A_9, %jit3A : i32
      %ne3A_24 = arith.constant 0 : i32
      %ne3A_25 = arith.cmpi ne, %rem3A, %ne3A_24 : i32
      %and3A = arith.andi %ne3A, %ne3A_25 : i1
      %sub3A = arith.constant 1 : i32
      %sub3A_26 = arith.subi %div3A, %sub3A : i32
      %select_n3A = arith.select %and3A, %sub3A_26, %div3A : i32
      %sub3A_27 = arith.constant 1 : i32
      %sub3A_28 = arith.subi %select_n3A, %sub3A_27 : i32
      %jit3A_29 = arith.constant 3 : i32
      %div3A_30 = arith.divsi %scan3A_9, %jit3A_29 : i32
      %sign3A_31 = arith.constant 0 : i32
      %sign3A_32 = arith.cmpi sgt, %scan3A_9, %sign3A_31 : i32
      %sign3A_33 = arith.extui %sign3A_32 : i1 to i32
      %sign3A_34 = arith.constant 0 : i32
      %sign3A_35 = arith.cmpi slt, %scan3A_9, %sign3A_34 : i32
      %sign3A_36 = arith.extui %sign3A_35 : i1 to i32
      %sign3A_37 = arith.subi %sign3A_33, %sign3A_36 : i32
      %sign3A_38 = arith.constant 0 : i32
      %sign3A_39 = arith.cmpi sgt, %jit3A_29, %sign3A_38 : i32
      %sign3A_40 = arith.extui %sign3A_39 : i1 to i32
      %sign3A_41 = arith.constant 0 : i32
      %sign3A_42 = arith.cmpi slt, %jit3A_29, %sign3A_41 : i32
      %sign3A_43 = arith.extui %sign3A_42 : i1 to i32
      %sign3A_44 = arith.subi %sign3A_40, %sign3A_43 : i32
      %ne3A_45 = arith.cmpi ne, %sign3A_37, %sign3A_44 : i32
      %rem3A_46 = arith.remsi %scan3A_9, %jit3A_29 : i32
      %ne3A_47 = arith.constant 0 : i32
      %ne3A_48 = arith.cmpi ne, %rem3A_46, %ne3A_47 : i32
      %and3A_49 = arith.andi %ne3A_45, %ne3A_48 : i1
      %sub3A_50 = arith.constant 1 : i32
      %sub3A_51 = arith.subi %div3A_30, %sub3A_50 : i32
      %select_n3A_52 = arith.select %and3A_49, %sub3A_51, %div3A_30 : i32
      %jit3A_53 = arith.constant 3 : i32
      %eq3A = arith.constant 0 : i32
      %eq3A_54 = arith.cmpi eq, %jit3A_53, %eq3A : i32
      %jit3A_55 = arith.constant 1 : i32
      %select_n3A_56 = arith.select %eq3A_54, %jit3A_55, %jit3A_53 : i32
      %rem3A_57 = arith.remsi %select_n3A_52, %select_n3A_56 : i32
      %ne3A_58 = arith.constant 0 : i32
      %ne3A_59 = arith.cmpi ne, %rem3A_57, %ne3A_58 : i32
      %lt3A = arith.constant 0 : i32
      %lt3A_60 = arith.cmpi slt, %rem3A_57, %lt3A : i32
      %lt3A_61 = arith.constant 0 : i32
      %lt3A_62 = arith.cmpi slt, %select_n3A_56, %lt3A_61 : i32
      %ne3A_63 = arith.xori %lt3A_60, %lt3A_62 : i1
      %and3A_64 = arith.andi %ne3A_63, %ne3A_59 : i1
      %add3A_65 = arith.addi %rem3A_57, %select_n3A_56 : i32
      %select_n3A_66 = arith.select %and3A_64, %add3A_65, %rem3A_57 : i32
      %sub3A_67 = arith.constant 1 : i32
      %sub3A_68 = arith.subi %select_n3A_66, %sub3A_67 : i32
      %jit3A_69 = arith.constant 3 : i32
      %eq3A_70 = arith.constant 0 : i32
      %eq3A_71 = arith.cmpi eq, %jit3A_69, %eq3A_70 : i32
      %jit3A_72 = arith.constant 1 : i32
      %select_n3A_73 = arith.select %eq3A_71, %jit3A_72, %jit3A_69 : i32
      %rem3A_74 = arith.remsi %scan3A_9, %select_n3A_73 : i32
      %ne3A_75 = arith.constant 0 : i32
      %ne3A_76 = arith.cmpi ne, %rem3A_74, %ne3A_75 : i32
      %lt3A_77 = arith.constant 0 : i32
      %lt3A_78 = arith.cmpi slt, %rem3A_74, %lt3A_77 : i32
      %lt3A_79 = arith.constant 0 : i32
      %lt3A_80 = arith.cmpi slt, %select_n3A_73, %lt3A_79 : i32
      %ne3A_81 = arith.xori %lt3A_78, %lt3A_80 : i1
      %and3A_82 = arith.andi %ne3A_81, %ne3A_76 : i1
      %add3A_83 = arith.addi %rem3A_74, %select_n3A_73 : i32
      %select_n3A_84 = arith.select %and3A_82, %add3A_83, %rem3A_74 : i32
      %sub3A_85 = arith.constant 1 : i32
      %sub3A_86 = arith.subi %select_n3A_84, %sub3A_85 : i32
      %mul3A_87 = arith.constant 66 : i32
      %mul3A_88 = arith.muli %sub3A_28, %mul3A_87 : i32
      %add3A_89 = arith.addi %mul3A_88, %sub3A_68 : i32
      %mul3A_90 = arith.constant 66 : i32
      %mul3A_91 = arith.muli %add3A_89, %mul3A_90 : i32
      %add3A_92 = arith.addi %mul3A_91, %sub3A_86 : i32
      %ge3A = arith.constant 27 : i32
      %ge3A_93 = arith.cmpi sge, %scan3A_9, %ge3A : i32
      %convert_element_type3A = arith.extui %ge3A_93 : i1 to i32
      %cond3A = arith.constant 0 : i32
      %cond3A_94 = arith.cmpi ne, %convert_element_type3A, %cond3A : i32
      scf.if %cond3A_94 {
        %scan3A_107 = arith.constant 0 : i32
        %scan3A_108 = arith.constant 0 : i32
        %scan3A_109 = arith.constant 3200 : i32
        %scan3A_110 = arith.addi %scan3A_108, %scan3A_109 : i32
        %scan3A_111 = arith.constant 1 : i32
        %scan3A_112 = scf.for %scan3A_114 = %scan3A_108 to %scan3A_110 step %scan3A_111 iter_args(%scan3A_115 = %scan3A_107) -> (i32)  : i32 {
          %broadcast_in_dim3A = arith.constant 0.000000e+00 : bf16
          %broadcast_in_dim3A_116 = vector.broadcast %broadcast_in_dim3A : bf16 to vector<32xbf16>
          %jit3A_117 = arith.constant 128 : i32
          %div3A_118 = arith.divsi %scan3A_114, %jit3A_117 : i32
          %sign3A_119 = arith.constant 0 : i32
          %sign3A_120 = arith.cmpi sgt, %scan3A_114, %sign3A_119 : i32
          %sign3A_121 = arith.extui %sign3A_120 : i1 to i32
          %sign3A_122 = arith.constant 0 : i32
          %sign3A_123 = arith.cmpi slt, %scan3A_114, %sign3A_122 : i32
          %sign3A_124 = arith.extui %sign3A_123 : i1 to i32
          %sign3A_125 = arith.subi %sign3A_121, %sign3A_124 : i32
          %sign3A_126 = arith.constant 0 : i32
          %sign3A_127 = arith.cmpi sgt, %jit3A_117, %sign3A_126 : i32
          %sign3A_128 = arith.extui %sign3A_127 : i1 to i32
          %sign3A_129 = arith.constant 0 : i32
          %sign3A_130 = arith.cmpi slt, %jit3A_117, %sign3A_129 : i32
          %sign3A_131 = arith.extui %sign3A_130 : i1 to i32
          %sign3A_132 = arith.subi %sign3A_128, %sign3A_131 : i32
          %ne3A_133 = arith.cmpi ne, %sign3A_125, %sign3A_132 : i32
          %rem3A_134 = arith.remsi %scan3A_114, %jit3A_117 : i32
          %ne3A_135 = arith.constant 0 : i32
          %ne3A_136 = arith.cmpi ne, %rem3A_134, %ne3A_135 : i32
          %and3A_137 = arith.andi %ne3A_133, %ne3A_136 : i1
          %sub3A_138 = arith.constant 1 : i32
          %sub3A_139 = arith.subi %div3A_118, %sub3A_138 : i32
          %select_n3A_140 = arith.select %and3A_137, %sub3A_139, %div3A_118 : i32
          %jit3A_141 = arith.constant 128 : i32
          %eq3A_142 = arith.constant 0 : i32
          %eq3A_143 = arith.cmpi eq, %jit3A_141, %eq3A_142 : i32
          %jit3A_144 = arith.constant 1 : i32
          %select_n3A_145 = arith.select %eq3A_143, %jit3A_144, %jit3A_141 : i32
          %rem3A_146 = arith.remsi %scan3A_114, %select_n3A_145 : i32
          %ne3A_147 = arith.constant 0 : i32
          %ne3A_148 = arith.cmpi ne, %rem3A_146, %ne3A_147 : i32
          %lt3A_149 = arith.constant 0 : i32
          %lt3A_150 = arith.cmpi slt, %rem3A_146, %lt3A_149 : i32
          %lt3A_151 = arith.constant 0 : i32
          %lt3A_152 = arith.cmpi slt, %select_n3A_145, %lt3A_151 : i32
          %ne3A_153 = arith.xori %lt3A_150, %lt3A_152 : i1
          %and3A_154 = arith.andi %ne3A_153, %ne3A_148 : i1
          %add3A_155 = arith.addi %rem3A_146, %select_n3A_145 : i32
          %select_n3A_156 = arith.select %and3A_154, %add3A_155, %rem3A_146 : i32
          %swap3A = arith.index_cast %select_n3A_140 : i32 to index
          %swap3A_157 = arith.index_cast %select_n3A_156 : i32 to index
          %swap3A_158 = arith.constant 0 : index
          %swap3A_159 = tpu.vector_load %arg9[%swap3A, %swap3A_157, %swap3A_158] {strides = array<i32>} : memref<25x128x32xbf16, #tpu.memory_space<vmem>>, vector<1x1x32xbf16>,
          %swap3A_160 = vector.shape_cast %swap3A_159 : vector<1x1x32xbf16> to vector<32xbf16>
          %swap3A_161 = vector.shape_cast %broadcast_in_dim3A_116 : vector<32xbf16> to vector<1x1x32xbf16>
          tpu.vector_store %arg9[%swap3A, %swap3A_157, %swap3A_158], %swap3A_161 {strides = array<i32>} : memref<25x128x32xbf16, #tpu.memory_space<vmem>>, vector<1x1x32xbf16>,
          %scan3A_162 = arith.constant 0 : i32
          scf.yield %scan3A_162 : i32
        }
        %scan3A_113 = arith.constant 3200 : i32
      } else {
      }
      %lt3A_95 = arith.constant 27 : i32
      %lt3A_96 = arith.cmpi slt, %scan3A_9, %lt3A_95 : i32
      %convert_element_type3A_97 = arith.extui %lt3A_96 : i1 to i32
      %cond3A_98 = arith.constant 0 : i32
      %cond3A_99 = arith.cmpi ne, %convert_element_type3A_97, %cond3A_98 : i32
      scf.if %cond3A_99 {
        %scan3A_107 = arith.constant 0 : i32
        %scan3A_108 = arith.constant 0 : i32
        %scan3A_109 = arith.constant 200 : i32
        %scan3A_110 = arith.addi %scan3A_108, %scan3A_109 : i32
        %scan3A_111 = arith.constant 1 : i32
        %scan3A_112 = scf.for %scan3A_142 = %scan3A_108 to %scan3A_110 step %scan3A_111 iter_args(%scan3A_143 = %scan3A_107) -> (i32)  : i32 {
          %shift_right_arithmetic3A = arith.constant 3 : i32
          %shift_right_arithmetic3A_144 = arith.shrsi %scan3A_142, %shift_right_arithmetic3A : i32
          %and3A_145 = arith.constant 7 : i32
          %and3A_146 = arith.andi %scan3A_142, %and3A_145 : i32
          %mul3A_147 = arith.constant 16 : i32
          %mul3A_148 = arith.muli %and3A_146, %mul3A_147 : i32
          %get3A = arith.index_cast %shift_right_arithmetic3A_144 : i32 to index
          %get3A_149 = arith.index_cast %mul3A_148 : i32 to index
          %get3A_150 = tpu.vector_load %arg6[%get3A, %get3A_149] {strides = array<i32>} : memref<25x128xi32, #tpu.memory_space<vmem>>, vector<1x16xi32>,
          %get3A_151 = vector.shape_cast %get3A_150 : vector<1x16xi32> to vector<16xi32>
          %add3A_152 = vector.broadcast %add3A_92 : i32 to vector<16xi32>
          %add3A_153 = arith.addi %get3A_151, %add3A_152 : vector<16xi32>
          %swap3A = arith.index_cast %shift_right_arithmetic3A_144 : i32 to index
          %swap3A_154 = arith.index_cast %mul3A_148 : i32 to index
          %swap3A_155 = tpu.vector_load %arg7[%swap3A, %swap3A_154] {strides = array<i32>} : memref<25x128xi32, #tpu.memory_space<vmem>>, vector<1x16xi32>,
          %swap3A_156 = vector.shape_cast %swap3A_155 : vector<1x16xi32> to vector<16xi32>
          %swap3A_157 = vector.shape_cast %add3A_153 : vector<16xi32> to vector<1x16xi32>
          tpu.vector_store %arg7[%swap3A, %swap3A_154], %swap3A_157 {strides = array<i32>} : memref<25x128xi32, #tpu.memory_space<vmem>>, vector<1x16xi32>,
          %scan3A_158 = arith.constant 0 : i32
          scf.yield %scan3A_158 : i32
        }
        %scan3A_113 = arith.constant 200 : i32
        %scan3A_114 = arith.constant 0 : i32
        %scan3A_115 = arith.constant 0 : i32
        %scan3A_116 = arith.constant 25 : i32
        %scan3A_117 = arith.addi %scan3A_115, %scan3A_116 : i32
        %scan3A_118 = arith.constant 1 : i32
        %scan3A_119 = scf.for %scan3A_142 = %scan3A_115 to %scan3A_117 step %scan3A_118 iter_args(%scan3A_143 = %scan3A_114) -> (i32)  : i32 {
          %dma_start3A = arith.constant 0 : i32
          %dma_start3A_144 = tpu.memref_slice %arg8[%scan3A_142, %dma_start3A] : memref<25x128xi32, #tpu.memory_space<vmem>> -> memref<1x128xi32, #tpu.memory_space<vmem>>
          %dma_start3A_145 = tpu.memref_squeeze %dma_start3A_144 : memref<1x128xi32, #tpu.memory_space<vmem>> -> memref<128xi32, #tpu.memory_space<vmem>>
          %dma_start3A_146 = arith.constant 0 : i32
          %dma_start3A_147 = tpu.memref_slice %arg7[%scan3A_142, %dma_start3A_146] : memref<25x128xi32, #tpu.memory_space<vmem>> -> memref<1x128xi32, #tpu.memory_space<vmem>>
          %dma_start3A_148 = tpu.memref_squeeze %dma_start3A_147 : memref<1x128xi32, #tpu.memory_space<vmem>> -> memref<128xi32, #tpu.memory_space<vmem>>
          %dma_start3A_149 = arith.constant 0 : i32
          %dma_start3A_150 = tpu.memref_slice %arg2[%dma_start3A_149] : memref<1163008xi32, #tpu.memory_space<hbm>> -> memref<1163008xi32, #tpu.memory_space<hbm>>
          tpu.enqueue_indirect_dma source(%dma_start3A_150 : memref<1163008xi32, #tpu.memory_space<hbm>>) target(%dma_start3A_145 : memref<128xi32, #tpu.memory_space<vmem>>) offsets(%dma_start3A_148 : memref<128xi32, #tpu.memory_space<vmem>>) semaphore(%arg10 : memref<!tpu.dma_semaphore, #tpu.memory_space<semaphore_mem>>)
          %scan3A_151 = arith.constant 0 : i32
          scf.yield %scan3A_151 : i32
        }
        %scan3A_120 = arith.constant 25 : i32
        %scan3A_121 = arith.constant 0 : i32
        %scan3A_122 = arith.constant 0 : i32
        %scan3A_123 = arith.constant 25 : i32
        %scan3A_124 = arith.addi %scan3A_122, %scan3A_123 : i32
        %scan3A_125 = arith.constant 1 : i32
        %scan3A_126 = scf.for %scan3A_142 = %scan3A_122 to %scan3A_124 step %scan3A_125 iter_args(%scan3A_143 = %scan3A_121) -> (i32)  : i32 {
          %dma_wait3A = arith.constant 0 : i32
          %dma_wait3A_144 = tpu.memref_slice %arg8[%scan3A_142, %dma_wait3A] : memref<25x128xi32, #tpu.memory_space<vmem>> -> memref<1x128xi32, #tpu.memory_space<vmem>>
          %dma_wait3A_145 = tpu.memref_squeeze %dma_wait3A_144 : memref<1x128xi32, #tpu.memory_space<vmem>> -> memref<128xi32, #tpu.memory_space<vmem>>
          %dma_wait3A_146 = arith.constant 0 : i32
          %dma_wait3A_147 = tpu.memref_slice %arg7[%scan3A_142, %dma_wait3A_146] : memref<25x128xi32, #tpu.memory_space<vmem>> -> memref<1x128xi32, #tpu.memory_space<vmem>>
          %dma_wait3A_148 = tpu.memref_squeeze %dma_wait3A_147 : memref<1x128xi32, #tpu.memory_space<vmem>> -> memref<128xi32, #tpu.memory_space<vmem>>
          %dma_wait3A_149 = arith.constant 0 : i32
          %dma_wait3A_150 = tpu.memref_slice %arg2[%dma_wait3A_149] : memref<1163008xi32, #tpu.memory_space<hbm>> -> memref<1163008xi32, #tpu.memory_space<hbm>>
          tpu.wait_indirect_dma semaphore(%arg10 : memref<!tpu.dma_semaphore, #tpu.memory_space<semaphore_mem>>) src(%dma_wait3A_150 : memref<1163008xi32, #tpu.memory_space<hbm>>) dst(%dma_wait3A_145 : memref<128xi32, #tpu.memory_space<vmem>>)
          %scan3A_151 = arith.constant 0 : i32
          scf.yield %scan3A_151 : i32
        }
        %scan3A_127 = arith.constant 25 : i32
        %scan3A_128 = arith.constant 0 : i32
        %scan3A_129 = arith.constant 0 : i32
        %scan3A_130 = arith.constant 25 : i32
        %scan3A_131 = arith.addi %scan3A_129, %scan3A_130 : i32
        %scan3A_132 = arith.constant 1 : i32
        %scan3A_133 = scf.for %scan3A_142 = %scan3A_129 to %scan3A_131 step %scan3A_132 iter_args(%scan3A_143 = %scan3A_128) -> (i32)  : i32 {
          %dma_start3A = arith.constant 0 : i32
          %dma_start3A_144 = arith.constant 0 : i32
          %dma_start3A_145 = tpu.memref_slice %arg9[%scan3A_142, %dma_start3A, %dma_start3A_144] : memref<25x128x32xbf16, #tpu.memory_space<vmem>> -> memref<1x128x32xbf16, #tpu.memory_space<vmem>>
          %dma_start3A_146 = tpu.memref_squeeze %dma_start3A_145 : memref<1x128x32xbf16, #tpu.memory_space<vmem>> -> memref<128x32xbf16, #tpu.memory_space<vmem>>
          %dma_start3A_147 = arith.constant 0 : i32
          %dma_start3A_148 = tpu.memref_slice %arg8[%scan3A_142, %dma_start3A_147] : memref<25x128xi32, #tpu.memory_space<vmem>> -> memref<1x128xi32, #tpu.memory_space<vmem>>
          %dma_start3A_149 = tpu.memref_squeeze %dma_start3A_148 : memref<1x128xi32, #tpu.memory_space<vmem>> -> memref<128xi32, #tpu.memory_space<vmem>>
          %dma_start3A_150 = arith.constant 0 : i32
          %dma_start3A_151 = arith.constant 0 : i32
          %dma_start3A_152 = tpu.memref_slice %arg4[%dma_start3A_150, %dma_start3A_151] : memref<100512x32xbf16, #tpu.memory_space<hbm>> -> memref<100512x32xbf16, #tpu.memory_space<hbm>>
          tpu.enqueue_indirect_dma source(%dma_start3A_152 : memref<100512x32xbf16, #tpu.memory_space<hbm>>) target(%dma_start3A_146 : memref<128x32xbf16, #tpu.memory_space<vmem>>) offsets(%dma_start3A_149 : memref<128xi32, #tpu.memory_space<vmem>>) semaphore(%arg10 : memref<!tpu.dma_semaphore, #tpu.memory_space<semaphore_mem>>)
          %scan3A_153 = arith.constant 0 : i32
          scf.yield %scan3A_153 : i32
        }
        %scan3A_134 = arith.constant 25 : i32
        %scan3A_135 = arith.constant 0 : i32
        %scan3A_136 = arith.constant 0 : i32
        %scan3A_137 = arith.constant 25 : i32
        %scan3A_138 = arith.addi %scan3A_136, %scan3A_137 : i32
        %scan3A_139 = arith.constant 1 : i32
        %scan3A_140 = scf.for %scan3A_142 = %scan3A_136 to %scan3A_138 step %scan3A_139 iter_args(%scan3A_143 = %scan3A_135) -> (i32)  : i32 {
          %dma_wait3A = arith.constant 0 : i32
          %dma_wait3A_144 = arith.constant 0 : i32
          %dma_wait3A_145 = tpu.memref_slice %arg9[%scan3A_142, %dma_wait3A, %dma_wait3A_144] : memref<25x128x32xbf16, #tpu.memory_space<vmem>> -> memref<1x128x32xbf16, #tpu.memory_space<vmem>>
          %dma_wait3A_146 = tpu.memref_squeeze %dma_wait3A_145 : memref<1x128x32xbf16, #tpu.memory_space<vmem>> -> memref<128x32xbf16, #tpu.memory_space<vmem>>
          %dma_wait3A_147 = arith.constant 0 : i32
          %dma_wait3A_148 = tpu.memref_slice %arg8[%scan3A_142, %dma_wait3A_147] : memref<25x128xi32, #tpu.memory_space<vmem>> -> memref<1x128xi32, #tpu.memory_space<vmem>>
          %dma_wait3A_149 = tpu.memref_squeeze %dma_wait3A_148 : memref<1x128xi32, #tpu.memory_space<vmem>> -> memref<128xi32, #tpu.memory_space<vmem>>
          %dma_wait3A_150 = arith.constant 0 : i32
          %dma_wait3A_151 = arith.constant 0 : i32
          %dma_wait3A_152 = tpu.memref_slice %arg4[%dma_wait3A_150, %dma_wait3A_151] : memref<100512x32xbf16, #tpu.memory_space<hbm>> -> memref<100512x32xbf16, #tpu.memory_space<hbm>>
          tpu.wait_indirect_dma semaphore(%arg10 : memref<!tpu.dma_semaphore, #tpu.memory_space<semaphore_mem>>) src(%dma_wait3A_152 : memref<100512x32xbf16, #tpu.memory_space<hbm>>) dst(%dma_wait3A_146 : memref<128x32xbf16, #tpu.memory_space<vmem>>)
          %scan3A_153 = arith.constant 0 : i32
          scf.yield %scan3A_153 : i32
        }
        %scan3A_141 = arith.constant 25 : i32
      } else {
      }
      %and3A_100 = arith.constant 3 : i32
      %and3A_101 = arith.andi %scan3A_9, %and3A_100 : i32
      %mul3A_102 = arith.constant 25 : i32
      %mul3A_103 = arith.muli %add3A, %mul3A_102 : i32
      %mul3A_104 = arith.constant 32 : i32
      %mul3A_105 = arith.muli %and3A_101, %mul3A_104 : i32
      "tpu.region"() ({
        %run_scoped3A = tpu.sem_alloc : memref<!tpu.dma_semaphore, #tpu.memory_space<semaphore_mem>>
        %dma_start3A = arith.constant 0 : i32
        %dma_start3A_107 = tpu.memref_slice %arg5[%mul3A_103, %dma_start3A, %mul3A_105] : memref<800x128x128xbf16, #tpu.memory_space<hbm>> -> memref<25x128x32xbf16, #tpu.memory_space<hbm>>
        %dma_start3A_108 = arith.constant 0 : i32
        %dma_start3A_109 = tpu.memref_slice %arg5[%mul3A_103, %dma_start3A_108, %mul3A_105] : memref<800x128x128xbf16, #tpu.memory_space<hbm>> -> memref<25x128x32xbf16, #tpu.memory_space<hbm>>
        tpu.enqueue_dma source(%arg9 : memref<25x128x32xbf16, #tpu.memory_space<vmem>>) target(%dma_start3A_109 : memref<25x128x32xbf16, #tpu.memory_space<hbm>>) target_semaphore(%run_scoped3A : memref<!tpu.dma_semaphore, #tpu.memory_space<semaphore_mem>>)
        %dma_wait3A = arith.constant 0 : i32
        %dma_wait3A_110 = tpu.memref_slice %arg5[%mul3A_103, %dma_wait3A, %mul3A_105] : memref<800x128x128xbf16, #tpu.memory_space<hbm>> -> memref<25x128x32xbf16, #tpu.memory_space<hbm>>
        %dma_wait3A_111 = arith.constant 0 : i32
        %dma_wait3A_112 = tpu.memref_slice %arg5[%mul3A_103, %dma_wait3A_111, %mul3A_105] : memref<800x128x128xbf16, #tpu.memory_space<hbm>> -> memref<25x128x32xbf16, #tpu.memory_space<hbm>>
        tpu.wait_dma2 semaphore(%run_scoped3A : memref<!tpu.dma_semaphore, #tpu.memory_space<semaphore_mem>>) src(%arg9 : memref<25x128x32xbf16, #tpu.memory_space<vmem>>) dst(%dma_wait3A_112 : memref<25x128x32xbf16, #tpu.memory_space<hbm>>)
        tpu.yield
      }) : () -> ()
      %scan3A_106 = arith.constant 0 : i32
      scf.yield %scan3A_106 : i32
    }
    %scan3A_8 = arith.constant 4 : i32
    return
  }
}

#map = affine_map<(d0, d1) -> (0)>
#map1 = affine_map<(d0, d1) -> (0, 0)>
#map2 = affine_map<(d0, d1) -> (0, 0, 0)>
module attributes {stable_mosaic.version = 14 : i64} {
  func.func @k(%arg0: i32, %arg1: i32, %arg2: memref<1163008xi32, #tpu.memory_space<hbm>>, %arg3: memref<800x128xi32, #tpu.memory_space<hbm>>, %arg4: memref<100512x32xbf16, #tpu.memory_space<hbm>>, %arg5: memref<800x128x128xbf16, #tpu.memory_space<hbm>>, %arg6: memref<25x128xi32, #tpu.memory_space<vmem>>, %arg7: memref<25x128xi32, #tpu.memory_space<vmem>>, %arg8: memref<25x128xi32, #tpu.memory_space<vmem>>, %arg9: memref<25x128x32xbf16, #tpu.memory_space<vmem>>, %arg10: memref<!tpu.dma_semaphore, #tpu.memory_space<semaphore_mem>>) attributes {dimension_semantics = [#tpu.dimension_semantics<core_parallel>, #tpu.dimension_semantics<subcore_parallel>], iteration_bounds = array<i64: 2, 16>, scalar_prefetch = 0 : i64, scratch_operands = 5 : i64, tpu.core_type = #tpu.core_type<sc_vector_subcore>, window_params = [{transform_indices = #map}, {transform_indices = #map1}, {transform_indices = #map1}, {transform_indices = #map2}]} {
    %mul3A = arith.constant 2 : i32
    %mul3A_0 = arith.muli %arg1, %mul3A : i32
    %add3A = arith.addi %mul3A_0, %arg0 : i32
    %mul3A_1 = arith.constant 25 : i32
    %mul3A_2 = arith.muli %add3A, %mul3A_1 : i32
    "tpu.region"() ({
      %run_scoped3A = tpu.sem_alloc : memref<!tpu.dma_semaphore, #tpu.memory_space<semaphore_mem>>
      %dma_start3A = arith.constant 0 : i32
      %dma_start3A_9 = tpu.memref_slice %arg3[%mul3A_2, %dma_start3A] : memref<800x128xi32, #tpu.memory_space<hbm>> -> memref<25x128xi32, #tpu.memory_space<hbm>>
      %dma_start3A_10 = arith.constant 0 : i32
      %dma_start3A_11 = tpu.memref_slice %arg3[%mul3A_2, %dma_start3A_10] : memref<800x128xi32, #tpu.memory_space<hbm>> -> memref<25x128xi32, #tpu.memory_space<hbm>>
      tpu.enqueue_dma source(%dma_start3A_11 : memref<25x128xi32, #tpu.memory_space<hbm>>) target(%arg6 : memref<25x128xi32, #tpu.memory_space<vmem>>) target_semaphore(%run_scoped3A : memref<!tpu.dma_semaphore, #tpu.memory_space<semaphore_mem>>)
      %dma_wait3A = arith.constant 0 : i32
      %dma_wait3A_12 = tpu.memref_slice %arg3[%mul3A_2, %dma_wait3A] : memref<800x128xi32, #tpu.memory_space<hbm>> -> memref<25x128xi32, #tpu.memory_space<hbm>>
      %dma_wait3A_13 = arith.constant 0 : i32
      %dma_wait3A_14 = tpu.memref_slice %arg3[%mul3A_2, %dma_wait3A_13] : memref<800x128xi32, #tpu.memory_space<hbm>> -> memref<25x128xi32, #tpu.memory_space<hbm>>
      tpu.wait_dma2 semaphore(%run_scoped3A : memref<!tpu.dma_semaphore, #tpu.memory_space<semaphore_mem>>) src(%dma_wait3A_14 : memref<25x128xi32, #tpu.memory_space<hbm>>) dst(%arg6 : memref<25x128xi32, #tpu.memory_space<vmem>>)
      tpu.yield
    }) : () -> ()
    %scan3A = arith.constant 0 : i32
    %scan3A_3 = arith.constant 20 : i32
    %scan3A_4 = arith.constant 4 : i32
    %scan3A_5 = arith.addi %scan3A_3, %scan3A_4 : i32
    %scan3A_6 = arith.constant 1 : i32
    %scan3A_7 = scf.for %scan3A_9 = %scan3A_3 to %scan3A_5 step %scan3A_6 iter_args(%scan3A_10 = %scan3A) -> (i32)  : i32 {
      %jit3A = arith.constant 9 : i32
      %div3A = arith.divsi %scan3A_9, %jit3A : i32
      %sign3A = arith.constant 0 : i32
      %sign3A_11 = arith.cmpi sgt, %scan3A_9, %sign3A : i32
      %sign3A_12 = arith.extui %sign3A_11 : i1 to i32
      %sign3A_13 = arith.constant 0 : i32
      %sign3A_14 = arith.cmpi slt, %scan3A_9, %sign3A_13 : i32
      %sign3A_15 = arith.extui %sign3A_14 : i1 to i32
      %sign3A_16 = arith.subi %sign3A_12, %sign3A_15 : i32
      %sign3A_17 = arith.constant 0 : i32
      %sign3A_18 = arith.cmpi sgt, %jit3A, %sign3A_17 : i32
      %sign3A_19 = arith.extui %sign3A_18 : i1 to i32
      %sign3A_20 = arith.constant 0 : i32
      %sign3A_21 = arith.cmpi slt, %jit3A, %sign3A_20 : i32
      %sign3A_22 = arith.extui %sign3A_21 : i1 to i32
      %sign3A_23 = arith.subi %sign3A_19, %sign3A_22 : i32
      %ne3A = arith.cmpi ne, %sign3A_16, %sign3A_23 : i32
      %rem3A = arith.remsi %scan3A_9, %jit3A : i32
      %ne3A_24 = arith.constant 0 : i32
      %ne3A_25 = arith.cmpi ne, %rem3A, %ne3A_24 : i32
      %and3A = arith.andi %ne3A, %ne3A_25 : i1
      %sub3A = arith.constant 1 : i32
      %sub3A_26 = arith.subi %div3A, %sub3A : i32
      %select_n3A = arith.select %and3A, %sub3A_26, %div3A : i32
      %sub3A_27 = arith.constant 1 : i32
      %sub3A_28 = arith.subi %select_n3A, %sub3A_27 : i32
      %jit3A_29 = arith.constant 3 : i32
      %div3A_30 = arith.divsi %scan3A_9, %jit3A_29 : i32
      %sign3A_31 = arith.constant 0 : i32
      %sign3A_32 = arith.cmpi sgt, %scan3A_9, %sign3A_31 : i32
      %sign3A_33 = arith.extui %sign3A_32 : i1 to i32
      %sign3A_34 = arith.constant 0 : i32
      %sign3A_35 = arith.cmpi slt, %scan3A_9, %sign3A_34 : i32
      %sign3A_36 = arith.extui %sign3A_35 : i1 to i32
      %sign3A_37 = arith.subi %sign3A_33, %sign3A_36 : i32
      %sign3A_38 = arith.constant 0 : i32
      %sign3A_39 = arith.cmpi sgt, %jit3A_29, %sign3A_38 : i32
      %sign3A_40 = arith.extui %sign3A_39 : i1 to i32
      %sign3A_41 = arith.constant 0 : i32
      %sign3A_42 = arith.cmpi slt, %jit3A_29, %sign3A_41 : i32
      %sign3A_43 = arith.extui %sign3A_42 : i1 to i32
      %sign3A_44 = arith.subi %sign3A_40, %sign3A_43 : i32
      %ne3A_45 = arith.cmpi ne, %sign3A_37, %sign3A_44 : i32
      %rem3A_46 = arith.remsi %scan3A_9, %jit3A_29 : i32
      %ne3A_47 = arith.constant 0 : i32
      %ne3A_48 = arith.cmpi ne, %rem3A_46, %ne3A_47 : i32
      %and3A_49 = arith.andi %ne3A_45, %ne3A_48 : i1
      %sub3A_50 = arith.constant 1 : i32
      %sub3A_51 = arith.subi %div3A_30, %sub3A_50 : i32
      %select_n3A_52 = arith.select %and3A_49, %sub3A_51, %div3A_30 : i32
      %jit3A_53 = arith.constant 3 : i32
      %eq3A = arith.constant 0 : i32
      %eq3A_54 = arith.cmpi eq, %jit3A_53, %eq3A : i32
      %jit3A_55 = arith.constant 1 : i32
      %select_n3A_56 = arith.select %eq3A_54, %jit3A_55, %jit3A_53 : i32
      %rem3A_57 = arith.remsi %select_n3A_52, %select_n3A_56 : i32
      %ne3A_58 = arith.constant 0 : i32
      %ne3A_59 = arith.cmpi ne, %rem3A_57, %ne3A_58 : i32
      %lt3A = arith.constant 0 : i32
      %lt3A_60 = arith.cmpi slt, %rem3A_57, %lt3A : i32
      %lt3A_61 = arith.constant 0 : i32
      %lt3A_62 = arith.cmpi slt, %select_n3A_56, %lt3A_61 : i32
      %ne3A_63 = arith.xori %lt3A_60, %lt3A_62 : i1
      %and3A_64 = arith.andi %ne3A_63, %ne3A_59 : i1
      %add3A_65 = arith.addi %rem3A_57, %select_n3A_56 : i32
      %select_n3A_66 = arith.select %and3A_64, %add3A_65, %rem3A_57 : i32
      %sub3A_67 = arith.constant 1 : i32
      %sub3A_68 = arith.subi %select_n3A_66, %sub3A_67 : i32
      %jit3A_69 = arith.constant 3 : i32
      %eq3A_70 = arith.constant 0 : i32
      %eq3A_71 = arith.cmpi eq, %jit3A_69, %eq3A_70 : i32
      %jit3A_72 = arith.constant 1 : i32
      %select_n3A_73 = arith.select %eq3A_71, %jit3A_72, %jit3A_69 : i32
      %rem3A_74 = arith.remsi %scan3A_9, %select_n3A_73 : i32
      %ne3A_75 = arith.constant 0 : i32
      %ne3A_76 = arith.cmpi ne, %rem3A_74, %ne3A_75 : i32
      %lt3A_77 = arith.constant 0 : i32
      %lt3A_78 = arith.cmpi slt, %rem3A_74, %lt3A_77 : i32
      %lt3A_79 = arith.constant 0 : i32
      %lt3A_80 = arith.cmpi slt, %select_n3A_73, %lt3A_79 : i32
      %ne3A_81 = arith.xori %lt3A_78, %lt3A_80 : i1
      %and3A_82 = arith.andi %ne3A_81, %ne3A_76 : i1
      %add3A_83 = arith.addi %rem3A_74, %select_n3A_73 : i32
      %select_n3A_84 = arith.select %and3A_82, %add3A_83, %rem3A_74 : i32
      %sub3A_85 = arith.constant 1 : i32
      %sub3A_86 = arith.subi %select_n3A_84, %sub3A_85 : i32
      %mul3A_87 = arith.constant 66 : i32
      %mul3A_88 = arith.muli %sub3A_28, %mul3A_87 : i32
      %add3A_89 = arith.addi %mul3A_88, %sub3A_68 : i32
      %mul3A_90 = arith.constant 66 : i32
      %mul3A_91 = arith.muli %add3A_89, %mul3A_90 : i32
      %add3A_92 = arith.addi %mul3A_91, %sub3A_86 : i32
      %ge3A = arith.constant 27 : i32
      %ge3A_93 = arith.cmpi sge, %scan3A_9, %ge3A : i32
      %convert_element_type3A = arith.extui %ge3A_93 : i1 to i32
      %cond3A = arith.constant 0 : i32
      %cond3A_94 = arith.cmpi ne, %convert_element_type3A, %cond3A : i32
      scf.if %cond3A_94 {
        %scan3A_107 = arith.constant 0 : i32
        %scan3A_108 = arith.constant 0 : i32
        %scan3A_109 = arith.constant 3200 : i32
        %scan3A_110 = arith.addi %scan3A_108, %scan3A_109 : i32
        %scan3A_111 = arith.constant 1 : i32
        %scan3A_112 = scf.for %scan3A_114 = %scan3A_108 to %scan3A_110 step %scan3A_111 iter_args(%scan3A_115 = %scan3A_107) -> (i32)  : i32 {
          %broadcast_in_dim3A = arith.constant 0.000000e+00 : bf16
          %broadcast_in_dim3A_116 = vector.broadcast %broadcast_in_dim3A : bf16 to vector<32xbf16>
          %jit3A_117 = arith.constant 128 : i32
          %div3A_118 = arith.divsi %scan3A_114, %jit3A_117 : i32
          %sign3A_119 = arith.constant 0 : i32
          %sign3A_120 = arith.cmpi sgt, %scan3A_114, %sign3A_119 : i32
          %sign3A_121 = arith.extui %sign3A_120 : i1 to i32
          %sign3A_122 = arith.constant 0 : i32
          %sign3A_123 = arith.cmpi slt, %scan3A_114, %sign3A_122 : i32
          %sign3A_124 = arith.extui %sign3A_123 : i1 to i32
          %sign3A_125 = arith.subi %sign3A_121, %sign3A_124 : i32
          %sign3A_126 = arith.constant 0 : i32
          %sign3A_127 = arith.cmpi sgt, %jit3A_117, %sign3A_126 : i32
          %sign3A_128 = arith.extui %sign3A_127 : i1 to i32
          %sign3A_129 = arith.constant 0 : i32
          %sign3A_130 = arith.cmpi slt, %jit3A_117, %sign3A_129 : i32
          %sign3A_131 = arith.extui %sign3A_130 : i1 to i32
          %sign3A_132 = arith.subi %sign3A_128, %sign3A_131 : i32
          %ne3A_133 = arith.cmpi ne, %sign3A_125, %sign3A_132 : i32
          %rem3A_134 = arith.remsi %scan3A_114, %jit3A_117 : i32
          %ne3A_135 = arith.constant 0 : i32
          %ne3A_136 = arith.cmpi ne, %rem3A_134, %ne3A_135 : i32
          %and3A_137 = arith.andi %ne3A_133, %ne3A_136 : i1
          %sub3A_138 = arith.constant 1 : i32
          %sub3A_139 = arith.subi %div3A_118, %sub3A_138 : i32
          %select_n3A_140 = arith.select %and3A_137, %sub3A_139, %div3A_118 : i32
          %jit3A_141 = arith.constant 128 : i32
          %eq3A_142 = arith.constant 0 : i32
          %eq3A_143 = arith.cmpi eq, %jit3A_141, %eq3A_142 : i32
          %jit3A_144 = arith.constant 1 : i32
          %select_n3A_145 = arith.select %eq3A_143, %jit3A_144, %jit3A_141 : i32
          %rem3A_146 = arith.remsi %scan3A_114, %select_n3A_145 : i32
          %ne3A_147 = arith.constant 0 : i32
          %ne3A_148 = arith.cmpi ne, %rem3A_146, %ne3A_147 : i32
          %lt3A_149 = arith.constant 0 : i32
          %lt3A_150 = arith.cmpi slt, %rem3A_146, %lt3A_149 : i32
          %lt3A_151 = arith.constant 0 : i32
          %lt3A_152 = arith.cmpi slt, %select_n3A_145, %lt3A_151 : i32
          %ne3A_153 = arith.xori %lt3A_150, %lt3A_152 : i1
          %and3A_154 = arith.andi %ne3A_153, %ne3A_148 : i1
          %add3A_155 = arith.addi %rem3A_146, %select_n3A_145 : i32
          %select_n3A_156 = arith.select %and3A_154, %add3A_155, %rem3A_146 : i32
          %swap3A = arith.index_cast %select_n3A_140 : i32 to index
          %swap3A_157 = arith.index_cast %select_n3A_156 : i32 to index
          %swap3A_158 = arith.constant 0 : index
          %swap3A_159 = tpu.vector_load %arg9[%swap3A, %swap3A_157, %swap3A_158] {strides = array<i32>} : memref<25x128x32xbf16, #tpu.memory_space<vmem>>, vector<1x1x32xbf16>,
          %swap3A_160 = vector.shape_cast %swap3A_159 : vector<1x1x32xbf16> to vector<32xbf16>
          %swap3A_161 = vector.shape_cast %broadcast_in_dim3A_116 : vector<32xbf16> to vector<1x1x32xbf16>
          tpu.vector_store %arg9[%swap3A, %swap3A_157, %swap3A_158], %swap3A_161 {strides = array<i32>} : memref<25x128x32xbf16, #tpu.memory_space<vmem>>, vector<1x1x32xbf16>,
          %scan3A_162 = arith.constant 0 : i32
          scf.yield %scan3A_162 : i32
        }
        %scan3A_113 = arith.constant 3200 : i32
      } else {
      }
      %lt3A_95 = arith.constant 27 : i32
      %lt3A_96 = arith.cmpi slt, %scan3A_9, %lt3A_95 : i32
      %convert_element_type3A_97 = arith.extui %lt3A_96 : i1 to i32
      %cond3A_98 = arith.constant 0 : i32
      %cond3A_99 = arith.cmpi ne, %convert_element_type3A_97, %cond3A_98 : i32
      scf.if %cond3A_99 {
        %scan3A_107 = arith.constant 0 : i32
        %scan3A_108 = arith.constant 0 : i32
        %scan3A_109 = arith.constant 200 : i32
        %scan3A_110 = arith.addi %scan3A_108, %scan3A_109 : i32
        %scan3A_111 = arith.constant 1 : i32
        %scan3A_112 = scf.for %scan3A_142 = %scan3A_108 to %scan3A_110 step %scan3A_111 iter_args(%scan3A_143 = %scan3A_107) -> (i32)  : i32 {
          %shift_right_arithmetic3A = arith.constant 3 : i32
          %shift_right_arithmetic3A_144 = arith.shrsi %scan3A_142, %shift_right_arithmetic3A : i32
          %and3A_145 = arith.constant 7 : i32
          %and3A_146 = arith.andi %scan3A_142, %and3A_145 : i32
          %mul3A_147 = arith.constant 16 : i32
          %mul3A_148 = arith.muli %and3A_146, %mul3A_147 : i32
          %get3A = arith.index_cast %shift_right_arithmetic3A_144 : i32 to index
          %get3A_149 = arith.index_cast %mul3A_148 : i32 to index
          %get3A_150 = tpu.vector_load %arg6[%get3A, %get3A_149] {strides = array<i32>} : memref<25x128xi32, #tpu.memory_space<vmem>>, vector<1x16xi32>,
          %get3A_151 = vector.shape_cast %get3A_150 : vector<1x16xi32> to vector<16xi32>
          %add3A_152 = vector.broadcast %add3A_92 : i32 to vector<16xi32>
          %add3A_153 = arith.addi %get3A_151, %add3A_152 : vector<16xi32>
          %swap3A = arith.index_cast %shift_right_arithmetic3A_144 : i32 to index
          %swap3A_154 = arith.index_cast %mul3A_148 : i32 to index
          %swap3A_155 = tpu.vector_load %arg7[%swap3A, %swap3A_154] {strides = array<i32>} : memref<25x128xi32, #tpu.memory_space<vmem>>, vector<1x16xi32>,
          %swap3A_156 = vector.shape_cast %swap3A_155 : vector<1x16xi32> to vector<16xi32>
          %swap3A_157 = vector.shape_cast %add3A_153 : vector<16xi32> to vector<1x16xi32>
          tpu.vector_store %arg7[%swap3A, %swap3A_154], %swap3A_157 {strides = array<i32>} : memref<25x128xi32, #tpu.memory_space<vmem>>, vector<1x16xi32>,
          %scan3A_158 = arith.constant 0 : i32
          scf.yield %scan3A_158 : i32
        }
        %scan3A_113 = arith.constant 200 : i32
        %scan3A_114 = arith.constant 0 : i32
        %scan3A_115 = arith.constant 0 : i32
        %scan3A_116 = arith.constant 25 : i32
        %scan3A_117 = arith.addi %scan3A_115, %scan3A_116 : i32
        %scan3A_118 = arith.constant 1 : i32
        %scan3A_119 = scf.for %scan3A_142 = %scan3A_115 to %scan3A_117 step %scan3A_118 iter_args(%scan3A_143 = %scan3A_114) -> (i32)  : i32 {
          %dma_start3A = arith.constant 0 : i32
          %dma_start3A_144 = tpu.memref_slice %arg8[%scan3A_142, %dma_start3A] : memref<25x128xi32, #tpu.memory_space<vmem>> -> memref<1x128xi32, #tpu.memory_space<vmem>>
          %dma_start3A_145 = tpu.memref_squeeze %dma_start3A_144 : memref<1x128xi32, #tpu.memory_space<vmem>> -> memref<128xi32, #tpu.memory_space<vmem>>
          %dma_start3A_146 = arith.constant 0 : i32
          %dma_start3A_147 = tpu.memref_slice %arg7[%scan3A_142, %dma_start3A_146] : memref<25x128xi32, #tpu.memory_space<vmem>> -> memref<1x128xi32, #tpu.memory_space<vmem>>
          %dma_start3A_148 = tpu.memref_squeeze %dma_start3A_147 : memref<1x128xi32, #tpu.memory_space<vmem>> -> memref<128xi32, #tpu.memory_space<vmem>>
          %dma_start3A_149 = arith.constant 0 : i32
          %dma_start3A_150 = tpu.memref_slice %arg2[%dma_start3A_149] : memref<1163008xi32, #tpu.memory_space<hbm>> -> memref<1163008xi32, #tpu.memory_space<hbm>>
          tpu.enqueue_indirect_dma source(%dma_start3A_150 : memref<1163008xi32, #tpu.memory_space<hbm>>) target(%dma_start3A_145 : memref<128xi32, #tpu.memory_space<vmem>>) offsets(%dma_start3A_148 : memref<128xi32, #tpu.memory_space<vmem>>) semaphore(%arg10 : memref<!tpu.dma_semaphore, #tpu.memory_space<semaphore_mem>>)
          %scan3A_151 = arith.constant 0 : i32
          scf.yield %scan3A_151 : i32
        }
        %scan3A_120 = arith.constant 25 : i32
        %scan3A_121 = arith.constant 0 : i32
        %scan3A_122 = arith.constant 0 : i32
        %scan3A_123 = arith.constant 25 : i32
        %scan3A_124 = arith.addi %scan3A_122, %scan3A_123 : i32
        %scan3A_125 = arith.constant 1 : i32
        %scan3A_126 = scf.for %scan3A_142 = %scan3A_122 to %scan3A_124 step %scan3A_125 iter_args(%scan3A_143 = %scan3A_121) -> (i32)  : i32 {
          %dma_wait3A = arith.constant 0 : i32
          %dma_wait3A_144 = tpu.memref_slice %arg8[%scan3A_142, %dma_wait3A] : memref<25x128xi32, #tpu.memory_space<vmem>> -> memref<1x128xi32, #tpu.memory_space<vmem>>
          %dma_wait3A_145 = tpu.memref_squeeze %dma_wait3A_144 : memref<1x128xi32, #tpu.memory_space<vmem>> -> memref<128xi32, #tpu.memory_space<vmem>>
          %dma_wait3A_146 = arith.constant 0 : i32
          %dma_wait3A_147 = tpu.memref_slice %arg7[%scan3A_142, %dma_wait3A_146] : memref<25x128xi32, #tpu.memory_space<vmem>> -> memref<1x128xi32, #tpu.memory_space<vmem>>
          %dma_wait3A_148 = tpu.memref_squeeze %dma_wait3A_147 : memref<1x128xi32, #tpu.memory_space<vmem>> -> memref<128xi32, #tpu.memory_space<vmem>>
          %dma_wait3A_149 = arith.constant 0 : i32
          %dma_wait3A_150 = tpu.memref_slice %arg2[%dma_wait3A_149] : memref<1163008xi32, #tpu.memory_space<hbm>> -> memref<1163008xi32, #tpu.memory_space<hbm>>
          tpu.wait_indirect_dma semaphore(%arg10 : memref<!tpu.dma_semaphore, #tpu.memory_space<semaphore_mem>>) src(%dma_wait3A_150 : memref<1163008xi32, #tpu.memory_space<hbm>>) dst(%dma_wait3A_145 : memref<128xi32, #tpu.memory_space<vmem>>)
          %scan3A_151 = arith.constant 0 : i32
          scf.yield %scan3A_151 : i32
        }
        %scan3A_127 = arith.constant 25 : i32
        %scan3A_128 = arith.constant 0 : i32
        %scan3A_129 = arith.constant 0 : i32
        %scan3A_130 = arith.constant 25 : i32
        %scan3A_131 = arith.addi %scan3A_129, %scan3A_130 : i32
        %scan3A_132 = arith.constant 1 : i32
        %scan3A_133 = scf.for %scan3A_142 = %scan3A_129 to %scan3A_131 step %scan3A_132 iter_args(%scan3A_143 = %scan3A_128) -> (i32)  : i32 {
          %dma_start3A = arith.constant 0 : i32
          %dma_start3A_144 = arith.constant 0 : i32
          %dma_start3A_145 = tpu.memref_slice %arg9[%scan3A_142, %dma_start3A, %dma_start3A_144] : memref<25x128x32xbf16, #tpu.memory_space<vmem>> -> memref<1x128x32xbf16, #tpu.memory_space<vmem>>
          %dma_start3A_146 = tpu.memref_squeeze %dma_start3A_145 : memref<1x128x32xbf16, #tpu.memory_space<vmem>> -> memref<128x32xbf16, #tpu.memory_space<vmem>>
          %dma_start3A_147 = arith.constant 0 : i32
          %dma_start3A_148 = tpu.memref_slice %arg8[%scan3A_142, %dma_start3A_147] : memref<25x128xi32, #tpu.memory_space<vmem>> -> memref<1x128xi32, #tpu.memory_space<vmem>>
          %dma_start3A_149 = tpu.memref_squeeze %dma_start3A_148 : memref<1x128xi32, #tpu.memory_space<vmem>> -> memref<128xi32, #tpu.memory_space<vmem>>
          %dma_start3A_150 = arith.constant 0 : i32
          %dma_start3A_151 = arith.constant 0 : i32
          %dma_start3A_152 = tpu.memref_slice %arg4[%dma_start3A_150, %dma_start3A_151] : memref<100512x32xbf16, #tpu.memory_space<hbm>> -> memref<100512x32xbf16, #tpu.memory_space<hbm>>
          tpu.enqueue_indirect_dma source(%dma_start3A_152 : memref<100512x32xbf16, #tpu.memory_space<hbm>>) target(%dma_start3A_146 : memref<128x32xbf16, #tpu.memory_space<vmem>>) offsets(%dma_start3A_149 : memref<128xi32, #tpu.memory_space<vmem>>) semaphore(%arg10 : memref<!tpu.dma_semaphore, #tpu.memory_space<semaphore_mem>>)
          %scan3A_153 = arith.constant 0 : i32
          scf.yield %scan3A_153 : i32
        }
        %scan3A_134 = arith.constant 25 : i32
        %scan3A_135 = arith.constant 0 : i32
        %scan3A_136 = arith.constant 0 : i32
        %scan3A_137 = arith.constant 25 : i32
        %scan3A_138 = arith.addi %scan3A_136, %scan3A_137 : i32
        %scan3A_139 = arith.constant 1 : i32
        %scan3A_140 = scf.for %scan3A_142 = %scan3A_136 to %scan3A_138 step %scan3A_139 iter_args(%scan3A_143 = %scan3A_135) -> (i32)  : i32 {
          %dma_wait3A = arith.constant 0 : i32
          %dma_wait3A_144 = arith.constant 0 : i32
          %dma_wait3A_145 = tpu.memref_slice %arg9[%scan3A_142, %dma_wait3A, %dma_wait3A_144] : memref<25x128x32xbf16, #tpu.memory_space<vmem>> -> memref<1x128x32xbf16, #tpu.memory_space<vmem>>
          %dma_wait3A_146 = tpu.memref_squeeze %dma_wait3A_145 : memref<1x128x32xbf16, #tpu.memory_space<vmem>> -> memref<128x32xbf16, #tpu.memory_space<vmem>>
          %dma_wait3A_147 = arith.constant 0 : i32
          %dma_wait3A_148 = tpu.memref_slice %arg8[%scan3A_142, %dma_wait3A_147] : memref<25x128xi32, #tpu.memory_space<vmem>> -> memref<1x128xi32, #tpu.memory_space<vmem>>
          %dma_wait3A_149 = tpu.memref_squeeze %dma_wait3A_148 : memref<1x128xi32, #tpu.memory_space<vmem>> -> memref<128xi32, #tpu.memory_space<vmem>>
          %dma_wait3A_150 = arith.constant 0 : i32
          %dma_wait3A_151 = arith.constant 0 : i32
          %dma_wait3A_152 = tpu.memref_slice %arg4[%dma_wait3A_150, %dma_wait3A_151] : memref<100512x32xbf16, #tpu.memory_space<hbm>> -> memref<100512x32xbf16, #tpu.memory_space<hbm>>
          tpu.wait_indirect_dma semaphore(%arg10 : memref<!tpu.dma_semaphore, #tpu.memory_space<semaphore_mem>>) src(%dma_wait3A_152 : memref<100512x32xbf16, #tpu.memory_space<hbm>>) dst(%dma_wait3A_146 : memref<128x32xbf16, #tpu.memory_space<vmem>>)
          %scan3A_153 = arith.constant 0 : i32
          scf.yield %scan3A_153 : i32
        }
        %scan3A_141 = arith.constant 25 : i32
      } else {
      }
      %and3A_100 = arith.constant 3 : i32
      %and3A_101 = arith.andi %scan3A_9, %and3A_100 : i32
      %mul3A_102 = arith.constant 25 : i32
      %mul3A_103 = arith.muli %add3A, %mul3A_102 : i32
      %mul3A_104 = arith.constant 32 : i32
      %mul3A_105 = arith.muli %and3A_101, %mul3A_104 : i32
      "tpu.region"() ({
        %run_scoped3A = tpu.sem_alloc : memref<!tpu.dma_semaphore, #tpu.memory_space<semaphore_mem>>
        %dma_start3A = arith.constant 0 : i32
        %dma_start3A_107 = tpu.memref_slice %arg5[%mul3A_103, %dma_start3A, %mul3A_105] : memref<800x128x128xbf16, #tpu.memory_space<hbm>> -> memref<25x128x32xbf16, #tpu.memory_space<hbm>>
        %dma_start3A_108 = arith.constant 0 : i32
        %dma_start3A_109 = tpu.memref_slice %arg5[%mul3A_103, %dma_start3A_108, %mul3A_105] : memref<800x128x128xbf16, #tpu.memory_space<hbm>> -> memref<25x128x32xbf16, #tpu.memory_space<hbm>>
        tpu.enqueue_dma source(%arg9 : memref<25x128x32xbf16, #tpu.memory_space<vmem>>) target(%dma_start3A_109 : memref<25x128x32xbf16, #tpu.memory_space<hbm>>) target_semaphore(%run_scoped3A : memref<!tpu.dma_semaphore, #tpu.memory_space<semaphore_mem>>)
        %dma_wait3A = arith.constant 0 : i32
        %dma_wait3A_110 = tpu.memref_slice %arg5[%mul3A_103, %dma_wait3A, %mul3A_105] : memref<800x128x128xbf16, #tpu.memory_space<hbm>> -> memref<25x128x32xbf16, #tpu.memory_space<hbm>>
        %dma_wait3A_111 = arith.constant 0 : i32
        %dma_wait3A_112 = tpu.memref_slice %arg5[%mul3A_103, %dma_wait3A_111, %mul3A_105] : memref<800x128x128xbf16, #tpu.memory_space<hbm>> -> memref<25x128x32xbf16, #tpu.memory_space<hbm>>
        tpu.wait_dma2 semaphore(%run_scoped3A : memref<!tpu.dma_semaphore, #tpu.memory_space<semaphore_mem>>) src(%arg9 : memref<25x128x32xbf16, #tpu.memory_space<vmem>>) dst(%dma_wait3A_112 : memref<25x128x32xbf16, #tpu.memory_space<hbm>>)
        tpu.yield
      }) : () -> ()
      %scan3A_106 = arith.constant 0 : i32
      scf.yield %scan3A_106 : i32
    }
    %scan3A_8 = arith.constant 4 : i32
    return
  }
}

module attributes {stable_mosaic.version = 14 : i64} {
  func.func @body(%arg0: i32, %arg1: memref<4096x32xf32, #tpu.memory_space<vmem>>, %arg2: memref<32x128x128xbf16, #tpu.memory_space<vmem>>, %arg3: memref<128x32xbf16, #tpu.memory_space<vmem>>, %arg4: memref<4096x32xf32, #tpu.memory_space<vmem>>) attributes {dimension_semantics = [#tpu.dimension_semantics<arbitrary>], iteration_bounds = array<i64: 25>, scalar_prefetch = 0 : i64, scratch_operands = 0 : i64, tpu.core_type = #tpu.core_type<tc>, window_params = [{transform_indices = @transform_0, window_bounds = array<i64: 4096, 32>}, {transform_indices = @transform_1, window_bounds = array<i64: 32, 128, 128>}, {pipeline_mode = #tpu.pipeline_mode<synchronous>, transform_indices = @transform_2, window_bounds = array<i64: 128, 32>}, {transform_indices = @transform_3, window_bounds = array<i64: 4096, 32>}]} {
    %get3A = arith.constant 0 : index
    %get3A_0 = arith.constant 0 : index
    %get3A_1 = vector.load %arg1[%get3A, %get3A_0] : memref<4096x32xf32, #tpu.memory_space<vmem>>, vector<4096x32xf32>
    %get3A_2 = arith.constant 0 : index
    %get3A_3 = arith.constant 0 : index
    %get3A_4 = arith.constant 0 : index
    %get3A_5 = vector.load %arg2[%get3A_2, %get3A_3, %get3A_4] : memref<32x128x128xbf16, #tpu.memory_space<vmem>>, vector<32x128x128xbf16>
    %reshape3A = vector.shape_cast %get3A_5 : vector<32x128x128xbf16> to vector<4096x128xbf16>
    %get3A_6 = arith.constant 0 : index
    %get3A_7 = arith.constant 0 : index
    %get3A_8 = vector.load %arg3[%get3A_6, %get3A_7] : memref<128x32xbf16, #tpu.memory_space<vmem>>, vector<128x32xbf16>
    %dot_general3A = arith.constant dense<0.000000e+00> : vector<4096x32xf32>
    %dot_general3A_9 = tpu.matmul %reshape3A, %get3A_8, %dot_general3A {dimension_numbers = #tpu.dot_dimension_numbers<[1], [0], [0], [1], [0, 0, 1, 1], [], []>, transpose_lhs_hint = false} : vector<4096x128xbf16>, vector<128x32xbf16>, vector<4096x32xf32> -> vector<4096x32xf32>
    %add3A = arith.addf %get3A_1, %dot_general3A_9 : vector<4096x32xf32>
    %swap3A = arith.constant 0 : index
    %swap3A_10 = arith.constant 0 : index
    %swap3A_11 = vector.load %arg4[%swap3A, %swap3A_10] : memref<4096x32xf32, #tpu.memory_space<vmem>>, vector<4096x32xf32>
    tpu.vector_store %arg4[%swap3A, %swap3A_10], %add3A {strides = array<i32>} : memref<4096x32xf32, #tpu.memory_space<vmem>>, vector<4096x32xf32>,
    return
  }
  func.func @transform_0(%arg0: i32) -> (i32, i32) {
    %c0_i32 = arith.constant 0 : i32
    %c0_i32_0 = arith.constant 0 : i32
    return %arg0, %c0_i32 : i32, i32
  }
  func.func @transform_1(%arg0: i32) -> (i32, i32, i32) {
    %c0_i32 = arith.constant 0 : i32
    %c0_i32_0 = arith.constant 0 : i32
    %c0_i32_1 = arith.constant 0 : i32
    return %arg0, %c0_i32, %c0_i32_0 : i32, i32, i32
  }
  func.func @transform_2(%arg0: i32) -> (i32, i32) {
    %c0_i32 = arith.constant 0 : i32
    %c0_i32_0 = arith.constant 0 : i32
    %c0_i32_1 = arith.constant 0 : i32
    return %c0_i32, %c0_i32_0 : i32, i32
  }
  func.func @transform_3(%arg0: i32) -> (i32, i32) {
    %c0_i32 = arith.constant 0 : i32
    %c0_i32_0 = arith.constant 0 : i32
    return %arg0, %c0_i32 : i32, i32
  }
}

</mosaic_0001>

<sc_bundles>
// kernel: kernel.17.cloned.1.call-start
scs
__scs_entry_jumppad:
0x0: {  	(pc) =	sbr.rel $0x88, $3  }
0x1: {  	(tag) =	ssettag $0x0;
	lr =	simm.s32 $0x1  }
0x2: {  	[smem:$0x3F9D] =	sst lr;
	_ =	strace $0xD0000000  }
0x3: {  	_ = 	snop  }
0x4: {  	_ = 	snop  }
0x5: {  	_ = 	snop  }
0x6: {  	_ = 	snop  }
0x7: {  	_ = 	snop  }
__scs_overlays_trampoline_lowered:
0x8: {  	[smem:$0x3FAC] =	sst s0  }
0x9: {  	[smem:$0x3FAD] =	sst s1  }
0xa: {  	[smem:$0x3FAE] =	sst s2  }
0xb: {  	[smem:$0x3FAF] =	sst s3  }
0xc: {  	[smem:$0x3FB0] =	sst s4  }
0xd: {  	[smem:$0x3FB1] =	sst s5  }
0xe: {  	[smem:$0x3FB2] =	sst s6  }
0xf: {  	[smem:$0x3FB3] =	sst s7  }
0x10: {  	[smem:$0x3FB4] =	sst s8  }
0x11: {  	[smem:$0x3FB5] =	sst s9;
	s0 =	simm.s32 @!p0 $0x0  }
0x12: {  	s1 =	sld [smem:$0x3F9B];
	s0 =	simm.s32 @p0 $0x1  }
0x13: {  	[smem:$0x3FB6] =	sst s0;
	s0 =	simm.s32 @!p1 $0x0  }
0x14: {  	s2 =	sld [smem:$0x3F9A];
	s0 =	simm.s32 @p1 $0x1  }
0x15: {  	[smem:$0x3FB7] =	sst s0;
	s0 =	simm.s32 @!p2 $0x0  }
0x16: {  	s3 =	sld [smem:$0x3FDB];
	s0 =	simm.s32 @p2 $0x1  }
0x17: {  	s4 =	simm.s32 $0x1BF5;
	[smem:$0x3FB9] =	sst s0  }
0x18: {  	s0 =	sld [smem:$0x3F9C];
	_ =	swait.ge [sflag:s4], $0x0  }
0x19: {  	s7 =	sld [smem:$0x3F9D]  }
0x1a: {  	s8 =	sadd.s32 $0xFFFFE003, lr  }
0x1b: {  	s9 =	sadd.s32 $0xFFFFFEF7, lr;
	s5 =	simm.s32 $0xFFFFFFFF;
	p2 =	slt.u32 s8, $0xFFFFF086  }
0x1c: {  	p1 =	slt.u32 s9, $0xF7A;
	s5 =	simm.s32 @!p2 $0x0  }
0x1d: {  	s5 =	simm.s32 @p1 $0x1;
	p0 =	seq.s32 s7, s2  }
0x1e: {  	s7 =	smul.u32 @!p0 $0xF7A, s2;
	p2 =	seq.s32 @!p0 s5, $0x0  }
0x1f: {  	s9 =	smul.u32 $0xF7A, s1;
	s8 =	simm.s32 @!p0 $0x1BF5;
	p2 =	por !p2, p0  }
0x20: {  	[sflag:s8] =	ssyncset.s32 @!p0 $0xFFFFF086;
	s6 =	sadd.s32 @!p0 s3, s7;
	s7 =	simm.s32 @!p0 $0x108  }
0x21: {  	s3 =	sadd.s32 s3, s9;
	s6 =	sadd.s32 @!p0 $0x88, s6;
	s7 =	simm.s32 @p2 $0x1082  }
0x22: {  	[simem:s7], [sflag:s8] =	dma.local @!p0 [hbm:s6], $0xF7A  }
0x23: {  	s9 =	sor.u32 $0xD0000000, s2;
	s6 =	simm.s32 $0x108;
	_ =	swait.ge @!p0 [sflag:s8], $0x0  }
0x24: {  	s3 =	sadd.s32 $0x88, s3;
	s6 =	simm.s32 @!p1 $0x1082;
	[sflag:s4] =	ssyncset.s32 $0xFFFFF086  }
0x25: {  	[simem:s6], [sflag:s4] =	dma.local [hbm:s3], $0xF7A  }
0x26: {  	[smem:$0x3F9D] =	sst s1;
	(tag) =	ssettag s2;
	_ =	strace s9  }
0x27: {  	s1 =	sld [smem:$0x3FAD]  }
0x28: {  	s2 =	sld [smem:$0x3FAE]  }
0x29: {  	s4 =	sld [smem:$0x3FB0]  }
0x2a: {  	p0 =	seq.s32 s5, $0x0;
	s5 =	sld [smem:$0x3FB1]  }
0x2b: {  	s6 =	sld [smem:$0x3FB2]  }
0x2c: {  	s7 =	sld [smem:$0x3FB3]  }
0x2d: {  	s3 =	simm.s32 $0x108;
	s8 =	sld [smem:$0x3FB4]  }
0x2e: {  	s3 =	simm.s32 @!p0 $0x1082;
	s9 =	sld [smem:$0x3FB5]  }
0x2f: {  	lr =	sadd.s32 s0, s3;
	s0 =	sld [smem:$0x3FAC]  }
0x30: {  	s3 =	sld [smem:$0x3FAF]  }
0x31: {  	[smem:$0x3FB8] =	sst s10  }
0x32: {  	s10 =	sld [smem:$0x3FB6];
	_ =	sdelay $0x3  }
0x33: {  	p0 =	seq.s32 s10, $0x1;
	s10 =	sld [smem:$0x3FB8];
	_ =	sdelay $0x3  }
0x34: {  	[smem:$0x3FB8] =	sst s10  }
0x35: {  	s10 =	sld [smem:$0x3FB7];
	_ =	sdelay $0x3  }
0x36: {  	p1 =	seq.s32 s10, $0x1;
	s10 =	sld [smem:$0x3FB8];
	_ =	sdelay $0x3  }
0x37: {  	[smem:$0x3FB8] =	sst s10  }
0x38: {  	s10 =	sld [smem:$0x3FB9]  }
0x39: {  	_ = 	snop;
	(pc) =	sbr.ind lr, $3  }
0x3a: {  	_ = 	snop  }
0x3b: {  	_ = 	snop  }
0x3c: {  	p2 =	seq.s32 s10, $0x1;
	s10 =	sld [smem:$0x3FB8]  }
0x3d: {  	_ =	shalt  }
0x3e: {  	_ =	shalt  }
0x3f: {  	_ =	shalt  }
0x40: {  	_ =	shalt  }
0x41: {  	_ =	shalt  }
0x42: {  	_ =	shalt  }
0x43: {  	_ =	shalt  }
0x44: {  	_ =	shalt  }
0x45: {  	_ =	shalt  }
0x46: {  	_ =	shalt  }
0x47: {  	_ =	shalt  }
0x48: {  	_ =	shalt  }
0x49: {  	_ =	shalt  }
0x4a: {  	_ =	shalt  }
0x4b: {  	_ =	shalt  }
0x4c: {  	_ =	shalt  }
0x4d: {  	_ =	shalt  }
0x4e: {  	_ =	shalt  }
0x4f: {  	_ =	shalt  }
0x50: {  	_ =	shalt  }
0x51: {  	_ =	shalt  }
0x52: {  	_ =	shalt  }
0x53: {  	_ =	shalt  }
0x54: {  	_ =	shalt  }
0x55: {  	_ =	shalt  }
0x56: {  	_ =	shalt  }
0x57: {  	_ =	shalt  }
0x58: {  	_ =	shalt  }
0x59: {  	_ =	shalt  }
0x5a: {  	_ =	shalt  }
0x5b: {  	_ =	shalt  }
0x5c: {  	_ =	shalt  }
0x5d: {  	_ =	shalt  }
0x5e: {  	_ =	shalt  }
0x5f: {  	_ =	shalt  }
0x60: {  	_ =	shalt  }
0x61: {  	_ =	shalt  }
0x62: {  	_ =	shalt  }
0x63: {  	_ =	shalt  }
0x64: {  	_ =	shalt  }
0x65: {  	_ =	shalt  }
0x66: {  	_ =	shalt  }
0x67: {  	_ =	shalt  }
0x68: {  	_ =	shalt  }
0x69: {  	_ =	shalt  }
0x6a: {  	_ =	shalt  }
0x6b: {  	_ =	shalt  }
0x6c: {  	_ =	shalt  }
0x6d: {  	_ =	shalt  }
0x6e: {  	_ =	shalt  }
0x6f: {  	_ =	shalt  }
0x70: {  	_ =	shalt  }
0x71: {  	_ =	shalt  }
0x72: {  	_ =	shalt  }
0x73: {  	_ =	shalt  }
0x74: {  	_ =	shalt  }
0x75: {  	_ =	shalt  }
0x76: {  	_ =	shalt  }
0x77: {  	_ =	shalt  }
0x78: {  	_ =	shalt  }
0x79: {  	_ =	shalt  }
0x7a: {  	_ =	shalt  }
0x7b: {  	_ =	shalt  }
0x7c: {  	_ =	shalt  }
0x7d: {  	_ =	shalt  }
0x7e: {  	_ =	shalt  }
0x7f: {  	_ =	shalt  }
0x80: {  	_ =	shalt  }
0x81: {  	_ =	shalt  }
0x82: {  	_ =	shalt  }
0x83: {  	_ =	shalt  }
0x84: {  	_ =	shalt  }
0x85: {  	_ =	shalt  }
0x86: {  	_ =	shalt  }
0x87: {  	_ =	shalt  }
.Lfunc_end0:
.L_simem_size_0:
called_computation_lowered:
.L_overlay_start_0:
0x88: {  	s0 =	sld [smem:$0x3FD9]  }
0x89: {  	s1 =	sld [smem:$0x3FFE];
	_ =	sdelay $0x3  }
0x8a: {  	s0 =	sadd.s32 s1, s0  }
0x8b: {  	[smem:$0x3FC4] =	sst s0  }
0x8c: {  	_ = 	snop  }
0x8d: {  	(tm) =	ssettm $0x1  }
0x8e: {  	s15 =	sld [smem:$0x3FFB];
	_ =	sdelay $0x3  }
0x8f: {  	_ =	strace s15  }
0x90: {  	s0 =	sld [smem:$0x3FFC];
	_ =	sdelay $0x3  }
0x91: {  	_ =	strace s0  }
0x92: {  	s0 =	sld [smem:$0x3FFD];
	_ =	sdelay $0x3  }
0x93: {  	_ =	strace s0  }
0x94: {  	_ =	strace $0x8FFFFFFF  }
0x95: {  	s16 =	sld [smem:$0x3FDB];
	_ =	sdelay $0x1  }
0x96: {  	s17 =	simm.s32 $_scs_section_size  }
0x97: {  	s2 =	simm.s32 $_size__tile_overlayer_lowered;
	s3 =	simm.s32 $_tile_overlayer_lowered  }
0x98: {  	s20 =	simm.s32 $0x1BFF;
	s19 =	sshll.u32 s3, $0x1;
	s0 =	sadd.s32 s17, s16  }
0x99: {  	s4 =	simm.s32 $0x0;
	s18 =	sshll.u32 s2, $0x1;
	s2 =	sadd.s32 s19, s0  }
0x9a: {  	[timem:s4], [sflag:s20] =	dma.local [hbm:s2], s18  }
0x9b: {  	_ =	swait.ge [sflag:s20], s18  }
0x9c: {  	s1 =	ssub.s32 $0x0, s18;
	[sflag:s20] =	ssyncset.done $0x0  }
0x9d: {  	[sflag:s20] =	ssyncadd.s32 s1;
	_ =	sdelay $0x1  }
0x9e: {  	s21 =	simm.s32 $0x1B8B  }
0x9f: {  	_ =	swait.ge [sflag:s21], $0x1  }
0xa0: {  	[sflag:s21] =	ssyncset.done $0x0  }
0xa1: {  	s23 =	simm.s32 $0x1B8E;
	s22 =	sld [smem:$0x3FFE];
	[sflag:s21] =	ssyncadd.s32 $0xFFFFFFFF  }
0xa2: {  	s24 =	simm.s32 $execute0_lowered;
	[smem:$0x3FD2] =	sst s23  }
0xa3: {  	s2 =	sshll.u32 s24, $0x1;
	_ =	strace $0x80000046;
	[dreg:$0x1] =	wrdreg $0xFFFFFFFF  }
0xa4: {  	s25 =	simm.s32 $_size_execute0_lowered;
	s0 =	sadd.s32 s0, s2;
	[dreg:$0x0] =	wrdreg $0x0  }
0xa5: {  	s2 =	sshll.u32 s25, $0x1;
	[dreg:$0x2] =	wrdreg s0  }
0xa6: {  	[dreg:$0x3] =	wrdreg s2  }
0xa7: {  	[dreg:$0x4] =	wrdreg $0xC0  }
0xa8: {  	_ =	task [dreg:s4], $0x5FFFF  }
0xa9: {  	[dreg:$0x1] =	wrdreg $0xFFFFFFFF  }
0xaa: {  	[dreg:$0x0] =	wrdreg $0x60  }
0xab: {  	[dreg:$0x2] =	wrdreg s22  }
0xac: {  	[dreg:$0x3] =	wrdreg $0x9  }
0xad: {  	_ =	task.clear_ibuf [dreg:s4], $0x4FFFF;
	_ =	strace $0x90000046  }
0xae: {  	s26 =	simm.s32 $0x9;
	_ =	strace $0x80000048  }
0xaf: {  	_ =	swait.ge [sflag:s26], $0x1  }
0xb0: {  	[sflag:s26] =	ssyncadd.s32 $0xFFFFFFFF  }
0xb1: {  	_ =	strace $0x90000048  }
0xb2: {  	_ =	sfence  }
0xb3: {  	s28 =	sld [smem:$0x0];
	_ =	sdelay $0x1  }
0xb4: {  	s29 =	srdreg.scid  }
0xb5: {  	s30 =	sshll.u32 s29, $0xD;
	s31 =	sshrl.u32 s29, $0x2  }
0xb6: {  	s1 =	sand.u32 $0x1, s29;
	s2 =	sand.u32 $0x4000, s30;
	s0 =	sadd.s32 s31, s28  }
0xb7: {  	s1 =	sor.u32 s2, s1;
	s0 =	sshll.u32 s0, $0x11  }
0xb8: {  	s0 =	sor.u32 s0, s1  }
0xb9: {  	s0 =	sadd.s32 $0x8F2B, s0  }
0xba: {  	[sflag:s0] =	ssyncadd.remote.s32 $0x1  }
0xbb: {  	_ =	sfence.sel $0xFFFF  }
0xbc: {  	[dreg:$0x0] =	wrdreg $0xFFFFFFFF;
	(pc) =	sbr.abs _section_cstart, $3  }
0xbd: {  	[dreg:$0x1] =	wrdreg $0xFFFFFFFF  }
0xbe: {  	_ =	task.clear_ibuf [dreg:s4], $0x2FFFF;
	_ =	strace $0x9FFFFFFF  }
0xbf: {  	(tm) =	ssettm $0x7FFFFFFF  }
tec
execute0_lowered:
.L_overlay_start_1:
0x0: {  	(tag) =	ssettag $0x1  }
0x1: {  	s1 =	rddreg [dreg:$0x0];
	s7 =	simm.s32 $0x0;
	v0 =	vlaneseq.u32  }
0x2: {  	s0 =	rddreg [dreg:$0x1];
	s9 =	simm.s32 $0x10;
	v1 =	vor.u32 s7, v0  }
0x3: {  	[smem:$0x7FF] =	sst s7;
	s8 =	sadd.s32 $0xBA00, s1;
	s6 =	sadd.s32 $0x8800, s1;
	v1 =	vand.u32 $0x1FF, v1  }
0x4: {  	s5 =	sadd.s32 $0x5600, s1;
	s4 =	sadd.s32 $0x2400, s1;
	s2 =	sadd.s32 $0xEC00, s1;
	v1 =	vadd.s32 $0x186A0, v1  }
0x5: {  	s3 =	sadd.s32 $0x32400, s1;
	s1 =	stileid.u32;
	_ =	strace $0x80000047;
	[tilespmem:s7+$0x0] =	vst v1  }
.LBB2_1:
0x6: {  	p0 =	sne.s32 s9, $0x1FF0  }
.Ltmp0:
0x7: {  	_ = 	snop;
	(pc) =	sbr.rel @p0 .LBB2_1-.Ltmp0, $4  }
0x8: {  	v1 =	vor.u32 s9, v0  }
0x9: {  	v1 =	vand.u32 $0x1FF, v1  }
0xa: {  	s7 =	sadd.s32 $0x10, s7;
	v1 =	vadd.s32 $0x186A0, v1  }
0xb: {  	s9 =	sadd.s32 $0x10, s9;
	[tilespmem:s7+$0x0] =	vst v1  }
0xc: {  	s7 =	smul.u32 $0x11BF0, s1;
	_ =	sdelay $0x1  }
0xd: {  	s7 =	sshrl.u32 s7, $0x3  }
0xe: {  	s10 =	simm.s32 $0x0;
	s9 =	sadd.s32 s2, s7  }
0xf: {  	[hbm4b:s9+s10] =	stream.linear.scatter [tilespmem:s10], [sflag:$0x1], $0x2000, $0x38;
	[tilespmem:$0xB600] =	vst v63  }
0x10: {  	s7 =	sadd.s32 $0x400, s9  }
0x11: {  	[hbm4b:s7+s10] =	stream.linear.scatter [tilespmem:s10], [sflag:$0x1], $0x2000, $0x38;
	[tilespmem:$0xB600] =	vst v63  }
0x12: {  	s19 =	sadd.s32 $0x800, s9  }
0x13: {  	[hbm4b:s19+s10] =	stream.linear.scatter [tilespmem:s10], [sflag:$0x1], $0x2000, $0x38;
	[tilespmem:$0xB600] =	vst v63  }
0x14: {  	s20 =	sadd.s32 $0xC00, s9  }
0x15: {  	[hbm4b:s20+s10] =	stream.linear.scatter [tilespmem:s10], [sflag:$0x1], $0x2000, $0x38;
	[tilespmem:$0xB600] =	vst v63  }
0x16: {  	s21 =	sadd.s32 $0x1000, s9  }
0x17: {  	[hbm4b:s21+s10] =	stream.linear.scatter [tilespmem:s10], [sflag:$0x1], $0x2000, $0x38;
	[tilespmem:$0xB600] =	vst v63  }
0x18: {  	s22 =	sadd.s32 $0x1400, s9  }
0x19: {  	[hbm4b:s22+s10] =	stream.linear.scatter [tilespmem:s10], [sflag:$0x1], $0x2000, $0x38;
	[tilespmem:$0xB600] =	vst v63  }
0x1a: {  	s23 =	sadd.s32 $0x1800, s9  }
0x1b: {  	[hbm4b:s23+s10] =	stream.linear.scatter [tilespmem:s10], [sflag:$0x1], $0x2000, $0x38;
	[tilespmem:$0xB600] =	vst v63  }
0x1c: {  	s24 =	smul.u32 $0x1900, s1;
	s11 =	sadd.s32 $0x1C00, s9  }
0x1d: {  	[hbm4b:s11+s10] =	stream.linear.scatter [tilespmem:s10], [sflag:$0x1], $0x2000, $0x38;
	[tilespmem:$0xB600] =	vst v63  }
0x1e: {  	s25 =	sshrl.u32 s24, $0x3;
	s9 =	sadd.s32 $0x2000, s9  }
0x1f: {  	[hbm4b:s9+s10] =	stream.linear.scatter [tilespmem:s10], [sflag:$0x1], $0x1BF0, $0x38;
	[tilespmem:$0xB600] =	vst v63  }
0x20: {  	s26 =	simm.s32 $0x2000;
	s28 =	simm.s32 $0x2;
	s8 =	sadd.s32 s8, s25  }
0x21: {  	[tilespmem:s26], [sflag:$0x2] =	stream.linear.gather [hbm4b:s8+s10], $0x1900, $0x38;
	[tilespmem:$0xB600] =	vst v63  }
0x22: {  	_ =	swait.ge [sflag:s28], $0x1900  }
0x23: {  	[sflag:s28] =	ssyncset.done $0x0  }
0x24: {  	s29 =	simm.s32 $0x3900;
	s6 =	sadd.s32 s6, s25;
	[sflag:s28] =	ssyncadd.s32 $0xFFFFE700  }
0x25: {  	[tilespmem:s29], [sflag:$0x2] =	stream.linear.gather [hbm4b:s6+s10], $0x1900, $0x38;
	[tilespmem:$0xB600] =	vst v63  }
0x26: {  	_ =	swait.ge [sflag:s28], $0x1900  }
0x27: {  	[sflag:s28] =	ssyncset.done $0x0  }
0x28: {  	s30 =	simm.s32 $0x5200;
	s5 =	sadd.s32 s5, s25;
	[sflag:s28] =	ssyncadd.s32 $0xFFFFE700  }
0x29: {  	[tilespmem:s30], [sflag:$0x2] =	stream.linear.gather [hbm4b:s5+s10], $0x1900, $0x38;
	[tilespmem:$0xB600] =	vst v63  }
0x2a: {  	_ =	swait.ge [sflag:s28], $0x1900  }
0x2b: {  	[sflag:s28] =	ssyncset.done $0x0  }
0x2c: {  	s31 =	simm.s32 $0x6B00;
	s4 =	sadd.s32 s4, s25;
	[sflag:s28] =	ssyncadd.s32 $0xFFFFE700  }
0x2d: {  	[tilespmem:s31], [sflag:$0x2] =	stream.linear.gather [hbm4b:s4+s10], $0x1900, $0x38;
	[tilespmem:$0xB600] =	vst v63  }
0x2e: {  	_ =	swait.ge [sflag:s28], $0x1900  }
0x2f: {  	[sflag:s28] =	ssyncset.done $0x0  }
0x30: {  	s6 =	simm.s32 $0x0;
	[sflag:s28] =	ssyncadd.s32 $0xFFFFE700  }
0x31: {  	v0 =	vld [tilespmem:s6+$0x2000];
	_ =	sdelay $0x1  }
0x32: {  	v1 =	vld [tilespmem:s6+$0x3900];
	_ =	sdelay $0x2  }
0x33: {  	s4 =	simm.s32 $0x10;
	v2 =	vld [tilespmem:s6+$0x5200];
	v0 =	vmul.u32 $0x42, v0  }
0x34: {  	v3 =	vld [tilespmem:s4+$0x2000]  }
0x35: {  	v0 =	vadd.s32 v1, v0  }
0x36: {  	v0 =	vmul.u32 $0x42, v0  }
0x37: {  	v1 =	vld [tilespmem:s4+$0x3900]  }
0x38: {  	v4 =	vld [tilespmem:s6+$0x6B00];
	v0 =	vadd.s32 v0, v2  }
0x39: {  	v2 =	vmul.u32 $0x42, v3;
	v3 =	vmul.u32 $0x42, v0  }
0x3a: {  	s5 =	simm.s32 $0x20;
	v5 =	vld [tilespmem:s4+$0x5200]  }
0x3b: {  	v0 =	vlaneseq.u32;
	v7 =	vadd.s32 $0x1104, v3;
	v3 =	vld [tilespmem:s5+$0x2000]  }
0x3c: {  	v6 =	vmov s24;
	v2 =	vadd.s32 v1, v2;
	v1 =	vor.u32 s24, v0  }
0x3d: {  	v8 =	vmul.u32 $0x42, v2;
	v2 =	vadd.s32 v7, v4;
	v7 =	vand.u32 $0xFFF, v1;
	v4 =	vld [tilespmem:s5+$0x3900]  }
0x3e: {  	vm0 =	vgt.u32 v6, $0x1869F;
	v9 =	vadd.s32 $0x43, v2;
	v7 =	vadd.s32 $0x119D67, v7;
	v2 =	vld [tilespmem:s4+$0x6B00]  }
0x3f: {  	s7 =	sadd.s32 $0x10, s24;
	s8 =	simm.s32 $0xC0;
	v6 =	vadd.s32 v8, v5;
	v5 =	vsel vm0, v7, v9;
	v7 =	vand.u32 $0x1FF, v1  }
.LBB2_3:
0x40: {  	s9 =	sshra.s32 s8, $0x2;
	p0 =	sne.s32 s8, $0x63C0;
	s8 =	sadd.s32 $0x40, s8;
	v8 =	vld [tilespmem:s5+$0x5200];
	v9 =	vmul.u32 $0x42, v3;
	v6 =	vmul.u32 $0x42, v6;
	v7 =	vadd.s32 $0x186A0, v7;
	[tilespmem:s6+$0x8400] =	vst v5  }
.Ltmp1:
0x41: {  	v5 =	vmov s7;
	v3 =	vld [tilespmem:s9+$0x2000];
	v7 =	vsel vm0, v7, v1;
	(pc) =	sbr.rel @p0 .LBB2_3-.Ltmp1, $4  }
0x42: {  	v1 =	vor.u32 s7, v0;
	v9 =	vadd.s32 v4, v9;
	v6 =	vadd.s32 $0x1104, v6;
	[tilespmem:s6+$0x9D00] =	vst v7;
	s6 =	smov.u32 s4;
	s4 =	smov.u32 s5;
	s5 =	smov.u32 s9  }
0x43: {  	v4 =	vld [tilespmem:s5+$0x3900];
	v7 =	vmul.u32 $0x42, v9;
	v6 =	vadd.s32 v6, v2;
	v9 =	vand.u32 $0xFFF, v1  }
0x44: {  	vm0 =	vgt.u32 v5, $0x1869F;
	v2 =	vld [tilespmem:s4+$0x6B00];
	v10 =	vadd.s32 $0x43, v6;
	v5 =	vadd.s32 $0x119D67, v9  }
0x45: {  	s7 =	sadd.s32 $0x10, s7;
	v6 =	vadd.s32 v7, v8;
	v5 =	vsel vm0, v5, v10;
	v7 =	vand.u32 $0x1FF, v1  }
0x46: {  	v8 =	vld [tilespmem:s5+$0x5200];
	v3 =	vmul.u32 $0x42, v3  }
0x47: {  	v7 =	vadd.s32 $0x186A0, v7;
	v6 =	vmul.u32 $0x42, v6;
	v51 =	vmov s7  }
0x48: {  	[tilespmem:s6+$0x8400] =	vst v5;
	v53 =	vor.u32 s7, v0;
	v1 =	vsel vm0, v7, v1;
	v3 =	vadd.s32 v4, v3  }
0x49: {  	s26 =	sadd.s32 $0x10, s7;
	v54 =	vand.u32 $0xFFF, v53;
	vm14 =	vgt.u32 v51, $0x1869F;
	[tilespmem:s6+$0x9D00] =	vst v1;
	v50 =	vmul.u32 $0x42, v3  }
0x4a: {  	v56 =	vand.u32 $0x1FF, v53;
	v58 =	vmov s26;
	v59 =	vor.u32 s26, v0;
	v5 =	vld [tilespmem:s5+$0x6B00]  }
0x4b: {  	v52 =	vadd.s32 $0x1104, v6;
	v55 =	vadd.s32 $0x119D67, v54;
	v1 =	vadd.s32 v50, v8  }
0x4c: {  	v57 =	vadd.s32 $0x186A0, v56;
	v60 =	vand.u32 $0xFFF, v59;
	v1 =	vmul.u32 $0x42, v1  }
0x4d: {  	vm15 =	vgt.u32 v58, $0x1869F;
	v62 =	vand.u32 $0x1FF, v59;
	v2 =	vadd.s32 v52, v2  }
0x4e: {  	v3 =	vsel vm14, v57, v53;
	v2 =	vadd.s32 $0x43, v2;
	v1 =	vadd.s32 $0x1104, v1  }
0x4f: {  	v63 =	vadd.s32 $0x186A0, v62;
	[tilespmem:s4+$0x9D00] =	vst v3;
	v2 =	vsel vm14, v55, v2;
	v1 =	vadd.s32 v1, v5  }
0x50: {  	s28 =	smul.u32 $0x320, s1;
	v61 =	vadd.s32 $0x119D67, v60;
	v0 =	vsel vm15, v63, v59;
	[tilespmem:s4+$0x8400] =	vst v2;
	v1 =	vadd.s32 $0x43, v1  }
0x51: {  	s29 =	simm.s32 $0x8400;
	[tilespmem:s5+$0x9D00] =	vst v0;
	v1 =	vsel vm15, v61, v1  }
0x52: {  	s30 =	simm.s32 $0x2;
	s4 =	sadd.s32 s3, s28;
	s3 =	simm.s32 $0x0;
	[tilespmem:s5+$0x8400] =	vst v1  }
0x53: {  	[hbm4b:s4+s3] =	stream.linear.scatter [tilespmem:s29], [sflag:$0x2], $0x1900, $0x38;
	[tilespmem:$0xB600] =	vst v63  }
0x54: {  	_ =	swait.ge [sflag:s30], $0x1900  }
0x55: {  	[sflag:s30] =	ssyncset.done $0x0  }
0x56: {  	s31 =	simm.s32 $0x1;
	[sflag:s30] =	ssyncadd.s32 $0xFFFFE700  }
0x57: {  	_ =	swait.ge [sflag:s31], $0x2000  }
0x58: {  	[sflag:s31] =	ssyncset.done $0x0  }
0x59: {  	[sflag:s31] =	ssyncadd.s32 $0xFFFFE000  }
0x5a: {  	_ =	swait.ge [sflag:s31], $0x2000  }
0x5b: {  	[sflag:s31] =	ssyncset.done $0x0  }
0x5c: {  	[sflag:s31] =	ssyncadd.s32 $0xFFFFE000  }
0x5d: {  	_ =	swait.ge [sflag:s31], $0x2000  }
0x5e: {  	[sflag:s31] =	ssyncset.done $0x0  }
0x5f: {  	[sflag:s31] =	ssyncadd.s32 $0xFFFFE000  }
0x60: {  	_ =	swait.ge [sflag:s31], $0x2000  }
0x61: {  	[sflag:s31] =	ssyncset.done $0x0  }
0x62: {  	[sflag:s31] =	ssyncadd.s32 $0xFFFFE000  }
0x63: {  	_ =	swait.ge [sflag:s31], $0x2000  }
0x64: {  	[sflag:s31] =	ssyncset.done $0x0  }
0x65: {  	[sflag:s31] =	ssyncadd.s32 $0xFFFFE000  }
0x66: {  	_ =	swait.ge [sflag:s31], $0x2000  }
0x67: {  	[sflag:s31] =	ssyncset.done $0x0  }
0x68: {  	[sflag:s31] =	ssyncadd.s32 $0xFFFFE000  }
0x69: {  	_ =	swait.ge [sflag:s31], $0x2000  }
0x6a: {  	[sflag:s31] =	ssyncset.done $0x0  }
0x6b: {  	[sflag:s31] =	ssyncadd.s32 $0xFFFFE000  }
0x6c: {  	_ =	swait.ge [sflag:s31], $0x2000  }
0x6d: {  	[sflag:s31] =	ssyncset.done $0x0  }
0x6e: {  	[sflag:s31] =	ssyncadd.s32 $0xFFFFE000  }
0x6f: {  	_ =	swait.ge [sflag:s31], $0x1BF0  }
0x70: {  	[sflag:s31] =	ssyncset.done $0x0  }
0x71: {  	[sflag:s31] =	ssyncadd.s32 $0xFFFFE410  }
0x72: {  	s4 =	simm.s32 $0x80;
	[bflag:$0x0] =	sbarrier.arrive $0xFFFF  }
.LBB2_5:
0x73: {  	p0 =	sne.s32 s3, $0x6200  }
.Ltmp2:
0x74: {  	_ = 	snop;
	(pc) =	sbr.rel @p0 .LBB2_5-.Ltmp2, $4  }
0x75: {  	_ = 	snop  }
0x76: {  	s5 =	sshra.s32 s3, $0x2  }
0x77: {  	s3 =	sadd.s32 $0x200, s3;
	s6 =	sadd.s32 $0x9D00, s5;
	s5 =	sadd.s32 $0x8400, s5  }
0x78: {  	[hbm4b:s2+s4] =	stream.indirect.scatter [tilespmem:s6], [sflag:$0x1], $0x1, s5, s4, $0xb8;
	[tilespmem:$0xB600] =	vst v63  }
0x79: {  	s2 =	simm.s32 $0x1  }
0x7a: {  	_ =	swait.ge [sflag:s2], $0x80  }
0x7b: {  	s3 =	simm.s32 $0x31;
	[sflag:s2] =	ssyncset.done $0x0  }
.LBB2_7:
0x7c: {  	p0 =	sne.s32 s3, $0x1;
	s3 =	sadd.s32 $0xFFFFFFFF, s3;
	[sflag:s2] =	ssyncadd.s32 $0xFFFFFF80  }
.Ltmp3:
0x7d: {  	(pc) =	sbr.rel @p0 .LBB2_7-.Ltmp3, $3  }
0x7e: {  	_ =	sdelay $0x1  }
0x7f: {  	_ =	swait.ge [sflag:s2], $0x80  }
0x80: {  	[sflag:s2] =	ssyncset.done $0x0  }
0x81: {  	[sflag:s2] =	ssyncadd.s32 $0xFFFFFF80  }
0x82: {  	_ =	sfence.sel $0x180000  }
0x83: {  	[bflag:$0x0] =	sbarrier.arrive $0xFFFF  }
0x84: {  	p0 =	sne.s32 s1, $0x0;
	_ =	strace $0x90000047  }
0x85: {  	s0 =	sadd.s32 @!p0 $0x100000, s0;
	[bflag:$0x2] =	sbarrier.arrive $0xFFFF  }
0x86: {  	[sflag:s0] =	ssyncadd.tile.s32 @!p0 $0x1;
	_ =	shalt  }
.Lfunc_end2:
_tile_overlayer_lowered:
.L_overlay_start_2:
0x87: {  	(tag) =	ssettag $0x2  }
0x88: {  	s0 =	rddreg [dreg:$0x0];
	s2 =	stileid.u32  }
0x89: {  	s1 =	rddreg [dreg:$0x1];
	p0 =	sne.s32 s2, $0x0  }
0x8a: {  	s3 =	rddreg [dreg:$0x2];
	[bflag:$0x3] =	sbarrier.arrive $0xFFFF;
	s2 =	simm.s32 @!p0 $0x1C02  }
0x8b: {  	[timem:s3], [sflag:s2] =	dma.local @!p0 [hbm:s0], s1  }
0x8c: {  	s0 =	simm.s32 @!p0 $0x2  }
0x8d: {  	_ =	swait.ge @!p0 [sflag:s0], s1  }
0x8e: {  	s1 =	ssub.s32 @!p0 $0x0, s1;
	[sflag:s0] =	ssyncset.done @!p0 $0x0  }
0x8f: {  	[sflag:s0] =	ssyncadd.s32 @!p0 s1  }
0x90: {  	[bflag:$0x3] =	sbarrier.arrive $0xFFFF  }
0x91: {  	_ =	shalt  }

// kernel: kernel.20.cloned.1.call-start
scs
__scs_entry_jumppad:
0x0: {  	(pc) =	sbr.rel $0x88, $3  }
0x1: {  	(tag) =	ssettag $0x0;
	lr =	simm.s32 $0x1  }
0x2: {  	[smem:$0x3F9D] =	sst lr;
	_ =	strace $0xD0000000  }
0x3: {  	_ = 	snop  }
0x4: {  	_ = 	snop  }
0x5: {  	_ = 	snop  }
0x6: {  	_ = 	snop  }
0x7: {  	_ = 	snop  }
__scs_overlays_trampoline_lowered:
0x8: {  	[smem:$0x3FAC] =	sst s0  }
0x9: {  	[smem:$0x3FAD] =	sst s1  }
0xa: {  	[smem:$0x3FAE] =	sst s2  }
0xb: {  	[smem:$0x3FAF] =	sst s3  }
0xc: {  	[smem:$0x3FB0] =	sst s4  }
0xd: {  	[smem:$0x3FB1] =	sst s5  }
0xe: {  	[smem:$0x3FB2] =	sst s6  }
0xf: {  	[smem:$0x3FB3] =	sst s7  }
0x10: {  	[smem:$0x3FB4] =	sst s8  }
0x11: {  	[smem:$0x3FB5] =	sst s9;
	s0 =	simm.s32 @!p0 $0x0  }
0x12: {  	s1 =	sld [smem:$0x3F9B];
	s0 =	simm.s32 @p0 $0x1  }
0x13: {  	[smem:$0x3FB6] =	sst s0;
	s0 =	simm.s32 @!p1 $0x0  }
0x14: {  	s2 =	sld [smem:$0x3F9A];
	s0 =	simm.s32 @p1 $0x1  }
0x15: {  	[smem:$0x3FB7] =	sst s0;
	s0 =	simm.s32 @!p2 $0x0  }
0x16: {  	s3 =	sld [smem:$0x3FDB];
	s0 =	simm.s32 @p2 $0x1  }
0x17: {  	s4 =	simm.s32 $0x1BF5;
	[smem:$0x3FB9] =	sst s0  }
0x18: {  	s0 =	sld [smem:$0x3F9C];
	_ =	swait.ge [sflag:s4], $0x0  }
0x19: {  	s7 =	sld [smem:$0x3F9D]  }
0x1a: {  	s8 =	sadd.s32 $0xFFFFE003, lr  }
0x1b: {  	s9 =	sadd.s32 $0xFFFFFEF7, lr;
	s5 =	simm.s32 $0xFFFFFFFF;
	p2 =	slt.u32 s8, $0xFFFFF086  }
0x1c: {  	p1 =	slt.u32 s9, $0xF7A;
	s5 =	simm.s32 @!p2 $0x0  }
0x1d: {  	s5 =	simm.s32 @p1 $0x1;
	p0 =	seq.s32 s7, s2  }
0x1e: {  	s7 =	smul.u32 @!p0 $0xF7A, s2;
	p2 =	seq.s32 @!p0 s5, $0x0  }
0x1f: {  	s9 =	smul.u32 $0xF7A, s1;
	s8 =	simm.s32 @!p0 $0x1BF5;
	p2 =	por !p2, p0  }
0x20: {  	[sflag:s8] =	ssyncset.s32 @!p0 $0xFFFFF086;
	s6 =	sadd.s32 @!p0 s3, s7;
	s7 =	simm.s32 @!p0 $0x108  }
0x21: {  	s3 =	sadd.s32 s3, s9;
	s6 =	sadd.s32 @!p0 $0x88, s6;
	s7 =	simm.s32 @p2 $0x1082  }
0x22: {  	[simem:s7], [sflag:s8] =	dma.local @!p0 [hbm:s6], $0xF7A  }
0x23: {  	s9 =	sor.u32 $0xD0000000, s2;
	s6 =	simm.s32 $0x108;
	_ =	swait.ge @!p0 [sflag:s8], $0x0  }
0x24: {  	s3 =	sadd.s32 $0x88, s3;
	s6 =	simm.s32 @!p1 $0x1082;
	[sflag:s4] =	ssyncset.s32 $0xFFFFF086  }
0x25: {  	[simem:s6], [sflag:s4] =	dma.local [hbm:s3], $0xF7A  }
0x26: {  	[smem:$0x3F9D] =	sst s1;
	(tag) =	ssettag s2;
	_ =	strace s9  }
0x27: {  	s1 =	sld [smem:$0x3FAD]  }
0x28: {  	s2 =	sld [smem:$0x3FAE]  }
0x29: {  	s4 =	sld [smem:$0x3FB0]  }
0x2a: {  	p0 =	seq.s32 s5, $0x0;
	s5 =	sld [smem:$0x3FB1]  }
0x2b: {  	s6 =	sld [smem:$0x3FB2]  }
0x2c: {  	s7 =	sld [smem:$0x3FB3]  }
0x2d: {  	s3 =	simm.s32 $0x108;
	s8 =	sld [smem:$0x3FB4]  }
0x2e: {  	s3 =	simm.s32 @!p0 $0x1082;
	s9 =	sld [smem:$0x3FB5]  }
0x2f: {  	lr =	sadd.s32 s0, s3;
	s0 =	sld [smem:$0x3FAC]  }
0x30: {  	s3 =	sld [smem:$0x3FAF]  }
0x31: {  	[smem:$0x3FB8] =	sst s10  }
0x32: {  	s10 =	sld [smem:$0x3FB6];
	_ =	sdelay $0x3  }
0x33: {  	p0 =	seq.s32 s10, $0x1;
	s10 =	sld [smem:$0x3FB8];
	_ =	sdelay $0x3  }
0x34: {  	[smem:$0x3FB8] =	sst s10  }
0x35: {  	s10 =	sld [smem:$0x3FB7];
	_ =	sdelay $0x3  }
0x36: {  	p1 =	seq.s32 s10, $0x1;
	s10 =	sld [smem:$0x3FB8];
	_ =	sdelay $0x3  }
0x37: {  	[smem:$0x3FB8] =	sst s10  }
0x38: {  	s10 =	sld [smem:$0x3FB9]  }
0x39: {  	_ = 	snop;
	(pc) =	sbr.ind lr, $3  }
0x3a: {  	_ = 	snop  }
0x3b: {  	_ = 	snop  }
0x3c: {  	p2 =	seq.s32 s10, $0x1;
	s10 =	sld [smem:$0x3FB8]  }
0x3d: {  	_ =	shalt  }
0x3e: {  	_ =	shalt  }
0x3f: {  	_ =	shalt  }
0x40: {  	_ =	shalt  }
0x41: {  	_ =	shalt  }
0x42: {  	_ =	shalt  }
0x43: {  	_ =	shalt  }
0x44: {  	_ =	shalt  }
0x45: {  	_ =	shalt  }
0x46: {  	_ =	shalt  }
0x47: {  	_ =	shalt  }
0x48: {  	_ =	shalt  }
0x49: {  	_ =	shalt  }
0x4a: {  	_ =	shalt  }
0x4b: {  	_ =	shalt  }
0x4c: {  	_ =	shalt  }
0x4d: {  	_ =	shalt  }
0x4e: {  	_ =	shalt  }
0x4f: {  	_ =	shalt  }
0x50: {  	_ =	shalt  }
0x51: {  	_ =	shalt  }
0x52: {  	_ =	shalt  }
0x53: {  	_ =	shalt  }
0x54: {  	_ =	shalt  }
0x55: {  	_ =	shalt  }
0x56: {  	_ =	shalt  }
0x57: {  	_ =	shalt  }
0x58: {  	_ =	shalt  }
0x59: {  	_ =	shalt  }
0x5a: {  	_ =	shalt  }
0x5b: {  	_ =	shalt  }
0x5c: {  	_ =	shalt  }
0x5d: {  	_ =	shalt  }
0x5e: {  	_ =	shalt  }
0x5f: {  	_ =	shalt  }
0x60: {  	_ =	shalt  }
0x61: {  	_ =	shalt  }
0x62: {  	_ =	shalt  }
0x63: {  	_ =	shalt  }
0x64: {  	_ =	shalt  }
0x65: {  	_ =	shalt  }
0x66: {  	_ =	shalt  }
0x67: {  	_ =	shalt  }
0x68: {  	_ =	shalt  }
0x69: {  	_ =	shalt  }
0x6a: {  	_ =	shalt  }
0x6b: {  	_ =	shalt  }
0x6c: {  	_ =	shalt  }
0x6d: {  	_ =	shalt  }
0x6e: {  	_ =	shalt  }
0x6f: {  	_ =	shalt  }
0x70: {  	_ =	shalt  }
0x71: {  	_ =	shalt  }
0x72: {  	_ =	shalt  }
0x73: {  	_ =	shalt  }
0x74: {  	_ =	shalt  }
0x75: {  	_ =	shalt  }
0x76: {  	_ =	shalt  }
0x77: {  	_ =	shalt  }
0x78: {  	_ =	shalt  }
0x79: {  	_ =	shalt  }
0x7a: {  	_ =	shalt  }
0x7b: {  	_ =	shalt  }
0x7c: {  	_ =	shalt  }
0x7d: {  	_ =	shalt  }
0x7e: {  	_ =	shalt  }
0x7f: {  	_ =	shalt  }
0x80: {  	_ =	shalt  }
0x81: {  	_ =	shalt  }
0x82: {  	_ =	shalt  }
0x83: {  	_ =	shalt  }
0x84: {  	_ =	shalt  }
0x85: {  	_ =	shalt  }
0x86: {  	_ =	shalt  }
0x87: {  	_ =	shalt  }
.Lfunc_end0:
.L_simem_size_0:
called_computation.1_lowered:
.L_overlay_start_0:
0x88: {  	s2 =	sld [smem:$0x3FD9]  }
0x89: {  	s3 =	sld [smem:$0x3FFE];
	_ =	sdelay $0x1  }
0x8a: {  	s1 =	srdreg.scid  }
0x8b: {  	s0 =	sand.u32 $0x1, s1  }
0x8c: {  	s17 =	sshll.u32 s0, $0xA;
	s2 =	sadd.s32 s3, s2  }
0x8d: {  	s2 =	sadd.s32 s2, s17  }
0x8e: {  	[smem:$0x3FC4] =	sst s2  }
0x8f: {  	_ = 	snop  }
0x90: {  	s2 =	sld [smem:$0x3FD0];
	(tm) =	ssettm $0x1  }
0x91: {  	s18 =	sld [smem:$0x3FFB];
	_ =	sdelay $0x3  }
0x92: {  	_ =	strace s18  }
0x93: {  	s3 =	sld [smem:$0x3FFC];
	_ =	sdelay $0x3  }
0x94: {  	_ =	strace s3  }
0x95: {  	s3 =	sld [smem:$0x3FFD];
	_ =	sdelay $0x3  }
0x96: {  	_ =	strace s3  }
0x97: {  	_ =	strace $0x8FFFFFFF  }
0x98: {  	s19 =	sld [smem:$0x3FDB];
	_ =	sdelay $0x1  }
0x99: {  	s4 =	simm.s32 $_scs_section_size  }
0x9a: {  	s5 =	simm.s32 $_size__tile_overlayer_lowered;
	s6 =	simm.s32 $_tile_overlayer_lowered  }
0x9b: {  	s22 =	simm.s32 $0x1BFF;
	s21 =	sshll.u32 s6, $0x1;
	s3 =	sadd.s32 s4, s19  }
0x9c: {  	s7 =	simm.s32 $0x0;
	s20 =	sshll.u32 s5, $0x1;
	s5 =	sadd.s32 s21, s3  }
0x9d: {  	[timem:s7], [sflag:s22] =	dma.local [hbm:s5], s20  }
0x9e: {  	_ =	swait.ge [sflag:s22], s20  }
0x9f: {  	s4 =	ssub.s32 $0x0, s20;
	[sflag:s22] =	ssyncset.done $0x0  }
0xa0: {  	[sflag:s22] =	ssyncadd.s32 s4;
	_ =	sdelay $0x1  }
0xa1: {  	s23 =	simm.s32 $0x1B8B  }
0xa2: {  	_ =	swait.ge [sflag:s23], $0x1  }
0xa3: {  	[sflag:s23] =	ssyncset.done $0x0  }
0xa4: {  	s25 =	simm.s32 $0x1B8E;
	s24 =	sld [smem:$0x3FFE];
	[sflag:s23] =	ssyncadd.s32 $0xFFFFFFFF  }
0xa5: {  	s26 =	simm.s32 $execute0_lowered;
	[smem:$0x3FD2] =	sst s25  }
0xa6: {  	s5 =	sshll.u32 s26, $0x1;
	_ =	strace $0x80000049;
	[dreg:$0x1] =	wrdreg $0xFFFFFFFF  }
0xa7: {  	s28 =	simm.s32 $_size_execute0_lowered;
	s3 =	sadd.s32 s3, s5;
	[dreg:$0x0] =	wrdreg $0x0  }
0xa8: {  	s5 =	sshll.u32 s28, $0x1;
	[dreg:$0x2] =	wrdreg s3  }
0xa9: {  	[dreg:$0x3] =	wrdreg s5  }
0xaa: {  	[dreg:$0x4] =	wrdreg $0xC0  }
0xab: {  	_ =	task [dreg:s7], $0x5FFFF  }
0xac: {  	[dreg:$0x1] =	wrdreg $0xFFFFFFFF  }
0xad: {  	[dreg:$0x0] =	wrdreg $0x60  }
0xae: {  	[dreg:$0x2] =	wrdreg s24  }
0xaf: {  	[dreg:$0x3] =	wrdreg s2  }
0xb0: {  	[dreg:$0x4] =	wrdreg $0x9  }
0xb1: {  	_ =	task.clear_ibuf [dreg:s7], $0x5FFFF;
	_ =	strace $0x90000049  }
0xb2: {  	s29 =	simm.s32 $0x9;
	_ =	strace $0x8000004B  }
0xb3: {  	_ =	swait.ge [sflag:s29], $0x1  }
0xb4: {  	[sflag:s29] =	ssyncadd.s32 $0xFFFFFFFF  }
0xb5: {  	_ =	strace $0x9000004B  }
0xb6: {  	_ =	sfence  }
0xb7: {  	s30 =	sld [smem:$0x0];
	_ =	sdelay $0x2  }
0xb8: {  	s31 =	sshll.u32 s1, $0xD;
	s1 =	sshrl.u32 s1, $0x2  }
0xb9: {  	s3 =	sand.u32 $0x4000, s31;
	s1 =	sadd.s32 s1, s30  }
0xba: {  	s0 =	sor.u32 s3, s0;
	s1 =	sshll.u32 s1, $0x11  }
0xbb: {  	s0 =	sor.u32 s1, s0  }
0xbc: {  	s0 =	sadd.s32 $0x8F2B, s0  }
0xbd: {  	[sflag:s0] =	ssyncadd.remote.s32 $0x1  }
0xbe: {  	_ =	sfence.sel $0xFFFF  }
0xbf: {  	[dreg:$0x0] =	wrdreg $0xFFFFFFFF;
	(pc) =	sbr.abs _section_cstart, $3  }
0xc0: {  	[dreg:$0x1] =	wrdreg $0xFFFFFFFF  }
0xc1: {  	_ =	task.clear_ibuf [dreg:s7], $0x2FFFF;
	_ =	strace $0x9FFFFFFF  }
0xc2: {  	(tm) =	ssettm $0x7FFFFFFF  }
0xc3: {  	_ =	shalt  }
tec
execute0_lowered:
.L_overlay_start_1:
0x0: {  	(tag) =	ssettag $0x1  }
0x1: {  	s0 =	rddreg [dreg:$0x0];
	s1 =	srdreg.scid  }
0x2: {  	s3 =	stileid.u32;
	s2 =	rddreg [dreg:$0x1];
	s4 =	simm.s32 $0x0  }
0x3: {  	s10 =	simm.s32 $0x80;
	s20 =	simm.s32 $0x1A00;
	s22 =	simm.s32 $0x1A80  }
0x4: {  	s29 =	simm.s32 $0x1C00;
	s31 =	simm.s32 $0x1C80;
	s11 =	simm.s32 $0x1E00  }
0x5: {  	s15 =	simm.s32 $0x1E80;
	s19 =	simm.s32 $0x1F00;
	s23 =	simm.s32 $0x1F80  }
0x6: {  	s28 =	simm.s32 $0x2000;
	s8 =	simm.s32 $0x2100;
	s17 =	simm.s32 $0x2180  }
0x7: {  	s21 =	simm.s32 $0x2300;
	s13 =	simm.s32 $0x2380;
	s30 =	simm.s32 $0x2400  }
0x8: {  	s7 =	simm.s32 $0x2480;
	s1 =	sand.u32 $0x1, s1;
	s3 =	sshll.u32 s3, $0x1  }
0x9: {  	s9 =	simm.s32 $0x2500;
	[smem:$0x7FF] =	sst s4;
	s3 =	sor.u32 s1, s3  }
0xa: {  	s4 =	sadd.s32 $0xEC00, s0;
	s1 =	ssub.s32 $0x2, s1;
	s5 =	smul.u32 $0x190, s3  }
0xb: {  	_ =	strace $0x8000004A;
	s6 =	sshrl.u32 s1, $0x1;
	s26 =	smul.u32 $0x64000, s3  }
0xc: {  	s24 =	ssub.s32 s1, s6;
	s6 =	simm.s32 $0x1D80;
	s5 =	sadd.s32 s5, s0  }
0xd: {  	s0 =	sadd.s32 $0x35600, s0;
	[dreg:$0x5] =	wrdreg s26;
	s26 =	simm.s32 $0x1B80  }
0xe: {  	[dreg:$0x3] =	wrdreg s0;
	s25 =	sadd.s32 $0x32400, s5;
	s0 =	smax.u32 s24, $0x1  }
0xf: {  	s5 =	simm.s32 $0x1;
	s24 =	simm.s32 $0x1B00;
	[dreg:$0x4] =	wrdreg s25  }
0x10: {  	[dreg:$0x6] =	wrdreg s0;
	s0 =	simm.s32 $0x0;
	s25 =	simm.s32 $0x2200  }
.LBB2_1:
0x11: {  	[dreg:$0x7] =	wrdreg s0  }
0x12: {  	s12 =	simm.s32 $0x0;
	s14 =	rddreg [dreg:$0x4];
	s18 =	simm.s32 $0x2  }
0x13: {  	[tilespmem:s12], [sflag:$0x2] =	stream.linear.gather [hbm4b:s14+s12], $0xC80, $0x38;
	[tilespmem:$0xED80] =	vst v63  }
0x14: {  	_ =	swait.ge [sflag:s18], $0xC80  }
0x15: {  	[sflag:s18] =	ssyncset.done $0x0  }
0x16: {  	s12 =	simm.s32 $0x0;
	[sflag:s18] =	ssyncadd.s32 $0xFFFFF380  }
.LBB2_2:
0x17: {  	p0 =	seq.s32 s12, $0x3;
	s16 =	sadd.s32 $0xFFFFEEB9, s12  }
0x18: {  	s14 =	simm.s32 $0x0;
	s16 =	simm.s32 @p0 $0xFFFFEEFB  }
0x19: {  	v1 =	vld [tilespmem:s14+$0x0];
	v0 =	vmov s16;
	s16 =	simm.s32 $0x40  }
.LBB2_3:
0x1a: {  	p0 =	sne.s32 s16, $0x31C0  }
.Ltmp0:
0x1b: {  	_ = 	snop;
	(pc) =	sbr.rel @p0 .LBB2_3-.Ltmp0, $3  }
0x1c: {  	_ =	sdelay $0x1  }
0x1d: {  	s18 =	sshra.s32 s16, $0x2;
	s16 =	sadd.s32 $0x40, s16;
	v2 =	vadd.s32 v0, v1  }
0x1e: {  	v1 =	vld [tilespmem:s18+$0x0];
	[tilespmem:s14+$0xC80] =	vst v2;
	s14 =	smov.u32 s18  }
0x1f: {  	_ =	sdelay $0x3  }
0x20: {  	v0 =	vadd.s32 v0, v1  }
0x21: {  	s18 =	simm.s32 $0xC80;
	s16 =	simm.s32 $0x1900;
	[tilespmem:s14+$0xC80] =	vst v0  }
0x22: {  	[tilespmem:s16], [sflag:$0x1] =	stream.indirect.gather [hbm4b:s4+s10], $0x1, s18, s10, $0xb8;
	[tilespmem:$0xED80] =	vst v63  }
0x23: {  	s0 =	simm.s32 $0xD00;
	s18 =	simm.s32 $0x1980  }
0x24: {  	[tilespmem:s18], [sflag:$0x1] =	stream.indirect.gather [hbm4b:s4+s10], $0x1, s0, s10, $0xb8;
	[tilespmem:$0xED80] =	vst v63  }
0x25: {  	s1 =	simm.s32 $0xD80  }
0x26: {  	[tilespmem:s20], [sflag:$0x1] =	stream.indirect.gather [hbm4b:s4+s10], $0x1, s1, s10, $0xb8;
	[tilespmem:$0xED80] =	vst v63  }
0x27: {  	s3 =	simm.s32 $0xE00  }
0x28: {  	[tilespmem:s22], [sflag:$0x1] =	stream.indirect.gather [hbm4b:s4+s10], $0x1, s3, s10, $0xb8;
	[tilespmem:$0xED80] =	vst v63  }
0x29: {  	s0 =	simm.s32 $0xE80  }
0x2a: {  	[tilespmem:s24], [sflag:$0x1] =	stream.indirect.gather [hbm4b:s4+s10], $0x1, s0, s10, $0xb8;
	[tilespmem:$0xED80] =	vst v63  }
0x2b: {  	s1 =	simm.s32 $0xF00  }
0x2c: {  	[tilespmem:s26], [sflag:$0x1] =	stream.indirect.gather [hbm4b:s4+s10], $0x1, s1, s10, $0xb8;
	[tilespmem:$0xED80] =	vst v63  }
0x2d: {  	s3 =	simm.s32 $0xF80  }
0x2e: {  	[tilespmem:s29], [sflag:$0x1] =	stream.indirect.gather [hbm4b:s4+s10], $0x1, s3, s10, $0xb8;
	[tilespmem:$0xED80] =	vst v63  }
0x2f: {  	s0 =	simm.s32 $0x1000  }
0x30: {  	[tilespmem:s31], [sflag:$0x1] =	stream.indirect.gather [hbm4b:s4+s10], $0x1, s0, s10, $0xb8;
	[tilespmem:$0xED80] =	vst v63  }
0x31: {  	s1 =	simm.s32 $0x1080;
	s0 =	simm.s32 $0x1D00  }
0x32: {  	[tilespmem:s0], [sflag:$0x1] =	stream.indirect.gather [hbm4b:s4+s10], $0x1, s1, s10, $0xb8;
	[tilespmem:$0xED80] =	vst v63  }
0x33: {  	s3 =	simm.s32 $0x1100  }
0x34: {  	[tilespmem:s6], [sflag:$0x1] =	stream.indirect.gather [hbm4b:s4+s10], $0x1, s3, s10, $0xb8;
	[tilespmem:$0xED80] =	vst v63  }
0x35: {  	s1 =	simm.s32 $0x1180  }
0x36: {  	[tilespmem:s11], [sflag:$0x1] =	stream.indirect.gather [hbm4b:s4+s10], $0x1, s1, s10, $0xb8;
	[tilespmem:$0xED80] =	vst v63  }
0x37: {  	s3 =	simm.s32 $0x1200  }
0x38: {  	[tilespmem:s15], [sflag:$0x1] =	stream.indirect.gather [hbm4b:s4+s10], $0x1, s3, s10, $0xb8;
	[tilespmem:$0xED80] =	vst v63  }
0x39: {  	s1 =	simm.s32 $0x1280  }
0x3a: {  	[tilespmem:s19], [sflag:$0x1] =	stream.indirect.gather [hbm4b:s4+s10], $0x1, s1, s10, $0xb8;
	[tilespmem:$0xED80] =	vst v63  }
0x3b: {  	s3 =	simm.s32 $0x1300  }
0x3c: {  	[tilespmem:s23], [sflag:$0x1] =	stream.indirect.gather [hbm4b:s4+s10], $0x1, s3, s10, $0xb8;
	[tilespmem:$0xED80] =	vst v63  }
0x3d: {  	s1 =	simm.s32 $0x1380  }
0x3e: {  	[tilespmem:s28], [sflag:$0x1] =	stream.indirect.gather [hbm4b:s4+s10], $0x1, s1, s10, $0xb8;
	[tilespmem:$0xED80] =	vst v63  }
0x3f: {  	s3 =	simm.s32 $0x1400;
	s1 =	simm.s32 $0x2080  }
0x40: {  	[tilespmem:s1], [sflag:$0x1] =	stream.indirect.gather [hbm4b:s4+s10], $0x1, s3, s10, $0xb8;
	[tilespmem:$0xED80] =	vst v63  }
0x41: {  	s3 =	simm.s32 $0x1480  }
0x42: {  	[tilespmem:s8], [sflag:$0x1] =	stream.indirect.gather [hbm4b:s4+s10], $0x1, s3, s10, $0xb8;
	[tilespmem:$0xED80] =	vst v63  }
0x43: {  	s3 =	simm.s32 $0x1500  }
0x44: {  	[tilespmem:s17], [sflag:$0x1] =	stream.indirect.gather [hbm4b:s4+s10], $0x1, s3, s10, $0xb8;
	[tilespmem:$0xED80] =	vst v63  }
0x45: {  	s3 =	simm.s32 $0x1580  }
0x46: {  	[tilespmem:s25], [sflag:$0x1] =	stream.indirect.gather [hbm4b:s4+s10], $0x1, s3, s10, $0xb8;
	[tilespmem:$0xED80] =	vst v63  }
0x47: {  	s14 =	simm.s32 $0x1600;
	s3 =	simm.s32 $0x2280  }
0x48: {  	[tilespmem:s3], [sflag:$0x1] =	stream.indirect.gather [hbm4b:s4+s10], $0x1, s14, s10, $0xb8;
	[tilespmem:$0xED80] =	vst v63  }
0x49: {  	s14 =	simm.s32 $0x1680  }
0x4a: {  	[tilespmem:s21], [sflag:$0x1] =	stream.indirect.gather [hbm4b:s4+s10], $0x1, s14, s10, $0xb8;
	[tilespmem:$0xED80] =	vst v63  }
0x4b: {  	s14 =	simm.s32 $0x1700  }
0x4c: {  	[tilespmem:s13], [sflag:$0x1] =	stream.indirect.gather [hbm4b:s4+s10], $0x1, s14, s10, $0xb8;
	[tilespmem:$0xED80] =	vst v63  }
0x4d: {  	s14 =	simm.s32 $0x1780  }
0x4e: {  	[tilespmem:s30], [sflag:$0x1] =	stream.indirect.gather [hbm4b:s4+s10], $0x1, s14, s10, $0xb8;
	[tilespmem:$0xED80] =	vst v63  }
0x4f: {  	s14 =	simm.s32 $0x1800  }
0x50: {  	[tilespmem:s7], [sflag:$0x1] =	stream.indirect.gather [hbm4b:s4+s10], $0x1, s14, s10, $0xb8;
	[tilespmem:$0xED80] =	vst v63  }
0x51: {  	s14 =	simm.s32 $0x1880  }
0x52: {  	[tilespmem:s9], [sflag:$0x1] =	stream.indirect.gather [hbm4b:s4+s10], $0x1, s14, s10, $0xb8;
	[tilespmem:$0xED80] =	vst v63  }
0x53: {  	_ =	swait.ge [sflag:s5], $0x80  }
0x54: {  	[sflag:s5] =	ssyncset.done $0x0  }
0x55: {  	[sflag:s5] =	ssyncadd.s32 $0xFFFFFF80  }
0x56: {  	_ =	swait.ge [sflag:s5], $0x80  }
0x57: {  	[sflag:s5] =	ssyncset.done $0x0  }
0x58: {  	[sflag:s5] =	ssyncadd.s32 $0xFFFFFF80  }
0x59: {  	_ =	swait.ge [sflag:s5], $0x80  }
0x5a: {  	[sflag:s5] =	ssyncset.done $0x0  }
0x5b: {  	[sflag:s5] =	ssyncadd.s32 $0xFFFFFF80  }
0x5c: {  	_ =	swait.ge [sflag:s5], $0x80  }
0x5d: {  	[sflag:s5] =	ssyncset.done $0x0  }
0x5e: {  	[sflag:s5] =	ssyncadd.s32 $0xFFFFFF80  }
0x5f: {  	_ =	swait.ge [sflag:s5], $0x80  }
0x60: {  	[sflag:s5] =	ssyncset.done $0x0  }
0x61: {  	[sflag:s5] =	ssyncadd.s32 $0xFFFFFF80  }
0x62: {  	_ =	swait.ge [sflag:s5], $0x80  }
0x63: {  	[sflag:s5] =	ssyncset.done $0x0  }
0x64: {  	[sflag:s5] =	ssyncadd.s32 $0xFFFFFF80  }
0x65: {  	_ =	swait.ge [sflag:s5], $0x80  }
0x66: {  	[sflag:s5] =	ssyncset.done $0x0  }
0x67: {  	[sflag:s5] =	ssyncadd.s32 $0xFFFFFF80  }
0x68: {  	_ =	swait.ge [sflag:s5], $0x80  }
0x69: {  	[sflag:s5] =	ssyncset.done $0x0  }
0x6a: {  	[sflag:s5] =	ssyncadd.s32 $0xFFFFFF80  }
0x6b: {  	_ =	swait.ge [sflag:s5], $0x80  }
0x6c: {  	[sflag:s5] =	ssyncset.done $0x0  }
0x6d: {  	[sflag:s5] =	ssyncadd.s32 $0xFFFFFF80  }
0x6e: {  	_ =	swait.ge [sflag:s5], $0x80  }
0x6f: {  	[sflag:s5] =	ssyncset.done $0x0  }
0x70: {  	[sflag:s5] =	ssyncadd.s32 $0xFFFFFF80  }
0x71: {  	_ =	swait.ge [sflag:s5], $0x80  }
0x72: {  	[sflag:s5] =	ssyncset.done $0x0  }
0x73: {  	[sflag:s5] =	ssyncadd.s32 $0xFFFFFF80  }
0x74: {  	_ =	swait.ge [sflag:s5], $0x80  }
0x75: {  	[sflag:s5] =	ssyncset.done $0x0  }
0x76: {  	[sflag:s5] =	ssyncadd.s32 $0xFFFFFF80  }
0x77: {  	_ =	swait.ge [sflag:s5], $0x80  }
0x78: {  	[sflag:s5] =	ssyncset.done $0x0  }
0x79: {  	[sflag:s5] =	ssyncadd.s32 $0xFFFFFF80  }
0x7a: {  	_ =	swait.ge [sflag:s5], $0x80  }
0x7b: {  	[sflag:s5] =	ssyncset.done $0x0  }
0x7c: {  	[sflag:s5] =	ssyncadd.s32 $0xFFFFFF80  }
0x7d: {  	_ =	swait.ge [sflag:s5], $0x80  }
0x7e: {  	[sflag:s5] =	ssyncset.done $0x0  }
0x7f: {  	[sflag:s5] =	ssyncadd.s32 $0xFFFFFF80  }
0x80: {  	_ =	swait.ge [sflag:s5], $0x80  }
0x81: {  	[sflag:s5] =	ssyncset.done $0x0  }
0x82: {  	[sflag:s5] =	ssyncadd.s32 $0xFFFFFF80  }
0x83: {  	_ =	swait.ge [sflag:s5], $0x80  }
0x84: {  	[sflag:s5] =	ssyncset.done $0x0  }
0x85: {  	[sflag:s5] =	ssyncadd.s32 $0xFFFFFF80  }
0x86: {  	_ =	swait.ge [sflag:s5], $0x80  }
0x87: {  	[sflag:s5] =	ssyncset.done $0x0  }
0x88: {  	[sflag:s5] =	ssyncadd.s32 $0xFFFFFF80  }
0x89: {  	_ =	swait.ge [sflag:s5], $0x80  }
0x8a: {  	[sflag:s5] =	ssyncset.done $0x0  }
0x8b: {  	[sflag:s5] =	ssyncadd.s32 $0xFFFFFF80  }
0x8c: {  	_ =	swait.ge [sflag:s5], $0x80  }
0x8d: {  	[sflag:s5] =	ssyncset.done $0x0  }
0x8e: {  	[sflag:s5] =	ssyncadd.s32 $0xFFFFFF80  }
0x8f: {  	_ =	swait.ge [sflag:s5], $0x80  }
0x90: {  	[sflag:s5] =	ssyncset.done $0x0  }
0x91: {  	[sflag:s5] =	ssyncadd.s32 $0xFFFFFF80  }
0x92: {  	_ =	swait.ge [sflag:s5], $0x80  }
0x93: {  	[sflag:s5] =	ssyncset.done $0x0  }
0x94: {  	[sflag:s5] =	ssyncadd.s32 $0xFFFFFF80  }
0x95: {  	_ =	swait.ge [sflag:s5], $0x80  }
0x96: {  	[sflag:s5] =	ssyncset.done $0x0  }
0x97: {  	[sflag:s5] =	ssyncadd.s32 $0xFFFFFF80  }
0x98: {  	_ =	swait.ge [sflag:s5], $0x80  }
0x99: {  	[sflag:s5] =	ssyncset.done $0x0  }
0x9a: {  	[sflag:s5] =	ssyncadd.s32 $0xFFFFFF80  }
0x9b: {  	_ =	swait.ge [sflag:s5], $0x80  }
0x9c: {  	[sflag:s5] =	ssyncset.done $0x0  }
0x9d: {  	s14 =	simm.s32 $0x2580;
	[sflag:s5] =	ssyncadd.s32 $0xFFFFFF80  }
0x9e: {  	[tilespmem:s14], [sflag:$0x1] =	stream.indirect.gather [hbm4b:s2+s10], $0x10, s16, s10, $0xb8;
	[tilespmem:$0xED80] =	vst v63  }
0x9f: {  	s16 =	simm.s32 $0x2D80  }
0xa0: {  	[tilespmem:s16], [sflag:$0x1] =	stream.indirect.gather [hbm4b:s2+s10], $0x10, s18, s10, $0xb8;
	[tilespmem:$0xED80] =	vst v63  }
0xa1: {  	s18 =	simm.s32 $0x3580  }
0xa2: {  	[tilespmem:s18], [sflag:$0x1] =	stream.indirect.gather [hbm4b:s2+s10], $0x10, s20, s10, $0xb8;
	[tilespmem:$0xED80] =	vst v63  }
0xa3: {  	s16 =	simm.s32 $0x3D80  }
0xa4: {  	[tilespmem:s16], [sflag:$0x1] =	stream.indirect.gather [hbm4b:s2+s10], $0x10, s22, s10, $0xb8;
	[tilespmem:$0xED80] =	vst v63  }
0xa5: {  	s18 =	simm.s32 $0x4580  }
0xa6: {  	[tilespmem:s18], [sflag:$0x1] =	stream.indirect.gather [hbm4b:s2+s10], $0x10, s24, s10, $0xb8;
	[tilespmem:$0xED80] =	vst v63  }
0xa7: {  	s16 =	simm.s32 $0x4D80  }
0xa8: {  	[tilespmem:s16], [sflag:$0x1] =	stream.indirect.gather [hbm4b:s2+s10], $0x10, s26, s10, $0xb8;
	[tilespmem:$0xED80] =	vst v63  }
0xa9: {  	s18 =	simm.s32 $0x5580  }
0xaa: {  	[tilespmem:s18], [sflag:$0x1] =	stream.indirect.gather [hbm4b:s2+s10], $0x10, s29, s10, $0xb8;
	[tilespmem:$0xED80] =	vst v63  }
0xab: {  	s16 =	simm.s32 $0x5D80  }
0xac: {  	[tilespmem:s16], [sflag:$0x1] =	stream.indirect.gather [hbm4b:s2+s10], $0x10, s31, s10, $0xb8;
	[tilespmem:$0xED80] =	vst v63  }
0xad: {  	s18 =	simm.s32 $0x6580  }
0xae: {  	[tilespmem:s18], [sflag:$0x1] =	stream.indirect.gather [hbm4b:s2+s10], $0x10, s0, s10, $0xb8;
	[tilespmem:$0xED80] =	vst v63  }
0xaf: {  	s14 =	simm.s32 $0x6D80  }
0xb0: {  	[tilespmem:s14], [sflag:$0x1] =	stream.indirect.gather [hbm4b:s2+s10], $0x10, s6, s10, $0xb8;
	[tilespmem:$0xED80] =	vst v63  }
0xb1: {  	s16 =	simm.s32 $0x7580  }
0xb2: {  	[tilespmem:s16], [sflag:$0x1] =	stream.indirect.gather [hbm4b:s2+s10], $0x10, s11, s10, $0xb8;
	[tilespmem:$0xED80] =	vst v63  }
0xb3: {  	s18 =	simm.s32 $0x7D80  }
0xb4: {  	[tilespmem:s18], [sflag:$0x1] =	stream.indirect.gather [hbm4b:s2+s10], $0x10, s15, s10, $0xb8;
	[tilespmem:$0xED80] =	vst v63  }
0xb5: {  	s14 =	simm.s32 $0x8580  }
0xb6: {  	[tilespmem:s14], [sflag:$0x1] =	stream.indirect.gather [hbm4b:s2+s10], $0x10, s19, s10, $0xb8;
	[tilespmem:$0xED80] =	vst v63  }
0xb7: {  	s16 =	simm.s32 $0x8D80  }
0xb8: {  	[tilespmem:s16], [sflag:$0x1] =	stream.indirect.gather [hbm4b:s2+s10], $0x10, s23, s10, $0xb8;
	[tilespmem:$0xED80] =	vst v63  }
0xb9: {  	s18 =	simm.s32 $0x9580  }
0xba: {  	[tilespmem:s18], [sflag:$0x1] =	stream.indirect.gather [hbm4b:s2+s10], $0x10, s28, s10, $0xb8;
	[tilespmem:$0xED80] =	vst v63  }
0xbb: {  	s14 =	simm.s32 $0x9D80  }
0xbc: {  	[tilespmem:s14], [sflag:$0x1] =	stream.indirect.gather [hbm4b:s2+s10], $0x10, s1, s10, $0xb8;
	[tilespmem:$0xED80] =	vst v63  }
0xbd: {  	s16 =	simm.s32 $0xA580  }
0xbe: {  	[tilespmem:s16], [sflag:$0x1] =	stream.indirect.gather [hbm4b:s2+s10], $0x10, s8, s10, $0xb8;
	[tilespmem:$0xED80] =	vst v63  }
0xbf: {  	s18 =	simm.s32 $0xAD80  }
0xc0: {  	[tilespmem:s18], [sflag:$0x1] =	stream.indirect.gather [hbm4b:s2+s10], $0x10, s17, s10, $0xb8;
	[tilespmem:$0xED80] =	vst v63  }
0xc1: {  	s1 =	simm.s32 $0xB580  }
0xc2: {  	[tilespmem:s1], [sflag:$0x1] =	stream.indirect.gather [hbm4b:s2+s10], $0x10, s25, s10, $0xb8;
	[tilespmem:$0xED80] =	vst v63  }
0xc3: {  	s14 =	simm.s32 $0xBD80  }
0xc4: {  	[tilespmem:s14], [sflag:$0x1] =	stream.indirect.gather [hbm4b:s2+s10], $0x10, s3, s10, $0xb8;
	[tilespmem:$0xED80] =	vst v63  }
0xc5: {  	s16 =	simm.s32 $0xC580  }
0xc6: {  	[tilespmem:s16], [sflag:$0x1] =	stream.indirect.gather [hbm4b:s2+s10], $0x10, s21, s10, $0xb8;
	[tilespmem:$0xED80] =	vst v63  }
0xc7: {  	s18 =	simm.s32 $0xCD80  }
0xc8: {  	[tilespmem:s18], [sflag:$0x1] =	stream.indirect.gather [hbm4b:s2+s10], $0x10, s13, s10, $0xb8;
	[tilespmem:$0xED80] =	vst v63  }
0xc9: {  	s1 =	simm.s32 $0xD580  }
0xca: {  	[tilespmem:s1], [sflag:$0x1] =	stream.indirect.gather [hbm4b:s2+s10], $0x10, s30, s10, $0xb8;
	[tilespmem:$0xED80] =	vst v63  }
0xcb: {  	s3 =	simm.s32 $0xDD80  }
0xcc: {  	[tilespmem:s3], [sflag:$0x1] =	stream.indirect.gather [hbm4b:s2+s10], $0x10, s7, s10, $0xb8;
	[tilespmem:$0xED80] =	vst v63  }
0xcd: {  	s14 =	simm.s32 $0xE580  }
0xce: {  	[tilespmem:s14], [sflag:$0x1] =	stream.indirect.gather [hbm4b:s2+s10], $0x10, s9, s10, $0xb8;
	[tilespmem:$0xED80] =	vst v63  }
0xcf: {  	_ =	swait.ge [sflag:s5], $0x800  }
0xd0: {  	[sflag:s5] =	ssyncset.done $0x0  }
0xd1: {  	[sflag:s5] =	ssyncadd.s32 $0xFFFFF800  }
0xd2: {  	_ =	swait.ge [sflag:s5], $0x800  }
0xd3: {  	[sflag:s5] =	ssyncset.done $0x0  }
0xd4: {  	[sflag:s5] =	ssyncadd.s32 $0xFFFFF800  }
0xd5: {  	_ =	swait.ge [sflag:s5], $0x800  }
0xd6: {  	[sflag:s5] =	ssyncset.done $0x0  }
0xd7: {  	[sflag:s5] =	ssyncadd.s32 $0xFFFFF800  }
0xd8: {  	_ =	swait.ge [sflag:s5], $0x800  }
0xd9: {  	[sflag:s5] =	ssyncset.done $0x0  }
0xda: {  	[sflag:s5] =	ssyncadd.s32 $0xFFFFF800  }
0xdb: {  	_ =	swait.ge [sflag:s5], $0x800  }
0xdc: {  	[sflag:s5] =	ssyncset.done $0x0  }
0xdd: {  	[sflag:s5] =	ssyncadd.s32 $0xFFFFF800  }
0xde: {  	_ =	swait.ge [sflag:s5], $0x800  }
0xdf: {  	[sflag:s5] =	ssyncset.done $0x0  }
0xe0: {  	[sflag:s5] =	ssyncadd.s32 $0xFFFFF800  }
0xe1: {  	_ =	swait.ge [sflag:s5], $0x800  }
0xe2: {  	[sflag:s5] =	ssyncset.done $0x0  }
0xe3: {  	[sflag:s5] =	ssyncadd.s32 $0xFFFFF800  }
0xe4: {  	_ =	swait.ge [sflag:s5], $0x800  }
0xe5: {  	[sflag:s5] =	ssyncset.done $0x0  }
0xe6: {  	[sflag:s5] =	ssyncadd.s32 $0xFFFFF800  }
0xe7: {  	_ =	swait.ge [sflag:s5], $0x800  }
0xe8: {  	[sflag:s5] =	ssyncset.done $0x0  }
0xe9: {  	[sflag:s5] =	ssyncadd.s32 $0xFFFFF800  }
0xea: {  	_ =	swait.ge [sflag:s5], $0x800  }
0xeb: {  	[sflag:s5] =	ssyncset.done $0x0  }
0xec: {  	[sflag:s5] =	ssyncadd.s32 $0xFFFFF800  }
0xed: {  	_ =	swait.ge [sflag:s5], $0x800  }
0xee: {  	[sflag:s5] =	ssyncset.done $0x0  }
0xef: {  	[sflag:s5] =	ssyncadd.s32 $0xFFFFF800  }
0xf0: {  	_ =	swait.ge [sflag:s5], $0x800  }
0xf1: {  	[sflag:s5] =	ssyncset.done $0x0  }
0xf2: {  	[sflag:s5] =	ssyncadd.s32 $0xFFFFF800  }
0xf3: {  	_ =	swait.ge [sflag:s5], $0x800  }
0xf4: {  	[sflag:s5] =	ssyncset.done $0x0  }
0xf5: {  	[sflag:s5] =	ssyncadd.s32 $0xFFFFF800  }
0xf6: {  	_ =	swait.ge [sflag:s5], $0x800  }
0xf7: {  	[sflag:s5] =	ssyncset.done $0x0  }
0xf8: {  	[sflag:s5] =	ssyncadd.s32 $0xFFFFF800  }
0xf9: {  	_ =	swait.ge [sflag:s5], $0x800  }
0xfa: {  	[sflag:s5] =	ssyncset.done $0x0  }
0xfb: {  	[sflag:s5] =	ssyncadd.s32 $0xFFFFF800  }
0xfc: {  	_ =	swait.ge [sflag:s5], $0x800  }
0xfd: {  	[sflag:s5] =	ssyncset.done $0x0  }
0xfe: {  	[sflag:s5] =	ssyncadd.s32 $0xFFFFF800  }
0xff: {  	_ =	swait.ge [sflag:s5], $0x800  }
0x100: {  	[sflag:s5] =	ssyncset.done $0x0  }
0x101: {  	[sflag:s5] =	ssyncadd.s32 $0xFFFFF800  }
0x102: {  	_ =	swait.ge [sflag:s5], $0x800  }
0x103: {  	[sflag:s5] =	ssyncset.done $0x0  }
0x104: {  	[sflag:s5] =	ssyncadd.s32 $0xFFFFF800  }
0x105: {  	_ =	swait.ge [sflag:s5], $0x800  }
0x106: {  	[sflag:s5] =	ssyncset.done $0x0  }
0x107: {  	[sflag:s5] =	ssyncadd.s32 $0xFFFFF800  }
0x108: {  	_ =	swait.ge [sflag:s5], $0x800  }
0x109: {  	[sflag:s5] =	ssyncset.done $0x0  }
0x10a: {  	[sflag:s5] =	ssyncadd.s32 $0xFFFFF800  }
0x10b: {  	_ =	swait.ge [sflag:s5], $0x800  }
0x10c: {  	[sflag:s5] =	ssyncset.done $0x0  }
0x10d: {  	[sflag:s5] =	ssyncadd.s32 $0xFFFFF800  }
0x10e: {  	_ =	swait.ge [sflag:s5], $0x800  }
0x10f: {  	[sflag:s5] =	ssyncset.done $0x0  }
0x110: {  	[sflag:s5] =	ssyncadd.s32 $0xFFFFF800  }
0x111: {  	_ =	swait.ge [sflag:s5], $0x800  }
0x112: {  	[sflag:s5] =	ssyncset.done $0x0  }
0x113: {  	[sflag:s5] =	ssyncadd.s32 $0xFFFFF800  }
0x114: {  	_ =	swait.ge [sflag:s5], $0x800  }
0x115: {  	[sflag:s5] =	ssyncset.done $0x0  }
0x116: {  	s16 =	sshll.u32 s12, $0x5;
	s12 =	sadd.s32 $0x1, s12;
	[sflag:s5] =	ssyncadd.s32 $0xFFFFF800  }
0x117: {  	p0 =	sne.s32 s12, $0x4;
	_ =	swait.ge [sflag:s5], $0x800  }
0x118: {  	s1 =	simm.s32 $0x10;
	s3 =	simm.s32 $0x40;
	s18 =	rddreg [dreg:$0x5]  }
0x119: {  	[sflag:s5] =	ssyncset.done $0x0;
	s0 =	rddreg [dreg:$0x3];
	s14 =	sadd.s32 s18, s16  }
0x11a: {  	[sflag:s5] =	ssyncadd.s32 $0xFFFFF800;
	s16 =	simm.s32 $0x2580;
	s14 =	sshrl.u32 s14, $0x4  }
.Ltmp1:
0x11b: {  	s18 =	simm.s32 $0x2;
	s14 =	sadd.s32 s0, s14;
	(pc) =	sbr.rel @p0 .LBB2_2-.Ltmp1, $4  }
0x11c: {  	[hbm4b:s14+s1] =	stream.strided.scatter [tilespmem:s16], [sflag:$0x2], $0xC800, s3, s1, $0x38;
	[tilespmem:$0xED80] =	vst v63  }
0x11d: {  	_ =	swait.ge [sflag:s18], $0xC800  }
0x11e: {  	[sflag:s18] =	ssyncset.done $0x0  }
0x11f: {  	[sflag:s18] =	ssyncadd.s32 $0xFFFF3800  }
0x120: {  	s0 =	rddreg [dreg:$0x7]  }
0x121: {  	s12 =	rddreg [dreg:$0x6];
	s0 =	sadd.s32 $0x1, s0  }
0x122: {  	p0 =	sne.s32 s0, s12  }
.Ltmp2:
0x123: {  	_ = 	snop;
	(pc) =	sbr.rel @p0 .LBB2_1-.Ltmp2, $1  }
0x124: {  	_ =	sdelay $0x3  }
0x125: {  	_ =	sfence.sel $0x180000  }
0x126: {  	[bflag:$0x0] =	sbarrier.arrive $0xFFFF  }
0x127: {  	_ =	strace $0x9000004A  }
0x128: {  	s0 =	stileid.u32;
	[bflag:$0x2] =	sbarrier.arrive $0xFFFF  }
0x129: {  	p0 =	sne.s32 s0, $0x0;
	s0 =	rddreg [dreg:$0x2]  }
0x12a: {  	s0 =	sadd.s32 @!p0 $0x100000, s0  }
0x12b: {  	[sflag:s0] =	ssyncadd.tile.s32 @!p0 $0x1;
	_ =	shalt  }
.Lfunc_end2:
_tile_overlayer_lowered:
.L_overlay_start_2:
0x12c: {  	(tag) =	ssettag $0x2  }
0x12d: {  	s0 =	rddreg [dreg:$0x0];
	s2 =	stileid.u32  }
0x12e: {  	s1 =	rddreg [dreg:$0x1];
	p0 =	sne.s32 s2, $0x0  }
0x12f: {  	s3 =	rddreg [dreg:$0x2];
	[bflag:$0x3] =	sbarrier.arrive $0xFFFF;
	s2 =	simm.s32 @!p0 $0x1C02  }
0x130: {  	[timem:s3], [sflag:s2] =	dma.local @!p0 [hbm:s0], s1  }
0x131: {  	s0 =	simm.s32 @!p0 $0x2  }
0x132: {  	_ =	swait.ge @!p0 [sflag:s0], s1  }
0x133: {  	s1 =	ssub.s32 @!p0 $0x0, s1;
	[sflag:s0] =	ssyncset.done @!p0 $0x0  }
0x134: {  	[sflag:s0] =	ssyncadd.s32 @!p0 s1  }
0x135: {  	[bflag:$0x3] =	sbarrier.arrive $0xFFFF  }
0x136: {  	_ =	shalt  }

// kernel: kernel.23.cloned.1.call-start
scs
__scs_entry_jumppad:
0x0: {  	(pc) =	sbr.rel $0x88, $3  }
0x1: {  	(tag) =	ssettag $0x0;
	lr =	simm.s32 $0x1  }
0x2: {  	[smem:$0x3F9D] =	sst lr;
	_ =	strace $0xD0000000  }
0x3: {  	_ = 	snop  }
0x4: {  	_ = 	snop  }
0x5: {  	_ = 	snop  }
0x6: {  	_ = 	snop  }
0x7: {  	_ = 	snop  }
__scs_overlays_trampoline_lowered:
0x8: {  	[smem:$0x3FAC] =	sst s0  }
0x9: {  	[smem:$0x3FAD] =	sst s1  }
0xa: {  	[smem:$0x3FAE] =	sst s2  }
0xb: {  	[smem:$0x3FAF] =	sst s3  }
0xc: {  	[smem:$0x3FB0] =	sst s4  }
0xd: {  	[smem:$0x3FB1] =	sst s5  }
0xe: {  	[smem:$0x3FB2] =	sst s6  }
0xf: {  	[smem:$0x3FB3] =	sst s7  }
0x10: {  	[smem:$0x3FB4] =	sst s8  }
0x11: {  	[smem:$0x3FB5] =	sst s9;
	s0 =	simm.s32 @!p0 $0x0  }
0x12: {  	s1 =	sld [smem:$0x3F9B];
	s0 =	simm.s32 @p0 $0x1  }
0x13: {  	[smem:$0x3FB6] =	sst s0;
	s0 =	simm.s32 @!p1 $0x0  }
0x14: {  	s2 =	sld [smem:$0x3F9A];
	s0 =	simm.s32 @p1 $0x1  }
0x15: {  	[smem:$0x3FB7] =	sst s0;
	s0 =	simm.s32 @!p2 $0x0  }
0x16: {  	s3 =	sld [smem:$0x3FDB];
	s0 =	simm.s32 @p2 $0x1  }
0x17: {  	s4 =	simm.s32 $0x1BF5;
	[smem:$0x3FB9] =	sst s0  }
0x18: {  	s0 =	sld [smem:$0x3F9C];
	_ =	swait.ge [sflag:s4], $0x0  }
0x19: {  	s7 =	sld [smem:$0x3F9D]  }
0x1a: {  	s8 =	sadd.s32 $0xFFFFE003, lr  }
0x1b: {  	s9 =	sadd.s32 $0xFFFFFEF7, lr;
	s5 =	simm.s32 $0xFFFFFFFF;
	p2 =	slt.u32 s8, $0xFFFFF086  }
0x1c: {  	p1 =	slt.u32 s9, $0xF7A;
	s5 =	simm.s32 @!p2 $0x0  }
0x1d: {  	s5 =	simm.s32 @p1 $0x1;
	p0 =	seq.s32 s7, s2  }
0x1e: {  	s7 =	smul.u32 @!p0 $0xF7A, s2;
	p2 =	seq.s32 @!p0 s5, $0x0  }
0x1f: {  	s9 =	smul.u32 $0xF7A, s1;
	s8 =	simm.s32 @!p0 $0x1BF5;
	p2 =	por !p2, p0  }
0x20: {  	[sflag:s8] =	ssyncset.s32 @!p0 $0xFFFFF086;
	s6 =	sadd.s32 @!p0 s3, s7;
	s7 =	simm.s32 @!p0 $0x108  }
0x21: {  	s3 =	sadd.s32 s3, s9;
	s6 =	sadd.s32 @!p0 $0x88, s6;
	s7 =	simm.s32 @p2 $0x1082  }
0x22: {  	[simem:s7], [sflag:s8] =	dma.local @!p0 [hbm:s6], $0xF7A  }
0x23: {  	s9 =	sor.u32 $0xD0000000, s2;
	s6 =	simm.s32 $0x108;
	_ =	swait.ge @!p0 [sflag:s8], $0x0  }
0x24: {  	s3 =	sadd.s32 $0x88, s3;
	s6 =	simm.s32 @!p1 $0x1082;
	[sflag:s4] =	ssyncset.s32 $0xFFFFF086  }
0x25: {  	[simem:s6], [sflag:s4] =	dma.local [hbm:s3], $0xF7A  }
0x26: {  	[smem:$0x3F9D] =	sst s1;
	(tag) =	ssettag s2;
	_ =	strace s9  }
0x27: {  	s1 =	sld [smem:$0x3FAD]  }
0x28: {  	s2 =	sld [smem:$0x3FAE]  }
0x29: {  	s4 =	sld [smem:$0x3FB0]  }
0x2a: {  	p0 =	seq.s32 s5, $0x0;
	s5 =	sld [smem:$0x3FB1]  }
0x2b: {  	s6 =	sld [smem:$0x3FB2]  }
0x2c: {  	s7 =	sld [smem:$0x3FB3]  }
0x2d: {  	s3 =	simm.s32 $0x108;
	s8 =	sld [smem:$0x3FB4]  }
0x2e: {  	s3 =	simm.s32 @!p0 $0x1082;
	s9 =	sld [smem:$0x3FB5]  }
0x2f: {  	lr =	sadd.s32 s0, s3;
	s0 =	sld [smem:$0x3FAC]  }
0x30: {  	s3 =	sld [smem:$0x3FAF]  }
0x31: {  	[smem:$0x3FB8] =	sst s10  }
0x32: {  	s10 =	sld [smem:$0x3FB6];
	_ =	sdelay $0x3  }
0x33: {  	p0 =	seq.s32 s10, $0x1;
	s10 =	sld [smem:$0x3FB8];
	_ =	sdelay $0x3  }
0x34: {  	[smem:$0x3FB8] =	sst s10  }
0x35: {  	s10 =	sld [smem:$0x3FB7];
	_ =	sdelay $0x3  }
0x36: {  	p1 =	seq.s32 s10, $0x1;
	s10 =	sld [smem:$0x3FB8];
	_ =	sdelay $0x3  }
0x37: {  	[smem:$0x3FB8] =	sst s10  }
0x38: {  	s10 =	sld [smem:$0x3FB9]  }
0x39: {  	_ = 	snop;
	(pc) =	sbr.ind lr, $3  }
0x3a: {  	_ = 	snop  }
0x3b: {  	_ = 	snop  }
0x3c: {  	p2 =	seq.s32 s10, $0x1;
	s10 =	sld [smem:$0x3FB8]  }
0x3d: {  	_ =	shalt  }
0x3e: {  	_ =	shalt  }
0x3f: {  	_ =	shalt  }
0x40: {  	_ =	shalt  }
0x41: {  	_ =	shalt  }
0x42: {  	_ =	shalt  }
0x43: {  	_ =	shalt  }
0x44: {  	_ =	shalt  }
0x45: {  	_ =	shalt  }
0x46: {  	_ =	shalt  }
0x47: {  	_ =	shalt  }
0x48: {  	_ =	shalt  }
0x49: {  	_ =	shalt  }
0x4a: {  	_ =	shalt  }
0x4b: {  	_ =	shalt  }
0x4c: {  	_ =	shalt  }
0x4d: {  	_ =	shalt  }
0x4e: {  	_ =	shalt  }
0x4f: {  	_ =	shalt  }
0x50: {  	_ =	shalt  }
0x51: {  	_ =	shalt  }
0x52: {  	_ =	shalt  }
0x53: {  	_ =	shalt  }
0x54: {  	_ =	shalt  }
0x55: {  	_ =	shalt  }
0x56: {  	_ =	shalt  }
0x57: {  	_ =	shalt  }
0x58: {  	_ =	shalt  }
0x59: {  	_ =	shalt  }
0x5a: {  	_ =	shalt  }
0x5b: {  	_ =	shalt  }
0x5c: {  	_ =	shalt  }
0x5d: {  	_ =	shalt  }
0x5e: {  	_ =	shalt  }
0x5f: {  	_ =	shalt  }
0x60: {  	_ =	shalt  }
0x61: {  	_ =	shalt  }
0x62: {  	_ =	shalt  }
0x63: {  	_ =	shalt  }
0x64: {  	_ =	shalt  }
0x65: {  	_ =	shalt  }
0x66: {  	_ =	shalt  }
0x67: {  	_ =	shalt  }
0x68: {  	_ =	shalt  }
0x69: {  	_ =	shalt  }
0x6a: {  	_ =	shalt  }
0x6b: {  	_ =	shalt  }
0x6c: {  	_ =	shalt  }
0x6d: {  	_ =	shalt  }
0x6e: {  	_ =	shalt  }
0x6f: {  	_ =	shalt  }
0x70: {  	_ =	shalt  }
0x71: {  	_ =	shalt  }
0x72: {  	_ =	shalt  }
0x73: {  	_ =	shalt  }
0x74: {  	_ =	shalt  }
0x75: {  	_ =	shalt  }
0x76: {  	_ =	shalt  }
0x77: {  	_ =	shalt  }
0x78: {  	_ =	shalt  }
0x79: {  	_ =	shalt  }
0x7a: {  	_ =	shalt  }
0x7b: {  	_ =	shalt  }
0x7c: {  	_ =	shalt  }
0x7d: {  	_ =	shalt  }
0x7e: {  	_ =	shalt  }
0x7f: {  	_ =	shalt  }
0x80: {  	_ =	shalt  }
0x81: {  	_ =	shalt  }
0x82: {  	_ =	shalt  }
0x83: {  	_ =	shalt  }
0x84: {  	_ =	shalt  }
0x85: {  	_ =	shalt  }
0x86: {  	_ =	shalt  }
0x87: {  	_ =	shalt  }
.Lfunc_end0:
.L_simem_size_0:
called_computation.2_lowered:
.L_overlay_start_0:
0x88: {  	s2 =	sld [smem:$0x3FD9]  }
0x89: {  	s3 =	sld [smem:$0x3FFE];
	_ =	sdelay $0x1  }
0x8a: {  	s1 =	srdreg.scid  }
0x8b: {  	s0 =	sand.u32 $0x1, s1  }
0x8c: {  	s17 =	sshll.u32 s0, $0xA;
	s2 =	sadd.s32 s3, s2  }
0x8d: {  	s2 =	sadd.s32 s2, s17  }
0x8e: {  	[smem:$0x3FC4] =	sst s2  }
0x8f: {  	_ = 	snop  }
0x90: {  	s18 =	sld [smem:$0x3FD0];
	(tm) =	ssettm $0x1  }
0x91: {  	s19 =	sld [smem:$0x3FFB];
	_ =	sdelay $0x3  }
0x92: {  	_ =	strace s19  }
0x93: {  	s2 =	sld [smem:$0x3FFC];
	_ =	sdelay $0x3  }
0x94: {  	_ =	strace s2  }
0x95: {  	s2 =	sld [smem:$0x3FFD];
	_ =	sdelay $0x3  }
0x96: {  	_ =	strace s2  }
0x97: {  	_ =	strace $0x8FFFFFFF  }
0x98: {  	s20 =	sld [smem:$0x3FDB];
	_ =	sdelay $0x1  }
0x99: {  	s4 =	simm.s32 $_scs_section_size  }
0x9a: {  	s5 =	simm.s32 $_size__tile_overlayer_lowered;
	s6 =	simm.s32 $_tile_overlayer_lowered  }
0x9b: {  	s7 =	simm.s32 $0x1BFF;
	s21 =	sshll.u32 s6, $0x1;
	s4 =	sadd.s32 s4, s20  }
0x9c: {  	s22 =	simm.s32 $0x0;
	s5 =	sshll.u32 s5, $0x1;
	s6 =	sadd.s32 s21, s4  }
0x9d: {  	[timem:s22], [sflag:s7] =	dma.local [hbm:s6], s5  }
0x9e: {  	_ =	swait.ge [sflag:s7], s5  }
0x9f: {  	s5 =	ssub.s32 $0x0, s5;
	[sflag:s7] =	ssyncset.done $0x0  }
0xa0: {  	[sflag:s7] =	ssyncadd.s32 s5;
	_ =	sdelay $0x1  }
0xa1: {  	s23 =	simm.s32 $0x1B8B  }
0xa2: {  	_ =	swait.ge [sflag:s23], $0x1  }
0xa3: {  	[sflag:s23] =	ssyncset.done $0x0  }
0xa4: {  	[sflag:s23] =	ssyncadd.s32 $0xFFFFFFFF  }
0xa5: {  	s5 =	sld [smem:$0x0]  }
0xa6: {  	s6 =	sand.u32 $0xFFFFFFFE, s1  }
0xa7: {  	p0 =	sne.s32 s1, s6  }
0xa8: {  	s6 =	sshll.u32 @p0 s6, $0xE  }
0xa9: {  	s6 =	sadd.s32 @p0 $0x11B8D, s6;
	s7 =	sshll.u32 @p0 s5, $0x11  }
0xaa: {  	s6 =	sor.u32 @p0 s7, s6  }
0xab: {  	[sflag:s6] =	ssyncadd.remote.s32 @p0 $0x1;
	_ =	sdelay $0x1  }
0xac: {  	s6 =	simm.s32 @p0 $0x1B8D  }
0xad: {  	_ =	swait.eq @p0 [sflag:s6], $0x1  }
0xae: {  	[sflag:s6] =	ssyncadd.s32 @p0 $0xFFFFFFFF  }
0xaf: {  	s7 =	sshll.u32 @!p0 s1, $0xE  }
0xb0: {  	s7 =	sor.u32 @!p0 $0x4000, s7;
	s6 =	simm.s32 @!p0 $0x1B8D  }
0xb1: {  	s5 =	sshll.u32 @!p0 s5, $0x11;
	s7 =	sadd.s32 @!p0 $0x11B8D, s7;
	_ =	swait.eq @!p0 [sflag:s6], $0x1  }
0xb2: {  	s5 =	sor.u32 @!p0 s5, s7;
	[sflag:s6] =	ssyncadd.s32 @!p0 $0xFFFFFFFF  }
0xb3: {  	s25 =	simm.s32 $0x1B8E;
	s24 =	sld [smem:$0x3FFE];
	[sflag:s5] =	ssyncadd.remote.s32 @!p0 $0x1  }
0xb4: {  	s26 =	simm.s32 $execute0_lowered;
	[smem:$0x3FD2] =	sst s25  }
0xb5: {  	s6 =	sshll.u32 s26, $0x1;
	_ =	strace $0x8000004C;
	[dreg:$0x1] =	wrdreg $0xFFFFFFFF  }
0xb6: {  	s28 =	simm.s32 $_size_execute0_lowered;
	s4 =	sadd.s32 s4, s6;
	[dreg:$0x0] =	wrdreg $0x0  }
0xb7: {  	s6 =	sshll.u32 s28, $0x1;
	[dreg:$0x2] =	wrdreg s4  }
0xb8: {  	[dreg:$0x3] =	wrdreg s6  }
0xb9: {  	[dreg:$0x4] =	wrdreg $0xC0  }
0xba: {  	_ =	task [dreg:s22], $0x5FFFF  }
0xbb: {  	[dreg:$0x1] =	wrdreg $0xFFFFFFFF  }
0xbc: {  	[dreg:$0x0] =	wrdreg $0x60  }
0xbd: {  	[dreg:$0x2] =	wrdreg s24  }
0xbe: {  	[dreg:$0x3] =	wrdreg s18  }
0xbf: {  	[dreg:$0x4] =	wrdreg $0xA  }
0xc0: {  	_ =	task.clear_ibuf [dreg:s22], $0x5FFFF;
	_ =	strace $0x9000004C  }
0xc1: {  	s29 =	simm.s32 $0xA;
	_ =	strace $0x8000004E  }
0xc2: {  	_ =	swait.ge [sflag:s29], $0x1  }
0xc3: {  	[sflag:s29] =	ssyncadd.s32 $0xFFFFFFFF  }
0xc4: {  	_ =	strace $0x9000004E  }
0xc5: {  	_ =	sfence  }
0xc6: {  	s30 =	sld [smem:$0x0];
	_ =	sdelay $0x2  }
0xc7: {  	s31 =	sshll.u32 s1, $0xD;
	s1 =	sshrl.u32 s1, $0x2  }
0xc8: {  	s4 =	sand.u32 $0x4000, s31;
	s1 =	sadd.s32 s1, s30  }
0xc9: {  	s0 =	sor.u32 s4, s0;
	s1 =	sshll.u32 s1, $0x11  }
0xca: {  	s0 =	sor.u32 s1, s0  }
0xcb: {  	s0 =	sadd.s32 $0x8F2B, s0  }
0xcc: {  	[sflag:s0] =	ssyncadd.remote.s32 $0x1  }
0xcd: {  	_ =	sfence.sel $0xFFFF  }
0xce: {  	[dreg:$0x0] =	wrdreg $0xFFFFFFFF;
	(pc) =	sbr.abs _section_cstart, $3  }
0xcf: {  	[dreg:$0x1] =	wrdreg $0xFFFFFFFF  }
0xd0: {  	_ =	task.clear_ibuf [dreg:s22], $0x2FFFF;
	_ =	strace $0x9FFFFFFF  }
0xd1: {  	(tm) =	ssettm $0x7FFFFFFF  }
tec
execute0_lowered:
.L_overlay_start_1:
0x0: {  	(tag) =	ssettag $0x1  }
0x1: {  	s0 =	rddreg [dreg:$0x0];
	s1 =	srdreg.scid  }
0x2: {  	s3 =	stileid.u32;
	s2 =	rddreg [dreg:$0x1];
	s4 =	simm.s32 $0x0  }
0x3: {  	s10 =	simm.s32 $0x80;
	s20 =	simm.s32 $0x1A00;
	s22 =	simm.s32 $0x1A80  }
0x4: {  	s29 =	simm.s32 $0x1C00;
	s31 =	simm.s32 $0x1C80;
	s11 =	simm.s32 $0x1E00  }
0x5: {  	s15 =	simm.s32 $0x1E80;
	s19 =	simm.s32 $0x1F00;
	s23 =	simm.s32 $0x1F80  }
0x6: {  	s28 =	simm.s32 $0x2000;
	s8 =	simm.s32 $0x2100;
	s17 =	simm.s32 $0x2180  }
0x7: {  	s21 =	simm.s32 $0x2300;
	s13 =	simm.s32 $0x2380;
	s30 =	simm.s32 $0x2400  }
0x8: {  	s7 =	simm.s32 $0x2480;
	s1 =	sand.u32 $0x1, s1;
	s3 =	sshll.u32 s3, $0x1  }
0x9: {  	s9 =	simm.s32 $0x2500;
	[smem:$0x7FF] =	sst s4;
	s3 =	sor.u32 s1, s3  }
0xa: {  	s4 =	sadd.s32 $0xEC00, s0;
	s1 =	ssub.s32 $0x2, s1;
	s5 =	smul.u32 $0x190, s3  }
0xb: {  	_ =	strace $0x8000004D;
	s6 =	sshrl.u32 s1, $0x1;
	s26 =	smul.u32 $0x64000, s3  }
0xc: {  	s24 =	ssub.s32 s1, s6;
	s6 =	simm.s32 $0x1D80;
	s5 =	sadd.s32 s5, s0  }
0xd: {  	s0 =	sadd.s32 $0xFD600, s0;
	[dreg:$0x5] =	wrdreg s26;
	s26 =	simm.s32 $0x1B80  }
0xe: {  	[dreg:$0x3] =	wrdreg s0;
	s25 =	sadd.s32 $0x32400, s5;
	s0 =	smax.u32 s24, $0x1  }
0xf: {  	s5 =	simm.s32 $0x1;
	s24 =	simm.s32 $0x1B00;
	[dreg:$0x4] =	wrdreg s25  }
0x10: {  	[dreg:$0x6] =	wrdreg s0;
	s0 =	simm.s32 $0x0;
	s25 =	simm.s32 $0x2200  }
.LBB2_1:
0x11: {  	[dreg:$0x7] =	wrdreg s0  }
0x12: {  	s12 =	simm.s32 $0x0;
	s14 =	rddreg [dreg:$0x4];
	s18 =	simm.s32 $0x2  }
0x13: {  	[tilespmem:s12], [sflag:$0x2] =	stream.linear.gather [hbm4b:s14+s12], $0xC80, $0x38;
	[tilespmem:$0xED80] =	vst v63  }
0x14: {  	_ =	swait.ge [sflag:s18], $0xC80  }
0x15: {  	[sflag:s18] =	ssyncset.done $0x0  }
0x16: {  	s12 =	simm.s32 $0x4;
	[sflag:s18] =	ssyncadd.s32 $0xFFFFF380  }
.LBB2_2:
0x17: {  	s14 =	smul.u32 $0xAB, s12;
	_ =	sdelay $0x1  }
0x18: {  	s14 =	sshrl.u32 s14, $0x9  }
0x19: {  	s14 =	sand.u32 $0x7F, s14  }
0x1a: {  	s16 =	smul.u32 $0x3, s14  }
0x1b: {  	s14 =	smul.u32 $0x42, s14  }
0x1c: {  	s16 =	ssub.s32 s12, s16  }
0x1d: {  	s14 =	sand.u32 $0xFE, s14;
	s16 =	sand.u32 $0xFF, s16  }
0x1e: {  	s14 =	sadd.s32 s14, s16  }
0x1f: {  	s16 =	sadd.s32 $0xFFFFEEB9, s14;
	s14 =	simm.s32 $0x0  }
0x20: {  	v0 =	vmov s16;
	s16 =	simm.s32 $0x40;
	v1 =	vld [tilespmem:s14+$0x0]  }
.LBB2_3:
0x21: {  	p0 =	sne.s32 s16, $0x31C0  }
.Ltmp0:
0x22: {  	_ = 	snop;
	(pc) =	sbr.rel @p0 .LBB2_3-.Ltmp0, $3  }
0x23: {  	_ =	sdelay $0x1  }
0x24: {  	s18 =	sshra.s32 s16, $0x2;
	s16 =	sadd.s32 $0x40, s16;
	v2 =	vadd.s32 v0, v1  }
0x25: {  	v1 =	vld [tilespmem:s18+$0x0];
	[tilespmem:s14+$0xC80] =	vst v2;
	s14 =	smov.u32 s18  }
0x26: {  	_ =	sdelay $0x3  }
0x27: {  	v0 =	vadd.s32 v0, v1  }
0x28: {  	s18 =	simm.s32 $0xC80;
	s16 =	simm.s32 $0x1900;
	[tilespmem:s14+$0xC80] =	vst v0  }
0x29: {  	[tilespmem:s16], [sflag:$0x1] =	stream.indirect.gather [hbm4b:s4+s10], $0x1, s18, s10, $0xb8;
	[tilespmem:$0xED80] =	vst v63  }
0x2a: {  	s0 =	simm.s32 $0xD00;
	s18 =	simm.s32 $0x1980  }
0x2b: {  	[tilespmem:s18], [sflag:$0x1] =	stream.indirect.gather [hbm4b:s4+s10], $0x1, s0, s10, $0xb8;
	[tilespmem:$0xED80] =	vst v63  }
0x2c: {  	s1 =	simm.s32 $0xD80  }
0x2d: {  	[tilespmem:s20], [sflag:$0x1] =	stream.indirect.gather [hbm4b:s4+s10], $0x1, s1, s10, $0xb8;
	[tilespmem:$0xED80] =	vst v63  }
0x2e: {  	s3 =	simm.s32 $0xE00  }
0x2f: {  	[tilespmem:s22], [sflag:$0x1] =	stream.indirect.gather [hbm4b:s4+s10], $0x1, s3, s10, $0xb8;
	[tilespmem:$0xED80] =	vst v63  }
0x30: {  	s0 =	simm.s32 $0xE80  }
0x31: {  	[tilespmem:s24], [sflag:$0x1] =	stream.indirect.gather [hbm4b:s4+s10], $0x1, s0, s10, $0xb8;
	[tilespmem:$0xED80] =	vst v63  }
0x32: {  	s1 =	simm.s32 $0xF00  }
0x33: {  	[tilespmem:s26], [sflag:$0x1] =	stream.indirect.gather [hbm4b:s4+s10], $0x1, s1, s10, $0xb8;
	[tilespmem:$0xED80] =	vst v63  }
0x34: {  	s3 =	simm.s32 $0xF80  }
0x35: {  	[tilespmem:s29], [sflag:$0x1] =	stream.indirect.gather [hbm4b:s4+s10], $0x1, s3, s10, $0xb8;
	[tilespmem:$0xED80] =	vst v63  }
0x36: {  	s0 =	simm.s32 $0x1000  }
0x37: {  	[tilespmem:s31], [sflag:$0x1] =	stream.indirect.gather [hbm4b:s4+s10], $0x1, s0, s10, $0xb8;
	[tilespmem:$0xED80] =	vst v63  }
0x38: {  	s1 =	simm.s32 $0x1080;
	s0 =	simm.s32 $0x1D00  }
0x39: {  	[tilespmem:s0], [sflag:$0x1] =	stream.indirect.gather [hbm4b:s4+s10], $0x1, s1, s10, $0xb8;
	[tilespmem:$0xED80] =	vst v63  }
0x3a: {  	s3 =	simm.s32 $0x1100  }
0x3b: {  	[tilespmem:s6], [sflag:$0x1] =	stream.indirect.gather [hbm4b:s4+s10], $0x1, s3, s10, $0xb8;
	[tilespmem:$0xED80] =	vst v63  }
0x3c: {  	s1 =	simm.s32 $0x1180  }
0x3d: {  	[tilespmem:s11], [sflag:$0x1] =	stream.indirect.gather [hbm4b:s4+s10], $0x1, s1, s10, $0xb8;
	[tilespmem:$0xED80] =	vst v63  }
0x3e: {  	s3 =	simm.s32 $0x1200  }
0x3f: {  	[tilespmem:s15], [sflag:$0x1] =	stream.indirect.gather [hbm4b:s4+s10], $0x1, s3, s10, $0xb8;
	[tilespmem:$0xED80] =	vst v63  }
0x40: {  	s1 =	simm.s32 $0x1280  }
0x41: {  	[tilespmem:s19], [sflag:$0x1] =	stream.indirect.gather [hbm4b:s4+s10], $0x1, s1, s10, $0xb8;
	[tilespmem:$0xED80] =	vst v63  }
0x42: {  	s3 =	simm.s32 $0x1300  }
0x43: {  	[tilespmem:s23], [sflag:$0x1] =	stream.indirect.gather [hbm4b:s4+s10], $0x1, s3, s10, $0xb8;
	[tilespmem:$0xED80] =	vst v63  }
0x44: {  	s1 =	simm.s32 $0x1380  }
0x45: {  	[tilespmem:s28], [sflag:$0x1] =	stream.indirect.gather [hbm4b:s4+s10], $0x1, s1, s10, $0xb8;
	[tilespmem:$0xED80] =	vst v63  }
0x46: {  	s3 =	simm.s32 $0x1400;
	s1 =	simm.s32 $0x2080  }
0x47: {  	[tilespmem:s1], [sflag:$0x1] =	stream.indirect.gather [hbm4b:s4+s10], $0x1, s3, s10, $0xb8;
	[tilespmem:$0xED80] =	vst v63  }
0x48: {  	s3 =	simm.s32 $0x1480  }
0x49: {  	[tilespmem:s8], [sflag:$0x1] =	stream.indirect.gather [hbm4b:s4+s10], $0x1, s3, s10, $0xb8;
	[tilespmem:$0xED80] =	vst v63  }
0x4a: {  	s3 =	simm.s32 $0x1500  }
0x4b: {  	[tilespmem:s17], [sflag:$0x1] =	stream.indirect.gather [hbm4b:s4+s10], $0x1, s3, s10, $0xb8;
	[tilespmem:$0xED80] =	vst v63  }
0x4c: {  	s3 =	simm.s32 $0x1580  }
0x4d: {  	[tilespmem:s25], [sflag:$0x1] =	stream.indirect.gather [hbm4b:s4+s10], $0x1, s3, s10, $0xb8;
	[tilespmem:$0xED80] =	vst v63  }
0x4e: {  	s14 =	simm.s32 $0x1600;
	s3 =	simm.s32 $0x2280  }
0x4f: {  	[tilespmem:s3], [sflag:$0x1] =	stream.indirect.gather [hbm4b:s4+s10], $0x1, s14, s10, $0xb8;
	[tilespmem:$0xED80] =	vst v63  }
0x50: {  	s14 =	simm.s32 $0x1680  }
0x51: {  	[tilespmem:s21], [sflag:$0x1] =	stream.indirect.gather [hbm4b:s4+s10], $0x1, s14, s10, $0xb8;
	[tilespmem:$0xED80] =	vst v63  }
0x52: {  	s14 =	simm.s32 $0x1700  }
0x53: {  	[tilespmem:s13], [sflag:$0x1] =	stream.indirect.gather [hbm4b:s4+s10], $0x1, s14, s10, $0xb8;
	[tilespmem:$0xED80] =	vst v63  }
0x54: {  	s14 =	simm.s32 $0x1780  }
0x55: {  	[tilespmem:s30], [sflag:$0x1] =	stream.indirect.gather [hbm4b:s4+s10], $0x1, s14, s10, $0xb8;
	[tilespmem:$0xED80] =	vst v63  }
0x56: {  	s14 =	simm.s32 $0x1800  }
0x57: {  	[tilespmem:s7], [sflag:$0x1] =	stream.indirect.gather [hbm4b:s4+s10], $0x1, s14, s10, $0xb8;
	[tilespmem:$0xED80] =	vst v63  }
0x58: {  	s14 =	simm.s32 $0x1880  }
0x59: {  	[tilespmem:s9], [sflag:$0x1] =	stream.indirect.gather [hbm4b:s4+s10], $0x1, s14, s10, $0xb8;
	[tilespmem:$0xED80] =	vst v63  }
0x5a: {  	_ =	swait.ge [sflag:s5], $0x80  }
0x5b: {  	[sflag:s5] =	ssyncset.done $0x0  }
0x5c: {  	[sflag:s5] =	ssyncadd.s32 $0xFFFFFF80  }
0x5d: {  	_ =	swait.ge [sflag:s5], $0x80  }
0x5e: {  	[sflag:s5] =	ssyncset.done $0x0  }
0x5f: {  	[sflag:s5] =	ssyncadd.s32 $0xFFFFFF80  }
0x60: {  	_ =	swait.ge [sflag:s5], $0x80  }
0x61: {  	[sflag:s5] =	ssyncset.done $0x0  }
0x62: {  	[sflag:s5] =	ssyncadd.s32 $0xFFFFFF80  }
0x63: {  	_ =	swait.ge [sflag:s5], $0x80  }
0x64: {  	[sflag:s5] =	ssyncset.done $0x0  }
0x65: {  	[sflag:s5] =	ssyncadd.s32 $0xFFFFFF80  }
0x66: {  	_ =	swait.ge [sflag:s5], $0x80  }
0x67: {  	[sflag:s5] =	ssyncset.done $0x0  }
0x68: {  	[sflag:s5] =	ssyncadd.s32 $0xFFFFFF80  }
0x69: {  	_ =	swait.ge [sflag:s5], $0x80  }
0x6a: {  	[sflag:s5] =	ssyncset.done $0x0  }
0x6b: {  	[sflag:s5] =	ssyncadd.s32 $0xFFFFFF80  }
0x6c: {  	_ =	swait.ge [sflag:s5], $0x80  }
0x6d: {  	[sflag:s5] =	ssyncset.done $0x0  }
0x6e: {  	[sflag:s5] =	ssyncadd.s32 $0xFFFFFF80  }
0x6f: {  	_ =	swait.ge [sflag:s5], $0x80  }
0x70: {  	[sflag:s5] =	ssyncset.done $0x0  }
0x71: {  	[sflag:s5] =	ssyncadd.s32 $0xFFFFFF80  }
0x72: {  	_ =	swait.ge [sflag:s5], $0x80  }
0x73: {  	[sflag:s5] =	ssyncset.done $0x0  }
0x74: {  	[sflag:s5] =	ssyncadd.s32 $0xFFFFFF80  }
0x75: {  	_ =	swait.ge [sflag:s5], $0x80  }
0x76: {  	[sflag:s5] =	ssyncset.done $0x0  }
0x77: {  	[sflag:s5] =	ssyncadd.s32 $0xFFFFFF80  }
0x78: {  	_ =	swait.ge [sflag:s5], $0x80  }
0x79: {  	[sflag:s5] =	ssyncset.done $0x0  }
0x7a: {  	[sflag:s5] =	ssyncadd.s32 $0xFFFFFF80  }
0x7b: {  	_ =	swait.ge [sflag:s5], $0x80  }
0x7c: {  	[sflag:s5] =	ssyncset.done $0x0  }
0x7d: {  	[sflag:s5] =	ssyncadd.s32 $0xFFFFFF80  }
0x7e: {  	_ =	swait.ge [sflag:s5], $0x80  }
0x7f: {  	[sflag:s5] =	ssyncset.done $0x0  }
0x80: {  	[sflag:s5] =	ssyncadd.s32 $0xFFFFFF80  }
0x81: {  	_ =	swait.ge [sflag:s5], $0x80  }
0x82: {  	[sflag:s5] =	ssyncset.done $0x0  }
0x83: {  	[sflag:s5] =	ssyncadd.s32 $0xFFFFFF80  }
0x84: {  	_ =	swait.ge [sflag:s5], $0x80  }
0x85: {  	[sflag:s5] =	ssyncset.done $0x0  }
0x86: {  	[sflag:s5] =	ssyncadd.s32 $0xFFFFFF80  }
0x87: {  	_ =	swait.ge [sflag:s5], $0x80  }
0x88: {  	[sflag:s5] =	ssyncset.done $0x0  }
0x89: {  	[sflag:s5] =	ssyncadd.s32 $0xFFFFFF80  }
0x8a: {  	_ =	swait.ge [sflag:s5], $0x80  }
0x8b: {  	[sflag:s5] =	ssyncset.done $0x0  }
0x8c: {  	[sflag:s5] =	ssyncadd.s32 $0xFFFFFF80  }
0x8d: {  	_ =	swait.ge [sflag:s5], $0x80  }
0x8e: {  	[sflag:s5] =	ssyncset.done $0x0  }
0x8f: {  	[sflag:s5] =	ssyncadd.s32 $0xFFFFFF80  }
0x90: {  	_ =	swait.ge [sflag:s5], $0x80  }
0x91: {  	[sflag:s5] =	ssyncset.done $0x0  }
0x92: {  	[sflag:s5] =	ssyncadd.s32 $0xFFFFFF80  }
0x93: {  	_ =	swait.ge [sflag:s5], $0x80  }
0x94: {  	[sflag:s5] =	ssyncset.done $0x0  }
0x95: {  	[sflag:s5] =	ssyncadd.s32 $0xFFFFFF80  }
0x96: {  	_ =	swait.ge [sflag:s5], $0x80  }
0x97: {  	[sflag:s5] =	ssyncset.done $0x0  }
0x98: {  	[sflag:s5] =	ssyncadd.s32 $0xFFFFFF80  }
0x99: {  	_ =	swait.ge [sflag:s5], $0x80  }
0x9a: {  	[sflag:s5] =	ssyncset.done $0x0  }
0x9b: {  	[sflag:s5] =	ssyncadd.s32 $0xFFFFFF80  }
0x9c: {  	_ =	swait.ge [sflag:s5], $0x80  }
0x9d: {  	[sflag:s5] =	ssyncset.done $0x0  }
0x9e: {  	[sflag:s5] =	ssyncadd.s32 $0xFFFFFF80  }
0x9f: {  	_ =	swait.ge [sflag:s5], $0x80  }
0xa0: {  	[sflag:s5] =	ssyncset.done $0x0  }
0xa1: {  	[sflag:s5] =	ssyncadd.s32 $0xFFFFFF80  }
0xa2: {  	_ =	swait.ge [sflag:s5], $0x80  }
0xa3: {  	[sflag:s5] =	ssyncset.done $0x0  }
0xa4: {  	s14 =	simm.s32 $0x2580;
	[sflag:s5] =	ssyncadd.s32 $0xFFFFFF80  }
0xa5: {  	[tilespmem:s14], [sflag:$0x1] =	stream.indirect.gather [hbm4b:s2+s10], $0x10, s16, s10, $0xb8;
	[tilespmem:$0xED80] =	vst v63  }
0xa6: {  	s16 =	simm.s32 $0x2D80  }
0xa7: {  	[tilespmem:s16], [sflag:$0x1] =	stream.indirect.gather [hbm4b:s2+s10], $0x10, s18, s10, $0xb8;
	[tilespmem:$0xED80] =	vst v63  }
0xa8: {  	s18 =	simm.s32 $0x3580  }
0xa9: {  	[tilespmem:s18], [sflag:$0x1] =	stream.indirect.gather [hbm4b:s2+s10], $0x10, s20, s10, $0xb8;
	[tilespmem:$0xED80] =	vst v63  }
0xaa: {  	s16 =	simm.s32 $0x3D80  }
0xab: {  	[tilespmem:s16], [sflag:$0x1] =	stream.indirect.gather [hbm4b:s2+s10], $0x10, s22, s10, $0xb8;
	[tilespmem:$0xED80] =	vst v63  }
0xac: {  	s18 =	simm.s32 $0x4580  }
0xad: {  	[tilespmem:s18], [sflag:$0x1] =	stream.indirect.gather [hbm4b:s2+s10], $0x10, s24, s10, $0xb8;
	[tilespmem:$0xED80] =	vst v63  }
0xae: {  	s16 =	simm.s32 $0x4D80  }
0xaf: {  	[tilespmem:s16], [sflag:$0x1] =	stream.indirect.gather [hbm4b:s2+s10], $0x10, s26, s10, $0xb8;
	[tilespmem:$0xED80] =	vst v63  }
0xb0: {  	s18 =	simm.s32 $0x5580  }
0xb1: {  	[tilespmem:s18], [sflag:$0x1] =	stream.indirect.gather [hbm4b:s2+s10], $0x10, s29, s10, $0xb8;
	[tilespmem:$0xED80] =	vst v63  }
0xb2: {  	s16 =	simm.s32 $0x5D80  }
0xb3: {  	[tilespmem:s16], [sflag:$0x1] =	stream.indirect.gather [hbm4b:s2+s10], $0x10, s31, s10, $0xb8;
	[tilespmem:$0xED80] =	vst v63  }
0xb4: {  	s18 =	simm.s32 $0x6580  }
0xb5: {  	[tilespmem:s18], [sflag:$0x1] =	stream.indirect.gather [hbm4b:s2+s10], $0x10, s0, s10, $0xb8;
	[tilespmem:$0xED80] =	vst v63  }
0xb6: {  	s14 =	simm.s32 $0x6D80  }
0xb7: {  	[tilespmem:s14], [sflag:$0x1] =	stream.indirect.gather [hbm4b:s2+s10], $0x10, s6, s10, $0xb8;
	[tilespmem:$0xED80] =	vst v63  }
0xb8: {  	s16 =	simm.s32 $0x7580  }
0xb9: {  	[tilespmem:s16], [sflag:$0x1] =	stream.indirect.gather [hbm4b:s2+s10], $0x10, s11, s10, $0xb8;
	[tilespmem:$0xED80] =	vst v63  }
0xba: {  	s18 =	simm.s32 $0x7D80  }
0xbb: {  	[tilespmem:s18], [sflag:$0x1] =	stream.indirect.gather [hbm4b:s2+s10], $0x10, s15, s10, $0xb8;
	[tilespmem:$0xED80] =	vst v63  }
0xbc: {  	s14 =	simm.s32 $0x8580  }
0xbd: {  	[tilespmem:s14], [sflag:$0x1] =	stream.indirect.gather [hbm4b:s2+s10], $0x10, s19, s10, $0xb8;
	[tilespmem:$0xED80] =	vst v63  }
0xbe: {  	s16 =	simm.s32 $0x8D80  }
0xbf: {  	[tilespmem:s16], [sflag:$0x1] =	stream.indirect.gather [hbm4b:s2+s10], $0x10, s23, s10, $0xb8;
	[tilespmem:$0xED80] =	vst v63  }
0xc0: {  	s18 =	simm.s32 $0x9580  }
0xc1: {  	[tilespmem:s18], [sflag:$0x1] =	stream.indirect.gather [hbm4b:s2+s10], $0x10, s28, s10, $0xb8;
	[tilespmem:$0xED80] =	vst v63  }
0xc2: {  	s14 =	simm.s32 $0x9D80  }
0xc3: {  	[tilespmem:s14], [sflag:$0x1] =	stream.indirect.gather [hbm4b:s2+s10], $0x10, s1, s10, $0xb8;
	[tilespmem:$0xED80] =	vst v63  }
0xc4: {  	s16 =	simm.s32 $0xA580  }
0xc5: {  	[tilespmem:s16], [sflag:$0x1] =	stream.indirect.gather [hbm4b:s2+s10], $0x10, s8, s10, $0xb8;
	[tilespmem:$0xED80] =	vst v63  }
0xc6: {  	s18 =	simm.s32 $0xAD80  }
0xc7: {  	[tilespmem:s18], [sflag:$0x1] =	stream.indirect.gather [hbm4b:s2+s10], $0x10, s17, s10, $0xb8;
	[tilespmem:$0xED80] =	vst v63  }
0xc8: {  	s1 =	simm.s32 $0xB580  }
0xc9: {  	[tilespmem:s1], [sflag:$0x1] =	stream.indirect.gather [hbm4b:s2+s10], $0x10, s25, s10, $0xb8;
	[tilespmem:$0xED80] =	vst v63  }
0xca: {  	s14 =	simm.s32 $0xBD80  }
0xcb: {  	[tilespmem:s14], [sflag:$0x1] =	stream.indirect.gather [hbm4b:s2+s10], $0x10, s3, s10, $0xb8;
	[tilespmem:$0xED80] =	vst v63  }
0xcc: {  	s16 =	simm.s32 $0xC580  }
0xcd: {  	[tilespmem:s16], [sflag:$0x1] =	stream.indirect.gather [hbm4b:s2+s10], $0x10, s21, s10, $0xb8;
	[tilespmem:$0xED80] =	vst v63  }
0xce: {  	s18 =	simm.s32 $0xCD80  }
0xcf: {  	[tilespmem:s18], [sflag:$0x1] =	stream.indirect.gather [hbm4b:s2+s10], $0x10, s13, s10, $0xb8;
	[tilespmem:$0xED80] =	vst v63  }
0xd0: {  	s1 =	simm.s32 $0xD580  }
0xd1: {  	[tilespmem:s1], [sflag:$0x1] =	stream.indirect.gather [hbm4b:s2+s10], $0x10, s30, s10, $0xb8;
	[tilespmem:$0xED80] =	vst v63  }
0xd2: {  	s3 =	simm.s32 $0xDD80  }
0xd3: {  	[tilespmem:s3], [sflag:$0x1] =	stream.indirect.gather [hbm4b:s2+s10], $0x10, s7, s10, $0xb8;
	[tilespmem:$0xED80] =	vst v63  }
0xd4: {  	s14 =	simm.s32 $0xE580  }
0xd5: {  	[tilespmem:s14], [sflag:$0x1] =	stream.indirect.gather [hbm4b:s2+s10], $0x10, s9, s10, $0xb8;
	[tilespmem:$0xED80] =	vst v63  }
0xd6: {  	_ =	swait.ge [sflag:s5], $0x800  }
0xd7: {  	[sflag:s5] =	ssyncset.done $0x0  }
0xd8: {  	[sflag:s5] =	ssyncadd.s32 $0xFFFFF800  }
0xd9: {  	_ =	swait.ge [sflag:s5], $0x800  }
0xda: {  	[sflag:s5] =	ssyncset.done $0x0  }
0xdb: {  	[sflag:s5] =	ssyncadd.s32 $0xFFFFF800  }
0xdc: {  	_ =	swait.ge [sflag:s5], $0x800  }
0xdd: {  	[sflag:s5] =	ssyncset.done $0x0  }
0xde: {  	[sflag:s5] =	ssyncadd.s32 $0xFFFFF800  }
0xdf: {  	_ =	swait.ge [sflag:s5], $0x800  }
0xe0: {  	[sflag:s5] =	ssyncset.done $0x0  }
0xe1: {  	[sflag:s5] =	ssyncadd.s32 $0xFFFFF800  }
0xe2: {  	_ =	swait.ge [sflag:s5], $0x800  }
0xe3: {  	[sflag:s5] =	ssyncset.done $0x0  }
0xe4: {  	[sflag:s5] =	ssyncadd.s32 $0xFFFFF800  }
0xe5: {  	_ =	swait.ge [sflag:s5], $0x800  }
0xe6: {  	[sflag:s5] =	ssyncset.done $0x0  }
0xe7: {  	[sflag:s5] =	ssyncadd.s32 $0xFFFFF800  }
0xe8: {  	_ =	swait.ge [sflag:s5], $0x800  }
0xe9: {  	[sflag:s5] =	ssyncset.done $0x0  }
0xea: {  	[sflag:s5] =	ssyncadd.s32 $0xFFFFF800  }
0xeb: {  	_ =	swait.ge [sflag:s5], $0x800  }
0xec: {  	[sflag:s5] =	ssyncset.done $0x0  }
0xed: {  	[sflag:s5] =	ssyncadd.s32 $0xFFFFF800  }
0xee: {  	_ =	swait.ge [sflag:s5], $0x800  }
0xef: {  	[sflag:s5] =	ssyncset.done $0x0  }
0xf0: {  	[sflag:s5] =	ssyncadd.s32 $0xFFFFF800  }
0xf1: {  	_ =	swait.ge [sflag:s5], $0x800  }
0xf2: {  	[sflag:s5] =	ssyncset.done $0x0  }
0xf3: {  	[sflag:s5] =	ssyncadd.s32 $0xFFFFF800  }
0xf4: {  	_ =	swait.ge [sflag:s5], $0x800  }
0xf5: {  	[sflag:s5] =	ssyncset.done $0x0  }
0xf6: {  	[sflag:s5] =	ssyncadd.s32 $0xFFFFF800  }
0xf7: {  	_ =	swait.ge [sflag:s5], $0x800  }
0xf8: {  	[sflag:s5] =	ssyncset.done $0x0  }
0xf9: {  	[sflag:s5] =	ssyncadd.s32 $0xFFFFF800  }
0xfa: {  	_ =	swait.ge [sflag:s5], $0x800  }
0xfb: {  	[sflag:s5] =	ssyncset.done $0x0  }
0xfc: {  	[sflag:s5] =	ssyncadd.s32 $0xFFFFF800  }
0xfd: {  	_ =	swait.ge [sflag:s5], $0x800  }
0xfe: {  	[sflag:s5] =	ssyncset.done $0x0  }
0xff: {  	[sflag:s5] =	ssyncadd.s32 $0xFFFFF800  }
0x100: {  	_ =	swait.ge [sflag:s5], $0x800  }
0x101: {  	[sflag:s5] =	ssyncset.done $0x0  }
0x102: {  	[sflag:s5] =	ssyncadd.s32 $0xFFFFF800  }
0x103: {  	_ =	swait.ge [sflag:s5], $0x800  }
0x104: {  	[sflag:s5] =	ssyncset.done $0x0  }
0x105: {  	[sflag:s5] =	ssyncadd.s32 $0xFFFFF800  }
0x106: {  	_ =	swait.ge [sflag:s5], $0x800  }
0x107: {  	[sflag:s5] =	ssyncset.done $0x0  }
0x108: {  	[sflag:s5] =	ssyncadd.s32 $0xFFFFF800  }
0x109: {  	_ =	swait.ge [sflag:s5], $0x800  }
0x10a: {  	[sflag:s5] =	ssyncset.done $0x0  }
0x10b: {  	[sflag:s5] =	ssyncadd.s32 $0xFFFFF800  }
0x10c: {  	_ =	swait.ge [sflag:s5], $0x800  }
0x10d: {  	[sflag:s5] =	ssyncset.done $0x0  }
0x10e: {  	[sflag:s5] =	ssyncadd.s32 $0xFFFFF800  }
0x10f: {  	_ =	swait.ge [sflag:s5], $0x800  }
0x110: {  	[sflag:s5] =	ssyncset.done $0x0  }
0x111: {  	[sflag:s5] =	ssyncadd.s32 $0xFFFFF800  }
0x112: {  	_ =	swait.ge [sflag:s5], $0x800  }
0x113: {  	[sflag:s5] =	ssyncset.done $0x0  }
0x114: {  	[sflag:s5] =	ssyncadd.s32 $0xFFFFF800  }
0x115: {  	_ =	swait.ge [sflag:s5], $0x800  }
0x116: {  	[sflag:s5] =	ssyncset.done $0x0  }
0x117: {  	[sflag:s5] =	ssyncadd.s32 $0xFFFFF800  }
0x118: {  	_ =	swait.ge [sflag:s5], $0x800  }
0x119: {  	[sflag:s5] =	ssyncset.done $0x0  }
0x11a: {  	[sflag:s5] =	ssyncadd.s32 $0xFFFFF800  }
0x11b: {  	_ =	swait.ge [sflag:s5], $0x800  }
0x11c: {  	[sflag:s5] =	ssyncset.done $0x0  }
0x11d: {  	s16 =	sshll.u32 s12, $0x5;
	s12 =	sadd.s32 $0x1, s12;
	[sflag:s5] =	ssyncadd.s32 $0xFFFFF800  }
0x11e: {  	p0 =	sne.s32 s12, $0x8;
	s1 =	simm.s32 $0x10;
	_ =	swait.ge [sflag:s5], $0x800  }
0x11f: {  	s3 =	simm.s32 $0x40;
	s14 =	sand.u32 $0x60, s16;
	s18 =	rddreg [dreg:$0x5]  }
0x120: {  	s16 =	simm.s32 $0x2580;
	[sflag:s5] =	ssyncset.done $0x0;
	s14 =	sor.u32 s18, s14  }
0x121: {  	s0 =	rddreg [dreg:$0x3];
	[sflag:s5] =	ssyncadd.s32 $0xFFFFF800;
	s14 =	sshrl.u32 s14, $0x4  }
.Ltmp1:
0x122: {  	s18 =	simm.s32 $0x2;
	s14 =	sadd.s32 s0, s14;
	(pc) =	sbr.rel @p0 .LBB2_2-.Ltmp1, $4  }
0x123: {  	[hbm4b:s14+s1] =	stream.strided.scatter [tilespmem:s16], [sflag:$0x2], $0xC800, s3, s1, $0x38;
	[tilespmem:$0xED80] =	vst v63  }
0x124: {  	_ =	swait.ge [sflag:s18], $0xC800  }
0x125: {  	[sflag:s18] =	ssyncset.done $0x0  }
0x126: {  	[sflag:s18] =	ssyncadd.s32 $0xFFFF3800  }
0x127: {  	s0 =	rddreg [dreg:$0x7]  }
0x128: {  	s12 =	rddreg [dreg:$0x6];
	s0 =	sadd.s32 $0x1, s0  }
0x129: {  	p0 =	sne.s32 s0, s12  }
.Ltmp2:
0x12a: {  	_ = 	snop;
	(pc) =	sbr.rel @p0 .LBB2_1-.Ltmp2, $1  }
0x12b: {  	_ =	sdelay $0x3  }
0x12c: {  	_ =	sfence.sel $0x180000  }
0x12d: {  	[bflag:$0x0] =	sbarrier.arrive $0xFFFF  }
0x12e: {  	_ =	strace $0x9000004D  }
0x12f: {  	s0 =	stileid.u32;
	[bflag:$0x2] =	sbarrier.arrive $0xFFFF  }
0x130: {  	p0 =	sne.s32 s0, $0x0;
	s0 =	rddreg [dreg:$0x2]  }
0x131: {  	s0 =	sadd.s32 @!p0 $0x100000, s0  }
0x132: {  	[sflag:s0] =	ssyncadd.tile.s32 @!p0 $0x1;
	_ =	shalt  }
.Lfunc_end2:
_tile_overlayer_lowered:
.L_overlay_start_2:
0x133: {  	(tag) =	ssettag $0x2  }
0x134: {  	s0 =	rddreg [dreg:$0x0];
	s2 =	stileid.u32  }
0x135: {  	s1 =	rddreg [dreg:$0x1];
	p0 =	sne.s32 s2, $0x0  }
0x136: {  	s3 =	rddreg [dreg:$0x2];
	[bflag:$0x3] =	sbarrier.arrive $0xFFFF;
	s2 =	simm.s32 @!p0 $0x1C02  }
0x137: {  	[timem:s3], [sflag:s2] =	dma.local @!p0 [hbm:s0], s1  }
0x138: {  	s0 =	simm.s32 @!p0 $0x2  }
0x139: {  	_ =	swait.ge @!p0 [sflag:s0], s1  }
0x13a: {  	s1 =	ssub.s32 @!p0 $0x0, s1;
	[sflag:s0] =	ssyncset.done @!p0 $0x0  }
0x13b: {  	[sflag:s0] =	ssyncadd.s32 @!p0 s1  }
0x13c: {  	[bflag:$0x3] =	sbarrier.arrive $0xFFFF  }
0x13d: {  	_ =	shalt  }

// kernel: kernel.26.cloned.1.call-start
scs
__scs_entry_jumppad:
0x0: {  	(pc) =	sbr.rel $0x88, $3  }
0x1: {  	(tag) =	ssettag $0x0;
	lr =	simm.s32 $0x1  }
0x2: {  	[smem:$0x3F9D] =	sst lr;
	_ =	strace $0xD0000000  }
0x3: {  	_ = 	snop  }
0x4: {  	_ = 	snop  }
0x5: {  	_ = 	snop  }
0x6: {  	_ = 	snop  }
0x7: {  	_ = 	snop  }
__scs_overlays_trampoline_lowered:
0x8: {  	[smem:$0x3FAC] =	sst s0  }
0x9: {  	[smem:$0x3FAD] =	sst s1  }
0xa: {  	[smem:$0x3FAE] =	sst s2  }
0xb: {  	[smem:$0x3FAF] =	sst s3  }
0xc: {  	[smem:$0x3FB0] =	sst s4  }
0xd: {  	[smem:$0x3FB1] =	sst s5  }
0xe: {  	[smem:$0x3FB2] =	sst s6  }
0xf: {  	[smem:$0x3FB3] =	sst s7  }
0x10: {  	[smem:$0x3FB4] =	sst s8  }
0x11: {  	[smem:$0x3FB5] =	sst s9;
	s0 =	simm.s32 @!p0 $0x0  }
0x12: {  	s1 =	sld [smem:$0x3F9B];
	s0 =	simm.s32 @p0 $0x1  }
0x13: {  	[smem:$0x3FB6] =	sst s0;
	s0 =	simm.s32 @!p1 $0x0  }
0x14: {  	s2 =	sld [smem:$0x3F9A];
	s0 =	simm.s32 @p1 $0x1  }
0x15: {  	[smem:$0x3FB7] =	sst s0;
	s0 =	simm.s32 @!p2 $0x0  }
0x16: {  	s3 =	sld [smem:$0x3FDB];
	s0 =	simm.s32 @p2 $0x1  }
0x17: {  	s4 =	simm.s32 $0x1BF5;
	[smem:$0x3FB9] =	sst s0  }
0x18: {  	s0 =	sld [smem:$0x3F9C];
	_ =	swait.ge [sflag:s4], $0x0  }
0x19: {  	s7 =	sld [smem:$0x3F9D]  }
0x1a: {  	s8 =	sadd.s32 $0xFFFFE003, lr  }
0x1b: {  	s9 =	sadd.s32 $0xFFFFFEF7, lr;
	s5 =	simm.s32 $0xFFFFFFFF;
	p2 =	slt.u32 s8, $0xFFFFF086  }
0x1c: {  	p1 =	slt.u32 s9, $0xF7A;
	s5 =	simm.s32 @!p2 $0x0  }
0x1d: {  	s5 =	simm.s32 @p1 $0x1;
	p0 =	seq.s32 s7, s2  }
0x1e: {  	s7 =	smul.u32 @!p0 $0xF7A, s2;
	p2 =	seq.s32 @!p0 s5, $0x0  }
0x1f: {  	s9 =	smul.u32 $0xF7A, s1;
	s8 =	simm.s32 @!p0 $0x1BF5;
	p2 =	por !p2, p0  }
0x20: {  	[sflag:s8] =	ssyncset.s32 @!p0 $0xFFFFF086;
	s6 =	sadd.s32 @!p0 s3, s7;
	s7 =	simm.s32 @!p0 $0x108  }
0x21: {  	s3 =	sadd.s32 s3, s9;
	s6 =	sadd.s32 @!p0 $0x88, s6;
	s7 =	simm.s32 @p2 $0x1082  }
0x22: {  	[simem:s7], [sflag:s8] =	dma.local @!p0 [hbm:s6], $0xF7A  }
0x23: {  	s9 =	sor.u32 $0xD0000000, s2;
	s6 =	simm.s32 $0x108;
	_ =	swait.ge @!p0 [sflag:s8], $0x0  }
0x24: {  	s3 =	sadd.s32 $0x88, s3;
	s6 =	simm.s32 @!p1 $0x1082;
	[sflag:s4] =	ssyncset.s32 $0xFFFFF086  }
0x25: {  	[simem:s6], [sflag:s4] =	dma.local [hbm:s3], $0xF7A  }
0x26: {  	[smem:$0x3F9D] =	sst s1;
	(tag) =	ssettag s2;
	_ =	strace s9  }
0x27: {  	s1 =	sld [smem:$0x3FAD]  }
0x28: {  	s2 =	sld [smem:$0x3FAE]  }
0x29: {  	s4 =	sld [smem:$0x3FB0]  }
0x2a: {  	p0 =	seq.s32 s5, $0x0;
	s5 =	sld [smem:$0x3FB1]  }
0x2b: {  	s6 =	sld [smem:$0x3FB2]  }
0x2c: {  	s7 =	sld [smem:$0x3FB3]  }
0x2d: {  	s3 =	simm.s32 $0x108;
	s8 =	sld [smem:$0x3FB4]  }
0x2e: {  	s3 =	simm.s32 @!p0 $0x1082;
	s9 =	sld [smem:$0x3FB5]  }
0x2f: {  	lr =	sadd.s32 s0, s3;
	s0 =	sld [smem:$0x3FAC]  }
0x30: {  	s3 =	sld [smem:$0x3FAF]  }
0x31: {  	[smem:$0x3FB8] =	sst s10  }
0x32: {  	s10 =	sld [smem:$0x3FB6];
	_ =	sdelay $0x3  }
0x33: {  	p0 =	seq.s32 s10, $0x1;
	s10 =	sld [smem:$0x3FB8];
	_ =	sdelay $0x3  }
0x34: {  	[smem:$0x3FB8] =	sst s10  }
0x35: {  	s10 =	sld [smem:$0x3FB7];
	_ =	sdelay $0x3  }
0x36: {  	p1 =	seq.s32 s10, $0x1;
	s10 =	sld [smem:$0x3FB8];
	_ =	sdelay $0x3  }
0x37: {  	[smem:$0x3FB8] =	sst s10  }
0x38: {  	s10 =	sld [smem:$0x3FB9]  }
0x39: {  	_ = 	snop;
	(pc) =	sbr.ind lr, $3  }
0x3a: {  	_ = 	snop  }
0x3b: {  	_ = 	snop  }
0x3c: {  	p2 =	seq.s32 s10, $0x1;
	s10 =	sld [smem:$0x3FB8]  }
0x3d: {  	_ =	shalt  }
0x3e: {  	_ =	shalt  }
0x3f: {  	_ =	shalt  }
0x40: {  	_ =	shalt  }
0x41: {  	_ =	shalt  }
0x42: {  	_ =	shalt  }
0x43: {  	_ =	shalt  }
0x44: {  	_ =	shalt  }
0x45: {  	_ =	shalt  }
0x46: {  	_ =	shalt  }
0x47: {  	_ =	shalt  }
0x48: {  	_ =	shalt  }
0x49: {  	_ =	shalt  }
0x4a: {  	_ =	shalt  }
0x4b: {  	_ =	shalt  }
0x4c: {  	_ =	shalt  }
0x4d: {  	_ =	shalt  }
0x4e: {  	_ =	shalt  }
0x4f: {  	_ =	shalt  }
0x50: {  	_ =	shalt  }
0x51: {  	_ =	shalt  }
0x52: {  	_ =	shalt  }
0x53: {  	_ =	shalt  }
0x54: {  	_ =	shalt  }
0x55: {  	_ =	shalt  }
0x56: {  	_ =	shalt  }
0x57: {  	_ =	shalt  }
0x58: {  	_ =	shalt  }
0x59: {  	_ =	shalt  }
0x5a: {  	_ =	shalt  }
0x5b: {  	_ =	shalt  }
0x5c: {  	_ =	shalt  }
0x5d: {  	_ =	shalt  }
0x5e: {  	_ =	shalt  }
0x5f: {  	_ =	shalt  }
0x60: {  	_ =	shalt  }
0x61: {  	_ =	shalt  }
0x62: {  	_ =	shalt  }
0x63: {  	_ =	shalt  }
0x64: {  	_ =	shalt  }
0x65: {  	_ =	shalt  }
0x66: {  	_ =	shalt  }
0x67: {  	_ =	shalt  }
0x68: {  	_ =	shalt  }
0x69: {  	_ =	shalt  }
0x6a: {  	_ =	shalt  }
0x6b: {  	_ =	shalt  }
0x6c: {  	_ =	shalt  }
0x6d: {  	_ =	shalt  }
0x6e: {  	_ =	shalt  }
0x6f: {  	_ =	shalt  }
0x70: {  	_ =	shalt  }
0x71: {  	_ =	shalt  }
0x72: {  	_ =	shalt  }
0x73: {  	_ =	shalt  }
0x74: {  	_ =	shalt  }
0x75: {  	_ =	shalt  }
0x76: {  	_ =	shalt  }
0x77: {  	_ =	shalt  }
0x78: {  	_ =	shalt  }
0x79: {  	_ =	shalt  }
0x7a: {  	_ =	shalt  }
0x7b: {  	_ =	shalt  }
0x7c: {  	_ =	shalt  }
0x7d: {  	_ =	shalt  }
0x7e: {  	_ =	shalt  }
0x7f: {  	_ =	shalt  }
0x80: {  	_ =	shalt  }
0x81: {  	_ =	shalt  }
0x82: {  	_ =	shalt  }
0x83: {  	_ =	shalt  }
0x84: {  	_ =	shalt  }
0x85: {  	_ =	shalt  }
0x86: {  	_ =	shalt  }
0x87: {  	_ =	shalt  }
.Lfunc_end0:
.L_simem_size_0:
called_computation.3_lowered:
.L_overlay_start_0:
0x88: {  	s2 =	sld [smem:$0x3FD9]  }
0x89: {  	s3 =	sld [smem:$0x3FFE];
	_ =	sdelay $0x1  }
0x8a: {  	s1 =	srdreg.scid  }
0x8b: {  	s0 =	sand.u32 $0x1, s1  }
0x8c: {  	s17 =	sshll.u32 s0, $0xA;
	s2 =	sadd.s32 s3, s2  }
0x8d: {  	s2 =	sadd.s32 s2, s17  }
0x8e: {  	[smem:$0x3FC4] =	sst s2  }
0x8f: {  	_ = 	snop  }
0x90: {  	s18 =	sld [smem:$0x3FD0];
	(tm) =	ssettm $0x1  }
0x91: {  	s19 =	sld [smem:$0x3FFB];
	_ =	sdelay $0x3  }
0x92: {  	_ =	strace s19  }
0x93: {  	s2 =	sld [smem:$0x3FFC];
	_ =	sdelay $0x3  }
0x94: {  	_ =	strace s2  }
0x95: {  	s2 =	sld [smem:$0x3FFD];
	_ =	sdelay $0x3  }
0x96: {  	_ =	strace s2  }
0x97: {  	_ =	strace $0x8FFFFFFF  }
0x98: {  	s20 =	sld [smem:$0x3FDB];
	_ =	sdelay $0x1  }
0x99: {  	s4 =	simm.s32 $_scs_section_size  }
0x9a: {  	s5 =	simm.s32 $_size__tile_overlayer_lowered;
	s6 =	simm.s32 $_tile_overlayer_lowered  }
0x9b: {  	s7 =	simm.s32 $0x1BFF;
	s21 =	sshll.u32 s6, $0x1;
	s4 =	sadd.s32 s4, s20  }
0x9c: {  	s22 =	simm.s32 $0x0;
	s5 =	sshll.u32 s5, $0x1;
	s6 =	sadd.s32 s21, s4  }
0x9d: {  	[timem:s22], [sflag:s7] =	dma.local [hbm:s6], s5  }
0x9e: {  	_ =	swait.ge [sflag:s7], s5  }
0x9f: {  	s5 =	ssub.s32 $0x0, s5;
	[sflag:s7] =	ssyncset.done $0x0  }
0xa0: {  	[sflag:s7] =	ssyncadd.s32 s5;
	_ =	sdelay $0x1  }
0xa1: {  	s23 =	simm.s32 $0x1B8B  }
0xa2: {  	_ =	swait.ge [sflag:s23], $0x1  }
0xa3: {  	[sflag:s23] =	ssyncset.done $0x0  }
0xa4: {  	[sflag:s23] =	ssyncadd.s32 $0xFFFFFFFF  }
0xa5: {  	s5 =	sld [smem:$0x0]  }
0xa6: {  	s6 =	sand.u32 $0xFFFFFFFE, s1  }
0xa7: {  	p0 =	sne.s32 s1, s6  }
0xa8: {  	s6 =	sshll.u32 @p0 s6, $0xE  }
0xa9: {  	s6 =	sadd.s32 @p0 $0x11B8D, s6;
	s7 =	sshll.u32 @p0 s5, $0x11  }
0xaa: {  	s6 =	sor.u32 @p0 s7, s6  }
0xab: {  	[sflag:s6] =	ssyncadd.remote.s32 @p0 $0x1;
	_ =	sdelay $0x1  }
0xac: {  	s6 =	simm.s32 @p0 $0x1B8D  }
0xad: {  	_ =	swait.eq @p0 [sflag:s6], $0x1  }
0xae: {  	[sflag:s6] =	ssyncadd.s32 @p0 $0xFFFFFFFF  }
0xaf: {  	s7 =	sshll.u32 @!p0 s1, $0xE  }
0xb0: {  	s7 =	sor.u32 @!p0 $0x4000, s7;
	s6 =	simm.s32 @!p0 $0x1B8D  }
0xb1: {  	s5 =	sshll.u32 @!p0 s5, $0x11;
	s7 =	sadd.s32 @!p0 $0x11B8D, s7;
	_ =	swait.eq @!p0 [sflag:s6], $0x1  }
0xb2: {  	s5 =	sor.u32 @!p0 s5, s7;
	[sflag:s6] =	ssyncadd.s32 @!p0 $0xFFFFFFFF  }
0xb3: {  	s25 =	simm.s32 $0x1B8E;
	s24 =	sld [smem:$0x3FFE];
	[sflag:s5] =	ssyncadd.remote.s32 @!p0 $0x1  }
0xb4: {  	s26 =	simm.s32 $execute0_lowered;
	[smem:$0x3FD2] =	sst s25  }
0xb5: {  	s6 =	sshll.u32 s26, $0x1;
	_ =	strace $0x8000004F;
	[dreg:$0x1] =	wrdreg $0xFFFFFFFF  }
0xb6: {  	s28 =	simm.s32 $_size_execute0_lowered;
	s4 =	sadd.s32 s4, s6;
	[dreg:$0x0] =	wrdreg $0x0  }
0xb7: {  	s6 =	sshll.u32 s28, $0x1;
	[dreg:$0x2] =	wrdreg s4  }
0xb8: {  	[dreg:$0x3] =	wrdreg s6  }
0xb9: {  	[dreg:$0x4] =	wrdreg $0xC0  }
0xba: {  	_ =	task [dreg:s22], $0x5FFFF  }
0xbb: {  	[dreg:$0x1] =	wrdreg $0xFFFFFFFF  }
0xbc: {  	[dreg:$0x0] =	wrdreg $0x60  }
0xbd: {  	[dreg:$0x2] =	wrdreg s24  }
0xbe: {  	[dreg:$0x3] =	wrdreg s18  }
0xbf: {  	[dreg:$0x4] =	wrdreg $0xB  }
0xc0: {  	_ =	task.clear_ibuf [dreg:s22], $0x5FFFF;
	_ =	strace $0x9000004F  }
0xc1: {  	s29 =	simm.s32 $0xB;
	_ =	strace $0x80000051  }
0xc2: {  	_ =	swait.ge [sflag:s29], $0x1  }
0xc3: {  	[sflag:s29] =	ssyncadd.s32 $0xFFFFFFFF  }
0xc4: {  	_ =	strace $0x90000051  }
0xc5: {  	_ =	sfence  }
0xc6: {  	s30 =	sld [smem:$0x0];
	_ =	sdelay $0x2  }
0xc7: {  	s31 =	sshll.u32 s1, $0xD;
	s1 =	sshrl.u32 s1, $0x2  }
0xc8: {  	s4 =	sand.u32 $0x4000, s31;
	s1 =	sadd.s32 s1, s30  }
0xc9: {  	s0 =	sor.u32 s4, s0;
	s1 =	sshll.u32 s1, $0x11  }
0xca: {  	s0 =	sor.u32 s1, s0  }
0xcb: {  	s0 =	sadd.s32 $0x8F2B, s0  }
0xcc: {  	[sflag:s0] =	ssyncadd.remote.s32 $0x1  }
0xcd: {  	_ =	sfence.sel $0xFFFF  }
0xce: {  	[dreg:$0x0] =	wrdreg $0xFFFFFFFF;
	(pc) =	sbr.abs _section_cstart, $3  }
0xcf: {  	[dreg:$0x1] =	wrdreg $0xFFFFFFFF  }
0xd0: {  	_ =	task.clear_ibuf [dreg:s22], $0x2FFFF;
	_ =	strace $0x9FFFFFFF  }
0xd1: {  	(tm) =	ssettm $0x7FFFFFFF  }
tec
execute0_lowered:
.L_overlay_start_1:
0x0: {  	(tag) =	ssettag $0x1  }
0x1: {  	s0 =	rddreg [dreg:$0x0];
	s1 =	srdreg.scid  }
0x2: {  	s3 =	stileid.u32;
	s2 =	rddreg [dreg:$0x1];
	s4 =	simm.s32 $0x0  }
0x3: {  	s10 =	simm.s32 $0x80;
	s20 =	simm.s32 $0x1A00;
	s22 =	simm.s32 $0x1A80  }
0x4: {  	s29 =	simm.s32 $0x1C00;
	s31 =	simm.s32 $0x1C80;
	s11 =	simm.s32 $0x1E00  }
0x5: {  	s15 =	simm.s32 $0x1E80;
	s19 =	simm.s32 $0x1F00;
	s23 =	simm.s32 $0x1F80  }
0x6: {  	s28 =	simm.s32 $0x2000;
	s8 =	simm.s32 $0x2100;
	s17 =	simm.s32 $0x2180  }
0x7: {  	s21 =	simm.s32 $0x2300;
	s13 =	simm.s32 $0x2380;
	s30 =	simm.s32 $0x2400  }
0x8: {  	s7 =	simm.s32 $0x2480;
	s1 =	sand.u32 $0x1, s1;
	s3 =	sshll.u32 s3, $0x1  }
0x9: {  	s9 =	simm.s32 $0x2500;
	[smem:$0x7FF] =	sst s4;
	s3 =	sor.u32 s1, s3  }
0xa: {  	s4 =	sadd.s32 $0xEC00, s0;
	s1 =	ssub.s32 $0x2, s1;
	s5 =	smul.u32 $0x190, s3  }
0xb: {  	_ =	strace $0x80000050;
	s6 =	sshrl.u32 s1, $0x1;
	s26 =	smul.u32 $0x64000, s3  }
0xc: {  	s24 =	ssub.s32 s1, s6;
	s6 =	simm.s32 $0x1D80;
	s5 =	sadd.s32 s5, s0  }
0xd: {  	s0 =	sadd.s32 $0x1C5600, s0;
	[dreg:$0x5] =	wrdreg s26;
	s26 =	simm.s32 $0x1B80  }
0xe: {  	[dreg:$0x3] =	wrdreg s0;
	s25 =	sadd.s32 $0x32400, s5;
	s0 =	smax.u32 s24, $0x1  }
0xf: {  	s5 =	simm.s32 $0x1;
	s24 =	simm.s32 $0x1B00;
	[dreg:$0x4] =	wrdreg s25  }
0x10: {  	[dreg:$0x6] =	wrdreg s0;
	s0 =	simm.s32 $0x0;
	s25 =	simm.s32 $0x2200  }
.LBB2_1:
0x11: {  	[dreg:$0x7] =	wrdreg s0  }
0x12: {  	s12 =	simm.s32 $0x0;
	s14 =	rddreg [dreg:$0x4];
	s18 =	simm.s32 $0x2  }
0x13: {  	[tilespmem:s12], [sflag:$0x2] =	stream.linear.gather [hbm4b:s14+s12], $0xC80, $0x38;
	[tilespmem:$0xED80] =	vst v63  }
0x14: {  	_ =	swait.ge [sflag:s18], $0xC80  }
0x15: {  	[sflag:s18] =	ssyncset.done $0x0  }
0x16: {  	s12 =	simm.s32 $0x8;
	[sflag:s18] =	ssyncadd.s32 $0xFFFFF380  }
.LBB2_2:
0x17: {  	s14 =	smul.u32 $0xAB, s12;
	_ =	sdelay $0x1  }
0x18: {  	s14 =	sshrl.u32 s14, $0x9  }
0x19: {  	p0 =	slt.u32 s12, $0x9;
	s14 =	sand.u32 $0x7F, s14  }
0x1a: {  	p1 =	sgt.u32 s12, $0x8;
	s18 =	simm.s32 $0x42;
	s16 =	sadd.s32 $0xFFFFFFFD, s14  }
0x1b: {  	s18 =	simm.s32 @!p1 $0x0;
	s16 =	smov.u32 @p0 s14;
	s14 =	smul.u32 $0x3, s14  }
0x1c: {  	s16 =	sadd.s32 s18, s16  }
0x1d: {  	s14 =	ssub.s32 s12, s14;
	s16 =	smul.u32 $0x42, s16  }
0x1e: {  	s14 =	sand.u32 $0xFF, s14  }
0x1f: {  	s14 =	sadd.s32 s16, s14  }
0x20: {  	s16 =	sadd.s32 $0xFFFFEEB9, s14;
	s14 =	simm.s32 $0x0  }
0x21: {  	v0 =	vmov s16;
	s16 =	simm.s32 $0x40;
	v1 =	vld [tilespmem:s14+$0x0]  }
.LBB2_3:
0x22: {  	p0 =	sne.s32 s16, $0x31C0  }
.Ltmp0:
0x23: {  	_ = 	snop;
	(pc) =	sbr.rel @p0 .LBB2_3-.Ltmp0, $3  }
0x24: {  	_ =	sdelay $0x1  }
0x25: {  	s18 =	sshra.s32 s16, $0x2;
	s16 =	sadd.s32 $0x40, s16;
	v2 =	vadd.s32 v0, v1  }
0x26: {  	v1 =	vld [tilespmem:s18+$0x0];
	[tilespmem:s14+$0xC80] =	vst v2;
	s14 =	smov.u32 s18  }
0x27: {  	_ =	sdelay $0x3  }
0x28: {  	v0 =	vadd.s32 v0, v1  }
0x29: {  	s18 =	simm.s32 $0xC80;
	s16 =	simm.s32 $0x1900;
	[tilespmem:s14+$0xC80] =	vst v0  }
0x2a: {  	[tilespmem:s16], [sflag:$0x1] =	stream.indirect.gather [hbm4b:s4+s10], $0x1, s18, s10, $0xb8;
	[tilespmem:$0xED80] =	vst v63  }
0x2b: {  	s0 =	simm.s32 $0xD00;
	s18 =	simm.s32 $0x1980  }
0x2c: {  	[tilespmem:s18], [sflag:$0x1] =	stream.indirect.gather [hbm4b:s4+s10], $0x1, s0, s10, $0xb8;
	[tilespmem:$0xED80] =	vst v63  }
0x2d: {  	s1 =	simm.s32 $0xD80  }
0x2e: {  	[tilespmem:s20], [sflag:$0x1] =	stream.indirect.gather [hbm4b:s4+s10], $0x1, s1, s10, $0xb8;
	[tilespmem:$0xED80] =	vst v63  }
0x2f: {  	s3 =	simm.s32 $0xE00  }
0x30: {  	[tilespmem:s22], [sflag:$0x1] =	stream.indirect.gather [hbm4b:s4+s10], $0x1, s3, s10, $0xb8;
	[tilespmem:$0xED80] =	vst v63  }
0x31: {  	s0 =	simm.s32 $0xE80  }
0x32: {  	[tilespmem:s24], [sflag:$0x1] =	stream.indirect.gather [hbm4b:s4+s10], $0x1, s0, s10, $0xb8;
	[tilespmem:$0xED80] =	vst v63  }
0x33: {  	s1 =	simm.s32 $0xF00  }
0x34: {  	[tilespmem:s26], [sflag:$0x1] =	stream.indirect.gather [hbm4b:s4+s10], $0x1, s1, s10, $0xb8;
	[tilespmem:$0xED80] =	vst v63  }
0x35: {  	s3 =	simm.s32 $0xF80  }
0x36: {  	[tilespmem:s29], [sflag:$0x1] =	stream.indirect.gather [hbm4b:s4+s10], $0x1, s3, s10, $0xb8;
	[tilespmem:$0xED80] =	vst v63  }
0x37: {  	s0 =	simm.s32 $0x1000  }
0x38: {  	[tilespmem:s31], [sflag:$0x1] =	stream.indirect.gather [hbm4b:s4+s10], $0x1, s0, s10, $0xb8;
	[tilespmem:$0xED80] =	vst v63  }
0x39: {  	s1 =	simm.s32 $0x1080;
	s0 =	simm.s32 $0x1D00  }
0x3a: {  	[tilespmem:s0], [sflag:$0x1] =	stream.indirect.gather [hbm4b:s4+s10], $0x1, s1, s10, $0xb8;
	[tilespmem:$0xED80] =	vst v63  }
0x3b: {  	s3 =	simm.s32 $0x1100  }
0x3c: {  	[tilespmem:s6], [sflag:$0x1] =	stream.indirect.gather [hbm4b:s4+s10], $0x1, s3, s10, $0xb8;
	[tilespmem:$0xED80] =	vst v63  }
0x3d: {  	s1 =	simm.s32 $0x1180  }
0x3e: {  	[tilespmem:s11], [sflag:$0x1] =	stream.indirect.gather [hbm4b:s4+s10], $0x1, s1, s10, $0xb8;
	[tilespmem:$0xED80] =	vst v63  }
0x3f: {  	s3 =	simm.s32 $0x1200  }
0x40: {  	[tilespmem:s15], [sflag:$0x1] =	stream.indirect.gather [hbm4b:s4+s10], $0x1, s3, s10, $0xb8;
	[tilespmem:$0xED80] =	vst v63  }
0x41: {  	s1 =	simm.s32 $0x1280  }
0x42: {  	[tilespmem:s19], [sflag:$0x1] =	stream.indirect.gather [hbm4b:s4+s10], $0x1, s1, s10, $0xb8;
	[tilespmem:$0xED80] =	vst v63  }
0x43: {  	s3 =	simm.s32 $0x1300  }
0x44: {  	[tilespmem:s23], [sflag:$0x1] =	stream.indirect.gather [hbm4b:s4+s10], $0x1, s3, s10, $0xb8;
	[tilespmem:$0xED80] =	vst v63  }
0x45: {  	s1 =	simm.s32 $0x1380  }
0x46: {  	[tilespmem:s28], [sflag:$0x1] =	stream.indirect.gather [hbm4b:s4+s10], $0x1, s1, s10, $0xb8;
	[tilespmem:$0xED80] =	vst v63  }
0x47: {  	s3 =	simm.s32 $0x1400;
	s1 =	simm.s32 $0x2080  }
0x48: {  	[tilespmem:s1], [sflag:$0x1] =	stream.indirect.gather [hbm4b:s4+s10], $0x1, s3, s10, $0xb8;
	[tilespmem:$0xED80] =	vst v63  }
0x49: {  	s3 =	simm.s32 $0x1480  }
0x4a: {  	[tilespmem:s8], [sflag:$0x1] =	stream.indirect.gather [hbm4b:s4+s10], $0x1, s3, s10, $0xb8;
	[tilespmem:$0xED80] =	vst v63  }
0x4b: {  	s3 =	simm.s32 $0x1500  }
0x4c: {  	[tilespmem:s17], [sflag:$0x1] =	stream.indirect.gather [hbm4b:s4+s10], $0x1, s3, s10, $0xb8;
	[tilespmem:$0xED80] =	vst v63  }
0x4d: {  	s3 =	simm.s32 $0x1580  }
0x4e: {  	[tilespmem:s25], [sflag:$0x1] =	stream.indirect.gather [hbm4b:s4+s10], $0x1, s3, s10, $0xb8;
	[tilespmem:$0xED80] =	vst v63  }
0x4f: {  	s14 =	simm.s32 $0x1600;
	s3 =	simm.s32 $0x2280  }
0x50: {  	[tilespmem:s3], [sflag:$0x1] =	stream.indirect.gather [hbm4b:s4+s10], $0x1, s14, s10, $0xb8;
	[tilespmem:$0xED80] =	vst v63  }
0x51: {  	s14 =	simm.s32 $0x1680  }
0x52: {  	[tilespmem:s21], [sflag:$0x1] =	stream.indirect.gather [hbm4b:s4+s10], $0x1, s14, s10, $0xb8;
	[tilespmem:$0xED80] =	vst v63  }
0x53: {  	s14 =	simm.s32 $0x1700  }
0x54: {  	[tilespmem:s13], [sflag:$0x1] =	stream.indirect.gather [hbm4b:s4+s10], $0x1, s14, s10, $0xb8;
	[tilespmem:$0xED80] =	vst v63  }
0x55: {  	s14 =	simm.s32 $0x1780  }
0x56: {  	[tilespmem:s30], [sflag:$0x1] =	stream.indirect.gather [hbm4b:s4+s10], $0x1, s14, s10, $0xb8;
	[tilespmem:$0xED80] =	vst v63  }
0x57: {  	s14 =	simm.s32 $0x1800  }
0x58: {  	[tilespmem:s7], [sflag:$0x1] =	stream.indirect.gather [hbm4b:s4+s10], $0x1, s14, s10, $0xb8;
	[tilespmem:$0xED80] =	vst v63  }
0x59: {  	s14 =	simm.s32 $0x1880  }
0x5a: {  	[tilespmem:s9], [sflag:$0x1] =	stream.indirect.gather [hbm4b:s4+s10], $0x1, s14, s10, $0xb8;
	[tilespmem:$0xED80] =	vst v63  }
0x5b: {  	_ =	swait.ge [sflag:s5], $0x80  }
0x5c: {  	[sflag:s5] =	ssyncset.done $0x0  }
0x5d: {  	[sflag:s5] =	ssyncadd.s32 $0xFFFFFF80  }
0x5e: {  	_ =	swait.ge [sflag:s5], $0x80  }
0x5f: {  	[sflag:s5] =	ssyncset.done $0x0  }
0x60: {  	[sflag:s5] =	ssyncadd.s32 $0xFFFFFF80  }
0x61: {  	_ =	swait.ge [sflag:s5], $0x80  }
0x62: {  	[sflag:s5] =	ssyncset.done $0x0  }
0x63: {  	[sflag:s5] =	ssyncadd.s32 $0xFFFFFF80  }
0x64: {  	_ =	swait.ge [sflag:s5], $0x80  }
0x65: {  	[sflag:s5] =	ssyncset.done $0x0  }
0x66: {  	[sflag:s5] =	ssyncadd.s32 $0xFFFFFF80  }
0x67: {  	_ =	swait.ge [sflag:s5], $0x80  }
0x68: {  	[sflag:s5] =	ssyncset.done $0x0  }
0x69: {  	[sflag:s5] =	ssyncadd.s32 $0xFFFFFF80  }
0x6a: {  	_ =	swait.ge [sflag:s5], $0x80  }
0x6b: {  	[sflag:s5] =	ssyncset.done $0x0  }
0x6c: {  	[sflag:s5] =	ssyncadd.s32 $0xFFFFFF80  }
0x6d: {  	_ =	swait.ge [sflag:s5], $0x80  }
0x6e: {  	[sflag:s5] =	ssyncset.done $0x0  }
0x6f: {  	[sflag:s5] =	ssyncadd.s32 $0xFFFFFF80  }
0x70: {  	_ =	swait.ge [sflag:s5], $0x80  }
0x71: {  	[sflag:s5] =	ssyncset.done $0x0  }
0x72: {  	[sflag:s5] =	ssyncadd.s32 $0xFFFFFF80  }
0x73: {  	_ =	swait.ge [sflag:s5], $0x80  }
0x74: {  	[sflag:s5] =	ssyncset.done $0x0  }
0x75: {  	[sflag:s5] =	ssyncadd.s32 $0xFFFFFF80  }
0x76: {  	_ =	swait.ge [sflag:s5], $0x80  }
0x77: {  	[sflag:s5] =	ssyncset.done $0x0  }
0x78: {  	[sflag:s5] =	ssyncadd.s32 $0xFFFFFF80  }
0x79: {  	_ =	swait.ge [sflag:s5], $0x80  }
0x7a: {  	[sflag:s5] =	ssyncset.done $0x0  }
0x7b: {  	[sflag:s5] =	ssyncadd.s32 $0xFFFFFF80  }
0x7c: {  	_ =	swait.ge [sflag:s5], $0x80  }
0x7d: {  	[sflag:s5] =	ssyncset.done $0x0  }
0x7e: {  	[sflag:s5] =	ssyncadd.s32 $0xFFFFFF80  }
0x7f: {  	_ =	swait.ge [sflag:s5], $0x80  }
0x80: {  	[sflag:s5] =	ssyncset.done $0x0  }
0x81: {  	[sflag:s5] =	ssyncadd.s32 $0xFFFFFF80  }
0x82: {  	_ =	swait.ge [sflag:s5], $0x80  }
0x83: {  	[sflag:s5] =	ssyncset.done $0x0  }
0x84: {  	[sflag:s5] =	ssyncadd.s32 $0xFFFFFF80  }
0x85: {  	_ =	swait.ge [sflag:s5], $0x80  }
0x86: {  	[sflag:s5] =	ssyncset.done $0x0  }
0x87: {  	[sflag:s5] =	ssyncadd.s32 $0xFFFFFF80  }
0x88: {  	_ =	swait.ge [sflag:s5], $0x80  }
0x89: {  	[sflag:s5] =	ssyncset.done $0x0  }
0x8a: {  	[sflag:s5] =	ssyncadd.s32 $0xFFFFFF80  }
0x8b: {  	_ =	swait.ge [sflag:s5], $0x80  }
0x8c: {  	[sflag:s5] =	ssyncset.done $0x0  }
0x8d: {  	[sflag:s5] =	ssyncadd.s32 $0xFFFFFF80  }
0x8e: {  	_ =	swait.ge [sflag:s5], $0x80  }
0x8f: {  	[sflag:s5] =	ssyncset.done $0x0  }
0x90: {  	[sflag:s5] =	ssyncadd.s32 $0xFFFFFF80  }
0x91: {  	_ =	swait.ge [sflag:s5], $0x80  }
0x92: {  	[sflag:s5] =	ssyncset.done $0x0  }
0x93: {  	[sflag:s5] =	ssyncadd.s32 $0xFFFFFF80  }
0x94: {  	_ =	swait.ge [sflag:s5], $0x80  }
0x95: {  	[sflag:s5] =	ssyncset.done $0x0  }
0x96: {  	[sflag:s5] =	ssyncadd.s32 $0xFFFFFF80  }
0x97: {  	_ =	swait.ge [sflag:s5], $0x80  }
0x98: {  	[sflag:s5] =	ssyncset.done $0x0  }
0x99: {  	[sflag:s5] =	ssyncadd.s32 $0xFFFFFF80  }
0x9a: {  	_ =	swait.ge [sflag:s5], $0x80  }
0x9b: {  	[sflag:s5] =	ssyncset.done $0x0  }
0x9c: {  	[sflag:s5] =	ssyncadd.s32 $0xFFFFFF80  }
0x9d: {  	_ =	swait.ge [sflag:s5], $0x80  }
0x9e: {  	[sflag:s5] =	ssyncset.done $0x0  }
0x9f: {  	[sflag:s5] =	ssyncadd.s32 $0xFFFFFF80  }
0xa0: {  	_ =	swait.ge [sflag:s5], $0x80  }
0xa1: {  	[sflag:s5] =	ssyncset.done $0x0  }
0xa2: {  	[sflag:s5] =	ssyncadd.s32 $0xFFFFFF80  }
0xa3: {  	_ =	swait.ge [sflag:s5], $0x80  }
0xa4: {  	[sflag:s5] =	ssyncset.done $0x0  }
0xa5: {  	s14 =	simm.s32 $0x2580;
	[sflag:s5] =	ssyncadd.s32 $0xFFFFFF80  }
0xa6: {  	[tilespmem:s14], [sflag:$0x1] =	stream.indirect.gather [hbm4b:s2+s10], $0x10, s16, s10, $0xb8;
	[tilespmem:$0xED80] =	vst v63  }
0xa7: {  	s16 =	simm.s32 $0x2D80  }
0xa8: {  	[tilespmem:s16], [sflag:$0x1] =	stream.indirect.gather [hbm4b:s2+s10], $0x10, s18, s10, $0xb8;
	[tilespmem:$0xED80] =	vst v63  }
0xa9: {  	s18 =	simm.s32 $0x3580  }
0xaa: {  	[tilespmem:s18], [sflag:$0x1] =	stream.indirect.gather [hbm4b:s2+s10], $0x10, s20, s10, $0xb8;
	[tilespmem:$0xED80] =	vst v63  }
0xab: {  	s16 =	simm.s32 $0x3D80  }
0xac: {  	[tilespmem:s16], [sflag:$0x1] =	stream.indirect.gather [hbm4b:s2+s10], $0x10, s22, s10, $0xb8;
	[tilespmem:$0xED80] =	vst v63  }
0xad: {  	s18 =	simm.s32 $0x4580  }
0xae: {  	[tilespmem:s18], [sflag:$0x1] =	stream.indirect.gather [hbm4b:s2+s10], $0x10, s24, s10, $0xb8;
	[tilespmem:$0xED80] =	vst v63  }
0xaf: {  	s16 =	simm.s32 $0x4D80  }
0xb0: {  	[tilespmem:s16], [sflag:$0x1] =	stream.indirect.gather [hbm4b:s2+s10], $0x10, s26, s10, $0xb8;
	[tilespmem:$0xED80] =	vst v63  }
0xb1: {  	s18 =	simm.s32 $0x5580  }
0xb2: {  	[tilespmem:s18], [sflag:$0x1] =	stream.indirect.gather [hbm4b:s2+s10], $0x10, s29, s10, $0xb8;
	[tilespmem:$0xED80] =	vst v63  }
0xb3: {  	s16 =	simm.s32 $0x5D80  }
0xb4: {  	[tilespmem:s16], [sflag:$0x1] =	stream.indirect.gather [hbm4b:s2+s10], $0x10, s31, s10, $0xb8;
	[tilespmem:$0xED80] =	vst v63  }
0xb5: {  	s18 =	simm.s32 $0x6580  }
0xb6: {  	[tilespmem:s18], [sflag:$0x1] =	stream.indirect.gather [hbm4b:s2+s10], $0x10, s0, s10, $0xb8;
	[tilespmem:$0xED80] =	vst v63  }
0xb7: {  	s14 =	simm.s32 $0x6D80  }
0xb8: {  	[tilespmem:s14], [sflag:$0x1] =	stream.indirect.gather [hbm4b:s2+s10], $0x10, s6, s10, $0xb8;
	[tilespmem:$0xED80] =	vst v63  }
0xb9: {  	s16 =	simm.s32 $0x7580  }
0xba: {  	[tilespmem:s16], [sflag:$0x1] =	stream.indirect.gather [hbm4b:s2+s10], $0x10, s11, s10, $0xb8;
	[tilespmem:$0xED80] =	vst v63  }
0xbb: {  	s18 =	simm.s32 $0x7D80  }
0xbc: {  	[tilespmem:s18], [sflag:$0x1] =	stream.indirect.gather [hbm4b:s2+s10], $0x10, s15, s10, $0xb8;
	[tilespmem:$0xED80] =	vst v63  }
0xbd: {  	s14 =	simm.s32 $0x8580  }
0xbe: {  	[tilespmem:s14], [sflag:$0x1] =	stream.indirect.gather [hbm4b:s2+s10], $0x10, s19, s10, $0xb8;
	[tilespmem:$0xED80] =	vst v63  }
0xbf: {  	s16 =	simm.s32 $0x8D80  }
0xc0: {  	[tilespmem:s16], [sflag:$0x1] =	stream.indirect.gather [hbm4b:s2+s10], $0x10, s23, s10, $0xb8;
	[tilespmem:$0xED80] =	vst v63  }
0xc1: {  	s18 =	simm.s32 $0x9580  }
0xc2: {  	[tilespmem:s18], [sflag:$0x1] =	stream.indirect.gather [hbm4b:s2+s10], $0x10, s28, s10, $0xb8;
	[tilespmem:$0xED80] =	vst v63  }
0xc3: {  	s14 =	simm.s32 $0x9D80  }
0xc4: {  	[tilespmem:s14], [sflag:$0x1] =	stream.indirect.gather [hbm4b:s2+s10], $0x10, s1, s10, $0xb8;
	[tilespmem:$0xED80] =	vst v63  }
0xc5: {  	s16 =	simm.s32 $0xA580  }
0xc6: {  	[tilespmem:s16], [sflag:$0x1] =	stream.indirect.gather [hbm4b:s2+s10], $0x10, s8, s10, $0xb8;
	[tilespmem:$0xED80] =	vst v63  }
0xc7: {  	s18 =	simm.s32 $0xAD80  }
0xc8: {  	[tilespmem:s18], [sflag:$0x1] =	stream.indirect.gather [hbm4b:s2+s10], $0x10, s17, s10, $0xb8;
	[tilespmem:$0xED80] =	vst v63  }
0xc9: {  	s1 =	simm.s32 $0xB580  }
0xca: {  	[tilespmem:s1], [sflag:$0x1] =	stream.indirect.gather [hbm4b:s2+s10], $0x10, s25, s10, $0xb8;
	[tilespmem:$0xED80] =	vst v63  }
0xcb: {  	s14 =	simm.s32 $0xBD80  }
0xcc: {  	[tilespmem:s14], [sflag:$0x1] =	stream.indirect.gather [hbm4b:s2+s10], $0x10, s3, s10, $0xb8;
	[tilespmem:$0xED80] =	vst v63  }
0xcd: {  	s16 =	simm.s32 $0xC580  }
0xce: {  	[tilespmem:s16], [sflag:$0x1] =	stream.indirect.gather [hbm4b:s2+s10], $0x10, s21, s10, $0xb8;
	[tilespmem:$0xED80] =	vst v63  }
0xcf: {  	s18 =	simm.s32 $0xCD80  }
0xd0: {  	[tilespmem:s18], [sflag:$0x1] =	stream.indirect.gather [hbm4b:s2+s10], $0x10, s13, s10, $0xb8;
	[tilespmem:$0xED80] =	vst v63  }
0xd1: {  	s1 =	simm.s32 $0xD580  }
0xd2: {  	[tilespmem:s1], [sflag:$0x1] =	stream.indirect.gather [hbm4b:s2+s10], $0x10, s30, s10, $0xb8;
	[tilespmem:$0xED80] =	vst v63  }
0xd3: {  	s3 =	simm.s32 $0xDD80  }
0xd4: {  	[tilespmem:s3], [sflag:$0x1] =	stream.indirect.gather [hbm4b:s2+s10], $0x10, s7, s10, $0xb8;
	[tilespmem:$0xED80] =	vst v63  }
0xd5: {  	s14 =	simm.s32 $0xE580  }
0xd6: {  	[tilespmem:s14], [sflag:$0x1] =	stream.indirect.gather [hbm4b:s2+s10], $0x10, s9, s10, $0xb8;
	[tilespmem:$0xED80] =	vst v63  }
0xd7: {  	_ =	swait.ge [sflag:s5], $0x800  }
0xd8: {  	[sflag:s5] =	ssyncset.done $0x0  }
0xd9: {  	[sflag:s5] =	ssyncadd.s32 $0xFFFFF800  }
0xda: {  	_ =	swait.ge [sflag:s5], $0x800  }
0xdb: {  	[sflag:s5] =	ssyncset.done $0x0  }
0xdc: {  	[sflag:s5] =	ssyncadd.s32 $0xFFFFF800  }
0xdd: {  	_ =	swait.ge [sflag:s5], $0x800  }
0xde: {  	[sflag:s5] =	ssyncset.done $0x0  }
0xdf: {  	[sflag:s5] =	ssyncadd.s32 $0xFFFFF800  }
0xe0: {  	_ =	swait.ge [sflag:s5], $0x800  }
0xe1: {  	[sflag:s5] =	ssyncset.done $0x0  }
0xe2: {  	[sflag:s5] =	ssyncadd.s32 $0xFFFFF800  }
0xe3: {  	_ =	swait.ge [sflag:s5], $0x800  }
0xe4: {  	[sflag:s5] =	ssyncset.done $0x0  }
0xe5: {  	[sflag:s5] =	ssyncadd.s32 $0xFFFFF800  }
0xe6: {  	_ =	swait.ge [sflag:s5], $0x800  }
0xe7: {  	[sflag:s5] =	ssyncset.done $0x0  }
0xe8: {  	[sflag:s5] =	ssyncadd.s32 $0xFFFFF800  }
0xe9: {  	_ =	swait.ge [sflag:s5], $0x800  }
0xea: {  	[sflag:s5] =	ssyncset.done $0x0  }
0xeb: {  	[sflag:s5] =	ssyncadd.s32 $0xFFFFF800  }
0xec: {  	_ =	swait.ge [sflag:s5], $0x800  }
0xed: {  	[sflag:s5] =	ssyncset.done $0x0  }
0xee: {  	[sflag:s5] =	ssyncadd.s32 $0xFFFFF800  }
0xef: {  	_ =	swait.ge [sflag:s5], $0x800  }
0xf0: {  	[sflag:s5] =	ssyncset.done $0x0  }
0xf1: {  	[sflag:s5] =	ssyncadd.s32 $0xFFFFF800  }
0xf2: {  	_ =	swait.ge [sflag:s5], $0x800  }
0xf3: {  	[sflag:s5] =	ssyncset.done $0x0  }
0xf4: {  	[sflag:s5] =	ssyncadd.s32 $0xFFFFF800  }
0xf5: {  	_ =	swait.ge [sflag:s5], $0x800  }
0xf6: {  	[sflag:s5] =	ssyncset.done $0x0  }
0xf7: {  	[sflag:s5] =	ssyncadd.s32 $0xFFFFF800  }
0xf8: {  	_ =	swait.ge [sflag:s5], $0x800  }
0xf9: {  	[sflag:s5] =	ssyncset.done $0x0  }
0xfa: {  	[sflag:s5] =	ssyncadd.s32 $0xFFFFF800  }
0xfb: {  	_ =	swait.ge [sflag:s5], $0x800  }
0xfc: {  	[sflag:s5] =	ssyncset.done $0x0  }
0xfd: {  	[sflag:s5] =	ssyncadd.s32 $0xFFFFF800  }
0xfe: {  	_ =	swait.ge [sflag:s5], $0x800  }
0xff: {  	[sflag:s5] =	ssyncset.done $0x0  }
0x100: {  	[sflag:s5] =	ssyncadd.s32 $0xFFFFF800  }
0x101: {  	_ =	swait.ge [sflag:s5], $0x800  }
0x102: {  	[sflag:s5] =	ssyncset.done $0x0  }
0x103: {  	[sflag:s5] =	ssyncadd.s32 $0xFFFFF800  }
0x104: {  	_ =	swait.ge [sflag:s5], $0x800  }
0x105: {  	[sflag:s5] =	ssyncset.done $0x0  }
0x106: {  	[sflag:s5] =	ssyncadd.s32 $0xFFFFF800  }
0x107: {  	_ =	swait.ge [sflag:s5], $0x800  }
0x108: {  	[sflag:s5] =	ssyncset.done $0x0  }
0x109: {  	[sflag:s5] =	ssyncadd.s32 $0xFFFFF800  }
0x10a: {  	_ =	swait.ge [sflag:s5], $0x800  }
0x10b: {  	[sflag:s5] =	ssyncset.done $0x0  }
0x10c: {  	[sflag:s5] =	ssyncadd.s32 $0xFFFFF800  }
0x10d: {  	_ =	swait.ge [sflag:s5], $0x800  }
0x10e: {  	[sflag:s5] =	ssyncset.done $0x0  }
0x10f: {  	[sflag:s5] =	ssyncadd.s32 $0xFFFFF800  }
0x110: {  	_ =	swait.ge [sflag:s5], $0x800  }
0x111: {  	[sflag:s5] =	ssyncset.done $0x0  }
0x112: {  	[sflag:s5] =	ssyncadd.s32 $0xFFFFF800  }
0x113: {  	_ =	swait.ge [sflag:s5], $0x800  }
0x114: {  	[sflag:s5] =	ssyncset.done $0x0  }
0x115: {  	[sflag:s5] =	ssyncadd.s32 $0xFFFFF800  }
0x116: {  	_ =	swait.ge [sflag:s5], $0x800  }
0x117: {  	[sflag:s5] =	ssyncset.done $0x0  }
0x118: {  	[sflag:s5] =	ssyncadd.s32 $0xFFFFF800  }
0x119: {  	_ =	swait.ge [sflag:s5], $0x800  }
0x11a: {  	[sflag:s5] =	ssyncset.done $0x0  }
0x11b: {  	[sflag:s5] =	ssyncadd.s32 $0xFFFFF800  }
0x11c: {  	_ =	swait.ge [sflag:s5], $0x800  }
0x11d: {  	[sflag:s5] =	ssyncset.done $0x0  }
0x11e: {  	s16 =	sshll.u32 s12, $0x5;
	s12 =	sadd.s32 $0x1, s12;
	[sflag:s5] =	ssyncadd.s32 $0xFFFFF800  }
0x11f: {  	p0 =	sne.s32 s12, $0xC;
	s1 =	simm.s32 $0x10;
	_ =	swait.ge [sflag:s5], $0x800  }
0x120: {  	s3 =	simm.s32 $0x40;
	s14 =	sand.u32 $0x60, s16;
	s18 =	rddreg [dreg:$0x5]  }
0x121: {  	s16 =	simm.s32 $0x2580;
	[sflag:s5] =	ssyncset.done $0x0;
	s14 =	sor.u32 s18, s14  }
0x122: {  	s0 =	rddreg [dreg:$0x3];
	[sflag:s5] =	ssyncadd.s32 $0xFFFFF800;
	s14 =	sshrl.u32 s14, $0x4  }
.Ltmp1:
0x123: {  	s18 =	simm.s32 $0x2;
	s14 =	sadd.s32 s0, s14;
	(pc) =	sbr.rel @p0 .LBB2_2-.Ltmp1, $4  }
0x124: {  	[hbm4b:s14+s1] =	stream.strided.scatter [tilespmem:s16], [sflag:$0x2], $0xC800, s3, s1, $0x38;
	[tilespmem:$0xED80] =	vst v63  }
0x125: {  	_ =	swait.ge [sflag:s18], $0xC800  }
0x126: {  	[sflag:s18] =	ssyncset.done $0x0  }
0x127: {  	[sflag:s18] =	ssyncadd.s32 $0xFFFF3800  }
0x128: {  	s0 =	rddreg [dreg:$0x7]  }
0x129: {  	s12 =	rddreg [dreg:$0x6];
	s0 =	sadd.s32 $0x1, s0  }
0x12a: {  	p0 =	sne.s32 s0, s12  }
.Ltmp2:
0x12b: {  	_ = 	snop;
	(pc) =	sbr.rel @p0 .LBB2_1-.Ltmp2, $1  }
0x12c: {  	_ =	sdelay $0x3  }
0x12d: {  	_ =	sfence.sel $0x180000  }
0x12e: {  	[bflag:$0x0] =	sbarrier.arrive $0xFFFF  }
0x12f: {  	_ =	strace $0x90000050  }
0x130: {  	s0 =	stileid.u32;
	[bflag:$0x2] =	sbarrier.arrive $0xFFFF  }
0x131: {  	p0 =	sne.s32 s0, $0x0;
	s0 =	rddreg [dreg:$0x2]  }
0x132: {  	s0 =	sadd.s32 @!p0 $0x100000, s0  }
0x133: {  	[sflag:s0] =	ssyncadd.tile.s32 @!p0 $0x1;
	_ =	shalt  }
.Lfunc_end2:
_tile_overlayer_lowered:
.L_overlay_start_2:
0x134: {  	(tag) =	ssettag $0x2  }
0x135: {  	s0 =	rddreg [dreg:$0x0];
	s2 =	stileid.u32  }
0x136: {  	s1 =	rddreg [dreg:$0x1];
	p0 =	sne.s32 s2, $0x0  }
0x137: {  	s3 =	rddreg [dreg:$0x2];
	[bflag:$0x3] =	sbarrier.arrive $0xFFFF;
	s2 =	simm.s32 @!p0 $0x1C02  }
0x138: {  	[timem:s3], [sflag:s2] =	dma.local @!p0 [hbm:s0], s1  }
0x139: {  	s0 =	simm.s32 @!p0 $0x2  }
0x13a: {  	_ =	swait.ge @!p0 [sflag:s0], s1  }
0x13b: {  	s1 =	ssub.s32 @!p0 $0x0, s1;
	[sflag:s0] =	ssyncset.done @!p0 $0x0  }
0x13c: {  	[sflag:s0] =	ssyncadd.s32 @!p0 s1  }
0x13d: {  	[bflag:$0x3] =	sbarrier.arrive $0xFFFF  }
0x13e: {  	_ =	shalt  }

// kernel: kernel.29.cloned.1.call-start
scs
__scs_entry_jumppad:
0x0: {  	(pc) =	sbr.rel $0x88, $3  }
0x1: {  	(tag) =	ssettag $0x0;
	lr =	simm.s32 $0x1  }
0x2: {  	[smem:$0x3F9D] =	sst lr;
	_ =	strace $0xD0000000  }
0x3: {  	_ = 	snop  }
0x4: {  	_ = 	snop  }
0x5: {  	_ = 	snop  }
0x6: {  	_ = 	snop  }
0x7: {  	_ = 	snop  }
__scs_overlays_trampoline_lowered:
0x8: {  	[smem:$0x3FAC] =	sst s0  }
0x9: {  	[smem:$0x3FAD] =	sst s1  }
0xa: {  	[smem:$0x3FAE] =	sst s2  }
0xb: {  	[smem:$0x3FAF] =	sst s3  }
0xc: {  	[smem:$0x3FB0] =	sst s4  }
0xd: {  	[smem:$0x3FB1] =	sst s5  }
0xe: {  	[smem:$0x3FB2] =	sst s6  }
0xf: {  	[smem:$0x3FB3] =	sst s7  }
0x10: {  	[smem:$0x3FB4] =	sst s8  }
0x11: {  	[smem:$0x3FB5] =	sst s9;
	s0 =	simm.s32 @!p0 $0x0  }
0x12: {  	s1 =	sld [smem:$0x3F9B];
	s0 =	simm.s32 @p0 $0x1  }
0x13: {  	[smem:$0x3FB6] =	sst s0;
	s0 =	simm.s32 @!p1 $0x0  }
0x14: {  	s2 =	sld [smem:$0x3F9A];
	s0 =	simm.s32 @p1 $0x1  }
0x15: {  	[smem:$0x3FB7] =	sst s0;
	s0 =	simm.s32 @!p2 $0x0  }
0x16: {  	s3 =	sld [smem:$0x3FDB];
	s0 =	simm.s32 @p2 $0x1  }
0x17: {  	s4 =	simm.s32 $0x1BF5;
	[smem:$0x3FB9] =	sst s0  }
0x18: {  	s0 =	sld [smem:$0x3F9C];
	_ =	swait.ge [sflag:s4], $0x0  }
0x19: {  	s7 =	sld [smem:$0x3F9D]  }
0x1a: {  	s8 =	sadd.s32 $0xFFFFE003, lr  }
0x1b: {  	s9 =	sadd.s32 $0xFFFFFEF7, lr;
	s5 =	simm.s32 $0xFFFFFFFF;
	p2 =	slt.u32 s8, $0xFFFFF086  }
0x1c: {  	p1 =	slt.u32 s9, $0xF7A;
	s5 =	simm.s32 @!p2 $0x0  }
0x1d: {  	s5 =	simm.s32 @p1 $0x1;
	p0 =	seq.s32 s7, s2  }
0x1e: {  	s7 =	smul.u32 @!p0 $0xF7A, s2;
	p2 =	seq.s32 @!p0 s5, $0x0  }
0x1f: {  	s9 =	smul.u32 $0xF7A, s1;
	s8 =	simm.s32 @!p0 $0x1BF5;
	p2 =	por !p2, p0  }
0x20: {  	[sflag:s8] =	ssyncset.s32 @!p0 $0xFFFFF086;
	s6 =	sadd.s32 @!p0 s3, s7;
	s7 =	simm.s32 @!p0 $0x108  }
0x21: {  	s3 =	sadd.s32 s3, s9;
	s6 =	sadd.s32 @!p0 $0x88, s6;
	s7 =	simm.s32 @p2 $0x1082  }
0x22: {  	[simem:s7], [sflag:s8] =	dma.local @!p0 [hbm:s6], $0xF7A  }
0x23: {  	s9 =	sor.u32 $0xD0000000, s2;
	s6 =	simm.s32 $0x108;
	_ =	swait.ge @!p0 [sflag:s8], $0x0  }
0x24: {  	s3 =	sadd.s32 $0x88, s3;
	s6 =	simm.s32 @!p1 $0x1082;
	[sflag:s4] =	ssyncset.s32 $0xFFFFF086  }
0x25: {  	[simem:s6], [sflag:s4] =	dma.local [hbm:s3], $0xF7A  }
0x26: {  	[smem:$0x3F9D] =	sst s1;
	(tag) =	ssettag s2;
	_ =	strace s9  }
0x27: {  	s1 =	sld [smem:$0x3FAD]  }
0x28: {  	s2 =	sld [smem:$0x3FAE]  }
0x29: {  	s4 =	sld [smem:$0x3FB0]  }
0x2a: {  	p0 =	seq.s32 s5, $0x0;
	s5 =	sld [smem:$0x3FB1]  }
0x2b: {  	s6 =	sld [smem:$0x3FB2]  }
0x2c: {  	s7 =	sld [smem:$0x3FB3]  }
0x2d: {  	s3 =	simm.s32 $0x108;
	s8 =	sld [smem:$0x3FB4]  }
0x2e: {  	s3 =	simm.s32 @!p0 $0x1082;
	s9 =	sld [smem:$0x3FB5]  }
0x2f: {  	lr =	sadd.s32 s0, s3;
	s0 =	sld [smem:$0x3FAC]  }
0x30: {  	s3 =	sld [smem:$0x3FAF]  }
0x31: {  	[smem:$0x3FB8] =	sst s10  }
0x32: {  	s10 =	sld [smem:$0x3FB6];
	_ =	sdelay $0x3  }
0x33: {  	p0 =	seq.s32 s10, $0x1;
	s10 =	sld [smem:$0x3FB8];
	_ =	sdelay $0x3  }
0x34: {  	[smem:$0x3FB8] =	sst s10  }
0x35: {  	s10 =	sld [smem:$0x3FB7];
	_ =	sdelay $0x3  }
0x36: {  	p1 =	seq.s32 s10, $0x1;
	s10 =	sld [smem:$0x3FB8];
	_ =	sdelay $0x3  }
0x37: {  	[smem:$0x3FB8] =	sst s10  }
0x38: {  	s10 =	sld [smem:$0x3FB9]  }
0x39: {  	_ = 	snop;
	(pc) =	sbr.ind lr, $3  }
0x3a: {  	_ = 	snop  }
0x3b: {  	_ = 	snop  }
0x3c: {  	p2 =	seq.s32 s10, $0x1;
	s10 =	sld [smem:$0x3FB8]  }
0x3d: {  	_ =	shalt  }
0x3e: {  	_ =	shalt  }
0x3f: {  	_ =	shalt  }
0x40: {  	_ =	shalt  }
0x41: {  	_ =	shalt  }
0x42: {  	_ =	shalt  }
0x43: {  	_ =	shalt  }
0x44: {  	_ =	shalt  }
0x45: {  	_ =	shalt  }
0x46: {  	_ =	shalt  }
0x47: {  	_ =	shalt  }
0x48: {  	_ =	shalt  }
0x49: {  	_ =	shalt  }
0x4a: {  	_ =	shalt  }
0x4b: {  	_ =	shalt  }
0x4c: {  	_ =	shalt  }
0x4d: {  	_ =	shalt  }
0x4e: {  	_ =	shalt  }
0x4f: {  	_ =	shalt  }
0x50: {  	_ =	shalt  }
0x51: {  	_ =	shalt  }
0x52: {  	_ =	shalt  }
0x53: {  	_ =	shalt  }
0x54: {  	_ =	shalt  }
0x55: {  	_ =	shalt  }
0x56: {  	_ =	shalt  }
0x57: {  	_ =	shalt  }
0x58: {  	_ =	shalt  }
0x59: {  	_ =	shalt  }
0x5a: {  	_ =	shalt  }
0x5b: {  	_ =	shalt  }
0x5c: {  	_ =	shalt  }
0x5d: {  	_ =	shalt  }
0x5e: {  	_ =	shalt  }
0x5f: {  	_ =	shalt  }
0x60: {  	_ =	shalt  }
0x61: {  	_ =	shalt  }
0x62: {  	_ =	shalt  }
0x63: {  	_ =	shalt  }
0x64: {  	_ =	shalt  }
0x65: {  	_ =	shalt  }
0x66: {  	_ =	shalt  }
0x67: {  	_ =	shalt  }
0x68: {  	_ =	shalt  }
0x69: {  	_ =	shalt  }
0x6a: {  	_ =	shalt  }
0x6b: {  	_ =	shalt  }
0x6c: {  	_ =	shalt  }
0x6d: {  	_ =	shalt  }
0x6e: {  	_ =	shalt  }
0x6f: {  	_ =	shalt  }
0x70: {  	_ =	shalt  }
0x71: {  	_ =	shalt  }
0x72: {  	_ =	shalt  }
0x73: {  	_ =	shalt  }
0x74: {  	_ =	shalt  }
0x75: {  	_ =	shalt  }
0x76: {  	_ =	shalt  }
0x77: {  	_ =	shalt  }
0x78: {  	_ =	shalt  }
0x79: {  	_ =	shalt  }
0x7a: {  	_ =	shalt  }
0x7b: {  	_ =	shalt  }
0x7c: {  	_ =	shalt  }
0x7d: {  	_ =	shalt  }
0x7e: {  	_ =	shalt  }
0x7f: {  	_ =	shalt  }
0x80: {  	_ =	shalt  }
0x81: {  	_ =	shalt  }
0x82: {  	_ =	shalt  }
0x83: {  	_ =	shalt  }
0x84: {  	_ =	shalt  }
0x85: {  	_ =	shalt  }
0x86: {  	_ =	shalt  }
0x87: {  	_ =	shalt  }
.Lfunc_end0:
.L_simem_size_0:
called_computation.4_lowered:
.L_overlay_start_0:
0x88: {  	s2 =	sld [smem:$0x3FD9]  }
0x89: {  	s3 =	sld [smem:$0x3FFE];
	_ =	sdelay $0x1  }
0x8a: {  	s1 =	srdreg.scid  }
0x8b: {  	s0 =	sand.u32 $0x1, s1  }
0x8c: {  	s17 =	sshll.u32 s0, $0xA;
	s2 =	sadd.s32 s3, s2  }
0x8d: {  	s2 =	sadd.s32 s2, s17  }
0x8e: {  	[smem:$0x3FC4] =	sst s2  }
0x8f: {  	_ = 	snop  }
0x90: {  	s18 =	sld [smem:$0x3FD0];
	(tm) =	ssettm $0x1  }
0x91: {  	s19 =	sld [smem:$0x3FFB];
	_ =	sdelay $0x3  }
0x92: {  	_ =	strace s19  }
0x93: {  	s2 =	sld [smem:$0x3FFC];
	_ =	sdelay $0x3  }
0x94: {  	_ =	strace s2  }
0x95: {  	s2 =	sld [smem:$0x3FFD];
	_ =	sdelay $0x3  }
0x96: {  	_ =	strace s2  }
0x97: {  	_ =	strace $0x8FFFFFFF  }
0x98: {  	s20 =	sld [smem:$0x3FDB];
	_ =	sdelay $0x1  }
0x99: {  	s4 =	simm.s32 $_scs_section_size  }
0x9a: {  	s5 =	simm.s32 $_size__tile_overlayer_lowered;
	s6 =	simm.s32 $_tile_overlayer_lowered  }
0x9b: {  	s7 =	simm.s32 $0x1BFF;
	s21 =	sshll.u32 s6, $0x1;
	s4 =	sadd.s32 s4, s20  }
0x9c: {  	s22 =	simm.s32 $0x0;
	s5 =	sshll.u32 s5, $0x1;
	s6 =	sadd.s32 s21, s4  }
0x9d: {  	[timem:s22], [sflag:s7] =	dma.local [hbm:s6], s5  }
0x9e: {  	_ =	swait.ge [sflag:s7], s5  }
0x9f: {  	s5 =	ssub.s32 $0x0, s5;
	[sflag:s7] =	ssyncset.done $0x0  }
0xa0: {  	[sflag:s7] =	ssyncadd.s32 s5;
	_ =	sdelay $0x1  }
0xa1: {  	s23 =	simm.s32 $0x1B8B  }
0xa2: {  	_ =	swait.ge [sflag:s23], $0x1  }
0xa3: {  	[sflag:s23] =	ssyncset.done $0x0  }
0xa4: {  	[sflag:s23] =	ssyncadd.s32 $0xFFFFFFFF  }
0xa5: {  	s5 =	sld [smem:$0x0]  }
0xa6: {  	s6 =	sand.u32 $0xFFFFFFFE, s1  }
0xa7: {  	p0 =	sne.s32 s1, s6  }
0xa8: {  	s6 =	sshll.u32 @p0 s6, $0xE  }
0xa9: {  	s6 =	sadd.s32 @p0 $0x11B8D, s6;
	s7 =	sshll.u32 @p0 s5, $0x11  }
0xaa: {  	s6 =	sor.u32 @p0 s7, s6  }
0xab: {  	[sflag:s6] =	ssyncadd.remote.s32 @p0 $0x1;
	_ =	sdelay $0x1  }
0xac: {  	s6 =	simm.s32 @p0 $0x1B8D  }
0xad: {  	_ =	swait.eq @p0 [sflag:s6], $0x1  }
0xae: {  	[sflag:s6] =	ssyncadd.s32 @p0 $0xFFFFFFFF  }
0xaf: {  	s7 =	sshll.u32 @!p0 s1, $0xE  }
0xb0: {  	s7 =	sor.u32 @!p0 $0x4000, s7;
	s6 =	simm.s32 @!p0 $0x1B8D  }
0xb1: {  	s5 =	sshll.u32 @!p0 s5, $0x11;
	s7 =	sadd.s32 @!p0 $0x11B8D, s7;
	_ =	swait.eq @!p0 [sflag:s6], $0x1  }
0xb2: {  	s5 =	sor.u32 @!p0 s5, s7;
	[sflag:s6] =	ssyncadd.s32 @!p0 $0xFFFFFFFF  }
0xb3: {  	s25 =	simm.s32 $0x1B8E;
	s24 =	sld [smem:$0x3FFE];
	[sflag:s5] =	ssyncadd.remote.s32 @!p0 $0x1  }
0xb4: {  	s26 =	simm.s32 $execute0_lowered;
	[smem:$0x3FD2] =	sst s25  }
0xb5: {  	s6 =	sshll.u32 s26, $0x1;
	_ =	strace $0x80000052;
	[dreg:$0x1] =	wrdreg $0xFFFFFFFF  }
0xb6: {  	s28 =	simm.s32 $_size_execute0_lowered;
	s4 =	sadd.s32 s4, s6;
	[dreg:$0x0] =	wrdreg $0x0  }
0xb7: {  	s6 =	sshll.u32 s28, $0x1;
	[dreg:$0x2] =	wrdreg s4  }
0xb8: {  	[dreg:$0x3] =	wrdreg s6  }
0xb9: {  	[dreg:$0x4] =	wrdreg $0xC0  }
0xba: {  	_ =	task [dreg:s22], $0x5FFFF  }
0xbb: {  	[dreg:$0x1] =	wrdreg $0xFFFFFFFF  }
0xbc: {  	[dreg:$0x0] =	wrdreg $0x60  }
0xbd: {  	[dreg:$0x2] =	wrdreg s24  }
0xbe: {  	[dreg:$0x3] =	wrdreg s18  }
0xbf: {  	[dreg:$0x4] =	wrdreg $0xC  }
0xc0: {  	_ =	task.clear_ibuf [dreg:s22], $0x5FFFF;
	_ =	strace $0x90000052  }
0xc1: {  	s29 =	simm.s32 $0xC;
	_ =	strace $0x80000054  }
0xc2: {  	_ =	swait.ge [sflag:s29], $0x1  }
0xc3: {  	[sflag:s29] =	ssyncadd.s32 $0xFFFFFFFF  }
0xc4: {  	_ =	strace $0x90000054  }
0xc5: {  	_ =	sfence  }
0xc6: {  	s30 =	sld [smem:$0x0];
	_ =	sdelay $0x2  }
0xc7: {  	s31 =	sshll.u32 s1, $0xD;
	s1 =	sshrl.u32 s1, $0x2  }
0xc8: {  	s4 =	sand.u32 $0x4000, s31;
	s1 =	sadd.s32 s1, s30  }
0xc9: {  	s0 =	sor.u32 s4, s0;
	s1 =	sshll.u32 s1, $0x11  }
0xca: {  	s0 =	sor.u32 s1, s0  }
0xcb: {  	s0 =	sadd.s32 $0x8F2B, s0  }
0xcc: {  	[sflag:s0] =	ssyncadd.remote.s32 $0x1  }
0xcd: {  	_ =	sfence.sel $0xFFFF  }
0xce: {  	[dreg:$0x0] =	wrdreg $0xFFFFFFFF;
	(pc) =	sbr.abs _section_cstart, $3  }
0xcf: {  	[dreg:$0x1] =	wrdreg $0xFFFFFFFF  }
0xd0: {  	_ =	task.clear_ibuf [dreg:s22], $0x2FFFF;
	_ =	strace $0x9FFFFFFF  }
0xd1: {  	(tm) =	ssettm $0x7FFFFFFF  }
tec
execute0_lowered:
.L_overlay_start_1:
0x0: {  	(tag) =	ssettag $0x1  }
0x1: {  	s0 =	rddreg [dreg:$0x0];
	s1 =	srdreg.scid  }
0x2: {  	s3 =	stileid.u32;
	s2 =	rddreg [dreg:$0x1];
	s4 =	simm.s32 $0x0  }
0x3: {  	s10 =	simm.s32 $0x80;
	s20 =	simm.s32 $0x1A00;
	s22 =	simm.s32 $0x1A80  }
0x4: {  	s29 =	simm.s32 $0x1C00;
	s31 =	simm.s32 $0x1C80;
	s11 =	simm.s32 $0x1E00  }
0x5: {  	s15 =	simm.s32 $0x1E80;
	s19 =	simm.s32 $0x1F00;
	s23 =	simm.s32 $0x1F80  }
0x6: {  	s28 =	simm.s32 $0x2000;
	s8 =	simm.s32 $0x2100;
	s17 =	simm.s32 $0x2180  }
0x7: {  	s21 =	simm.s32 $0x2300;
	s13 =	simm.s32 $0x2380;
	s30 =	simm.s32 $0x2400  }
0x8: {  	s7 =	simm.s32 $0x2480;
	s1 =	sand.u32 $0x1, s1;
	s3 =	sshll.u32 s3, $0x1  }
0x9: {  	s9 =	simm.s32 $0x2500;
	[smem:$0x7FF] =	sst s4;
	s3 =	sor.u32 s1, s3  }
0xa: {  	s4 =	sadd.s32 $0xEC00, s0;
	s1 =	ssub.s32 $0x2, s1;
	s5 =	smul.u32 $0x190, s3  }
0xb: {  	_ =	strace $0x80000053;
	s6 =	sshrl.u32 s1, $0x1;
	s26 =	smul.u32 $0x64000, s3  }
0xc: {  	s24 =	ssub.s32 s1, s6;
	s6 =	simm.s32 $0x1D80;
	s5 =	sadd.s32 s5, s0  }
0xd: {  	s0 =	sadd.s32 $0x28D600, s0;
	[dreg:$0x5] =	wrdreg s26;
	s26 =	simm.s32 $0x1B80  }
0xe: {  	[dreg:$0x3] =	wrdreg s0;
	s25 =	sadd.s32 $0x32400, s5;
	s0 =	smax.u32 s24, $0x1  }
0xf: {  	s5 =	simm.s32 $0x1;
	s24 =	simm.s32 $0x1B00;
	[dreg:$0x4] =	wrdreg s25  }
0x10: {  	[dreg:$0x6] =	wrdreg s0;
	s0 =	simm.s32 $0x0;
	s25 =	simm.s32 $0x2200  }
.LBB2_1:
0x11: {  	[dreg:$0x7] =	wrdreg s0  }
0x12: {  	s12 =	simm.s32 $0x0;
	s14 =	rddreg [dreg:$0x4];
	s18 =	simm.s32 $0x2  }
0x13: {  	[tilespmem:s12], [sflag:$0x2] =	stream.linear.gather [hbm4b:s14+s12], $0xC80, $0x38;
	[tilespmem:$0xED80] =	vst v63  }
0x14: {  	_ =	swait.ge [sflag:s18], $0xC80  }
0x15: {  	[sflag:s18] =	ssyncset.done $0x0  }
0x16: {  	s12 =	simm.s32 $0xC;
	[sflag:s18] =	ssyncadd.s32 $0xFFFFF380  }
.LBB2_2:
0x17: {  	s14 =	smul.u32 $0xAB, s12;
	_ =	sdelay $0x1  }
0x18: {  	s14 =	sshrl.u32 s14, $0x9  }
0x19: {  	s14 =	sand.u32 $0x7F, s14  }
0x1a: {  	s16 =	smul.u32 $0x3, s14;
	_ =	sdelay $0x1  }
0x1b: {  	s14 =	smul.u32 $0x42, s14;
	s16 =	ssub.s32 s12, s16  }
0x1c: {  	s16 =	sand.u32 $0xFF, s16  }
0x1d: {  	s14 =	sadd.s32 s16, s14  }
0x1e: {  	s16 =	sadd.s32 $0xFFFFFEF7, s14;
	s14 =	simm.s32 $0x0  }
0x1f: {  	v0 =	vmov s16;
	s16 =	simm.s32 $0x40;
	v1 =	vld [tilespmem:s14+$0x0]  }
.LBB2_3:
0x20: {  	p0 =	sne.s32 s16, $0x31C0  }
.Ltmp0:
0x21: {  	_ = 	snop;
	(pc) =	sbr.rel @p0 .LBB2_3-.Ltmp0, $3  }
0x22: {  	_ =	sdelay $0x1  }
0x23: {  	s18 =	sshra.s32 s16, $0x2;
	s16 =	sadd.s32 $0x40, s16;
	v2 =	vadd.s32 v0, v1  }
0x24: {  	v1 =	vld [tilespmem:s18+$0x0];
	[tilespmem:s14+$0xC80] =	vst v2;
	s14 =	smov.u32 s18  }
0x25: {  	_ =	sdelay $0x3  }
0x26: {  	v0 =	vadd.s32 v0, v1  }
0x27: {  	s18 =	simm.s32 $0xC80;
	s16 =	simm.s32 $0x1900;
	[tilespmem:s14+$0xC80] =	vst v0  }
0x28: {  	[tilespmem:s16], [sflag:$0x1] =	stream.indirect.gather [hbm4b:s4+s10], $0x1, s18, s10, $0xb8;
	[tilespmem:$0xED80] =	vst v63  }
0x29: {  	s0 =	simm.s32 $0xD00;
	s18 =	simm.s32 $0x1980  }
0x2a: {  	[tilespmem:s18], [sflag:$0x1] =	stream.indirect.gather [hbm4b:s4+s10], $0x1, s0, s10, $0xb8;
	[tilespmem:$0xED80] =	vst v63  }
0x2b: {  	s1 =	simm.s32 $0xD80  }
0x2c: {  	[tilespmem:s20], [sflag:$0x1] =	stream.indirect.gather [hbm4b:s4+s10], $0x1, s1, s10, $0xb8;
	[tilespmem:$0xED80] =	vst v63  }
0x2d: {  	s3 =	simm.s32 $0xE00  }
0x2e: {  	[tilespmem:s22], [sflag:$0x1] =	stream.indirect.gather [hbm4b:s4+s10], $0x1, s3, s10, $0xb8;
	[tilespmem:$0xED80] =	vst v63  }
0x2f: {  	s0 =	simm.s32 $0xE80  }
0x30: {  	[tilespmem:s24], [sflag:$0x1] =	stream.indirect.gather [hbm4b:s4+s10], $0x1, s0, s10, $0xb8;
	[tilespmem:$0xED80] =	vst v63  }
0x31: {  	s1 =	simm.s32 $0xF00  }
0x32: {  	[tilespmem:s26], [sflag:$0x1] =	stream.indirect.gather [hbm4b:s4+s10], $0x1, s1, s10, $0xb8;
	[tilespmem:$0xED80] =	vst v63  }
0x33: {  	s3 =	simm.s32 $0xF80  }
0x34: {  	[tilespmem:s29], [sflag:$0x1] =	stream.indirect.gather [hbm4b:s4+s10], $0x1, s3, s10, $0xb8;
	[tilespmem:$0xED80] =	vst v63  }
0x35: {  	s0 =	simm.s32 $0x1000  }
0x36: {  	[tilespmem:s31], [sflag:$0x1] =	stream.indirect.gather [hbm4b:s4+s10], $0x1, s0, s10, $0xb8;
	[tilespmem:$0xED80] =	vst v63  }
0x37: {  	s1 =	simm.s32 $0x1080;
	s0 =	simm.s32 $0x1D00  }
0x38: {  	[tilespmem:s0], [sflag:$0x1] =	stream.indirect.gather [hbm4b:s4+s10], $0x1, s1, s10, $0xb8;
	[tilespmem:$0xED80] =	vst v63  }
0x39: {  	s3 =	simm.s32 $0x1100  }
0x3a: {  	[tilespmem:s6], [sflag:$0x1] =	stream.indirect.gather [hbm4b:s4+s10], $0x1, s3, s10, $0xb8;
	[tilespmem:$0xED80] =	vst v63  }
0x3b: {  	s1 =	simm.s32 $0x1180  }
0x3c: {  	[tilespmem:s11], [sflag:$0x1] =	stream.indirect.gather [hbm4b:s4+s10], $0x1, s1, s10, $0xb8;
	[tilespmem:$0xED80] =	vst v63  }
0x3d: {  	s3 =	simm.s32 $0x1200  }
0x3e: {  	[tilespmem:s15], [sflag:$0x1] =	stream.indirect.gather [hbm4b:s4+s10], $0x1, s3, s10, $0xb8;
	[tilespmem:$0xED80] =	vst v63  }
0x3f: {  	s1 =	simm.s32 $0x1280  }
0x40: {  	[tilespmem:s19], [sflag:$0x1] =	stream.indirect.gather [hbm4b:s4+s10], $0x1, s1, s10, $0xb8;
	[tilespmem:$0xED80] =	vst v63  }
0x41: {  	s3 =	simm.s32 $0x1300  }
0x42: {  	[tilespmem:s23], [sflag:$0x1] =	stream.indirect.gather [hbm4b:s4+s10], $0x1, s3, s10, $0xb8;
	[tilespmem:$0xED80] =	vst v63  }
0x43: {  	s1 =	simm.s32 $0x1380  }
0x44: {  	[tilespmem:s28], [sflag:$0x1] =	stream.indirect.gather [hbm4b:s4+s10], $0x1, s1, s10, $0xb8;
	[tilespmem:$0xED80] =	vst v63  }
0x45: {  	s3 =	simm.s32 $0x1400;
	s1 =	simm.s32 $0x2080  }
0x46: {  	[tilespmem:s1], [sflag:$0x1] =	stream.indirect.gather [hbm4b:s4+s10], $0x1, s3, s10, $0xb8;
	[tilespmem:$0xED80] =	vst v63  }
0x47: {  	s3 =	simm.s32 $0x1480  }
0x48: {  	[tilespmem:s8], [sflag:$0x1] =	stream.indirect.gather [hbm4b:s4+s10], $0x1, s3, s10, $0xb8;
	[tilespmem:$0xED80] =	vst v63  }
0x49: {  	s3 =	simm.s32 $0x1500  }
0x4a: {  	[tilespmem:s17], [sflag:$0x1] =	stream.indirect.gather [hbm4b:s4+s10], $0x1, s3, s10, $0xb8;
	[tilespmem:$0xED80] =	vst v63  }
0x4b: {  	s3 =	simm.s32 $0x1580  }
0x4c: {  	[tilespmem:s25], [sflag:$0x1] =	stream.indirect.gather [hbm4b:s4+s10], $0x1, s3, s10, $0xb8;
	[tilespmem:$0xED80] =	vst v63  }
0x4d: {  	s14 =	simm.s32 $0x1600;
	s3 =	simm.s32 $0x2280  }
0x4e: {  	[tilespmem:s3], [sflag:$0x1] =	stream.indirect.gather [hbm4b:s4+s10], $0x1, s14, s10, $0xb8;
	[tilespmem:$0xED80] =	vst v63  }
0x4f: {  	s14 =	simm.s32 $0x1680  }
0x50: {  	[tilespmem:s21], [sflag:$0x1] =	stream.indirect.gather [hbm4b:s4+s10], $0x1, s14, s10, $0xb8;
	[tilespmem:$0xED80] =	vst v63  }
0x51: {  	s14 =	simm.s32 $0x1700  }
0x52: {  	[tilespmem:s13], [sflag:$0x1] =	stream.indirect.gather [hbm4b:s4+s10], $0x1, s14, s10, $0xb8;
	[tilespmem:$0xED80] =	vst v63  }
0x53: {  	s14 =	simm.s32 $0x1780  }
0x54: {  	[tilespmem:s30], [sflag:$0x1] =	stream.indirect.gather [hbm4b:s4+s10], $0x1, s14, s10, $0xb8;
	[tilespmem:$0xED80] =	vst v63  }
0x55: {  	s14 =	simm.s32 $0x1800  }
0x56: {  	[tilespmem:s7], [sflag:$0x1] =	stream.indirect.gather [hbm4b:s4+s10], $0x1, s14, s10, $0xb8;
	[tilespmem:$0xED80] =	vst v63  }
0x57: {  	s14 =	simm.s32 $0x1880  }
0x58: {  	[tilespmem:s9], [sflag:$0x1] =	stream.indirect.gather [hbm4b:s4+s10], $0x1, s14, s10, $0xb8;
	[tilespmem:$0xED80] =	vst v63  }
0x59: {  	_ =	swait.ge [sflag:s5], $0x80  }
0x5a: {  	[sflag:s5] =	ssyncset.done $0x0  }
0x5b: {  	[sflag:s5] =	ssyncadd.s32 $0xFFFFFF80  }
0x5c: {  	_ =	swait.ge [sflag:s5], $0x80  }
0x5d: {  	[sflag:s5] =	ssyncset.done $0x0  }
0x5e: {  	[sflag:s5] =	ssyncadd.s32 $0xFFFFFF80  }
0x5f: {  	_ =	swait.ge [sflag:s5], $0x80  }
0x60: {  	[sflag:s5] =	ssyncset.done $0x0  }
0x61: {  	[sflag:s5] =	ssyncadd.s32 $0xFFFFFF80  }
0x62: {  	_ =	swait.ge [sflag:s5], $0x80  }
0x63: {  	[sflag:s5] =	ssyncset.done $0x0  }
0x64: {  	[sflag:s5] =	ssyncadd.s32 $0xFFFFFF80  }
0x65: {  	_ =	swait.ge [sflag:s5], $0x80  }
0x66: {  	[sflag:s5] =	ssyncset.done $0x0  }
0x67: {  	[sflag:s5] =	ssyncadd.s32 $0xFFFFFF80  }
0x68: {  	_ =	swait.ge [sflag:s5], $0x80  }
0x69: {  	[sflag:s5] =	ssyncset.done $0x0  }
0x6a: {  	[sflag:s5] =	ssyncadd.s32 $0xFFFFFF80  }
0x6b: {  	_ =	swait.ge [sflag:s5], $0x80  }
0x6c: {  	[sflag:s5] =	ssyncset.done $0x0  }
0x6d: {  	[sflag:s5] =	ssyncadd.s32 $0xFFFFFF80  }
0x6e: {  	_ =	swait.ge [sflag:s5], $0x80  }
0x6f: {  	[sflag:s5] =	ssyncset.done $0x0  }
0x70: {  	[sflag:s5] =	ssyncadd.s32 $0xFFFFFF80  }
0x71: {  	_ =	swait.ge [sflag:s5], $0x80  }
0x72: {  	[sflag:s5] =	ssyncset.done $0x0  }
0x73: {  	[sflag:s5] =	ssyncadd.s32 $0xFFFFFF80  }
0x74: {  	_ =	swait.ge [sflag:s5], $0x80  }
0x75: {  	[sflag:s5] =	ssyncset.done $0x0  }
0x76: {  	[sflag:s5] =	ssyncadd.s32 $0xFFFFFF80  }
0x77: {  	_ =	swait.ge [sflag:s5], $0x80  }
0x78: {  	[sflag:s5] =	ssyncset.done $0x0  }
0x79: {  	[sflag:s5] =	ssyncadd.s32 $0xFFFFFF80  }
0x7a: {  	_ =	swait.ge [sflag:s5], $0x80  }
0x7b: {  	[sflag:s5] =	ssyncset.done $0x0  }
0x7c: {  	[sflag:s5] =	ssyncadd.s32 $0xFFFFFF80  }
0x7d: {  	_ =	swait.ge [sflag:s5], $0x80  }
0x7e: {  	[sflag:s5] =	ssyncset.done $0x0  }
0x7f: {  	[sflag:s5] =	ssyncadd.s32 $0xFFFFFF80  }
0x80: {  	_ =	swait.ge [sflag:s5], $0x80  }
0x81: {  	[sflag:s5] =	ssyncset.done $0x0  }
0x82: {  	[sflag:s5] =	ssyncadd.s32 $0xFFFFFF80  }
0x83: {  	_ =	swait.ge [sflag:s5], $0x80  }
0x84: {  	[sflag:s5] =	ssyncset.done $0x0  }
0x85: {  	[sflag:s5] =	ssyncadd.s32 $0xFFFFFF80  }
0x86: {  	_ =	swait.ge [sflag:s5], $0x80  }
0x87: {  	[sflag:s5] =	ssyncset.done $0x0  }
0x88: {  	[sflag:s5] =	ssyncadd.s32 $0xFFFFFF80  }
0x89: {  	_ =	swait.ge [sflag:s5], $0x80  }
0x8a: {  	[sflag:s5] =	ssyncset.done $0x0  }
0x8b: {  	[sflag:s5] =	ssyncadd.s32 $0xFFFFFF80  }
0x8c: {  	_ =	swait.ge [sflag:s5], $0x80  }
0x8d: {  	[sflag:s5] =	ssyncset.done $0x0  }
0x8e: {  	[sflag:s5] =	ssyncadd.s32 $0xFFFFFF80  }
0x8f: {  	_ =	swait.ge [sflag:s5], $0x80  }
0x90: {  	[sflag:s5] =	ssyncset.done $0x0  }
0x91: {  	[sflag:s5] =	ssyncadd.s32 $0xFFFFFF80  }
0x92: {  	_ =	swait.ge [sflag:s5], $0x80  }
0x93: {  	[sflag:s5] =	ssyncset.done $0x0  }
0x94: {  	[sflag:s5] =	ssyncadd.s32 $0xFFFFFF80  }
0x95: {  	_ =	swait.ge [sflag:s5], $0x80  }
0x96: {  	[sflag:s5] =	ssyncset.done $0x0  }
0x97: {  	[sflag:s5] =	ssyncadd.s32 $0xFFFFFF80  }
0x98: {  	_ =	swait.ge [sflag:s5], $0x80  }
0x99: {  	[sflag:s5] =	ssyncset.done $0x0  }
0x9a: {  	[sflag:s5] =	ssyncadd.s32 $0xFFFFFF80  }
0x9b: {  	_ =	swait.ge [sflag:s5], $0x80  }
0x9c: {  	[sflag:s5] =	ssyncset.done $0x0  }
0x9d: {  	[sflag:s5] =	ssyncadd.s32 $0xFFFFFF80  }
0x9e: {  	_ =	swait.ge [sflag:s5], $0x80  }
0x9f: {  	[sflag:s5] =	ssyncset.done $0x0  }
0xa0: {  	[sflag:s5] =	ssyncadd.s32 $0xFFFFFF80  }
0xa1: {  	_ =	swait.ge [sflag:s5], $0x80  }
0xa2: {  	[sflag:s5] =	ssyncset.done $0x0  }
0xa3: {  	s14 =	simm.s32 $0x2580;
	[sflag:s5] =	ssyncadd.s32 $0xFFFFFF80  }
0xa4: {  	[tilespmem:s14], [sflag:$0x1] =	stream.indirect.gather [hbm4b:s2+s10], $0x10, s16, s10, $0xb8;
	[tilespmem:$0xED80] =	vst v63  }
0xa5: {  	s16 =	simm.s32 $0x2D80  }
0xa6: {  	[tilespmem:s16], [sflag:$0x1] =	stream.indirect.gather [hbm4b:s2+s10], $0x10, s18, s10, $0xb8;
	[tilespmem:$0xED80] =	vst v63  }
0xa7: {  	s18 =	simm.s32 $0x3580  }
0xa8: {  	[tilespmem:s18], [sflag:$0x1] =	stream.indirect.gather [hbm4b:s2+s10], $0x10, s20, s10, $0xb8;
	[tilespmem:$0xED80] =	vst v63  }
0xa9: {  	s16 =	simm.s32 $0x3D80  }
0xaa: {  	[tilespmem:s16], [sflag:$0x1] =	stream.indirect.gather [hbm4b:s2+s10], $0x10, s22, s10, $0xb8;
	[tilespmem:$0xED80] =	vst v63  }
0xab: {  	s18 =	simm.s32 $0x4580  }
0xac: {  	[tilespmem:s18], [sflag:$0x1] =	stream.indirect.gather [hbm4b:s2+s10], $0x10, s24, s10, $0xb8;
	[tilespmem:$0xED80] =	vst v63  }
0xad: {  	s16 =	simm.s32 $0x4D80  }
0xae: {  	[tilespmem:s16], [sflag:$0x1] =	stream.indirect.gather [hbm4b:s2+s10], $0x10, s26, s10, $0xb8;
	[tilespmem:$0xED80] =	vst v63  }
0xaf: {  	s18 =	simm.s32 $0x5580  }
0xb0: {  	[tilespmem:s18], [sflag:$0x1] =	stream.indirect.gather [hbm4b:s2+s10], $0x10, s29, s10, $0xb8;
	[tilespmem:$0xED80] =	vst v63  }
0xb1: {  	s16 =	simm.s32 $0x5D80  }
0xb2: {  	[tilespmem:s16], [sflag:$0x1] =	stream.indirect.gather [hbm4b:s2+s10], $0x10, s31, s10, $0xb8;
	[tilespmem:$0xED80] =	vst v63  }
0xb3: {  	s18 =	simm.s32 $0x6580  }
0xb4: {  	[tilespmem:s18], [sflag:$0x1] =	stream.indirect.gather [hbm4b:s2+s10], $0x10, s0, s10, $0xb8;
	[tilespmem:$0xED80] =	vst v63  }
0xb5: {  	s14 =	simm.s32 $0x6D80  }
0xb6: {  	[tilespmem:s14], [sflag:$0x1] =	stream.indirect.gather [hbm4b:s2+s10], $0x10, s6, s10, $0xb8;
	[tilespmem:$0xED80] =	vst v63  }
0xb7: {  	s16 =	simm.s32 $0x7580  }
0xb8: {  	[tilespmem:s16], [sflag:$0x1] =	stream.indirect.gather [hbm4b:s2+s10], $0x10, s11, s10, $0xb8;
	[tilespmem:$0xED80] =	vst v63  }
0xb9: {  	s18 =	simm.s32 $0x7D80  }
0xba: {  	[tilespmem:s18], [sflag:$0x1] =	stream.indirect.gather [hbm4b:s2+s10], $0x10, s15, s10, $0xb8;
	[tilespmem:$0xED80] =	vst v63  }
0xbb: {  	s14 =	simm.s32 $0x8580  }
0xbc: {  	[tilespmem:s14], [sflag:$0x1] =	stream.indirect.gather [hbm4b:s2+s10], $0x10, s19, s10, $0xb8;
	[tilespmem:$0xED80] =	vst v63  }
0xbd: {  	s16 =	simm.s32 $0x8D80  }
0xbe: {  	[tilespmem:s16], [sflag:$0x1] =	stream.indirect.gather [hbm4b:s2+s10], $0x10, s23, s10, $0xb8;
	[tilespmem:$0xED80] =	vst v63  }
0xbf: {  	s18 =	simm.s32 $0x9580  }
0xc0: {  	[tilespmem:s18], [sflag:$0x1] =	stream.indirect.gather [hbm4b:s2+s10], $0x10, s28, s10, $0xb8;
	[tilespmem:$0xED80] =	vst v63  }
0xc1: {  	s14 =	simm.s32 $0x9D80  }
0xc2: {  	[tilespmem:s14], [sflag:$0x1] =	stream.indirect.gather [hbm4b:s2+s10], $0x10, s1, s10, $0xb8;
	[tilespmem:$0xED80] =	vst v63  }
0xc3: {  	s16 =	simm.s32 $0xA580  }
0xc4: {  	[tilespmem:s16], [sflag:$0x1] =	stream.indirect.gather [hbm4b:s2+s10], $0x10, s8, s10, $0xb8;
	[tilespmem:$0xED80] =	vst v63  }
0xc5: {  	s18 =	simm.s32 $0xAD80  }
0xc6: {  	[tilespmem:s18], [sflag:$0x1] =	stream.indirect.gather [hbm4b:s2+s10], $0x10, s17, s10, $0xb8;
	[tilespmem:$0xED80] =	vst v63  }
0xc7: {  	s1 =	simm.s32 $0xB580  }
0xc8: {  	[tilespmem:s1], [sflag:$0x1] =	stream.indirect.gather [hbm4b:s2+s10], $0x10, s25, s10, $0xb8;
	[tilespmem:$0xED80] =	vst v63  }
0xc9: {  	s14 =	simm.s32 $0xBD80  }
0xca: {  	[tilespmem:s14], [sflag:$0x1] =	stream.indirect.gather [hbm4b:s2+s10], $0x10, s3, s10, $0xb8;
	[tilespmem:$0xED80] =	vst v63  }
0xcb: {  	s16 =	simm.s32 $0xC580  }
0xcc: {  	[tilespmem:s16], [sflag:$0x1] =	stream.indirect.gather [hbm4b:s2+s10], $0x10, s21, s10, $0xb8;
	[tilespmem:$0xED80] =	vst v63  }
0xcd: {  	s18 =	simm.s32 $0xCD80  }
0xce: {  	[tilespmem:s18], [sflag:$0x1] =	stream.indirect.gather [hbm4b:s2+s10], $0x10, s13, s10, $0xb8;
	[tilespmem:$0xED80] =	vst v63  }
0xcf: {  	s1 =	simm.s32 $0xD580  }
0xd0: {  	[tilespmem:s1], [sflag:$0x1] =	stream.indirect.gather [hbm4b:s2+s10], $0x10, s30, s10, $0xb8;
	[tilespmem:$0xED80] =	vst v63  }
0xd1: {  	s3 =	simm.s32 $0xDD80  }
0xd2: {  	[tilespmem:s3], [sflag:$0x1] =	stream.indirect.gather [hbm4b:s2+s10], $0x10, s7, s10, $0xb8;
	[tilespmem:$0xED80] =	vst v63  }
0xd3: {  	s14 =	simm.s32 $0xE580  }
0xd4: {  	[tilespmem:s14], [sflag:$0x1] =	stream.indirect.gather [hbm4b:s2+s10], $0x10, s9, s10, $0xb8;
	[tilespmem:$0xED80] =	vst v63  }
0xd5: {  	_ =	swait.ge [sflag:s5], $0x800  }
0xd6: {  	[sflag:s5] =	ssyncset.done $0x0  }
0xd7: {  	[sflag:s5] =	ssyncadd.s32 $0xFFFFF800  }
0xd8: {  	_ =	swait.ge [sflag:s5], $0x800  }
0xd9: {  	[sflag:s5] =	ssyncset.done $0x0  }
0xda: {  	[sflag:s5] =	ssyncadd.s32 $0xFFFFF800  }
0xdb: {  	_ =	swait.ge [sflag:s5], $0x800  }
0xdc: {  	[sflag:s5] =	ssyncset.done $0x0  }
0xdd: {  	[sflag:s5] =	ssyncadd.s32 $0xFFFFF800  }
0xde: {  	_ =	swait.ge [sflag:s5], $0x800  }
0xdf: {  	[sflag:s5] =	ssyncset.done $0x0  }
0xe0: {  	[sflag:s5] =	ssyncadd.s32 $0xFFFFF800  }
0xe1: {  	_ =	swait.ge [sflag:s5], $0x800  }
0xe2: {  	[sflag:s5] =	ssyncset.done $0x0  }
0xe3: {  	[sflag:s5] =	ssyncadd.s32 $0xFFFFF800  }
0xe4: {  	_ =	swait.ge [sflag:s5], $0x800  }
0xe5: {  	[sflag:s5] =	ssyncset.done $0x0  }
0xe6: {  	[sflag:s5] =	ssyncadd.s32 $0xFFFFF800  }
0xe7: {  	_ =	swait.ge [sflag:s5], $0x800  }
0xe8: {  	[sflag:s5] =	ssyncset.done $0x0  }
0xe9: {  	[sflag:s5] =	ssyncadd.s32 $0xFFFFF800  }
0xea: {  	_ =	swait.ge [sflag:s5], $0x800  }
0xeb: {  	[sflag:s5] =	ssyncset.done $0x0  }
0xec: {  	[sflag:s5] =	ssyncadd.s32 $0xFFFFF800  }
0xed: {  	_ =	swait.ge [sflag:s5], $0x800  }
0xee: {  	[sflag:s5] =	ssyncset.done $0x0  }
0xef: {  	[sflag:s5] =	ssyncadd.s32 $0xFFFFF800  }
0xf0: {  	_ =	swait.ge [sflag:s5], $0x800  }
0xf1: {  	[sflag:s5] =	ssyncset.done $0x0  }
0xf2: {  	[sflag:s5] =	ssyncadd.s32 $0xFFFFF800  }
0xf3: {  	_ =	swait.ge [sflag:s5], $0x800  }
0xf4: {  	[sflag:s5] =	ssyncset.done $0x0  }
0xf5: {  	[sflag:s5] =	ssyncadd.s32 $0xFFFFF800  }
0xf6: {  	_ =	swait.ge [sflag:s5], $0x800  }
0xf7: {  	[sflag:s5] =	ssyncset.done $0x0  }
0xf8: {  	[sflag:s5] =	ssyncadd.s32 $0xFFFFF800  }
0xf9: {  	_ =	swait.ge [sflag:s5], $0x800  }
0xfa: {  	[sflag:s5] =	ssyncset.done $0x0  }
0xfb: {  	[sflag:s5] =	ssyncadd.s32 $0xFFFFF800  }
0xfc: {  	_ =	swait.ge [sflag:s5], $0x800  }
0xfd: {  	[sflag:s5] =	ssyncset.done $0x0  }
0xfe: {  	[sflag:s5] =	ssyncadd.s32 $0xFFFFF800  }
0xff: {  	_ =	swait.ge [sflag:s5], $0x800  }
0x100: {  	[sflag:s5] =	ssyncset.done $0x0  }
0x101: {  	[sflag:s5] =	ssyncadd.s32 $0xFFFFF800  }
0x102: {  	_ =	swait.ge [sflag:s5], $0x800  }
0x103: {  	[sflag:s5] =	ssyncset.done $0x0  }
0x104: {  	[sflag:s5] =	ssyncadd.s32 $0xFFFFF800  }
0x105: {  	_ =	swait.ge [sflag:s5], $0x800  }
0x106: {  	[sflag:s5] =	ssyncset.done $0x0  }
0x107: {  	[sflag:s5] =	ssyncadd.s32 $0xFFFFF800  }
0x108: {  	_ =	swait.ge [sflag:s5], $0x800  }
0x109: {  	[sflag:s5] =	ssyncset.done $0x0  }
0x10a: {  	[sflag:s5] =	ssyncadd.s32 $0xFFFFF800  }
0x10b: {  	_ =	swait.ge [sflag:s5], $0x800  }
0x10c: {  	[sflag:s5] =	ssyncset.done $0x0  }
0x10d: {  	[sflag:s5] =	ssyncadd.s32 $0xFFFFF800  }
0x10e: {  	_ =	swait.ge [sflag:s5], $0x800  }
0x10f: {  	[sflag:s5] =	ssyncset.done $0x0  }
0x110: {  	[sflag:s5] =	ssyncadd.s32 $0xFFFFF800  }
0x111: {  	_ =	swait.ge [sflag:s5], $0x800  }
0x112: {  	[sflag:s5] =	ssyncset.done $0x0  }
0x113: {  	[sflag:s5] =	ssyncadd.s32 $0xFFFFF800  }
0x114: {  	_ =	swait.ge [sflag:s5], $0x800  }
0x115: {  	[sflag:s5] =	ssyncset.done $0x0  }
0x116: {  	[sflag:s5] =	ssyncadd.s32 $0xFFFFF800  }
0x117: {  	_ =	swait.ge [sflag:s5], $0x800  }
0x118: {  	[sflag:s5] =	ssyncset.done $0x0  }
0x119: {  	[sflag:s5] =	ssyncadd.s32 $0xFFFFF800  }
0x11a: {  	_ =	swait.ge [sflag:s5], $0x800  }
0x11b: {  	[sflag:s5] =	ssyncset.done $0x0  }
0x11c: {  	s16 =	sshll.u32 s12, $0x5;
	s12 =	sadd.s32 $0x1, s12;
	[sflag:s5] =	ssyncadd.s32 $0xFFFFF800  }
0x11d: {  	p0 =	sne.s32 s12, $0x10;
	s1 =	simm.s32 $0x10;
	_ =	swait.ge [sflag:s5], $0x800  }
0x11e: {  	s3 =	simm.s32 $0x40;
	s14 =	sand.u32 $0x60, s16;
	s18 =	rddreg [dreg:$0x5]  }
0x11f: {  	s16 =	simm.s32 $0x2580;
	[sflag:s5] =	ssyncset.done $0x0;
	s14 =	sor.u32 s18, s14  }
0x120: {  	s0 =	rddreg [dreg:$0x3];
	[sflag:s5] =	ssyncadd.s32 $0xFFFFF800;
	s14 =	sshrl.u32 s14, $0x4  }
.Ltmp1:
0x121: {  	s18 =	simm.s32 $0x2;
	s14 =	sadd.s32 s0, s14;
	(pc) =	sbr.rel @p0 .LBB2_2-.Ltmp1, $4  }
0x122: {  	[hbm4b:s14+s1] =	stream.strided.scatter [tilespmem:s16], [sflag:$0x2], $0xC800, s3, s1, $0x38;
	[tilespmem:$0xED80] =	vst v63  }
0x123: {  	_ =	swait.ge [sflag:s18], $0xC800  }
0x124: {  	[sflag:s18] =	ssyncset.done $0x0  }
0x125: {  	[sflag:s18] =	ssyncadd.s32 $0xFFFF3800  }
0x126: {  	s0 =	rddreg [dreg:$0x7]  }
0x127: {  	s12 =	rddreg [dreg:$0x6];
	s0 =	sadd.s32 $0x1, s0  }
0x128: {  	p0 =	sne.s32 s0, s12  }
.Ltmp2:
0x129: {  	_ = 	snop;
	(pc) =	sbr.rel @p0 .LBB2_1-.Ltmp2, $1  }
0x12a: {  	_ =	sdelay $0x3  }
0x12b: {  	_ =	sfence.sel $0x180000  }
0x12c: {  	[bflag:$0x0] =	sbarrier.arrive $0xFFFF  }
0x12d: {  	_ =	strace $0x90000053  }
0x12e: {  	s0 =	stileid.u32;
	[bflag:$0x2] =	sbarrier.arrive $0xFFFF  }
0x12f: {  	p0 =	sne.s32 s0, $0x0;
	s0 =	rddreg [dreg:$0x2]  }
0x130: {  	s0 =	sadd.s32 @!p0 $0x100000, s0  }
0x131: {  	[sflag:s0] =	ssyncadd.tile.s32 @!p0 $0x1;
	_ =	shalt  }
.Lfunc_end2:
_tile_overlayer_lowered:
.L_overlay_start_2:
0x132: {  	(tag) =	ssettag $0x2  }
0x133: {  	s0 =	rddreg [dreg:$0x0];
	s2 =	stileid.u32  }
0x134: {  	s1 =	rddreg [dreg:$0x1];
	p0 =	sne.s32 s2, $0x0  }
0x135: {  	s3 =	rddreg [dreg:$0x2];
	[bflag:$0x3] =	sbarrier.arrive $0xFFFF;
	s2 =	simm.s32 @!p0 $0x1C02  }
0x136: {  	[timem:s3], [sflag:s2] =	dma.local @!p0 [hbm:s0], s1  }
0x137: {  	s0 =	simm.s32 @!p0 $0x2  }
0x138: {  	_ =	swait.ge @!p0 [sflag:s0], s1  }
0x139: {  	s1 =	ssub.s32 @!p0 $0x0, s1;
	[sflag:s0] =	ssyncset.done @!p0 $0x0  }
0x13a: {  	[sflag:s0] =	ssyncadd.s32 @!p0 s1  }
0x13b: {  	[bflag:$0x3] =	sbarrier.arrive $0xFFFF  }
0x13c: {  	_ =	shalt  }

// kernel: kernel.32.cloned.1.call-start
scs
__scs_entry_jumppad:
0x0: {  	(pc) =	sbr.rel $0x88, $3  }
0x1: {  	(tag) =	ssettag $0x0;
	lr =	simm.s32 $0x1  }
0x2: {  	[smem:$0x3F9D] =	sst lr;
	_ =	strace $0xD0000000  }
0x3: {  	_ = 	snop  }
0x4: {  	_ = 	snop  }
0x5: {  	_ = 	snop  }
0x6: {  	_ = 	snop  }
0x7: {  	_ = 	snop  }
__scs_overlays_trampoline_lowered:
0x8: {  	[smem:$0x3FAC] =	sst s0  }
0x9: {  	[smem:$0x3FAD] =	sst s1  }
0xa: {  	[smem:$0x3FAE] =	sst s2  }
0xb: {  	[smem:$0x3FAF] =	sst s3  }
0xc: {  	[smem:$0x3FB0] =	sst s4  }
0xd: {  	[smem:$0x3FB1] =	sst s5  }
0xe: {  	[smem:$0x3FB2] =	sst s6  }
0xf: {  	[smem:$0x3FB3] =	sst s7  }
0x10: {  	[smem:$0x3FB4] =	sst s8  }
0x11: {  	[smem:$0x3FB5] =	sst s9;
	s0 =	simm.s32 @!p0 $0x0  }
0x12: {  	s1 =	sld [smem:$0x3F9B];
	s0 =	simm.s32 @p0 $0x1  }
0x13: {  	[smem:$0x3FB6] =	sst s0;
	s0 =	simm.s32 @!p1 $0x0  }
0x14: {  	s2 =	sld [smem:$0x3F9A];
	s0 =	simm.s32 @p1 $0x1  }
0x15: {  	[smem:$0x3FB7] =	sst s0;
	s0 =	simm.s32 @!p2 $0x0  }
0x16: {  	s3 =	sld [smem:$0x3FDB];
	s0 =	simm.s32 @p2 $0x1  }
0x17: {  	s4 =	simm.s32 $0x1BF5;
	[smem:$0x3FB9] =	sst s0  }
0x18: {  	s0 =	sld [smem:$0x3F9C];
	_ =	swait.ge [sflag:s4], $0x0  }
0x19: {  	s7 =	sld [smem:$0x3F9D]  }
0x1a: {  	s8 =	sadd.s32 $0xFFFFE003, lr  }
0x1b: {  	s9 =	sadd.s32 $0xFFFFFEF7, lr;
	s5 =	simm.s32 $0xFFFFFFFF;
	p2 =	slt.u32 s8, $0xFFFFF086  }
0x1c: {  	p1 =	slt.u32 s9, $0xF7A;
	s5 =	simm.s32 @!p2 $0x0  }
0x1d: {  	s5 =	simm.s32 @p1 $0x1;
	p0 =	seq.s32 s7, s2  }
0x1e: {  	s7 =	smul.u32 @!p0 $0xF7A, s2;
	p2 =	seq.s32 @!p0 s5, $0x0  }
0x1f: {  	s9 =	smul.u32 $0xF7A, s1;
	s8 =	simm.s32 @!p0 $0x1BF5;
	p2 =	por !p2, p0  }
0x20: {  	[sflag:s8] =	ssyncset.s32 @!p0 $0xFFFFF086;
	s6 =	sadd.s32 @!p0 s3, s7;
	s7 =	simm.s32 @!p0 $0x108  }
0x21: {  	s3 =	sadd.s32 s3, s9;
	s6 =	sadd.s32 @!p0 $0x88, s6;
	s7 =	simm.s32 @p2 $0x1082  }
0x22: {  	[simem:s7], [sflag:s8] =	dma.local @!p0 [hbm:s6], $0xF7A  }
0x23: {  	s9 =	sor.u32 $0xD0000000, s2;
	s6 =	simm.s32 $0x108;
	_ =	swait.ge @!p0 [sflag:s8], $0x0  }
0x24: {  	s3 =	sadd.s32 $0x88, s3;
	s6 =	simm.s32 @!p1 $0x1082;
	[sflag:s4] =	ssyncset.s32 $0xFFFFF086  }
0x25: {  	[simem:s6], [sflag:s4] =	dma.local [hbm:s3], $0xF7A  }
0x26: {  	[smem:$0x3F9D] =	sst s1;
	(tag) =	ssettag s2;
	_ =	strace s9  }
0x27: {  	s1 =	sld [smem:$0x3FAD]  }
0x28: {  	s2 =	sld [smem:$0x3FAE]  }
0x29: {  	s4 =	sld [smem:$0x3FB0]  }
0x2a: {  	p0 =	seq.s32 s5, $0x0;
	s5 =	sld [smem:$0x3FB1]  }
0x2b: {  	s6 =	sld [smem:$0x3FB2]  }
0x2c: {  	s7 =	sld [smem:$0x3FB3]  }
0x2d: {  	s3 =	simm.s32 $0x108;
	s8 =	sld [smem:$0x3FB4]  }
0x2e: {  	s3 =	simm.s32 @!p0 $0x1082;
	s9 =	sld [smem:$0x3FB5]  }
0x2f: {  	lr =	sadd.s32 s0, s3;
	s0 =	sld [smem:$0x3FAC]  }
0x30: {  	s3 =	sld [smem:$0x3FAF]  }
0x31: {  	[smem:$0x3FB8] =	sst s10  }
0x32: {  	s10 =	sld [smem:$0x3FB6];
	_ =	sdelay $0x3  }
0x33: {  	p0 =	seq.s32 s10, $0x1;
	s10 =	sld [smem:$0x3FB8];
	_ =	sdelay $0x3  }
0x34: {  	[smem:$0x3FB8] =	sst s10  }
0x35: {  	s10 =	sld [smem:$0x3FB7];
	_ =	sdelay $0x3  }
0x36: {  	p1 =	seq.s32 s10, $0x1;
	s10 =	sld [smem:$0x3FB8];
	_ =	sdelay $0x3  }
0x37: {  	[smem:$0x3FB8] =	sst s10  }
0x38: {  	s10 =	sld [smem:$0x3FB9]  }
0x39: {  	_ = 	snop;
	(pc) =	sbr.ind lr, $3  }
0x3a: {  	_ = 	snop  }
0x3b: {  	_ = 	snop  }
0x3c: {  	p2 =	seq.s32 s10, $0x1;
	s10 =	sld [smem:$0x3FB8]  }
0x3d: {  	_ =	shalt  }
0x3e: {  	_ =	shalt  }
0x3f: {  	_ =	shalt  }
0x40: {  	_ =	shalt  }
0x41: {  	_ =	shalt  }
0x42: {  	_ =	shalt  }
0x43: {  	_ =	shalt  }
0x44: {  	_ =	shalt  }
0x45: {  	_ =	shalt  }
0x46: {  	_ =	shalt  }
0x47: {  	_ =	shalt  }
0x48: {  	_ =	shalt  }
0x49: {  	_ =	shalt  }
0x4a: {  	_ =	shalt  }
0x4b: {  	_ =	shalt  }
0x4c: {  	_ =	shalt  }
0x4d: {  	_ =	shalt  }
0x4e: {  	_ =	shalt  }
0x4f: {  	_ =	shalt  }
0x50: {  	_ =	shalt  }
0x51: {  	_ =	shalt  }
0x52: {  	_ =	shalt  }
0x53: {  	_ =	shalt  }
0x54: {  	_ =	shalt  }
0x55: {  	_ =	shalt  }
0x56: {  	_ =	shalt  }
0x57: {  	_ =	shalt  }
0x58: {  	_ =	shalt  }
0x59: {  	_ =	shalt  }
0x5a: {  	_ =	shalt  }
0x5b: {  	_ =	shalt  }
0x5c: {  	_ =	shalt  }
0x5d: {  	_ =	shalt  }
0x5e: {  	_ =	shalt  }
0x5f: {  	_ =	shalt  }
0x60: {  	_ =	shalt  }
0x61: {  	_ =	shalt  }
0x62: {  	_ =	shalt  }
0x63: {  	_ =	shalt  }
0x64: {  	_ =	shalt  }
0x65: {  	_ =	shalt  }
0x66: {  	_ =	shalt  }
0x67: {  	_ =	shalt  }
0x68: {  	_ =	shalt  }
0x69: {  	_ =	shalt  }
0x6a: {  	_ =	shalt  }
0x6b: {  	_ =	shalt  }
0x6c: {  	_ =	shalt  }
0x6d: {  	_ =	shalt  }
0x6e: {  	_ =	shalt  }
0x6f: {  	_ =	shalt  }
0x70: {  	_ =	shalt  }
0x71: {  	_ =	shalt  }
0x72: {  	_ =	shalt  }
0x73: {  	_ =	shalt  }
0x74: {  	_ =	shalt  }
0x75: {  	_ =	shalt  }
0x76: {  	_ =	shalt  }
0x77: {  	_ =	shalt  }
0x78: {  	_ =	shalt  }
0x79: {  	_ =	shalt  }
0x7a: {  	_ =	shalt  }
0x7b: {  	_ =	shalt  }
0x7c: {  	_ =	shalt  }
0x7d: {  	_ =	shalt  }
0x7e: {  	_ =	shalt  }
0x7f: {  	_ =	shalt  }
0x80: {  	_ =	shalt  }
0x81: {  	_ =	shalt  }
0x82: {  	_ =	shalt  }
0x83: {  	_ =	shalt  }
0x84: {  	_ =	shalt  }
0x85: {  	_ =	shalt  }
0x86: {  	_ =	shalt  }
0x87: {  	_ =	shalt  }
.Lfunc_end0:
.L_simem_size_0:
called_computation.5_lowered:
.L_overlay_start_0:
0x88: {  	s2 =	sld [smem:$0x3FD9]  }
0x89: {  	s3 =	sld [smem:$0x3FFE];
	_ =	sdelay $0x1  }
0x8a: {  	s1 =	srdreg.scid  }
0x8b: {  	s0 =	sand.u32 $0x1, s1  }
0x8c: {  	s17 =	sshll.u32 s0, $0xA;
	s2 =	sadd.s32 s3, s2  }
0x8d: {  	s2 =	sadd.s32 s2, s17  }
0x8e: {  	[smem:$0x3FC4] =	sst s2  }
0x8f: {  	_ = 	snop  }
0x90: {  	s18 =	sld [smem:$0x3FD0];
	(tm) =	ssettm $0x1  }
0x91: {  	s19 =	sld [smem:$0x3FFB];
	_ =	sdelay $0x3  }
0x92: {  	_ =	strace s19  }
0x93: {  	s2 =	sld [smem:$0x3FFC];
	_ =	sdelay $0x3  }
0x94: {  	_ =	strace s2  }
0x95: {  	s2 =	sld [smem:$0x3FFD];
	_ =	sdelay $0x3  }
0x96: {  	_ =	strace s2  }
0x97: {  	_ =	strace $0x8FFFFFFF  }
0x98: {  	s20 =	sld [smem:$0x3FDB];
	_ =	sdelay $0x1  }
0x99: {  	s4 =	simm.s32 $_scs_section_size  }
0x9a: {  	s5 =	simm.s32 $_size__tile_overlayer_lowered;
	s6 =	simm.s32 $_tile_overlayer_lowered  }
0x9b: {  	s7 =	simm.s32 $0x1BFF;
	s21 =	sshll.u32 s6, $0x1;
	s4 =	sadd.s32 s4, s20  }
0x9c: {  	s22 =	simm.s32 $0x0;
	s5 =	sshll.u32 s5, $0x1;
	s6 =	sadd.s32 s21, s4  }
0x9d: {  	[timem:s22], [sflag:s7] =	dma.local [hbm:s6], s5  }
0x9e: {  	_ =	swait.ge [sflag:s7], s5  }
0x9f: {  	s5 =	ssub.s32 $0x0, s5;
	[sflag:s7] =	ssyncset.done $0x0  }
0xa0: {  	[sflag:s7] =	ssyncadd.s32 s5;
	_ =	sdelay $0x1  }
0xa1: {  	s23 =	simm.s32 $0x1B8B  }
0xa2: {  	_ =	swait.ge [sflag:s23], $0x1  }
0xa3: {  	[sflag:s23] =	ssyncset.done $0x0  }
0xa4: {  	[sflag:s23] =	ssyncadd.s32 $0xFFFFFFFF  }
0xa5: {  	s5 =	sld [smem:$0x0]  }
0xa6: {  	s6 =	sand.u32 $0xFFFFFFFE, s1  }
0xa7: {  	p0 =	sne.s32 s1, s6  }
0xa8: {  	s6 =	sshll.u32 @p0 s6, $0xE  }
0xa9: {  	s6 =	sadd.s32 @p0 $0x11B8D, s6;
	s7 =	sshll.u32 @p0 s5, $0x11  }
0xaa: {  	s6 =	sor.u32 @p0 s7, s6  }
0xab: {  	[sflag:s6] =	ssyncadd.remote.s32 @p0 $0x1;
	_ =	sdelay $0x1  }
0xac: {  	s6 =	simm.s32 @p0 $0x1B8D  }
0xad: {  	_ =	swait.eq @p0 [sflag:s6], $0x1  }
0xae: {  	[sflag:s6] =	ssyncadd.s32 @p0 $0xFFFFFFFF  }
0xaf: {  	s7 =	sshll.u32 @!p0 s1, $0xE  }
0xb0: {  	s7 =	sor.u32 @!p0 $0x4000, s7;
	s6 =	simm.s32 @!p0 $0x1B8D  }
0xb1: {  	s5 =	sshll.u32 @!p0 s5, $0x11;
	s7 =	sadd.s32 @!p0 $0x11B8D, s7;
	_ =	swait.eq @!p0 [sflag:s6], $0x1  }
0xb2: {  	s5 =	sor.u32 @!p0 s5, s7;
	[sflag:s6] =	ssyncadd.s32 @!p0 $0xFFFFFFFF  }
0xb3: {  	s25 =	simm.s32 $0x1B8E;
	s24 =	sld [smem:$0x3FFE];
	[sflag:s5] =	ssyncadd.remote.s32 @!p0 $0x1  }
0xb4: {  	s26 =	simm.s32 $execute0_lowered;
	[smem:$0x3FD2] =	sst s25  }
0xb5: {  	s6 =	sshll.u32 s26, $0x1;
	_ =	strace $0x80000055;
	[dreg:$0x1] =	wrdreg $0xFFFFFFFF  }
0xb6: {  	s28 =	simm.s32 $_size_execute0_lowered;
	s4 =	sadd.s32 s4, s6;
	[dreg:$0x0] =	wrdreg $0x0  }
0xb7: {  	s6 =	sshll.u32 s28, $0x1;
	[dreg:$0x2] =	wrdreg s4  }
0xb8: {  	[dreg:$0x3] =	wrdreg s6  }
0xb9: {  	[dreg:$0x4] =	wrdreg $0xC0  }
0xba: {  	_ =	task [dreg:s22], $0x5FFFF  }
0xbb: {  	[dreg:$0x1] =	wrdreg $0xFFFFFFFF  }
0xbc: {  	[dreg:$0x0] =	wrdreg $0x60  }
0xbd: {  	[dreg:$0x2] =	wrdreg s24  }
0xbe: {  	[dreg:$0x3] =	wrdreg s18  }
0xbf: {  	[dreg:$0x4] =	wrdreg $0xD  }
0xc0: {  	_ =	task.clear_ibuf [dreg:s22], $0x5FFFF;
	_ =	strace $0x90000055  }
0xc1: {  	s29 =	simm.s32 $0xD;
	_ =	strace $0x80000057  }
0xc2: {  	_ =	swait.ge [sflag:s29], $0x1  }
0xc3: {  	[sflag:s29] =	ssyncadd.s32 $0xFFFFFFFF  }
0xc4: {  	_ =	strace $0x90000057  }
0xc5: {  	_ =	sfence  }
0xc6: {  	s30 =	sld [smem:$0x0];
	_ =	sdelay $0x2  }
0xc7: {  	s31 =	sshll.u32 s1, $0xD;
	s1 =	sshrl.u32 s1, $0x2  }
0xc8: {  	s4 =	sand.u32 $0x4000, s31;
	s1 =	sadd.s32 s1, s30  }
0xc9: {  	s0 =	sor.u32 s4, s0;
	s1 =	sshll.u32 s1, $0x11  }
0xca: {  	s0 =	sor.u32 s1, s0  }
0xcb: {  	s0 =	sadd.s32 $0x8F2B, s0  }
0xcc: {  	[sflag:s0] =	ssyncadd.remote.s32 $0x1  }
0xcd: {  	_ =	sfence.sel $0xFFFF  }
0xce: {  	[dreg:$0x0] =	wrdreg $0xFFFFFFFF;
	(pc) =	sbr.abs _section_cstart, $3  }
0xcf: {  	[dreg:$0x1] =	wrdreg $0xFFFFFFFF  }
0xd0: {  	_ =	task.clear_ibuf [dreg:s22], $0x2FFFF;
	_ =	strace $0x9FFFFFFF  }
0xd1: {  	(tm) =	ssettm $0x7FFFFFFF  }
tec
execute0_lowered:
.L_overlay_start_1:
0x0: {  	(tag) =	ssettag $0x1  }
0x1: {  	s0 =	rddreg [dreg:$0x0];
	s1 =	srdreg.scid  }
0x2: {  	s3 =	stileid.u32;
	s2 =	rddreg [dreg:$0x1];
	s4 =	simm.s32 $0x0  }
0x3: {  	s10 =	simm.s32 $0x80;
	s20 =	simm.s32 $0x1A00;
	s22 =	simm.s32 $0x1A80  }
0x4: {  	s29 =	simm.s32 $0x1C00;
	s31 =	simm.s32 $0x1C80;
	s11 =	simm.s32 $0x1E00  }
0x5: {  	s15 =	simm.s32 $0x1E80;
	s19 =	simm.s32 $0x1F00;
	s23 =	simm.s32 $0x1F80  }
0x6: {  	s28 =	simm.s32 $0x2000;
	s8 =	simm.s32 $0x2100;
	s17 =	simm.s32 $0x2180  }
0x7: {  	s21 =	simm.s32 $0x2300;
	s13 =	simm.s32 $0x2380;
	s30 =	simm.s32 $0x2400  }
0x8: {  	s7 =	simm.s32 $0x2480;
	s1 =	sand.u32 $0x1, s1;
	s3 =	sshll.u32 s3, $0x1  }
0x9: {  	s9 =	simm.s32 $0x2500;
	[smem:$0x7FF] =	sst s4;
	s3 =	sor.u32 s1, s3  }
0xa: {  	s4 =	sadd.s32 $0xEC00, s0;
	s1 =	ssub.s32 $0x2, s1;
	s5 =	smul.u32 $0x190, s3  }
0xb: {  	_ =	strace $0x80000056;
	s6 =	sshrl.u32 s1, $0x1;
	s26 =	smul.u32 $0x64000, s3  }
0xc: {  	s24 =	ssub.s32 s1, s6;
	s6 =	simm.s32 $0x1D80;
	s5 =	sadd.s32 s5, s0  }
0xd: {  	s0 =	sadd.s32 $0x355600, s0;
	[dreg:$0x5] =	wrdreg s26;
	s26 =	simm.s32 $0x1B80  }
0xe: {  	[dreg:$0x3] =	wrdreg s0;
	s25 =	sadd.s32 $0x32400, s5;
	s0 =	smax.u32 s24, $0x1  }
0xf: {  	s5 =	simm.s32 $0x1;
	s24 =	simm.s32 $0x1B00;
	[dreg:$0x4] =	wrdreg s25  }
0x10: {  	[dreg:$0x6] =	wrdreg s0;
	s0 =	simm.s32 $0x0;
	s25 =	simm.s32 $0x2200  }
.LBB2_1:
0x11: {  	[dreg:$0x7] =	wrdreg s0  }
0x12: {  	s12 =	simm.s32 $0x0;
	s14 =	rddreg [dreg:$0x4];
	s18 =	simm.s32 $0x2  }
0x13: {  	[tilespmem:s12], [sflag:$0x2] =	stream.linear.gather [hbm4b:s14+s12], $0xC80, $0x38;
	[tilespmem:$0xED80] =	vst v63  }
0x14: {  	_ =	swait.ge [sflag:s18], $0xC80  }
0x15: {  	[sflag:s18] =	ssyncset.done $0x0  }
0x16: {  	s12 =	simm.s32 $0x10;
	[sflag:s18] =	ssyncadd.s32 $0xFFFFF380  }
.LBB2_2:
0x17: {  	s14 =	smul.u32 $0xAB, s12;
	_ =	sdelay $0x1  }
0x18: {  	s14 =	sshrl.u32 s14, $0x9  }
0x19: {  	s14 =	sand.u32 $0x7F, s14  }
0x1a: {  	s16 =	smul.u32 $0x56, s14  }
0x1b: {  	s18 =	smul.u32 $0x39, s12  }
0x1c: {  	s16 =	sshrl.u32 s16, $0x8  }
0x1d: {  	s18 =	sshrl.u32 s18, $0x9;
	s16 =	smul.u32 $0x3, s16  }
0x1e: {  	s18 =	smul.u32 $0x42, s18  }
0x1f: {  	s16 =	ssub.s32 s14, s16  }
0x20: {  	s18 =	sand.u32 $0xFE, s18;
	s14 =	smul.u32 $0x3, s14;
	s16 =	sand.u32 $0xFF, s16  }
0x21: {  	s16 =	sadd.s32 s16, s18  }
0x22: {  	s14 =	ssub.s32 s12, s14;
	s16 =	smul.u32 $0x42, s16  }
0x23: {  	s14 =	sand.u32 $0xFF, s14  }
0x24: {  	s14 =	sadd.s32 s16, s14  }
0x25: {  	s16 =	sadd.s32 $0xFFFFEEB9, s14;
	s14 =	simm.s32 $0x0  }
0x26: {  	v0 =	vmov s16;
	s16 =	simm.s32 $0x40;
	v1 =	vld [tilespmem:s14+$0x0]  }
.LBB2_3:
0x27: {  	p0 =	sne.s32 s16, $0x31C0  }
.Ltmp0:
0x28: {  	_ = 	snop;
	(pc) =	sbr.rel @p0 .LBB2_3-.Ltmp0, $3  }
0x29: {  	_ =	sdelay $0x1  }
0x2a: {  	s18 =	sshra.s32 s16, $0x2;
	s16 =	sadd.s32 $0x40, s16;
	v2 =	vadd.s32 v0, v1  }
0x2b: {  	v1 =	vld [tilespmem:s18+$0x0];
	[tilespmem:s14+$0xC80] =	vst v2;
	s14 =	smov.u32 s18  }
0x2c: {  	_ =	sdelay $0x3  }
0x2d: {  	v0 =	vadd.s32 v0, v1  }
0x2e: {  	s18 =	simm.s32 $0xC80;
	s16 =	simm.s32 $0x1900;
	[tilespmem:s14+$0xC80] =	vst v0  }
0x2f: {  	[tilespmem:s16], [sflag:$0x1] =	stream.indirect.gather [hbm4b:s4+s10], $0x1, s18, s10, $0xb8;
	[tilespmem:$0xED80] =	vst v63  }
0x30: {  	s0 =	simm.s32 $0xD00;
	s18 =	simm.s32 $0x1980  }
0x31: {  	[tilespmem:s18], [sflag:$0x1] =	stream.indirect.gather [hbm4b:s4+s10], $0x1, s0, s10, $0xb8;
	[tilespmem:$0xED80] =	vst v63  }
0x32: {  	s1 =	simm.s32 $0xD80  }
0x33: {  	[tilespmem:s20], [sflag:$0x1] =	stream.indirect.gather [hbm4b:s4+s10], $0x1, s1, s10, $0xb8;
	[tilespmem:$0xED80] =	vst v63  }
0x34: {  	s3 =	simm.s32 $0xE00  }
0x35: {  	[tilespmem:s22], [sflag:$0x1] =	stream.indirect.gather [hbm4b:s4+s10], $0x1, s3, s10, $0xb8;
	[tilespmem:$0xED80] =	vst v63  }
0x36: {  	s0 =	simm.s32 $0xE80  }
0x37: {  	[tilespmem:s24], [sflag:$0x1] =	stream.indirect.gather [hbm4b:s4+s10], $0x1, s0, s10, $0xb8;
	[tilespmem:$0xED80] =	vst v63  }
0x38: {  	s1 =	simm.s32 $0xF00  }
0x39: {  	[tilespmem:s26], [sflag:$0x1] =	stream.indirect.gather [hbm4b:s4+s10], $0x1, s1, s10, $0xb8;
	[tilespmem:$0xED80] =	vst v63  }
0x3a: {  	s3 =	simm.s32 $0xF80  }
0x3b: {  	[tilespmem:s29], [sflag:$0x1] =	stream.indirect.gather [hbm4b:s4+s10], $0x1, s3, s10, $0xb8;
	[tilespmem:$0xED80] =	vst v63  }
0x3c: {  	s0 =	simm.s32 $0x1000  }
0x3d: {  	[tilespmem:s31], [sflag:$0x1] =	stream.indirect.gather [hbm4b:s4+s10], $0x1, s0, s10, $0xb8;
	[tilespmem:$0xED80] =	vst v63  }
0x3e: {  	s1 =	simm.s32 $0x1080;
	s0 =	simm.s32 $0x1D00  }
0x3f: {  	[tilespmem:s0], [sflag:$0x1] =	stream.indirect.gather [hbm4b:s4+s10], $0x1, s1, s10, $0xb8;
	[tilespmem:$0xED80] =	vst v63  }
0x40: {  	s3 =	simm.s32 $0x1100  }
0x41: {  	[tilespmem:s6], [sflag:$0x1] =	stream.indirect.gather [hbm4b:s4+s10], $0x1, s3, s10, $0xb8;
	[tilespmem:$0xED80] =	vst v63  }
0x42: {  	s1 =	simm.s32 $0x1180  }
0x43: {  	[tilespmem:s11], [sflag:$0x1] =	stream.indirect.gather [hbm4b:s4+s10], $0x1, s1, s10, $0xb8;
	[tilespmem:$0xED80] =	vst v63  }
0x44: {  	s3 =	simm.s32 $0x1200  }
0x45: {  	[tilespmem:s15], [sflag:$0x1] =	stream.indirect.gather [hbm4b:s4+s10], $0x1, s3, s10, $0xb8;
	[tilespmem:$0xED80] =	vst v63  }
0x46: {  	s1 =	simm.s32 $0x1280  }
0x47: {  	[tilespmem:s19], [sflag:$0x1] =	stream.indirect.gather [hbm4b:s4+s10], $0x1, s1, s10, $0xb8;
	[tilespmem:$0xED80] =	vst v63  }
0x48: {  	s3 =	simm.s32 $0x1300  }
0x49: {  	[tilespmem:s23], [sflag:$0x1] =	stream.indirect.gather [hbm4b:s4+s10], $0x1, s3, s10, $0xb8;
	[tilespmem:$0xED80] =	vst v63  }
0x4a: {  	s1 =	simm.s32 $0x1380  }
0x4b: {  	[tilespmem:s28], [sflag:$0x1] =	stream.indirect.gather [hbm4b:s4+s10], $0x1, s1, s10, $0xb8;
	[tilespmem:$0xED80] =	vst v63  }
0x4c: {  	s3 =	simm.s32 $0x1400;
	s1 =	simm.s32 $0x2080  }
0x4d: {  	[tilespmem:s1], [sflag:$0x1] =	stream.indirect.gather [hbm4b:s4+s10], $0x1, s3, s10, $0xb8;
	[tilespmem:$0xED80] =	vst v63  }
0x4e: {  	s3 =	simm.s32 $0x1480  }
0x4f: {  	[tilespmem:s8], [sflag:$0x1] =	stream.indirect.gather [hbm4b:s4+s10], $0x1, s3, s10, $0xb8;
	[tilespmem:$0xED80] =	vst v63  }
0x50: {  	s3 =	simm.s32 $0x1500  }
0x51: {  	[tilespmem:s17], [sflag:$0x1] =	stream.indirect.gather [hbm4b:s4+s10], $0x1, s3, s10, $0xb8;
	[tilespmem:$0xED80] =	vst v63  }
0x52: {  	s3 =	simm.s32 $0x1580  }
0x53: {  	[tilespmem:s25], [sflag:$0x1] =	stream.indirect.gather [hbm4b:s4+s10], $0x1, s3, s10, $0xb8;
	[tilespmem:$0xED80] =	vst v63  }
0x54: {  	s14 =	simm.s32 $0x1600;
	s3 =	simm.s32 $0x2280  }
0x55: {  	[tilespmem:s3], [sflag:$0x1] =	stream.indirect.gather [hbm4b:s4+s10], $0x1, s14, s10, $0xb8;
	[tilespmem:$0xED80] =	vst v63  }
0x56: {  	s14 =	simm.s32 $0x1680  }
0x57: {  	[tilespmem:s21], [sflag:$0x1] =	stream.indirect.gather [hbm4b:s4+s10], $0x1, s14, s10, $0xb8;
	[tilespmem:$0xED80] =	vst v63  }
0x58: {  	s14 =	simm.s32 $0x1700  }
0x59: {  	[tilespmem:s13], [sflag:$0x1] =	stream.indirect.gather [hbm4b:s4+s10], $0x1, s14, s10, $0xb8;
	[tilespmem:$0xED80] =	vst v63  }
0x5a: {  	s14 =	simm.s32 $0x1780  }
0x5b: {  	[tilespmem:s30], [sflag:$0x1] =	stream.indirect.gather [hbm4b:s4+s10], $0x1, s14, s10, $0xb8;
	[tilespmem:$0xED80] =	vst v63  }
0x5c: {  	s14 =	simm.s32 $0x1800  }
0x5d: {  	[tilespmem:s7], [sflag:$0x1] =	stream.indirect.gather [hbm4b:s4+s10], $0x1, s14, s10, $0xb8;
	[tilespmem:$0xED80] =	vst v63  }
0x5e: {  	s14 =	simm.s32 $0x1880  }
0x5f: {  	[tilespmem:s9], [sflag:$0x1] =	stream.indirect.gather [hbm4b:s4+s10], $0x1, s14, s10, $0xb8;
	[tilespmem:$0xED80] =	vst v63  }
0x60: {  	_ =	swait.ge [sflag:s5], $0x80  }
0x61: {  	[sflag:s5] =	ssyncset.done $0x0  }
0x62: {  	[sflag:s5] =	ssyncadd.s32 $0xFFFFFF80  }
0x63: {  	_ =	swait.ge [sflag:s5], $0x80  }
0x64: {  	[sflag:s5] =	ssyncset.done $0x0  }
0x65: {  	[sflag:s5] =	ssyncadd.s32 $0xFFFFFF80  }
0x66: {  	_ =	swait.ge [sflag:s5], $0x80  }
0x67: {  	[sflag:s5] =	ssyncset.done $0x0  }
0x68: {  	[sflag:s5] =	ssyncadd.s32 $0xFFFFFF80  }
0x69: {  	_ =	swait.ge [sflag:s5], $0x80  }
0x6a: {  	[sflag:s5] =	ssyncset.done $0x0  }
0x6b: {  	[sflag:s5] =	ssyncadd.s32 $0xFFFFFF80  }
0x6c: {  	_ =	swait.ge [sflag:s5], $0x80  }
0x6d: {  	[sflag:s5] =	ssyncset.done $0x0  }
0x6e: {  	[sflag:s5] =	ssyncadd.s32 $0xFFFFFF80  }
0x6f: {  	_ =	swait.ge [sflag:s5], $0x80  }
0x70: {  	[sflag:s5] =	ssyncset.done $0x0  }
0x71: {  	[sflag:s5] =	ssyncadd.s32 $0xFFFFFF80  }
0x72: {  	_ =	swait.ge [sflag:s5], $0x80  }
0x73: {  	[sflag:s5] =	ssyncset.done $0x0  }
0x74: {  	[sflag:s5] =	ssyncadd.s32 $0xFFFFFF80  }
0x75: {  	_ =	swait.ge [sflag:s5], $0x80  }
0x76: {  	[sflag:s5] =	ssyncset.done $0x0  }
0x77: {  	[sflag:s5] =	ssyncadd.s32 $0xFFFFFF80  }
0x78: {  	_ =	swait.ge [sflag:s5], $0x80  }
0x79: {  	[sflag:s5] =	ssyncset.done $0x0  }
0x7a: {  	[sflag:s5] =	ssyncadd.s32 $0xFFFFFF80  }
0x7b: {  	_ =	swait.ge [sflag:s5], $0x80  }
0x7c: {  	[sflag:s5] =	ssyncset.done $0x0  }
0x7d: {  	[sflag:s5] =	ssyncadd.s32 $0xFFFFFF80  }
0x7e: {  	_ =	swait.ge [sflag:s5], $0x80  }
0x7f: {  	[sflag:s5] =	ssyncset.done $0x0  }
0x80: {  	[sflag:s5] =	ssyncadd.s32 $0xFFFFFF80  }
0x81: {  	_ =	swait.ge [sflag:s5], $0x80  }
0x82: {  	[sflag:s5] =	ssyncset.done $0x0  }
0x83: {  	[sflag:s5] =	ssyncadd.s32 $0xFFFFFF80  }
0x84: {  	_ =	swait.ge [sflag:s5], $0x80  }
0x85: {  	[sflag:s5] =	ssyncset.done $0x0  }
0x86: {  	[sflag:s5] =	ssyncadd.s32 $0xFFFFFF80  }
0x87: {  	_ =	swait.ge [sflag:s5], $0x80  }
0x88: {  	[sflag:s5] =	ssyncset.done $0x0  }
0x89: {  	[sflag:s5] =	ssyncadd.s32 $0xFFFFFF80  }
0x8a: {  	_ =	swait.ge [sflag:s5], $0x80  }
0x8b: {  	[sflag:s5] =	ssyncset.done $0x0  }
0x8c: {  	[sflag:s5] =	ssyncadd.s32 $0xFFFFFF80  }
0x8d: {  	_ =	swait.ge [sflag:s5], $0x80  }
0x8e: {  	[sflag:s5] =	ssyncset.done $0x0  }
0x8f: {  	[sflag:s5] =	ssyncadd.s32 $0xFFFFFF80  }
0x90: {  	_ =	swait.ge [sflag:s5], $0x80  }
0x91: {  	[sflag:s5] =	ssyncset.done $0x0  }
0x92: {  	[sflag:s5] =	ssyncadd.s32 $0xFFFFFF80  }
0x93: {  	_ =	swait.ge [sflag:s5], $0x80  }
0x94: {  	[sflag:s5] =	ssyncset.done $0x0  }
0x95: {  	[sflag:s5] =	ssyncadd.s32 $0xFFFFFF80  }
0x96: {  	_ =	swait.ge [sflag:s5], $0x80  }
0x97: {  	[sflag:s5] =	ssyncset.done $0x0  }
0x98: {  	[sflag:s5] =	ssyncadd.s32 $0xFFFFFF80  }
0x99: {  	_ =	swait.ge [sflag:s5], $0x80  }
0x9a: {  	[sflag:s5] =	ssyncset.done $0x0  }
0x9b: {  	[sflag:s5] =	ssyncadd.s32 $0xFFFFFF80  }
0x9c: {  	_ =	swait.ge [sflag:s5], $0x80  }
0x9d: {  	[sflag:s5] =	ssyncset.done $0x0  }
0x9e: {  	[sflag:s5] =	ssyncadd.s32 $0xFFFFFF80  }
0x9f: {  	_ =	swait.ge [sflag:s5], $0x80  }
0xa0: {  	[sflag:s5] =	ssyncset.done $0x0  }
0xa1: {  	[sflag:s5] =	ssyncadd.s32 $0xFFFFFF80  }
0xa2: {  	_ =	swait.ge [sflag:s5], $0x80  }
0xa3: {  	[sflag:s5] =	ssyncset.done $0x0  }
0xa4: {  	[sflag:s5] =	ssyncadd.s32 $0xFFFFFF80  }
0xa5: {  	_ =	swait.ge [sflag:s5], $0x80  }
0xa6: {  	[sflag:s5] =	ssyncset.done $0x0  }
0xa7: {  	[sflag:s5] =	ssyncadd.s32 $0xFFFFFF80  }
0xa8: {  	_ =	swait.ge [sflag:s5], $0x80  }
0xa9: {  	[sflag:s5] =	ssyncset.done $0x0  }
0xaa: {  	s14 =	simm.s32 $0x2580;
	[sflag:s5] =	ssyncadd.s32 $0xFFFFFF80  }
0xab: {  	[tilespmem:s14], [sflag:$0x1] =	stream.indirect.gather [hbm4b:s2+s10], $0x10, s16, s10, $0xb8;
	[tilespmem:$0xED80] =	vst v63  }
0xac: {  	s16 =	simm.s32 $0x2D80  }
0xad: {  	[tilespmem:s16], [sflag:$0x1] =	stream.indirect.gather [hbm4b:s2+s10], $0x10, s18, s10, $0xb8;
	[tilespmem:$0xED80] =	vst v63  }
0xae: {  	s18 =	simm.s32 $0x3580  }
0xaf: {  	[tilespmem:s18], [sflag:$0x1] =	stream.indirect.gather [hbm4b:s2+s10], $0x10, s20, s10, $0xb8;
	[tilespmem:$0xED80] =	vst v63  }
0xb0: {  	s16 =	simm.s32 $0x3D80  }
0xb1: {  	[tilespmem:s16], [sflag:$0x1] =	stream.indirect.gather [hbm4b:s2+s10], $0x10, s22, s10, $0xb8;
	[tilespmem:$0xED80] =	vst v63  }
0xb2: {  	s18 =	simm.s32 $0x4580  }
0xb3: {  	[tilespmem:s18], [sflag:$0x1] =	stream.indirect.gather [hbm4b:s2+s10], $0x10, s24, s10, $0xb8;
	[tilespmem:$0xED80] =	vst v63  }
0xb4: {  	s16 =	simm.s32 $0x4D80  }
0xb5: {  	[tilespmem:s16], [sflag:$0x1] =	stream.indirect.gather [hbm4b:s2+s10], $0x10, s26, s10, $0xb8;
	[tilespmem:$0xED80] =	vst v63  }
0xb6: {  	s18 =	simm.s32 $0x5580  }
0xb7: {  	[tilespmem:s18], [sflag:$0x1] =	stream.indirect.gather [hbm4b:s2+s10], $0x10, s29, s10, $0xb8;
	[tilespmem:$0xED80] =	vst v63  }
0xb8: {  	s16 =	simm.s32 $0x5D80  }
0xb9: {  	[tilespmem:s16], [sflag:$0x1] =	stream.indirect.gather [hbm4b:s2+s10], $0x10, s31, s10, $0xb8;
	[tilespmem:$0xED80] =	vst v63  }
0xba: {  	s18 =	simm.s32 $0x6580  }
0xbb: {  	[tilespmem:s18], [sflag:$0x1] =	stream.indirect.gather [hbm4b:s2+s10], $0x10, s0, s10, $0xb8;
	[tilespmem:$0xED80] =	vst v63  }
0xbc: {  	s14 =	simm.s32 $0x6D80  }
0xbd: {  	[tilespmem:s14], [sflag:$0x1] =	stream.indirect.gather [hbm4b:s2+s10], $0x10, s6, s10, $0xb8;
	[tilespmem:$0xED80] =	vst v63  }
0xbe: {  	s16 =	simm.s32 $0x7580  }
0xbf: {  	[tilespmem:s16], [sflag:$0x1] =	stream.indirect.gather [hbm4b:s2+s10], $0x10, s11, s10, $0xb8;
	[tilespmem:$0xED80] =	vst v63  }
0xc0: {  	s18 =	simm.s32 $0x7D80  }
0xc1: {  	[tilespmem:s18], [sflag:$0x1] =	stream.indirect.gather [hbm4b:s2+s10], $0x10, s15, s10, $0xb8;
	[tilespmem:$0xED80] =	vst v63  }
0xc2: {  	s14 =	simm.s32 $0x8580  }
0xc3: {  	[tilespmem:s14], [sflag:$0x1] =	stream.indirect.gather [hbm4b:s2+s10], $0x10, s19, s10, $0xb8;
	[tilespmem:$0xED80] =	vst v63  }
0xc4: {  	s16 =	simm.s32 $0x8D80  }
0xc5: {  	[tilespmem:s16], [sflag:$0x1] =	stream.indirect.gather [hbm4b:s2+s10], $0x10, s23, s10, $0xb8;
	[tilespmem:$0xED80] =	vst v63  }
0xc6: {  	s18 =	simm.s32 $0x9580  }
0xc7: {  	[tilespmem:s18], [sflag:$0x1] =	stream.indirect.gather [hbm4b:s2+s10], $0x10, s28, s10, $0xb8;
	[tilespmem:$0xED80] =	vst v63  }
0xc8: {  	s14 =	simm.s32 $0x9D80  }
0xc9: {  	[tilespmem:s14], [sflag:$0x1] =	stream.indirect.gather [hbm4b:s2+s10], $0x10, s1, s10, $0xb8;
	[tilespmem:$0xED80] =	vst v63  }
0xca: {  	s16 =	simm.s32 $0xA580  }
0xcb: {  	[tilespmem:s16], [sflag:$0x1] =	stream.indirect.gather [hbm4b:s2+s10], $0x10, s8, s10, $0xb8;
	[tilespmem:$0xED80] =	vst v63  }
0xcc: {  	s18 =	simm.s32 $0xAD80  }
0xcd: {  	[tilespmem:s18], [sflag:$0x1] =	stream.indirect.gather [hbm4b:s2+s10], $0x10, s17, s10, $0xb8;
	[tilespmem:$0xED80] =	vst v63  }
0xce: {  	s1 =	simm.s32 $0xB580  }
0xcf: {  	[tilespmem:s1], [sflag:$0x1] =	stream.indirect.gather [hbm4b:s2+s10], $0x10, s25, s10, $0xb8;
	[tilespmem:$0xED80] =	vst v63  }
0xd0: {  	s14 =	simm.s32 $0xBD80  }
0xd1: {  	[tilespmem:s14], [sflag:$0x1] =	stream.indirect.gather [hbm4b:s2+s10], $0x10, s3, s10, $0xb8;
	[tilespmem:$0xED80] =	vst v63  }
0xd2: {  	s16 =	simm.s32 $0xC580  }
0xd3: {  	[tilespmem:s16], [sflag:$0x1] =	stream.indirect.gather [hbm4b:s2+s10], $0x10, s21, s10, $0xb8;
	[tilespmem:$0xED80] =	vst v63  }
0xd4: {  	s18 =	simm.s32 $0xCD80  }
0xd5: {  	[tilespmem:s18], [sflag:$0x1] =	stream.indirect.gather [hbm4b:s2+s10], $0x10, s13, s10, $0xb8;
	[tilespmem:$0xED80] =	vst v63  }
0xd6: {  	s1 =	simm.s32 $0xD580  }
0xd7: {  	[tilespmem:s1], [sflag:$0x1] =	stream.indirect.gather [hbm4b:s2+s10], $0x10, s30, s10, $0xb8;
	[tilespmem:$0xED80] =	vst v63  }
0xd8: {  	s3 =	simm.s32 $0xDD80  }
0xd9: {  	[tilespmem:s3], [sflag:$0x1] =	stream.indirect.gather [hbm4b:s2+s10], $0x10, s7, s10, $0xb8;
	[tilespmem:$0xED80] =	vst v63  }
0xda: {  	s14 =	simm.s32 $0xE580  }
0xdb: {  	[tilespmem:s14], [sflag:$0x1] =	stream.indirect.gather [hbm4b:s2+s10], $0x10, s9, s10, $0xb8;
	[tilespmem:$0xED80] =	vst v63  }
0xdc: {  	_ =	swait.ge [sflag:s5], $0x800  }
0xdd: {  	[sflag:s5] =	ssyncset.done $0x0  }
0xde: {  	[sflag:s5] =	ssyncadd.s32 $0xFFFFF800  }
0xdf: {  	_ =	swait.ge [sflag:s5], $0x800  }
0xe0: {  	[sflag:s5] =	ssyncset.done $0x0  }
0xe1: {  	[sflag:s5] =	ssyncadd.s32 $0xFFFFF800  }
0xe2: {  	_ =	swait.ge [sflag:s5], $0x800  }
0xe3: {  	[sflag:s5] =	ssyncset.done $0x0  }
0xe4: {  	[sflag:s5] =	ssyncadd.s32 $0xFFFFF800  }
0xe5: {  	_ =	swait.ge [sflag:s5], $0x800  }
0xe6: {  	[sflag:s5] =	ssyncset.done $0x0  }
0xe7: {  	[sflag:s5] =	ssyncadd.s32 $0xFFFFF800  }
0xe8: {  	_ =	swait.ge [sflag:s5], $0x800  }
0xe9: {  	[sflag:s5] =	ssyncset.done $0x0  }
0xea: {  	[sflag:s5] =	ssyncadd.s32 $0xFFFFF800  }
0xeb: {  	_ =	swait.ge [sflag:s5], $0x800  }
0xec: {  	[sflag:s5] =	ssyncset.done $0x0  }
0xed: {  	[sflag:s5] =	ssyncadd.s32 $0xFFFFF800  }
0xee: {  	_ =	swait.ge [sflag:s5], $0x800  }
0xef: {  	[sflag:s5] =	ssyncset.done $0x0  }
0xf0: {  	[sflag:s5] =	ssyncadd.s32 $0xFFFFF800  }
0xf1: {  	_ =	swait.ge [sflag:s5], $0x800  }
0xf2: {  	[sflag:s5] =	ssyncset.done $0x0  }
0xf3: {  	[sflag:s5] =	ssyncadd.s32 $0xFFFFF800  }
0xf4: {  	_ =	swait.ge [sflag:s5], $0x800  }
0xf5: {  	[sflag:s5] =	ssyncset.done $0x0  }
0xf6: {  	[sflag:s5] =	ssyncadd.s32 $0xFFFFF800  }
0xf7: {  	_ =	swait.ge [sflag:s5], $0x800  }
0xf8: {  	[sflag:s5] =	ssyncset.done $0x0  }
0xf9: {  	[sflag:s5] =	ssyncadd.s32 $0xFFFFF800  }
0xfa: {  	_ =	swait.ge [sflag:s5], $0x800  }
0xfb: {  	[sflag:s5] =	ssyncset.done $0x0  }
0xfc: {  	[sflag:s5] =	ssyncadd.s32 $0xFFFFF800  }
0xfd: {  	_ =	swait.ge [sflag:s5], $0x800  }
0xfe: {  	[sflag:s5] =	ssyncset.done $0x0  }
0xff: {  	[sflag:s5] =	ssyncadd.s32 $0xFFFFF800  }
0x100: {  	_ =	swait.ge [sflag:s5], $0x800  }
0x101: {  	[sflag:s5] =	ssyncset.done $0x0  }
0x102: {  	[sflag:s5] =	ssyncadd.s32 $0xFFFFF800  }
0x103: {  	_ =	swait.ge [sflag:s5], $0x800  }
0x104: {  	[sflag:s5] =	ssyncset.done $0x0  }
0x105: {  	[sflag:s5] =	ssyncadd.s32 $0xFFFFF800  }
0x106: {  	_ =	swait.ge [sflag:s5], $0x800  }
0x107: {  	[sflag:s5] =	ssyncset.done $0x0  }
0x108: {  	[sflag:s5] =	ssyncadd.s32 $0xFFFFF800  }
0x109: {  	_ =	swait.ge [sflag:s5], $0x800  }
0x10a: {  	[sflag:s5] =	ssyncset.done $0x0  }
0x10b: {  	[sflag:s5] =	ssyncadd.s32 $0xFFFFF800  }
0x10c: {  	_ =	swait.ge [sflag:s5], $0x800  }
0x10d: {  	[sflag:s5] =	ssyncset.done $0x0  }
0x10e: {  	[sflag:s5] =	ssyncadd.s32 $0xFFFFF800  }
0x10f: {  	_ =	swait.ge [sflag:s5], $0x800  }
0x110: {  	[sflag:s5] =	ssyncset.done $0x0  }
0x111: {  	[sflag:s5] =	ssyncadd.s32 $0xFFFFF800  }
0x112: {  	_ =	swait.ge [sflag:s5], $0x800  }
0x113: {  	[sflag:s5] =	ssyncset.done $0x0  }
0x114: {  	[sflag:s5] =	ssyncadd.s32 $0xFFFFF800  }
0x115: {  	_ =	swait.ge [sflag:s5], $0x800  }
0x116: {  	[sflag:s5] =	ssyncset.done $0x0  }
0x117: {  	[sflag:s5] =	ssyncadd.s32 $0xFFFFF800  }
0x118: {  	_ =	swait.ge [sflag:s5], $0x800  }
0x119: {  	[sflag:s5] =	ssyncset.done $0x0  }
0x11a: {  	[sflag:s5] =	ssyncadd.s32 $0xFFFFF800  }
0x11b: {  	_ =	swait.ge [sflag:s5], $0x800  }
0x11c: {  	[sflag:s5] =	ssyncset.done $0x0  }
0x11d: {  	[sflag:s5] =	ssyncadd.s32 $0xFFFFF800  }
0x11e: {  	_ =	swait.ge [sflag:s5], $0x800  }
0x11f: {  	[sflag:s5] =	ssyncset.done $0x0  }
0x120: {  	[sflag:s5] =	ssyncadd.s32 $0xFFFFF800  }
0x121: {  	_ =	swait.ge [sflag:s5], $0x800  }
0x122: {  	[sflag:s5] =	ssyncset.done $0x0  }
0x123: {  	s16 =	sshll.u32 s12, $0x5;
	s12 =	sadd.s32 $0x1, s12;
	[sflag:s5] =	ssyncadd.s32 $0xFFFFF800  }
0x124: {  	p0 =	sne.s32 s12, $0x14;
	s1 =	simm.s32 $0x10;
	_ =	swait.ge [sflag:s5], $0x800  }
0x125: {  	s3 =	simm.s32 $0x40;
	s14 =	sand.u32 $0x60, s16;
	s18 =	rddreg [dreg:$0x5]  }
0x126: {  	s16 =	simm.s32 $0x2580;
	[sflag:s5] =	ssyncset.done $0x0;
	s14 =	sor.u32 s18, s14  }
0x127: {  	s0 =	rddreg [dreg:$0x3];
	[sflag:s5] =	ssyncadd.s32 $0xFFFFF800;
	s14 =	sshrl.u32 s14, $0x4  }
.Ltmp1:
0x128: {  	s18 =	simm.s32 $0x2;
	s14 =	sadd.s32 s0, s14;
	(pc) =	sbr.rel @p0 .LBB2_2-.Ltmp1, $4  }
0x129: {  	[hbm4b:s14+s1] =	stream.strided.scatter [tilespmem:s16], [sflag:$0x2], $0xC800, s3, s1, $0x38;
	[tilespmem:$0xED80] =	vst v63  }
0x12a: {  	_ =	swait.ge [sflag:s18], $0xC800  }
0x12b: {  	[sflag:s18] =	ssyncset.done $0x0  }
0x12c: {  	[sflag:s18] =	ssyncadd.s32 $0xFFFF3800  }
0x12d: {  	s0 =	rddreg [dreg:$0x7]  }
0x12e: {  	s12 =	rddreg [dreg:$0x6];
	s0 =	sadd.s32 $0x1, s0  }
0x12f: {  	p0 =	sne.s32 s0, s12  }
.Ltmp2:
0x130: {  	_ = 	snop;
	(pc) =	sbr.rel @p0 .LBB2_1-.Ltmp2, $1  }
0x131: {  	_ =	sdelay $0x3  }
0x132: {  	_ =	sfence.sel $0x180000  }
0x133: {  	[bflag:$0x0] =	sbarrier.arrive $0xFFFF  }
0x134: {  	_ =	strace $0x90000056  }
0x135: {  	s0 =	stileid.u32;
	[bflag:$0x2] =	sbarrier.arrive $0xFFFF  }
0x136: {  	p0 =	sne.s32 s0, $0x0;
	s0 =	rddreg [dreg:$0x2]  }
0x137: {  	s0 =	sadd.s32 @!p0 $0x100000, s0  }
0x138: {  	[sflag:s0] =	ssyncadd.tile.s32 @!p0 $0x1;
	_ =	shalt  }
.Lfunc_end2:
_tile_overlayer_lowered:
.L_overlay_start_2:
0x139: {  	(tag) =	ssettag $0x2  }
0x13a: {  	s0 =	rddreg [dreg:$0x0];
	s2 =	stileid.u32  }
0x13b: {  	s1 =	rddreg [dreg:$0x1];
	p0 =	sne.s32 s2, $0x0  }
0x13c: {  	s3 =	rddreg [dreg:$0x2];
	[bflag:$0x3] =	sbarrier.arrive $0xFFFF;
	s2 =	simm.s32 @!p0 $0x1C02  }
0x13d: {  	[timem:s3], [sflag:s2] =	dma.local @!p0 [hbm:s0], s1  }
0x13e: {  	s0 =	simm.s32 @!p0 $0x2  }
0x13f: {  	_ =	swait.ge @!p0 [sflag:s0], s1  }
0x140: {  	s1 =	ssub.s32 @!p0 $0x0, s1;
	[sflag:s0] =	ssyncset.done @!p0 $0x0  }
0x141: {  	[sflag:s0] =	ssyncadd.s32 @!p0 s1  }
0x142: {  	[bflag:$0x3] =	sbarrier.arrive $0xFFFF  }
0x143: {  	_ =	shalt  }

// kernel: kernel.35.cloned.1.call-start
scs
__scs_entry_jumppad:
0x0: {  	(pc) =	sbr.rel $0x88, $3  }
0x1: {  	(tag) =	ssettag $0x0;
	lr =	simm.s32 $0x1  }
0x2: {  	[smem:$0x3F9D] =	sst lr;
	_ =	strace $0xD0000000  }
0x3: {  	_ = 	snop  }
0x4: {  	_ = 	snop  }
0x5: {  	_ = 	snop  }
0x6: {  	_ = 	snop  }
0x7: {  	_ = 	snop  }
__scs_overlays_trampoline_lowered:
0x8: {  	[smem:$0x3FAC] =	sst s0  }
0x9: {  	[smem:$0x3FAD] =	sst s1  }
0xa: {  	[smem:$0x3FAE] =	sst s2  }
0xb: {  	[smem:$0x3FAF] =	sst s3  }
0xc: {  	[smem:$0x3FB0] =	sst s4  }
0xd: {  	[smem:$0x3FB1] =	sst s5  }
0xe: {  	[smem:$0x3FB2] =	sst s6  }
0xf: {  	[smem:$0x3FB3] =	sst s7  }
0x10: {  	[smem:$0x3FB4] =	sst s8  }
0x11: {  	[smem:$0x3FB5] =	sst s9;
	s0 =	simm.s32 @!p0 $0x0  }
0x12: {  	s1 =	sld [smem:$0x3F9B];
	s0 =	simm.s32 @p0 $0x1  }
0x13: {  	[smem:$0x3FB6] =	sst s0;
	s0 =	simm.s32 @!p1 $0x0  }
0x14: {  	s2 =	sld [smem:$0x3F9A];
	s0 =	simm.s32 @p1 $0x1  }
0x15: {  	[smem:$0x3FB7] =	sst s0;
	s0 =	simm.s32 @!p2 $0x0  }
0x16: {  	s3 =	sld [smem:$0x3FDB];
	s0 =	simm.s32 @p2 $0x1  }
0x17: {  	s4 =	simm.s32 $0x1BF5;
	[smem:$0x3FB9] =	sst s0  }
0x18: {  	s0 =	sld [smem:$0x3F9C];
	_ =	swait.ge [sflag:s4], $0x0  }
0x19: {  	s7 =	sld [smem:$0x3F9D]  }
0x1a: {  	s8 =	sadd.s32 $0xFFFFE003, lr  }
0x1b: {  	s9 =	sadd.s32 $0xFFFFFEF7, lr;
	s5 =	simm.s32 $0xFFFFFFFF;
	p2 =	slt.u32 s8, $0xFFFFF086  }
0x1c: {  	p1 =	slt.u32 s9, $0xF7A;
	s5 =	simm.s32 @!p2 $0x0  }
0x1d: {  	s5 =	simm.s32 @p1 $0x1;
	p0 =	seq.s32 s7, s2  }
0x1e: {  	s7 =	smul.u32 @!p0 $0xF7A, s2;
	p2 =	seq.s32 @!p0 s5, $0x0  }
0x1f: {  	s9 =	smul.u32 $0xF7A, s1;
	s8 =	simm.s32 @!p0 $0x1BF5;
	p2 =	por !p2, p0  }
0x20: {  	[sflag:s8] =	ssyncset.s32 @!p0 $0xFFFFF086;
	s6 =	sadd.s32 @!p0 s3, s7;
	s7 =	simm.s32 @!p0 $0x108  }
0x21: {  	s3 =	sadd.s32 s3, s9;
	s6 =	sadd.s32 @!p0 $0x88, s6;
	s7 =	simm.s32 @p2 $0x1082  }
0x22: {  	[simem:s7], [sflag:s8] =	dma.local @!p0 [hbm:s6], $0xF7A  }
0x23: {  	s9 =	sor.u32 $0xD0000000, s2;
	s6 =	simm.s32 $0x108;
	_ =	swait.ge @!p0 [sflag:s8], $0x0  }
0x24: {  	s3 =	sadd.s32 $0x88, s3;
	s6 =	simm.s32 @!p1 $0x1082;
	[sflag:s4] =	ssyncset.s32 $0xFFFFF086  }
0x25: {  	[simem:s6], [sflag:s4] =	dma.local [hbm:s3], $0xF7A  }
0x26: {  	[smem:$0x3F9D] =	sst s1;
	(tag) =	ssettag s2;
	_ =	strace s9  }
0x27: {  	s1 =	sld [smem:$0x3FAD]  }
0x28: {  	s2 =	sld [smem:$0x3FAE]  }
0x29: {  	s4 =	sld [smem:$0x3FB0]  }
0x2a: {  	p0 =	seq.s32 s5, $0x0;
	s5 =	sld [smem:$0x3FB1]  }
0x2b: {  	s6 =	sld [smem:$0x3FB2]  }
0x2c: {  	s7 =	sld [smem:$0x3FB3]  }
0x2d: {  	s3 =	simm.s32 $0x108;
	s8 =	sld [smem:$0x3FB4]  }
0x2e: {  	s3 =	simm.s32 @!p0 $0x1082;
	s9 =	sld [smem:$0x3FB5]  }
0x2f: {  	lr =	sadd.s32 s0, s3;
	s0 =	sld [smem:$0x3FAC]  }
0x30: {  	s3 =	sld [smem:$0x3FAF]  }
0x31: {  	[smem:$0x3FB8] =	sst s10  }
0x32: {  	s10 =	sld [smem:$0x3FB6];
	_ =	sdelay $0x3  }
0x33: {  	p0 =	seq.s32 s10, $0x1;
	s10 =	sld [smem:$0x3FB8];
	_ =	sdelay $0x3  }
0x34: {  	[smem:$0x3FB8] =	sst s10  }
0x35: {  	s10 =	sld [smem:$0x3FB7];
	_ =	sdelay $0x3  }
0x36: {  	p1 =	seq.s32 s10, $0x1;
	s10 =	sld [smem:$0x3FB8];
	_ =	sdelay $0x3  }
0x37: {  	[smem:$0x3FB8] =	sst s10  }
0x38: {  	s10 =	sld [smem:$0x3FB9]  }
0x39: {  	_ = 	snop;
	(pc) =	sbr.ind lr, $3  }
0x3a: {  	_ = 	snop  }
0x3b: {  	_ = 	snop  }
0x3c: {  	p2 =	seq.s32 s10, $0x1;
	s10 =	sld [smem:$0x3FB8]  }
0x3d: {  	_ =	shalt  }
0x3e: {  	_ =	shalt  }
0x3f: {  	_ =	shalt  }
0x40: {  	_ =	shalt  }
0x41: {  	_ =	shalt  }
0x42: {  	_ =	shalt  }
0x43: {  	_ =	shalt  }
0x44: {  	_ =	shalt  }
0x45: {  	_ =	shalt  }
0x46: {  	_ =	shalt  }
0x47: {  	_ =	shalt  }
0x48: {  	_ =	shalt  }
0x49: {  	_ =	shalt  }
0x4a: {  	_ =	shalt  }
0x4b: {  	_ =	shalt  }
0x4c: {  	_ =	shalt  }
0x4d: {  	_ =	shalt  }
0x4e: {  	_ =	shalt  }
0x4f: {  	_ =	shalt  }
0x50: {  	_ =	shalt  }
0x51: {  	_ =	shalt  }
0x52: {  	_ =	shalt  }
0x53: {  	_ =	shalt  }
0x54: {  	_ =	shalt  }
0x55: {  	_ =	shalt  }
0x56: {  	_ =	shalt  }
0x57: {  	_ =	shalt  }
0x58: {  	_ =	shalt  }
0x59: {  	_ =	shalt  }
0x5a: {  	_ =	shalt  }
0x5b: {  	_ =	shalt  }
0x5c: {  	_ =	shalt  }
0x5d: {  	_ =	shalt  }
0x5e: {  	_ =	shalt  }
0x5f: {  	_ =	shalt  }
0x60: {  	_ =	shalt  }
0x61: {  	_ =	shalt  }
0x62: {  	_ =	shalt  }
0x63: {  	_ =	shalt  }
0x64: {  	_ =	shalt  }
0x65: {  	_ =	shalt  }
0x66: {  	_ =	shalt  }
0x67: {  	_ =	shalt  }
0x68: {  	_ =	shalt  }
0x69: {  	_ =	shalt  }
0x6a: {  	_ =	shalt  }
0x6b: {  	_ =	shalt  }
0x6c: {  	_ =	shalt  }
0x6d: {  	_ =	shalt  }
0x6e: {  	_ =	shalt  }
0x6f: {  	_ =	shalt  }
0x70: {  	_ =	shalt  }
0x71: {  	_ =	shalt  }
0x72: {  	_ =	shalt  }
0x73: {  	_ =	shalt  }
0x74: {  	_ =	shalt  }
0x75: {  	_ =	shalt  }
0x76: {  	_ =	shalt  }
0x77: {  	_ =	shalt  }
0x78: {  	_ =	shalt  }
0x79: {  	_ =	shalt  }
0x7a: {  	_ =	shalt  }
0x7b: {  	_ =	shalt  }
0x7c: {  	_ =	shalt  }
0x7d: {  	_ =	shalt  }
0x7e: {  	_ =	shalt  }
0x7f: {  	_ =	shalt  }
0x80: {  	_ =	shalt  }
0x81: {  	_ =	shalt  }
0x82: {  	_ =	shalt  }
0x83: {  	_ =	shalt  }
0x84: {  	_ =	shalt  }
0x85: {  	_ =	shalt  }
0x86: {  	_ =	shalt  }
0x87: {  	_ =	shalt  }
.Lfunc_end0:
.L_simem_size_0:
called_computation.6_lowered:
.L_overlay_start_0:
0x88: {  	s2 =	sld [smem:$0x3FD9]  }
0x89: {  	s3 =	sld [smem:$0x3FFE];
	_ =	sdelay $0x1  }
0x8a: {  	s1 =	srdreg.scid  }
0x8b: {  	s0 =	sand.u32 $0x1, s1  }
0x8c: {  	s17 =	sshll.u32 s0, $0xA;
	s2 =	sadd.s32 s3, s2  }
0x8d: {  	s2 =	sadd.s32 s2, s17  }
0x8e: {  	[smem:$0x3FC4] =	sst s2  }
0x8f: {  	_ = 	snop  }
0x90: {  	s18 =	sld [smem:$0x3FD0];
	(tm) =	ssettm $0x1  }
0x91: {  	s19 =	sld [smem:$0x3FFB];
	_ =	sdelay $0x3  }
0x92: {  	_ =	strace s19  }
0x93: {  	s2 =	sld [smem:$0x3FFC];
	_ =	sdelay $0x3  }
0x94: {  	_ =	strace s2  }
0x95: {  	s2 =	sld [smem:$0x3FFD];
	_ =	sdelay $0x3  }
0x96: {  	_ =	strace s2  }
0x97: {  	_ =	strace $0x8FFFFFFF  }
0x98: {  	s20 =	sld [smem:$0x3FDB];
	_ =	sdelay $0x1  }
0x99: {  	s4 =	simm.s32 $_scs_section_size  }
0x9a: {  	s5 =	simm.s32 $_size__tile_overlayer_lowered;
	s6 =	simm.s32 $_tile_overlayer_lowered  }
0x9b: {  	s7 =	simm.s32 $0x1BFF;
	s21 =	sshll.u32 s6, $0x1;
	s4 =	sadd.s32 s4, s20  }
0x9c: {  	s22 =	simm.s32 $0x0;
	s5 =	sshll.u32 s5, $0x1;
	s6 =	sadd.s32 s21, s4  }
0x9d: {  	[timem:s22], [sflag:s7] =	dma.local [hbm:s6], s5  }
0x9e: {  	_ =	swait.ge [sflag:s7], s5  }
0x9f: {  	s5 =	ssub.s32 $0x0, s5;
	[sflag:s7] =	ssyncset.done $0x0  }
0xa0: {  	[sflag:s7] =	ssyncadd.s32 s5;
	_ =	sdelay $0x1  }
0xa1: {  	s23 =	simm.s32 $0x1B8B  }
0xa2: {  	_ =	swait.ge [sflag:s23], $0x1  }
0xa3: {  	[sflag:s23] =	ssyncset.done $0x0  }
0xa4: {  	[sflag:s23] =	ssyncadd.s32 $0xFFFFFFFF  }
0xa5: {  	s5 =	sld [smem:$0x0]  }
0xa6: {  	s6 =	sand.u32 $0xFFFFFFFE, s1  }
0xa7: {  	p0 =	sne.s32 s1, s6  }
0xa8: {  	s6 =	sshll.u32 @p0 s6, $0xE  }
0xa9: {  	s6 =	sadd.s32 @p0 $0x11B8D, s6;
	s7 =	sshll.u32 @p0 s5, $0x11  }
0xaa: {  	s6 =	sor.u32 @p0 s7, s6  }
0xab: {  	[sflag:s6] =	ssyncadd.remote.s32 @p0 $0x1;
	_ =	sdelay $0x1  }
0xac: {  	s6 =	simm.s32 @p0 $0x1B8D  }
0xad: {  	_ =	swait.eq @p0 [sflag:s6], $0x1  }
0xae: {  	[sflag:s6] =	ssyncadd.s32 @p0 $0xFFFFFFFF  }
0xaf: {  	s7 =	sshll.u32 @!p0 s1, $0xE  }
0xb0: {  	s7 =	sor.u32 @!p0 $0x4000, s7;
	s6 =	simm.s32 @!p0 $0x1B8D  }
0xb1: {  	s5 =	sshll.u32 @!p0 s5, $0x11;
	s7 =	sadd.s32 @!p0 $0x11B8D, s7;
	_ =	swait.eq @!p0 [sflag:s6], $0x1  }
0xb2: {  	s5 =	sor.u32 @!p0 s5, s7;
	[sflag:s6] =	ssyncadd.s32 @!p0 $0xFFFFFFFF  }
0xb3: {  	s25 =	simm.s32 $0x1B8E;
	s24 =	sld [smem:$0x3FFE];
	[sflag:s5] =	ssyncadd.remote.s32 @!p0 $0x1  }
0xb4: {  	s26 =	simm.s32 $execute0_lowered;
	[smem:$0x3FD2] =	sst s25  }
0xb5: {  	s6 =	sshll.u32 s26, $0x1;
	_ =	strace $0x80000058;
	[dreg:$0x1] =	wrdreg $0xFFFFFFFF  }
0xb6: {  	s28 =	simm.s32 $_size_execute0_lowered;
	s4 =	sadd.s32 s4, s6;
	[dreg:$0x0] =	wrdreg $0x0  }
0xb7: {  	s6 =	sshll.u32 s28, $0x1;
	[dreg:$0x2] =	wrdreg s4  }
0xb8: {  	[dreg:$0x3] =	wrdreg s6  }
0xb9: {  	[dreg:$0x4] =	wrdreg $0xC0  }
0xba: {  	_ =	task [dreg:s22], $0x5FFFF  }
0xbb: {  	[dreg:$0x1] =	wrdreg $0xFFFFFFFF  }
0xbc: {  	[dreg:$0x0] =	wrdreg $0x60  }
0xbd: {  	[dreg:$0x2] =	wrdreg s24  }
0xbe: {  	[dreg:$0x3] =	wrdreg s18  }
0xbf: {  	[dreg:$0x4] =	wrdreg $0xE  }
0xc0: {  	_ =	task.clear_ibuf [dreg:s22], $0x5FFFF;
	_ =	strace $0x90000058  }
0xc1: {  	s29 =	simm.s32 $0xE;
	_ =	strace $0x8000005A  }
0xc2: {  	_ =	swait.ge [sflag:s29], $0x1  }
0xc3: {  	[sflag:s29] =	ssyncadd.s32 $0xFFFFFFFF  }
0xc4: {  	_ =	strace $0x9000005A  }
0xc5: {  	_ =	sfence  }
0xc6: {  	s30 =	sld [smem:$0x0];
	_ =	sdelay $0x2  }
0xc7: {  	s31 =	sshll.u32 s1, $0xD;
	s1 =	sshrl.u32 s1, $0x2  }
0xc8: {  	s4 =	sand.u32 $0x4000, s31;
	s1 =	sadd.s32 s1, s30  }
0xc9: {  	s0 =	sor.u32 s4, s0;
	s1 =	sshll.u32 s1, $0x11  }
0xca: {  	s0 =	sor.u32 s1, s0  }
0xcb: {  	s0 =	sadd.s32 $0x8F2B, s0  }
0xcc: {  	[sflag:s0] =	ssyncadd.remote.s32 $0x1  }
0xcd: {  	_ =	sfence.sel $0xFFFF  }
0xce: {  	[dreg:$0x0] =	wrdreg $0xFFFFFFFF;
	(pc) =	sbr.abs _section_cstart, $3  }
0xcf: {  	[dreg:$0x1] =	wrdreg $0xFFFFFFFF  }
0xd0: {  	_ =	task.clear_ibuf [dreg:s22], $0x2FFFF;
	_ =	strace $0x9FFFFFFF  }
0xd1: {  	(tm) =	ssettm $0x7FFFFFFF  }
tec
execute0_lowered:
.L_overlay_start_1:
0x0: {  	(tag) =	ssettag $0x1  }
0x1: {  	s0 =	rddreg [dreg:$0x0];
	s1 =	srdreg.scid  }
0x2: {  	s3 =	stileid.u32;
	s2 =	rddreg [dreg:$0x1];
	s4 =	simm.s32 $0x0  }
0x3: {  	s10 =	simm.s32 $0x80;
	s20 =	simm.s32 $0x1A00;
	s22 =	simm.s32 $0x1A80  }
0x4: {  	s29 =	simm.s32 $0x1C00;
	s31 =	simm.s32 $0x1C80;
	s11 =	simm.s32 $0x1E00  }
0x5: {  	s15 =	simm.s32 $0x1E80;
	s19 =	simm.s32 $0x1F00;
	s23 =	simm.s32 $0x1F80  }
0x6: {  	s28 =	simm.s32 $0x2000;
	s8 =	simm.s32 $0x2100;
	s17 =	simm.s32 $0x2180  }
0x7: {  	s21 =	simm.s32 $0x2300;
	s13 =	simm.s32 $0x2380;
	s30 =	simm.s32 $0x2400  }
0x8: {  	s7 =	simm.s32 $0x2480;
	s1 =	sand.u32 $0x1, s1;
	s3 =	sshll.u32 s3, $0x1  }
0x9: {  	s9 =	simm.s32 $0x2500;
	[smem:$0x7FF] =	sst s4;
	s3 =	sor.u32 s1, s3  }
0xa: {  	s4 =	sadd.s32 $0xEC00, s0;
	s1 =	ssub.s32 $0x2, s1;
	s5 =	smul.u32 $0x190, s3  }
0xb: {  	_ =	strace $0x80000059;
	s6 =	sshrl.u32 s1, $0x1;
	s26 =	smul.u32 $0x64000, s3  }
0xc: {  	s24 =	ssub.s32 s1, s6;
	s6 =	simm.s32 $0x1D80;
	s5 =	sadd.s32 s5, s0  }
0xd: {  	s0 =	sadd.s32 $0x41D600, s0;
	[dreg:$0x5] =	wrdreg s26;
	s26 =	simm.s32 $0x1B80  }
0xe: {  	[dreg:$0x3] =	wrdreg s0;
	s25 =	sadd.s32 $0x32400, s5;
	s0 =	smax.u32 s24, $0x1  }
0xf: {  	s5 =	simm.s32 $0x1;
	s24 =	simm.s32 $0x1B00;
	[dreg:$0x4] =	wrdreg s25  }
0x10: {  	[dreg:$0x6] =	wrdreg s0;
	s0 =	simm.s32 $0x0;
	s25 =	simm.s32 $0x2200  }
.LBB2_1:
0x11: {  	[dreg:$0x7] =	wrdreg s0  }
0x12: {  	s12 =	simm.s32 $0x0;
	s14 =	rddreg [dreg:$0x4];
	s18 =	simm.s32 $0x2  }
0x13: {  	[tilespmem:s12], [sflag:$0x2] =	stream.linear.gather [hbm4b:s14+s12], $0xC80, $0x38;
	[tilespmem:$0xED80] =	vst v63  }
0x14: {  	_ =	swait.ge [sflag:s18], $0xC80  }
0x15: {  	[sflag:s18] =	ssyncset.done $0x0  }
0x16: {  	s12 =	simm.s32 $0x14;
	[sflag:s18] =	ssyncadd.s32 $0xFFFFF380  }
.LBB2_2:
0x17: {  	s14 =	smul.u32 $0xAB, s12;
	_ =	sdelay $0x1  }
0x18: {  	s14 =	sshrl.u32 s14, $0x9  }
0x19: {  	s14 =	sand.u32 $0x7F, s14  }
0x1a: {  	s16 =	smul.u32 $0x56, s14  }
0x1b: {  	s18 =	smul.u32 $0x39, s12  }
0x1c: {  	s16 =	sshrl.u32 s16, $0x8  }
0x1d: {  	s18 =	sshrl.u32 s18, $0x9;
	s16 =	smul.u32 $0x3, s16  }
0x1e: {  	s18 =	smul.u32 $0x42, s18  }
0x1f: {  	s16 =	ssub.s32 s14, s16  }
0x20: {  	s18 =	sand.u32 $0xFE, s18;
	s14 =	smul.u32 $0x3, s14;
	s16 =	sand.u32 $0xFF, s16  }
0x21: {  	s16 =	sadd.s32 s16, s18  }
0x22: {  	s14 =	ssub.s32 s12, s14;
	s16 =	smul.u32 $0x42, s16  }
0x23: {  	s14 =	sand.u32 $0xFF, s14  }
0x24: {  	s14 =	sadd.s32 s16, s14  }
0x25: {  	s16 =	sadd.s32 $0xFFFFEEB9, s14;
	s14 =	simm.s32 $0x0  }
0x26: {  	v0 =	vmov s16;
	s16 =	simm.s32 $0x40;
	v1 =	vld [tilespmem:s14+$0x0]  }
.LBB2_3:
0x27: {  	p0 =	sne.s32 s16, $0x31C0  }
.Ltmp0:
0x28: {  	_ = 	snop;
	(pc) =	sbr.rel @p0 .LBB2_3-.Ltmp0, $3  }
0x29: {  	_ =	sdelay $0x1  }
0x2a: {  	s18 =	sshra.s32 s16, $0x2;
	s16 =	sadd.s32 $0x40, s16;
	v2 =	vadd.s32 v0, v1  }
0x2b: {  	v1 =	vld [tilespmem:s18+$0x0];
	[tilespmem:s14+$0xC80] =	vst v2;
	s14 =	smov.u32 s18  }
0x2c: {  	_ =	sdelay $0x3  }
0x2d: {  	v0 =	vadd.s32 v0, v1  }
0x2e: {  	s18 =	simm.s32 $0xC80;
	s16 =	simm.s32 $0x1900;
	[tilespmem:s14+$0xC80] =	vst v0  }
0x2f: {  	[tilespmem:s16], [sflag:$0x1] =	stream.indirect.gather [hbm4b:s4+s10], $0x1, s18, s10, $0xb8;
	[tilespmem:$0xED80] =	vst v63  }
0x30: {  	s0 =	simm.s32 $0xD00;
	s18 =	simm.s32 $0x1980  }
0x31: {  	[tilespmem:s18], [sflag:$0x1] =	stream.indirect.gather [hbm4b:s4+s10], $0x1, s0, s10, $0xb8;
	[tilespmem:$0xED80] =	vst v63  }
0x32: {  	s1 =	simm.s32 $0xD80  }
0x33: {  	[tilespmem:s20], [sflag:$0x1] =	stream.indirect.gather [hbm4b:s4+s10], $0x1, s1, s10, $0xb8;
	[tilespmem:$0xED80] =	vst v63  }
0x34: {  	s3 =	simm.s32 $0xE00  }
0x35: {  	[tilespmem:s22], [sflag:$0x1] =	stream.indirect.gather [hbm4b:s4+s10], $0x1, s3, s10, $0xb8;
	[tilespmem:$0xED80] =	vst v63  }
0x36: {  	s0 =	simm.s32 $0xE80  }
0x37: {  	[tilespmem:s24], [sflag:$0x1] =	stream.indirect.gather [hbm4b:s4+s10], $0x1, s0, s10, $0xb8;
	[tilespmem:$0xED80] =	vst v63  }
0x38: {  	s1 =	simm.s32 $0xF00  }
0x39: {  	[tilespmem:s26], [sflag:$0x1] =	stream.indirect.gather [hbm4b:s4+s10], $0x1, s1, s10, $0xb8;
	[tilespmem:$0xED80] =	vst v63  }
0x3a: {  	s3 =	simm.s32 $0xF80  }
0x3b: {  	[tilespmem:s29], [sflag:$0x1] =	stream.indirect.gather [hbm4b:s4+s10], $0x1, s3, s10, $0xb8;
	[tilespmem:$0xED80] =	vst v63  }
0x3c: {  	s0 =	simm.s32 $0x1000  }
0x3d: {  	[tilespmem:s31], [sflag:$0x1] =	stream.indirect.gather [hbm4b:s4+s10], $0x1, s0, s10, $0xb8;
	[tilespmem:$0xED80] =	vst v63  }
0x3e: {  	s1 =	simm.s32 $0x1080;
	s0 =	simm.s32 $0x1D00  }
0x3f: {  	[tilespmem:s0], [sflag:$0x1] =	stream.indirect.gather [hbm4b:s4+s10], $0x1, s1, s10, $0xb8;
	[tilespmem:$0xED80] =	vst v63  }
0x40: {  	s3 =	simm.s32 $0x1100  }
0x41: {  	[tilespmem:s6], [sflag:$0x1] =	stream.indirect.gather [hbm4b:s4+s10], $0x1, s3, s10, $0xb8;
	[tilespmem:$0xED80] =	vst v63  }
0x42: {  	s1 =	simm.s32 $0x1180  }
0x43: {  	[tilespmem:s11], [sflag:$0x1] =	stream.indirect.gather [hbm4b:s4+s10], $0x1, s1, s10, $0xb8;
	[tilespmem:$0xED80] =	vst v63  }
0x44: {  	s3 =	simm.s32 $0x1200  }
0x45: {  	[tilespmem:s15], [sflag:$0x1] =	stream.indirect.gather [hbm4b:s4+s10], $0x1, s3, s10, $0xb8;
	[tilespmem:$0xED80] =	vst v63  }
0x46: {  	s1 =	simm.s32 $0x1280  }
0x47: {  	[tilespmem:s19], [sflag:$0x1] =	stream.indirect.gather [hbm4b:s4+s10], $0x1, s1, s10, $0xb8;
	[tilespmem:$0xED80] =	vst v63  }
0x48: {  	s3 =	simm.s32 $0x1300  }
0x49: {  	[tilespmem:s23], [sflag:$0x1] =	stream.indirect.gather [hbm4b:s4+s10], $0x1, s3, s10, $0xb8;
	[tilespmem:$0xED80] =	vst v63  }
0x4a: {  	s1 =	simm.s32 $0x1380  }
0x4b: {  	[tilespmem:s28], [sflag:$0x1] =	stream.indirect.gather [hbm4b:s4+s10], $0x1, s1, s10, $0xb8;
	[tilespmem:$0xED80] =	vst v63  }
0x4c: {  	s3 =	simm.s32 $0x1400;
	s1 =	simm.s32 $0x2080  }
0x4d: {  	[tilespmem:s1], [sflag:$0x1] =	stream.indirect.gather [hbm4b:s4+s10], $0x1, s3, s10, $0xb8;
	[tilespmem:$0xED80] =	vst v63  }
0x4e: {  	s3 =	simm.s32 $0x1480  }
0x4f: {  	[tilespmem:s8], [sflag:$0x1] =	stream.indirect.gather [hbm4b:s4+s10], $0x1, s3, s10, $0xb8;
	[tilespmem:$0xED80] =	vst v63  }
0x50: {  	s3 =	simm.s32 $0x1500  }
0x51: {  	[tilespmem:s17], [sflag:$0x1] =	stream.indirect.gather [hbm4b:s4+s10], $0x1, s3, s10, $0xb8;
	[tilespmem:$0xED80] =	vst v63  }
0x52: {  	s3 =	simm.s32 $0x1580  }
0x53: {  	[tilespmem:s25], [sflag:$0x1] =	stream.indirect.gather [hbm4b:s4+s10], $0x1, s3, s10, $0xb8;
	[tilespmem:$0xED80] =	vst v63  }
0x54: {  	s14 =	simm.s32 $0x1600;
	s3 =	simm.s32 $0x2280  }
0x55: {  	[tilespmem:s3], [sflag:$0x1] =	stream.indirect.gather [hbm4b:s4+s10], $0x1, s14, s10, $0xb8;
	[tilespmem:$0xED80] =	vst v63  }
0x56: {  	s14 =	simm.s32 $0x1680  }
0x57: {  	[tilespmem:s21], [sflag:$0x1] =	stream.indirect.gather [hbm4b:s4+s10], $0x1, s14, s10, $0xb8;
	[tilespmem:$0xED80] =	vst v63  }
0x58: {  	s14 =	simm.s32 $0x1700  }
0x59: {  	[tilespmem:s13], [sflag:$0x1] =	stream.indirect.gather [hbm4b:s4+s10], $0x1, s14, s10, $0xb8;
	[tilespmem:$0xED80] =	vst v63  }
0x5a: {  	s14 =	simm.s32 $0x1780  }
0x5b: {  	[tilespmem:s30], [sflag:$0x1] =	stream.indirect.gather [hbm4b:s4+s10], $0x1, s14, s10, $0xb8;
	[tilespmem:$0xED80] =	vst v63  }
0x5c: {  	s14 =	simm.s32 $0x1800  }
0x5d: {  	[tilespmem:s7], [sflag:$0x1] =	stream.indirect.gather [hbm4b:s4+s10], $0x1, s14, s10, $0xb8;
	[tilespmem:$0xED80] =	vst v63  }
0x5e: {  	s14 =	simm.s32 $0x1880  }
0x5f: {  	[tilespmem:s9], [sflag:$0x1] =	stream.indirect.gather [hbm4b:s4+s10], $0x1, s14, s10, $0xb8;
	[tilespmem:$0xED80] =	vst v63  }
0x60: {  	_ =	swait.ge [sflag:s5], $0x80  }
0x61: {  	[sflag:s5] =	ssyncset.done $0x0  }
0x62: {  	[sflag:s5] =	ssyncadd.s32 $0xFFFFFF80  }
0x63: {  	_ =	swait.ge [sflag:s5], $0x80  }
0x64: {  	[sflag:s5] =	ssyncset.done $0x0  }
0x65: {  	[sflag:s5] =	ssyncadd.s32 $0xFFFFFF80  }
0x66: {  	_ =	swait.ge [sflag:s5], $0x80  }
0x67: {  	[sflag:s5] =	ssyncset.done $0x0  }
0x68: {  	[sflag:s5] =	ssyncadd.s32 $0xFFFFFF80  }
0x69: {  	_ =	swait.ge [sflag:s5], $0x80  }
0x6a: {  	[sflag:s5] =	ssyncset.done $0x0  }
0x6b: {  	[sflag:s5] =	ssyncadd.s32 $0xFFFFFF80  }
0x6c: {  	_ =	swait.ge [sflag:s5], $0x80  }
0x6d: {  	[sflag:s5] =	ssyncset.done $0x0  }
0x6e: {  	[sflag:s5] =	ssyncadd.s32 $0xFFFFFF80  }
0x6f: {  	_ =	swait.ge [sflag:s5], $0x80  }
0x70: {  	[sflag:s5] =	ssyncset.done $0x0  }
0x71: {  	[sflag:s5] =	ssyncadd.s32 $0xFFFFFF80  }
0x72: {  	_ =	swait.ge [sflag:s5], $0x80  }
0x73: {  	[sflag:s5] =	ssyncset.done $0x0  }
0x74: {  	[sflag:s5] =	ssyncadd.s32 $0xFFFFFF80  }
0x75: {  	_ =	swait.ge [sflag:s5], $0x80  }
0x76: {  	[sflag:s5] =	ssyncset.done $0x0  }
0x77: {  	[sflag:s5] =	ssyncadd.s32 $0xFFFFFF80  }
0x78: {  	_ =	swait.ge [sflag:s5], $0x80  }
0x79: {  	[sflag:s5] =	ssyncset.done $0x0  }
0x7a: {  	[sflag:s5] =	ssyncadd.s32 $0xFFFFFF80  }
0x7b: {  	_ =	swait.ge [sflag:s5], $0x80  }
0x7c: {  	[sflag:s5] =	ssyncset.done $0x0  }
0x7d: {  	[sflag:s5] =	ssyncadd.s32 $0xFFFFFF80  }
0x7e: {  	_ =	swait.ge [sflag:s5], $0x80  }
0x7f: {  	[sflag:s5] =	ssyncset.done $0x0  }
0x80: {  	[sflag:s5] =	ssyncadd.s32 $0xFFFFFF80  }
0x81: {  	_ =	swait.ge [sflag:s5], $0x80  }
0x82: {  	[sflag:s5] =	ssyncset.done $0x0  }
0x83: {  	[sflag:s5] =	ssyncadd.s32 $0xFFFFFF80  }
0x84: {  	_ =	swait.ge [sflag:s5], $0x80  }
0x85: {  	[sflag:s5] =	ssyncset.done $0x0  }
0x86: {  	[sflag:s5] =	ssyncadd.s32 $0xFFFFFF80  }
0x87: {  	_ =	swait.ge [sflag:s5], $0x80  }
0x88: {  	[sflag:s5] =	ssyncset.done $0x0  }
0x89: {  	[sflag:s5] =	ssyncadd.s32 $0xFFFFFF80  }
0x8a: {  	_ =	swait.ge [sflag:s5], $0x80  }
0x8b: {  	[sflag:s5] =	ssyncset.done $0x0  }
0x8c: {  	[sflag:s5] =	ssyncadd.s32 $0xFFFFFF80  }
0x8d: {  	_ =	swait.ge [sflag:s5], $0x80  }
0x8e: {  	[sflag:s5] =	ssyncset.done $0x0  }
0x8f: {  	[sflag:s5] =	ssyncadd.s32 $0xFFFFFF80  }
0x90: {  	_ =	swait.ge [sflag:s5], $0x80  }
0x91: {  	[sflag:s5] =	ssyncset.done $0x0  }
0x92: {  	[sflag:s5] =	ssyncadd.s32 $0xFFFFFF80  }
0x93: {  	_ =	swait.ge [sflag:s5], $0x80  }
0x94: {  	[sflag:s5] =	ssyncset.done $0x0  }
0x95: {  	[sflag:s5] =	ssyncadd.s32 $0xFFFFFF80  }
0x96: {  	_ =	swait.ge [sflag:s5], $0x80  }
0x97: {  	[sflag:s5] =	ssyncset.done $0x0  }
0x98: {  	[sflag:s5] =	ssyncadd.s32 $0xFFFFFF80  }
0x99: {  	_ =	swait.ge [sflag:s5], $0x80  }
0x9a: {  	[sflag:s5] =	ssyncset.done $0x0  }
0x9b: {  	[sflag:s5] =	ssyncadd.s32 $0xFFFFFF80  }
0x9c: {  	_ =	swait.ge [sflag:s5], $0x80  }
0x9d: {  	[sflag:s5] =	ssyncset.done $0x0  }
0x9e: {  	[sflag:s5] =	ssyncadd.s32 $0xFFFFFF80  }
0x9f: {  	_ =	swait.ge [sflag:s5], $0x80  }
0xa0: {  	[sflag:s5] =	ssyncset.done $0x0  }
0xa1: {  	[sflag:s5] =	ssyncadd.s32 $0xFFFFFF80  }
0xa2: {  	_ =	swait.ge [sflag:s5], $0x80  }
0xa3: {  	[sflag:s5] =	ssyncset.done $0x0  }
0xa4: {  	[sflag:s5] =	ssyncadd.s32 $0xFFFFFF80  }
0xa5: {  	_ =	swait.ge [sflag:s5], $0x80  }
0xa6: {  	[sflag:s5] =	ssyncset.done $0x0  }
0xa7: {  	[sflag:s5] =	ssyncadd.s32 $0xFFFFFF80  }
0xa8: {  	_ =	swait.ge [sflag:s5], $0x80  }
0xa9: {  	[sflag:s5] =	ssyncset.done $0x0  }
0xaa: {  	s14 =	simm.s32 $0x2580;
	[sflag:s5] =	ssyncadd.s32 $0xFFFFFF80  }
0xab: {  	[tilespmem:s14], [sflag:$0x1] =	stream.indirect.gather [hbm4b:s2+s10], $0x10, s16, s10, $0xb8;
	[tilespmem:$0xED80] =	vst v63  }
0xac: {  	s16 =	simm.s32 $0x2D80  }
0xad: {  	[tilespmem:s16], [sflag:$0x1] =	stream.indirect.gather [hbm4b:s2+s10], $0x10, s18, s10, $0xb8;
	[tilespmem:$0xED80] =	vst v63  }
0xae: {  	s18 =	simm.s32 $0x3580  }
0xaf: {  	[tilespmem:s18], [sflag:$0x1] =	stream.indirect.gather [hbm4b:s2+s10], $0x10, s20, s10, $0xb8;
	[tilespmem:$0xED80] =	vst v63  }
0xb0: {  	s16 =	simm.s32 $0x3D80  }
0xb1: {  	[tilespmem:s16], [sflag:$0x1] =	stream.indirect.gather [hbm4b:s2+s10], $0x10, s22, s10, $0xb8;
	[tilespmem:$0xED80] =	vst v63  }
0xb2: {  	s18 =	simm.s32 $0x4580  }
0xb3: {  	[tilespmem:s18], [sflag:$0x1] =	stream.indirect.gather [hbm4b:s2+s10], $0x10, s24, s10, $0xb8;
	[tilespmem:$0xED80] =	vst v63  }
0xb4: {  	s16 =	simm.s32 $0x4D80  }
0xb5: {  	[tilespmem:s16], [sflag:$0x1] =	stream.indirect.gather [hbm4b:s2+s10], $0x10, s26, s10, $0xb8;
	[tilespmem:$0xED80] =	vst v63  }
0xb6: {  	s18 =	simm.s32 $0x5580  }
0xb7: {  	[tilespmem:s18], [sflag:$0x1] =	stream.indirect.gather [hbm4b:s2+s10], $0x10, s29, s10, $0xb8;
	[tilespmem:$0xED80] =	vst v63  }
0xb8: {  	s16 =	simm.s32 $0x5D80  }
0xb9: {  	[tilespmem:s16], [sflag:$0x1] =	stream.indirect.gather [hbm4b:s2+s10], $0x10, s31, s10, $0xb8;
	[tilespmem:$0xED80] =	vst v63  }
0xba: {  	s18 =	simm.s32 $0x6580  }
0xbb: {  	[tilespmem:s18], [sflag:$0x1] =	stream.indirect.gather [hbm4b:s2+s10], $0x10, s0, s10, $0xb8;
	[tilespmem:$0xED80] =	vst v63  }
0xbc: {  	s14 =	simm.s32 $0x6D80  }
0xbd: {  	[tilespmem:s14], [sflag:$0x1] =	stream.indirect.gather [hbm4b:s2+s10], $0x10, s6, s10, $0xb8;
	[tilespmem:$0xED80] =	vst v63  }
0xbe: {  	s16 =	simm.s32 $0x7580  }
0xbf: {  	[tilespmem:s16], [sflag:$0x1] =	stream.indirect.gather [hbm4b:s2+s10], $0x10, s11, s10, $0xb8;
	[tilespmem:$0xED80] =	vst v63  }
0xc0: {  	s18 =	simm.s32 $0x7D80  }
0xc1: {  	[tilespmem:s18], [sflag:$0x1] =	stream.indirect.gather [hbm4b:s2+s10], $0x10, s15, s10, $0xb8;
	[tilespmem:$0xED80] =	vst v63  }
0xc2: {  	s14 =	simm.s32 $0x8580  }
0xc3: {  	[tilespmem:s14], [sflag:$0x1] =	stream.indirect.gather [hbm4b:s2+s10], $0x10, s19, s10, $0xb8;
	[tilespmem:$0xED80] =	vst v63  }
0xc4: {  	s16 =	simm.s32 $0x8D80  }
0xc5: {  	[tilespmem:s16], [sflag:$0x1] =	stream.indirect.gather [hbm4b:s2+s10], $0x10, s23, s10, $0xb8;
	[tilespmem:$0xED80] =	vst v63  }
0xc6: {  	s18 =	simm.s32 $0x9580  }
0xc7: {  	[tilespmem:s18], [sflag:$0x1] =	stream.indirect.gather [hbm4b:s2+s10], $0x10, s28, s10, $0xb8;
	[tilespmem:$0xED80] =	vst v63  }
0xc8: {  	s14 =	simm.s32 $0x9D80  }
0xc9: {  	[tilespmem:s14], [sflag:$0x1] =	stream.indirect.gather [hbm4b:s2+s10], $0x10, s1, s10, $0xb8;
	[tilespmem:$0xED80] =	vst v63  }
0xca: {  	s16 =	simm.s32 $0xA580  }
0xcb: {  	[tilespmem:s16], [sflag:$0x1] =	stream.indirect.gather [hbm4b:s2+s10], $0x10, s8, s10, $0xb8;
	[tilespmem:$0xED80] =	vst v63  }
0xcc: {  	s18 =	simm.s32 $0xAD80  }
0xcd: {  	[tilespmem:s18], [sflag:$0x1] =	stream.indirect.gather [hbm4b:s2+s10], $0x10, s17, s10, $0xb8;
	[tilespmem:$0xED80] =	vst v63  }
0xce: {  	s1 =	simm.s32 $0xB580  }
0xcf: {  	[tilespmem:s1], [sflag:$0x1] =	stream.indirect.gather [hbm4b:s2+s10], $0x10, s25, s10, $0xb8;
	[tilespmem:$0xED80] =	vst v63  }
0xd0: {  	s14 =	simm.s32 $0xBD80  }
0xd1: {  	[tilespmem:s14], [sflag:$0x1] =	stream.indirect.gather [hbm4b:s2+s10], $0x10, s3, s10, $0xb8;
	[tilespmem:$0xED80] =	vst v63  }
0xd2: {  	s16 =	simm.s32 $0xC580  }
0xd3: {  	[tilespmem:s16], [sflag:$0x1] =	stream.indirect.gather [hbm4b:s2+s10], $0x10, s21, s10, $0xb8;
	[tilespmem:$0xED80] =	vst v63  }
0xd4: {  	s18 =	simm.s32 $0xCD80  }
0xd5: {  	[tilespmem:s18], [sflag:$0x1] =	stream.indirect.gather [hbm4b:s2+s10], $0x10, s13, s10, $0xb8;
	[tilespmem:$0xED80] =	vst v63  }
0xd6: {  	s1 =	simm.s32 $0xD580  }
0xd7: {  	[tilespmem:s1], [sflag:$0x1] =	stream.indirect.gather [hbm4b:s2+s10], $0x10, s30, s10, $0xb8;
	[tilespmem:$0xED80] =	vst v63  }
0xd8: {  	s3 =	simm.s32 $0xDD80  }
0xd9: {  	[tilespmem:s3], [sflag:$0x1] =	stream.indirect.gather [hbm4b:s2+s10], $0x10, s7, s10, $0xb8;
	[tilespmem:$0xED80] =	vst v63  }
0xda: {  	s14 =	simm.s32 $0xE580  }
0xdb: {  	[tilespmem:s14], [sflag:$0x1] =	stream.indirect.gather [hbm4b:s2+s10], $0x10, s9, s10, $0xb8;
	[tilespmem:$0xED80] =	vst v63  }
0xdc: {  	_ =	swait.ge [sflag:s5], $0x800  }
0xdd: {  	[sflag:s5] =	ssyncset.done $0x0  }
0xde: {  	[sflag:s5] =	ssyncadd.s32 $0xFFFFF800  }
0xdf: {  	_ =	swait.ge [sflag:s5], $0x800  }
0xe0: {  	[sflag:s5] =	ssyncset.done $0x0  }
0xe1: {  	[sflag:s5] =	ssyncadd.s32 $0xFFFFF800  }
0xe2: {  	_ =	swait.ge [sflag:s5], $0x800  }
0xe3: {  	[sflag:s5] =	ssyncset.done $0x0  }
0xe4: {  	[sflag:s5] =	ssyncadd.s32 $0xFFFFF800  }
0xe5: {  	_ =	swait.ge [sflag:s5], $0x800  }
0xe6: {  	[sflag:s5] =	ssyncset.done $0x0  }
0xe7: {  	[sflag:s5] =	ssyncadd.s32 $0xFFFFF800  }
0xe8: {  	_ =	swait.ge [sflag:s5], $0x800  }
0xe9: {  	[sflag:s5] =	ssyncset.done $0x0  }
0xea: {  	[sflag:s5] =	ssyncadd.s32 $0xFFFFF800  }
0xeb: {  	_ =	swait.ge [sflag:s5], $0x800  }
0xec: {  	[sflag:s5] =	ssyncset.done $0x0  }
0xed: {  	[sflag:s5] =	ssyncadd.s32 $0xFFFFF800  }
0xee: {  	_ =	swait.ge [sflag:s5], $0x800  }
0xef: {  	[sflag:s5] =	ssyncset.done $0x0  }
0xf0: {  	[sflag:s5] =	ssyncadd.s32 $0xFFFFF800  }
0xf1: {  	_ =	swait.ge [sflag:s5], $0x800  }
0xf2: {  	[sflag:s5] =	ssyncset.done $0x0  }
0xf3: {  	[sflag:s5] =	ssyncadd.s32 $0xFFFFF800  }
0xf4: {  	_ =	swait.ge [sflag:s5], $0x800  }
0xf5: {  	[sflag:s5] =	ssyncset.done $0x0  }
0xf6: {  	[sflag:s5] =	ssyncadd.s32 $0xFFFFF800  }
0xf7: {  	_ =	swait.ge [sflag:s5], $0x800  }
0xf8: {  	[sflag:s5] =	ssyncset.done $0x0  }
0xf9: {  	[sflag:s5] =	ssyncadd.s32 $0xFFFFF800  }
0xfa: {  	_ =	swait.ge [sflag:s5], $0x800  }
0xfb: {  	[sflag:s5] =	ssyncset.done $0x0  }
0xfc: {  	[sflag:s5] =	ssyncadd.s32 $0xFFFFF800  }
0xfd: {  	_ =	swait.ge [sflag:s5], $0x800  }
0xfe: {  	[sflag:s5] =	ssyncset.done $0x0  }
0xff: {  	[sflag:s5] =	ssyncadd.s32 $0xFFFFF800  }
0x100: {  	_ =	swait.ge [sflag:s5], $0x800  }
0x101: {  	[sflag:s5] =	ssyncset.done $0x0  }
0x102: {  	[sflag:s5] =	ssyncadd.s32 $0xFFFFF800  }
0x103: {  	_ =	swait.ge [sflag:s5], $0x800  }
0x104: {  	[sflag:s5] =	ssyncset.done $0x0  }
0x105: {  	[sflag:s5] =	ssyncadd.s32 $0xFFFFF800  }
0x106: {  	_ =	swait.ge [sflag:s5], $0x800  }
0x107: {  	[sflag:s5] =	ssyncset.done $0x0  }
0x108: {  	[sflag:s5] =	ssyncadd.s32 $0xFFFFF800  }
0x109: {  	_ =	swait.ge [sflag:s5], $0x800  }
0x10a: {  	[sflag:s5] =	ssyncset.done $0x0  }
0x10b: {  	[sflag:s5] =	ssyncadd.s32 $0xFFFFF800  }
0x10c: {  	_ =	swait.ge [sflag:s5], $0x800  }
0x10d: {  	[sflag:s5] =	ssyncset.done $0x0  }
0x10e: {  	[sflag:s5] =	ssyncadd.s32 $0xFFFFF800  }
0x10f: {  	_ =	swait.ge [sflag:s5], $0x800  }
0x110: {  	[sflag:s5] =	ssyncset.done $0x0  }
0x111: {  	[sflag:s5] =	ssyncadd.s32 $0xFFFFF800  }
0x112: {  	_ =	swait.ge [sflag:s5], $0x800  }
0x113: {  	[sflag:s5] =	ssyncset.done $0x0  }
0x114: {  	[sflag:s5] =	ssyncadd.s32 $0xFFFFF800  }
0x115: {  	_ =	swait.ge [sflag:s5], $0x800  }
0x116: {  	[sflag:s5] =	ssyncset.done $0x0  }
0x117: {  	[sflag:s5] =	ssyncadd.s32 $0xFFFFF800  }
0x118: {  	_ =	swait.ge [sflag:s5], $0x800  }
0x119: {  	[sflag:s5] =	ssyncset.done $0x0  }
0x11a: {  	[sflag:s5] =	ssyncadd.s32 $0xFFFFF800  }
0x11b: {  	_ =	swait.ge [sflag:s5], $0x800  }
0x11c: {  	[sflag:s5] =	ssyncset.done $0x0  }
0x11d: {  	[sflag:s5] =	ssyncadd.s32 $0xFFFFF800  }
0x11e: {  	_ =	swait.ge [sflag:s5], $0x800  }
0x11f: {  	[sflag:s5] =	ssyncset.done $0x0  }
0x120: {  	[sflag:s5] =	ssyncadd.s32 $0xFFFFF800  }
0x121: {  	_ =	swait.ge [sflag:s5], $0x800  }
0x122: {  	[sflag:s5] =	ssyncset.done $0x0  }
0x123: {  	s16 =	sshll.u32 s12, $0x5;
	s12 =	sadd.s32 $0x1, s12;
	[sflag:s5] =	ssyncadd.s32 $0xFFFFF800  }
0x124: {  	p0 =	sne.s32 s12, $0x18;
	s1 =	simm.s32 $0x10;
	_ =	swait.ge [sflag:s5], $0x800  }
0x125: {  	s3 =	simm.s32 $0x40;
	s14 =	sand.u32 $0x60, s16;
	s18 =	rddreg [dreg:$0x5]  }
0x126: {  	s16 =	simm.s32 $0x2580;
	[sflag:s5] =	ssyncset.done $0x0;
	s14 =	sor.u32 s18, s14  }
0x127: {  	s0 =	rddreg [dreg:$0x3];
	[sflag:s5] =	ssyncadd.s32 $0xFFFFF800;
	s14 =	sshrl.u32 s14, $0x4  }
.Ltmp1:
0x128: {  	s18 =	simm.s32 $0x2;
	s14 =	sadd.s32 s0, s14;
	(pc) =	sbr.rel @p0 .LBB2_2-.Ltmp1, $4  }
0x129: {  	[hbm4b:s14+s1] =	stream.strided.scatter [tilespmem:s16], [sflag:$0x2], $0xC800, s3, s1, $0x38;
	[tilespmem:$0xED80] =	vst v63  }
0x12a: {  	_ =	swait.ge [sflag:s18], $0xC800  }
0x12b: {  	[sflag:s18] =	ssyncset.done $0x0  }
0x12c: {  	[sflag:s18] =	ssyncadd.s32 $0xFFFF3800  }
0x12d: {  	s0 =	rddreg [dreg:$0x7]  }
0x12e: {  	s12 =	rddreg [dreg:$0x6];
	s0 =	sadd.s32 $0x1, s0  }
0x12f: {  	p0 =	sne.s32 s0, s12  }
.Ltmp2:
0x130: {  	_ = 	snop;
	(pc) =	sbr.rel @p0 .LBB2_1-.Ltmp2, $1  }
0x131: {  	_ =	sdelay $0x3  }
0x132: {  	_ =	sfence.sel $0x180000  }
0x133: {  	[bflag:$0x0] =	sbarrier.arrive $0xFFFF  }
0x134: {  	_ =	strace $0x90000059  }
0x135: {  	s0 =	stileid.u32;
	[bflag:$0x2] =	sbarrier.arrive $0xFFFF  }
0x136: {  	p0 =	sne.s32 s0, $0x0;
	s0 =	rddreg [dreg:$0x2]  }
0x137: {  	s0 =	sadd.s32 @!p0 $0x100000, s0  }
0x138: {  	[sflag:s0] =	ssyncadd.tile.s32 @!p0 $0x1;
	_ =	shalt  }
.Lfunc_end2:
_tile_overlayer_lowered:
.L_overlay_start_2:
0x139: {  	(tag) =	ssettag $0x2  }
0x13a: {  	s0 =	rddreg [dreg:$0x0];
	s2 =	stileid.u32  }
0x13b: {  	s1 =	rddreg [dreg:$0x1];
	p0 =	sne.s32 s2, $0x0  }
0x13c: {  	s3 =	rddreg [dreg:$0x2];
	[bflag:$0x3] =	sbarrier.arrive $0xFFFF;
	s2 =	simm.s32 @!p0 $0x1C02  }
0x13d: {  	[timem:s3], [sflag:s2] =	dma.local @!p0 [hbm:s0], s1  }
0x13e: {  	s0 =	simm.s32 @!p0 $0x2  }
0x13f: {  	_ =	swait.ge @!p0 [sflag:s0], s1  }
0x140: {  	s1 =	ssub.s32 @!p0 $0x0, s1;
	[sflag:s0] =	ssyncset.done @!p0 $0x0  }
0x141: {  	[sflag:s0] =	ssyncadd.s32 @!p0 s1  }
0x142: {  	[bflag:$0x3] =	sbarrier.arrive $0xFFFF  }
0x143: {  	_ =	shalt  }

// kernel: kernel.38.cloned.1.call-start
scs
__scs_entry_jumppad:
0x0: {  	(pc) =	sbr.rel $0x88, $3  }
0x1: {  	(tag) =	ssettag $0x0;
	lr =	simm.s32 $0x1  }
0x2: {  	[smem:$0x3F9D] =	sst lr;
	_ =	strace $0xD0000000  }
0x3: {  	_ = 	snop  }
0x4: {  	_ = 	snop  }
0x5: {  	_ = 	snop  }
0x6: {  	_ = 	snop  }
0x7: {  	_ = 	snop  }
__scs_overlays_trampoline_lowered:
0x8: {  	[smem:$0x3FAC] =	sst s0  }
0x9: {  	[smem:$0x3FAD] =	sst s1  }
0xa: {  	[smem:$0x3FAE] =	sst s2  }
0xb: {  	[smem:$0x3FAF] =	sst s3  }
0xc: {  	[smem:$0x3FB0] =	sst s4  }
0xd: {  	[smem:$0x3FB1] =	sst s5  }
0xe: {  	[smem:$0x3FB2] =	sst s6  }
0xf: {  	[smem:$0x3FB3] =	sst s7  }
0x10: {  	[smem:$0x3FB4] =	sst s8  }
0x11: {  	[smem:$0x3FB5] =	sst s9;
	s0 =	simm.s32 @!p0 $0x0  }
0x12: {  	s1 =	sld [smem:$0x3F9B];
	s0 =	simm.s32 @p0 $0x1  }
0x13: {  	[smem:$0x3FB6] =	sst s0;
	s0 =	simm.s32 @!p1 $0x0  }
0x14: {  	s2 =	sld [smem:$0x3F9A];
	s0 =	simm.s32 @p1 $0x1  }
0x15: {  	[smem:$0x3FB7] =	sst s0;
	s0 =	simm.s32 @!p2 $0x0  }
0x16: {  	s3 =	sld [smem:$0x3FDB];
	s0 =	simm.s32 @p2 $0x1  }
0x17: {  	s4 =	simm.s32 $0x1BF5;
	[smem:$0x3FB9] =	sst s0  }
0x18: {  	s0 =	sld [smem:$0x3F9C];
	_ =	swait.ge [sflag:s4], $0x0  }
0x19: {  	s7 =	sld [smem:$0x3F9D]  }
0x1a: {  	s8 =	sadd.s32 $0xFFFFE003, lr  }
0x1b: {  	s9 =	sadd.s32 $0xFFFFFEF7, lr;
	s5 =	simm.s32 $0xFFFFFFFF;
	p2 =	slt.u32 s8, $0xFFFFF086  }
0x1c: {  	p1 =	slt.u32 s9, $0xF7A;
	s5 =	simm.s32 @!p2 $0x0  }
0x1d: {  	s5 =	simm.s32 @p1 $0x1;
	p0 =	seq.s32 s7, s2  }
0x1e: {  	s7 =	smul.u32 @!p0 $0xF7A, s2;
	p2 =	seq.s32 @!p0 s5, $0x0  }
0x1f: {  	s9 =	smul.u32 $0xF7A, s1;
	s8 =	simm.s32 @!p0 $0x1BF5;
	p2 =	por !p2, p0  }
0x20: {  	[sflag:s8] =	ssyncset.s32 @!p0 $0xFFFFF086;
	s6 =	sadd.s32 @!p0 s3, s7;
	s7 =	simm.s32 @!p0 $0x108  }
0x21: {  	s3 =	sadd.s32 s3, s9;
	s6 =	sadd.s32 @!p0 $0x88, s6;
	s7 =	simm.s32 @p2 $0x1082  }
0x22: {  	[simem:s7], [sflag:s8] =	dma.local @!p0 [hbm:s6], $0xF7A  }
0x23: {  	s9 =	sor.u32 $0xD0000000, s2;
	s6 =	simm.s32 $0x108;
	_ =	swait.ge @!p0 [sflag:s8], $0x0  }
0x24: {  	s3 =	sadd.s32 $0x88, s3;
	s6 =	simm.s32 @!p1 $0x1082;
	[sflag:s4] =	ssyncset.s32 $0xFFFFF086  }
0x25: {  	[simem:s6], [sflag:s4] =	dma.local [hbm:s3], $0xF7A  }
0x26: {  	[smem:$0x3F9D] =	sst s1;
	(tag) =	ssettag s2;
	_ =	strace s9  }
0x27: {  	s1 =	sld [smem:$0x3FAD]  }
0x28: {  	s2 =	sld [smem:$0x3FAE]  }
0x29: {  	s4 =	sld [smem:$0x3FB0]  }
0x2a: {  	p0 =	seq.s32 s5, $0x0;
	s5 =	sld [smem:$0x3FB1]  }
0x2b: {  	s6 =	sld [smem:$0x3FB2]  }
0x2c: {  	s7 =	sld [smem:$0x3FB3]  }
0x2d: {  	s3 =	simm.s32 $0x108;
	s8 =	sld [smem:$0x3FB4]  }
0x2e: {  	s3 =	simm.s32 @!p0 $0x1082;
	s9 =	sld [smem:$0x3FB5]  }
0x2f: {  	lr =	sadd.s32 s0, s3;
	s0 =	sld [smem:$0x3FAC]  }
0x30: {  	s3 =	sld [smem:$0x3FAF]  }
0x31: {  	[smem:$0x3FB8] =	sst s10  }
0x32: {  	s10 =	sld [smem:$0x3FB6];
	_ =	sdelay $0x3  }
0x33: {  	p0 =	seq.s32 s10, $0x1;
	s10 =	sld [smem:$0x3FB8];
	_ =	sdelay $0x3  }
0x34: {  	[smem:$0x3FB8] =	sst s10  }
0x35: {  	s10 =	sld [smem:$0x3FB7];
	_ =	sdelay $0x3  }
0x36: {  	p1 =	seq.s32 s10, $0x1;
	s10 =	sld [smem:$0x3FB8];
	_ =	sdelay $0x3  }
0x37: {  	[smem:$0x3FB8] =	sst s10  }
0x38: {  	s10 =	sld [smem:$0x3FB9]  }
0x39: {  	_ = 	snop;
	(pc) =	sbr.ind lr, $3  }
0x3a: {  	_ = 	snop  }
0x3b: {  	_ = 	snop  }
0x3c: {  	p2 =	seq.s32 s10, $0x1;
	s10 =	sld [smem:$0x3FB8]  }
0x3d: {  	_ =	shalt  }
0x3e: {  	_ =	shalt  }
0x3f: {  	_ =	shalt  }
0x40: {  	_ =	shalt  }
0x41: {  	_ =	shalt  }
0x42: {  	_ =	shalt  }
0x43: {  	_ =	shalt  }
0x44: {  	_ =	shalt  }
0x45: {  	_ =	shalt  }
0x46: {  	_ =	shalt  }
0x47: {  	_ =	shalt  }
0x48: {  	_ =	shalt  }
0x49: {  	_ =	shalt  }
0x4a: {  	_ =	shalt  }
0x4b: {  	_ =	shalt  }
0x4c: {  	_ =	shalt  }
0x4d: {  	_ =	shalt  }
0x4e: {  	_ =	shalt  }
0x4f: {  	_ =	shalt  }
0x50: {  	_ =	shalt  }
0x51: {  	_ =	shalt  }
0x52: {  	_ =	shalt  }
0x53: {  	_ =	shalt  }
0x54: {  	_ =	shalt  }
0x55: {  	_ =	shalt  }
0x56: {  	_ =	shalt  }
0x57: {  	_ =	shalt  }
0x58: {  	_ =	shalt  }
0x59: {  	_ =	shalt  }
0x5a: {  	_ =	shalt  }
0x5b: {  	_ =	shalt  }
0x5c: {  	_ =	shalt  }
0x5d: {  	_ =	shalt  }
0x5e: {  	_ =	shalt  }
0x5f: {  	_ =	shalt  }
0x60: {  	_ =	shalt  }
0x61: {  	_ =	shalt  }
0x62: {  	_ =	shalt  }
0x63: {  	_ =	shalt  }
0x64: {  	_ =	shalt  }
0x65: {  	_ =	shalt  }
0x66: {  	_ =	shalt  }
0x67: {  	_ =	shalt  }
0x68: {  	_ =	shalt  }
0x69: {  	_ =	shalt  }
0x6a: {  	_ =	shalt  }
0x6b: {  	_ =	shalt  }
0x6c: {  	_ =	shalt  }
0x6d: {  	_ =	shalt  }
0x6e: {  	_ =	shalt  }
0x6f: {  	_ =	shalt  }
0x70: {  	_ =	shalt  }
0x71: {  	_ =	shalt  }
0x72: {  	_ =	shalt  }
0x73: {  	_ =	shalt  }
0x74: {  	_ =	shalt  }
0x75: {  	_ =	shalt  }
0x76: {  	_ =	shalt  }
0x77: {  	_ =	shalt  }
0x78: {  	_ =	shalt  }
0x79: {  	_ =	shalt  }
0x7a: {  	_ =	shalt  }
0x7b: {  	_ =	shalt  }
0x7c: {  	_ =	shalt  }
0x7d: {  	_ =	shalt  }
0x7e: {  	_ =	shalt  }
0x7f: {  	_ =	shalt  }
0x80: {  	_ =	shalt  }
0x81: {  	_ =	shalt  }
0x82: {  	_ =	shalt  }
0x83: {  	_ =	shalt  }
0x84: {  	_ =	shalt  }
0x85: {  	_ =	shalt  }
0x86: {  	_ =	shalt  }
0x87: {  	_ =	shalt  }
.Lfunc_end0:
.L_simem_size_0:
called_computation.7_lowered:
.L_overlay_start_0:
0x88: {  	s2 =	sld [smem:$0x3FD9]  }
0x89: {  	s3 =	sld [smem:$0x3FFE];
	_ =	sdelay $0x1  }
0x8a: {  	s1 =	srdreg.scid  }
0x8b: {  	s0 =	sand.u32 $0x1, s1  }
0x8c: {  	s17 =	sshll.u32 s0, $0xA;
	s2 =	sadd.s32 s3, s2  }
0x8d: {  	s2 =	sadd.s32 s2, s17  }
0x8e: {  	[smem:$0x3FC4] =	sst s2  }
0x8f: {  	_ = 	snop  }
0x90: {  	s18 =	sld [smem:$0x3FD0];
	(tm) =	ssettm $0x1  }
0x91: {  	s19 =	sld [smem:$0x3FFB];
	_ =	sdelay $0x3  }
0x92: {  	_ =	strace s19  }
0x93: {  	s2 =	sld [smem:$0x3FFC];
	_ =	sdelay $0x3  }
0x94: {  	_ =	strace s2  }
0x95: {  	s2 =	sld [smem:$0x3FFD];
	_ =	sdelay $0x3  }
0x96: {  	_ =	strace s2  }
0x97: {  	_ =	strace $0x8FFFFFFF  }
0x98: {  	s20 =	sld [smem:$0x3FDB];
	_ =	sdelay $0x1  }
0x99: {  	s4 =	simm.s32 $_scs_section_size  }
0x9a: {  	s5 =	simm.s32 $_size__tile_overlayer_lowered;
	s6 =	simm.s32 $_tile_overlayer_lowered  }
0x9b: {  	s7 =	simm.s32 $0x1BFF;
	s21 =	sshll.u32 s6, $0x1;
	s4 =	sadd.s32 s4, s20  }
0x9c: {  	s22 =	simm.s32 $0x0;
	s5 =	sshll.u32 s5, $0x1;
	s6 =	sadd.s32 s21, s4  }
0x9d: {  	[timem:s22], [sflag:s7] =	dma.local [hbm:s6], s5  }
0x9e: {  	_ =	swait.ge [sflag:s7], s5  }
0x9f: {  	s5 =	ssub.s32 $0x0, s5;
	[sflag:s7] =	ssyncset.done $0x0  }
0xa0: {  	[sflag:s7] =	ssyncadd.s32 s5;
	_ =	sdelay $0x1  }
0xa1: {  	s23 =	simm.s32 $0x1B8B  }
0xa2: {  	_ =	swait.ge [sflag:s23], $0x1  }
0xa3: {  	[sflag:s23] =	ssyncset.done $0x0  }
0xa4: {  	[sflag:s23] =	ssyncadd.s32 $0xFFFFFFFF  }
0xa5: {  	s5 =	sld [smem:$0x0]  }
0xa6: {  	s6 =	sand.u32 $0xFFFFFFFE, s1  }
0xa7: {  	p0 =	sne.s32 s1, s6  }
0xa8: {  	s6 =	sshll.u32 @p0 s6, $0xE  }
0xa9: {  	s6 =	sadd.s32 @p0 $0x11B8D, s6;
	s7 =	sshll.u32 @p0 s5, $0x11  }
0xaa: {  	s6 =	sor.u32 @p0 s7, s6  }
0xab: {  	[sflag:s6] =	ssyncadd.remote.s32 @p0 $0x1;
	_ =	sdelay $0x1  }
0xac: {  	s6 =	simm.s32 @p0 $0x1B8D  }
0xad: {  	_ =	swait.eq @p0 [sflag:s6], $0x1  }
0xae: {  	[sflag:s6] =	ssyncadd.s32 @p0 $0xFFFFFFFF  }
0xaf: {  	s7 =	sshll.u32 @!p0 s1, $0xE  }
0xb0: {  	s7 =	sor.u32 @!p0 $0x4000, s7;
	s6 =	simm.s32 @!p0 $0x1B8D  }
0xb1: {  	s5 =	sshll.u32 @!p0 s5, $0x11;
	s7 =	sadd.s32 @!p0 $0x11B8D, s7;
	_ =	swait.eq @!p0 [sflag:s6], $0x1  }
0xb2: {  	s5 =	sor.u32 @!p0 s5, s7;
	[sflag:s6] =	ssyncadd.s32 @!p0 $0xFFFFFFFF  }
0xb3: {  	s25 =	simm.s32 $0x1B8E;
	s24 =	sld [smem:$0x3FFE];
	[sflag:s5] =	ssyncadd.remote.s32 @!p0 $0x1  }
0xb4: {  	s26 =	simm.s32 $execute0_lowered;
	[smem:$0x3FD2] =	sst s25  }
0xb5: {  	s6 =	sshll.u32 s26, $0x1;
	_ =	strace $0x8000005B;
	[dreg:$0x1] =	wrdreg $0xFFFFFFFF  }
0xb6: {  	s28 =	simm.s32 $_size_execute0_lowered;
	s4 =	sadd.s32 s4, s6;
	[dreg:$0x0] =	wrdreg $0x0  }
0xb7: {  	s6 =	sshll.u32 s28, $0x1;
	[dreg:$0x2] =	wrdreg s4  }
0xb8: {  	[dreg:$0x3] =	wrdreg s6  }
0xb9: {  	[dreg:$0x4] =	wrdreg $0xC0  }
0xba: {  	_ =	task [dreg:s22], $0x5FFFF  }
0xbb: {  	[dreg:$0x1] =	wrdreg $0xFFFFFFFF  }
0xbc: {  	[dreg:$0x0] =	wrdreg $0x60  }
0xbd: {  	[dreg:$0x2] =	wrdreg s24  }
0xbe: {  	[dreg:$0x3] =	wrdreg s18  }
0xbf: {  	[dreg:$0x4] =	wrdreg $0xF  }
0xc0: {  	_ =	task.clear_ibuf [dreg:s22], $0x5FFFF;
	_ =	strace $0x9000005B  }
0xc1: {  	s29 =	simm.s32 $0xF;
	_ =	strace $0x8000005D  }
0xc2: {  	_ =	swait.ge [sflag:s29], $0x1  }
0xc3: {  	[sflag:s29] =	ssyncadd.s32 $0xFFFFFFFF  }
0xc4: {  	_ =	strace $0x9000005D  }
0xc5: {  	_ =	sfence  }
0xc6: {  	s30 =	sld [smem:$0x0];
	_ =	sdelay $0x2  }
0xc7: {  	s31 =	sshll.u32 s1, $0xD;
	s1 =	sshrl.u32 s1, $0x2  }
0xc8: {  	s4 =	sand.u32 $0x4000, s31;
	s1 =	sadd.s32 s1, s30  }
0xc9: {  	s0 =	sor.u32 s4, s0;
	s1 =	sshll.u32 s1, $0x11  }
0xca: {  	s0 =	sor.u32 s1, s0  }
0xcb: {  	s0 =	sadd.s32 $0x8F2B, s0  }
0xcc: {  	[sflag:s0] =	ssyncadd.remote.s32 $0x1  }
0xcd: {  	_ =	sfence.sel $0xFFFF  }
0xce: {  	[dreg:$0x0] =	wrdreg $0xFFFFFFFF;
	(pc) =	sbr.abs _section_cstart, $3  }
0xcf: {  	[dreg:$0x1] =	wrdreg $0xFFFFFFFF  }
0xd0: {  	_ =	task.clear_ibuf [dreg:s22], $0x2FFFF;
	_ =	strace $0x9FFFFFFF  }
0xd1: {  	(tm) =	ssettm $0x7FFFFFFF  }
tec
execute0_lowered:
.L_overlay_start_1:
0x0: {  	(tag) =	ssettag $0x1  }
0x1: {  	s0 =	rddreg [dreg:$0x0];
	s1 =	srdreg.scid  }
0x2: {  	s3 =	stileid.u32;
	s2 =	rddreg [dreg:$0x1];
	s4 =	simm.s32 $0x0  }
0x3: {  	s13 =	simm.s32 $0x80;
	s17 =	simm.s32 $0x1;
	s30 =	simm.s32 $0x1A00  }
0x4: {  	s8 =	simm.s32 $0x1B80;
	s16 =	simm.s32 $0x1C00;
	s20 =	simm.s32 $0x1C80  }
0x5: {  	s24 =	simm.s32 $0x1D00;
	s29 =	simm.s32 $0x1D80;
	s14 =	simm.s32 $0x1E80  }
0x6: {  	s22 =	simm.s32 $0x1F00;
	s31 =	simm.s32 $0x1F80;
	s18 =	simm.s32 $0x2000  }
0x7: {  	s10 =	simm.s32 $0x2180;
	s11 =	simm.s32 $0x2200;
	s15 =	simm.s32 $0x2280  }
0x8: {  	s12 =	simm.s32 $0x2300;
	s1 =	sand.u32 $0x1, s1;
	s3 =	sshll.u32 s3, $0x1  }
0x9: {  	[smem:$0x7FF] =	sst s4;
	s4 =	sadd.s32 $0xEC00, s0;
	s3 =	sor.u32 s1, s3  }
0xa: {  	s1 =	ssub.s32 $0x2, s1;
	_ =	strace $0x8000005C;
	s5 =	smul.u32 $0x190, s3  }
0xb: {  	s6 =	sshrl.u32 s1, $0x1;
	s9 =	smul.u32 $0x64000, s3;
	s3 =	simm.s32 $0x0  }
.Ltmp0:
0xc: {  	s26 =	ssub.s32 s1, s6;
	s7 =	sadd.s32 s5, s0;
	(pc) =	sbr.rel .LBB2_1-.Ltmp0, $4  }
0xd: {  	s5 =	sadd.s32 $0x4E5600, s0;
	s0 =	smax.u32 s26, $0x1;
	[dreg:$0x6] =	wrdreg s9  }
0xe: {  	s1 =	simm.s32 $0x2;
	s6 =	simm.s32 $0x2080;
	[dreg:$0x4] =	wrdreg s0  }
0xf: {  	s26 =	simm.s32 $0x2100;
	s28 =	sadd.s32 $0x32400, s7;
	[dreg:$0x5] =	wrdreg s5  }
0x10: {  	v0 =	vimm.bf16 $0.0e+00;
	s0 =	simm.s32 $0x2580;
	s7 =	simm.s32 $0x2480;
	[dreg:$0x3] =	wrdreg s28  }
.LBB2_10:
0x11: {  	s3 =	rddreg [dreg:$0x7]  }
0x12: {  	s19 =	rddreg [dreg:$0x4];
	s3 =	sadd.s32 $0x1, s3  }
0x13: {  	p0 =	sne.s32 s3, s19  }
.Ltmp1:
0x14: {  	_ = 	snop;
	(pc) =	sbr.rel @!p0 .LBB2_11-.Ltmp1, $1  }
0x15: {  	_ =	sdelay $0x3  }
.LBB2_1:
0x16: {  	[dreg:$0x7] =	wrdreg s3  }
.Ltmp2:
0x17: {  	s19 =	simm.s32 $0x0;
	s21 =	rddreg [dreg:$0x3];
	(pc) =	sbr.rel .LBB2_2-.Ltmp2, $4  }
0x18: {  	[tilespmem:s19], [sflag:$0x2] =	stream.linear.gather [hbm4b:s21+s19], $0xC80, $0x38;
	[tilespmem:$0xED80] =	vst v63  }
0x19: {  	_ =	swait.ge [sflag:s1], $0xC80  }
0x1a: {  	[sflag:s1] =	ssyncset.done $0x0  }
0x1b: {  	s19 =	simm.s32 $0x18;
	[sflag:s1] =	ssyncadd.s32 $0xFFFFF380  }
.LBB2_5:
0x1c: {  	v1 =	vadd.s32 v1, v2  }
0x1d: {  	s1 =	simm.s32 $0xC80;
	s23 =	simm.s32 $0x1900;
	[tilespmem:s21+$0xC80] =	vst v1  }
0x1e: {  	[tilespmem:s23], [sflag:$0x1] =	stream.indirect.gather [hbm4b:s4+s13], $0x1, s1, s13, $0xb8;
	[tilespmem:$0xED80] =	vst v63  }
0x1f: {  	s3 =	simm.s32 $0xD00;
	s25 =	simm.s32 $0x1980  }
0x20: {  	[tilespmem:s25], [sflag:$0x1] =	stream.indirect.gather [hbm4b:s4+s13], $0x1, s3, s13, $0xb8;
	[tilespmem:$0xED80] =	vst v63  }
0x21: {  	s5 =	simm.s32 $0xD80  }
0x22: {  	[tilespmem:s30], [sflag:$0x1] =	stream.indirect.gather [hbm4b:s4+s13], $0x1, s5, s13, $0xb8;
	[tilespmem:$0xED80] =	vst v63  }
0x23: {  	s9 =	simm.s32 $0xE00;
	s1 =	simm.s32 $0x1A80  }
0x24: {  	[tilespmem:s1], [sflag:$0x1] =	stream.indirect.gather [hbm4b:s4+s13], $0x1, s9, s13, $0xb8;
	[tilespmem:$0xED80] =	vst v63  }
0x25: {  	s28 =	simm.s32 $0xE80;
	s3 =	simm.s32 $0x1B00  }
0x26: {  	[tilespmem:s3], [sflag:$0x1] =	stream.indirect.gather [hbm4b:s4+s13], $0x1, s28, s13, $0xb8;
	[tilespmem:$0xED80] =	vst v63  }
0x27: {  	s0 =	simm.s32 $0xF00  }
0x28: {  	[tilespmem:s8], [sflag:$0x1] =	stream.indirect.gather [hbm4b:s4+s13], $0x1, s0, s13, $0xb8;
	[tilespmem:$0xED80] =	vst v63  }
0x29: {  	s5 =	simm.s32 $0xF80  }
0x2a: {  	[tilespmem:s16], [sflag:$0x1] =	stream.indirect.gather [hbm4b:s4+s13], $0x1, s5, s13, $0xb8;
	[tilespmem:$0xED80] =	vst v63  }
0x2b: {  	s9 =	simm.s32 $0x1000  }
0x2c: {  	[tilespmem:s20], [sflag:$0x1] =	stream.indirect.gather [hbm4b:s4+s13], $0x1, s9, s13, $0xb8;
	[tilespmem:$0xED80] =	vst v63  }
0x2d: {  	s28 =	simm.s32 $0x1080  }
0x2e: {  	[tilespmem:s24], [sflag:$0x1] =	stream.indirect.gather [hbm4b:s4+s13], $0x1, s28, s13, $0xb8;
	[tilespmem:$0xED80] =	vst v63  }
0x2f: {  	s0 =	simm.s32 $0x1100  }
0x30: {  	[tilespmem:s29], [sflag:$0x1] =	stream.indirect.gather [hbm4b:s4+s13], $0x1, s0, s13, $0xb8;
	[tilespmem:$0xED80] =	vst v63  }
0x31: {  	s5 =	simm.s32 $0x1180;
	s0 =	simm.s32 $0x1E00  }
0x32: {  	[tilespmem:s0], [sflag:$0x1] =	stream.indirect.gather [hbm4b:s4+s13], $0x1, s5, s13, $0xb8;
	[tilespmem:$0xED80] =	vst v63  }
0x33: {  	s9 =	simm.s32 $0x1200  }
0x34: {  	[tilespmem:s14], [sflag:$0x1] =	stream.indirect.gather [hbm4b:s4+s13], $0x1, s9, s13, $0xb8;
	[tilespmem:$0xED80] =	vst v63  }
0x35: {  	s28 =	simm.s32 $0x1280  }
0x36: {  	[tilespmem:s22], [sflag:$0x1] =	stream.indirect.gather [hbm4b:s4+s13], $0x1, s28, s13, $0xb8;
	[tilespmem:$0xED80] =	vst v63  }
0x37: {  	s5 =	simm.s32 $0x1300  }
0x38: {  	[tilespmem:s31], [sflag:$0x1] =	stream.indirect.gather [hbm4b:s4+s13], $0x1, s5, s13, $0xb8;
	[tilespmem:$0xED80] =	vst v63  }
0x39: {  	s9 =	simm.s32 $0x1380  }
0x3a: {  	[tilespmem:s18], [sflag:$0x1] =	stream.indirect.gather [hbm4b:s4+s13], $0x1, s9, s13, $0xb8;
	[tilespmem:$0xED80] =	vst v63  }
0x3b: {  	s28 =	simm.s32 $0x1400  }
0x3c: {  	[tilespmem:s6], [sflag:$0x1] =	stream.indirect.gather [hbm4b:s4+s13], $0x1, s28, s13, $0xb8;
	[tilespmem:$0xED80] =	vst v63  }
0x3d: {  	s5 =	simm.s32 $0x1480  }
0x3e: {  	[tilespmem:s26], [sflag:$0x1] =	stream.indirect.gather [hbm4b:s4+s13], $0x1, s5, s13, $0xb8;
	[tilespmem:$0xED80] =	vst v63  }
0x3f: {  	s9 =	simm.s32 $0x1500  }
0x40: {  	[tilespmem:s10], [sflag:$0x1] =	stream.indirect.gather [hbm4b:s4+s13], $0x1, s9, s13, $0xb8;
	[tilespmem:$0xED80] =	vst v63  }
0x41: {  	s28 =	simm.s32 $0x1580  }
0x42: {  	[tilespmem:s11], [sflag:$0x1] =	stream.indirect.gather [hbm4b:s4+s13], $0x1, s28, s13, $0xb8;
	[tilespmem:$0xED80] =	vst v63  }
0x43: {  	s5 =	simm.s32 $0x1600  }
0x44: {  	[tilespmem:s15], [sflag:$0x1] =	stream.indirect.gather [hbm4b:s4+s13], $0x1, s5, s13, $0xb8;
	[tilespmem:$0xED80] =	vst v63  }
0x45: {  	s9 =	simm.s32 $0x1680  }
0x46: {  	[tilespmem:s12], [sflag:$0x1] =	stream.indirect.gather [hbm4b:s4+s13], $0x1, s9, s13, $0xb8;
	[tilespmem:$0xED80] =	vst v63  }
0x47: {  	s28 =	simm.s32 $0x1700;
	s5 =	simm.s32 $0x2380  }
0x48: {  	[tilespmem:s5], [sflag:$0x1] =	stream.indirect.gather [hbm4b:s4+s13], $0x1, s28, s13, $0xb8;
	[tilespmem:$0xED80] =	vst v63  }
0x49: {  	s9 =	simm.s32 $0x1780;
	s28 =	simm.s32 $0x2400  }
0x4a: {  	[tilespmem:s28], [sflag:$0x1] =	stream.indirect.gather [hbm4b:s4+s13], $0x1, s9, s13, $0xb8;
	[tilespmem:$0xED80] =	vst v63  }
0x4b: {  	s9 =	simm.s32 $0x1800  }
0x4c: {  	[tilespmem:s7], [sflag:$0x1] =	stream.indirect.gather [hbm4b:s4+s13], $0x1, s9, s13, $0xb8;
	[tilespmem:$0xED80] =	vst v63  }
0x4d: {  	s21 =	simm.s32 $0x1880;
	s9 =	simm.s32 $0x2500  }
0x4e: {  	[tilespmem:s9], [sflag:$0x1] =	stream.indirect.gather [hbm4b:s4+s13], $0x1, s21, s13, $0xb8;
	[tilespmem:$0xED80] =	vst v63  }
0x4f: {  	_ =	swait.ge [sflag:s17], $0x80  }
0x50: {  	[sflag:s17] =	ssyncset.done $0x0  }
0x51: {  	[sflag:s17] =	ssyncadd.s32 $0xFFFFFF80  }
0x52: {  	_ =	swait.ge [sflag:s17], $0x80  }
0x53: {  	[sflag:s17] =	ssyncset.done $0x0  }
0x54: {  	[sflag:s17] =	ssyncadd.s32 $0xFFFFFF80  }
0x55: {  	_ =	swait.ge [sflag:s17], $0x80  }
0x56: {  	[sflag:s17] =	ssyncset.done $0x0  }
0x57: {  	[sflag:s17] =	ssyncadd.s32 $0xFFFFFF80  }
0x58: {  	_ =	swait.ge [sflag:s17], $0x80  }
0x59: {  	[sflag:s17] =	ssyncset.done $0x0  }
0x5a: {  	[sflag:s17] =	ssyncadd.s32 $0xFFFFFF80  }
0x5b: {  	_ =	swait.ge [sflag:s17], $0x80  }
0x5c: {  	[sflag:s17] =	ssyncset.done $0x0  }
0x5d: {  	[sflag:s17] =	ssyncadd.s32 $0xFFFFFF80  }
0x5e: {  	_ =	swait.ge [sflag:s17], $0x80  }
0x5f: {  	[sflag:s17] =	ssyncset.done $0x0  }
0x60: {  	[sflag:s17] =	ssyncadd.s32 $0xFFFFFF80  }
0x61: {  	_ =	swait.ge [sflag:s17], $0x80  }
0x62: {  	[sflag:s17] =	ssyncset.done $0x0  }
0x63: {  	[sflag:s17] =	ssyncadd.s32 $0xFFFFFF80  }
0x64: {  	_ =	swait.ge [sflag:s17], $0x80  }
0x65: {  	[sflag:s17] =	ssyncset.done $0x0  }
0x66: {  	[sflag:s17] =	ssyncadd.s32 $0xFFFFFF80  }
0x67: {  	_ =	swait.ge [sflag:s17], $0x80  }
0x68: {  	[sflag:s17] =	ssyncset.done $0x0  }
0x69: {  	[sflag:s17] =	ssyncadd.s32 $0xFFFFFF80  }
0x6a: {  	_ =	swait.ge [sflag:s17], $0x80  }
0x6b: {  	[sflag:s17] =	ssyncset.done $0x0  }
0x6c: {  	[sflag:s17] =	ssyncadd.s32 $0xFFFFFF80  }
0x6d: {  	_ =	swait.ge [sflag:s17], $0x80  }
0x6e: {  	[sflag:s17] =	ssyncset.done $0x0  }
0x6f: {  	[sflag:s17] =	ssyncadd.s32 $0xFFFFFF80  }
0x70: {  	_ =	swait.ge [sflag:s17], $0x80  }
0x71: {  	[sflag:s17] =	ssyncset.done $0x0  }
0x72: {  	[sflag:s17] =	ssyncadd.s32 $0xFFFFFF80  }
0x73: {  	_ =	swait.ge [sflag:s17], $0x80  }
0x74: {  	[sflag:s17] =	ssyncset.done $0x0  }
0x75: {  	[sflag:s17] =	ssyncadd.s32 $0xFFFFFF80  }
0x76: {  	_ =	swait.ge [sflag:s17], $0x80  }
0x77: {  	[sflag:s17] =	ssyncset.done $0x0  }
0x78: {  	[sflag:s17] =	ssyncadd.s32 $0xFFFFFF80  }
0x79: {  	_ =	swait.ge [sflag:s17], $0x80  }
0x7a: {  	[sflag:s17] =	ssyncset.done $0x0  }
0x7b: {  	[sflag:s17] =	ssyncadd.s32 $0xFFFFFF80  }
0x7c: {  	_ =	swait.ge [sflag:s17], $0x80  }
0x7d: {  	[sflag:s17] =	ssyncset.done $0x0  }
0x7e: {  	[sflag:s17] =	ssyncadd.s32 $0xFFFFFF80  }
0x7f: {  	_ =	swait.ge [sflag:s17], $0x80  }
0x80: {  	[sflag:s17] =	ssyncset.done $0x0  }
0x81: {  	[sflag:s17] =	ssyncadd.s32 $0xFFFFFF80  }
0x82: {  	_ =	swait.ge [sflag:s17], $0x80  }
0x83: {  	[sflag:s17] =	ssyncset.done $0x0  }
0x84: {  	[sflag:s17] =	ssyncadd.s32 $0xFFFFFF80  }
0x85: {  	_ =	swait.ge [sflag:s17], $0x80  }
0x86: {  	[sflag:s17] =	ssyncset.done $0x0  }
0x87: {  	[sflag:s17] =	ssyncadd.s32 $0xFFFFFF80  }
0x88: {  	_ =	swait.ge [sflag:s17], $0x80  }
0x89: {  	[sflag:s17] =	ssyncset.done $0x0  }
0x8a: {  	[sflag:s17] =	ssyncadd.s32 $0xFFFFFF80  }
0x8b: {  	_ =	swait.ge [sflag:s17], $0x80  }
0x8c: {  	[sflag:s17] =	ssyncset.done $0x0  }
0x8d: {  	[sflag:s17] =	ssyncadd.s32 $0xFFFFFF80  }
0x8e: {  	_ =	swait.ge [sflag:s17], $0x80  }
0x8f: {  	[sflag:s17] =	ssyncset.done $0x0  }
0x90: {  	[sflag:s17] =	ssyncadd.s32 $0xFFFFFF80  }
0x91: {  	_ =	swait.ge [sflag:s17], $0x80  }
0x92: {  	[sflag:s17] =	ssyncset.done $0x0  }
0x93: {  	[sflag:s17] =	ssyncadd.s32 $0xFFFFFF80  }
0x94: {  	_ =	swait.ge [sflag:s17], $0x80  }
0x95: {  	[sflag:s17] =	ssyncset.done $0x0  }
0x96: {  	[sflag:s17] =	ssyncadd.s32 $0xFFFFFF80  }
0x97: {  	_ =	swait.ge [sflag:s17], $0x80  }
0x98: {  	[sflag:s17] =	ssyncset.done $0x0  }
0x99: {  	s21 =	simm.s32 $0x2580;
	[sflag:s17] =	ssyncadd.s32 $0xFFFFFF80  }
0x9a: {  	[tilespmem:s21], [sflag:$0x1] =	stream.indirect.gather [hbm4b:s2+s13], $0x10, s23, s13, $0xb8;
	[tilespmem:$0xED80] =	vst v63  }
0x9b: {  	s23 =	simm.s32 $0x2D80  }
0x9c: {  	[tilespmem:s23], [sflag:$0x1] =	stream.indirect.gather [hbm4b:s2+s13], $0x10, s25, s13, $0xb8;
	[tilespmem:$0xED80] =	vst v63  }
0x9d: {  	s25 =	simm.s32 $0x3580  }
0x9e: {  	[tilespmem:s25], [sflag:$0x1] =	stream.indirect.gather [hbm4b:s2+s13], $0x10, s30, s13, $0xb8;
	[tilespmem:$0xED80] =	vst v63  }
0x9f: {  	s23 =	simm.s32 $0x3D80  }
0xa0: {  	[tilespmem:s23], [sflag:$0x1] =	stream.indirect.gather [hbm4b:s2+s13], $0x10, s1, s13, $0xb8;
	[tilespmem:$0xED80] =	vst v63  }
0xa1: {  	s25 =	simm.s32 $0x4580  }
0xa2: {  	[tilespmem:s25], [sflag:$0x1] =	stream.indirect.gather [hbm4b:s2+s13], $0x10, s3, s13, $0xb8;
	[tilespmem:$0xED80] =	vst v63  }
0xa3: {  	s21 =	simm.s32 $0x4D80  }
0xa4: {  	[tilespmem:s21], [sflag:$0x1] =	stream.indirect.gather [hbm4b:s2+s13], $0x10, s8, s13, $0xb8;
	[tilespmem:$0xED80] =	vst v63  }
0xa5: {  	s23 =	simm.s32 $0x5580  }
0xa6: {  	[tilespmem:s23], [sflag:$0x1] =	stream.indirect.gather [hbm4b:s2+s13], $0x10, s16, s13, $0xb8;
	[tilespmem:$0xED80] =	vst v63  }
0xa7: {  	s25 =	simm.s32 $0x5D80  }
0xa8: {  	[tilespmem:s25], [sflag:$0x1] =	stream.indirect.gather [hbm4b:s2+s13], $0x10, s20, s13, $0xb8;
	[tilespmem:$0xED80] =	vst v63  }
0xa9: {  	s3 =	simm.s32 $0x6580  }
0xaa: {  	[tilespmem:s3], [sflag:$0x1] =	stream.indirect.gather [hbm4b:s2+s13], $0x10, s24, s13, $0xb8;
	[tilespmem:$0xED80] =	vst v63  }
0xab: {  	s21 =	simm.s32 $0x6D80  }
0xac: {  	[tilespmem:s21], [sflag:$0x1] =	stream.indirect.gather [hbm4b:s2+s13], $0x10, s29, s13, $0xb8;
	[tilespmem:$0xED80] =	vst v63  }
0xad: {  	s23 =	simm.s32 $0x7580  }
0xae: {  	[tilespmem:s23], [sflag:$0x1] =	stream.indirect.gather [hbm4b:s2+s13], $0x10, s0, s13, $0xb8;
	[tilespmem:$0xED80] =	vst v63  }
0xaf: {  	s25 =	simm.s32 $0x7D80  }
0xb0: {  	[tilespmem:s25], [sflag:$0x1] =	stream.indirect.gather [hbm4b:s2+s13], $0x10, s14, s13, $0xb8;
	[tilespmem:$0xED80] =	vst v63  }
0xb1: {  	s3 =	simm.s32 $0x8580  }
0xb2: {  	[tilespmem:s3], [sflag:$0x1] =	stream.indirect.gather [hbm4b:s2+s13], $0x10, s22, s13, $0xb8;
	[tilespmem:$0xED80] =	vst v63  }
0xb3: {  	s21 =	simm.s32 $0x8D80  }
0xb4: {  	[tilespmem:s21], [sflag:$0x1] =	stream.indirect.gather [hbm4b:s2+s13], $0x10, s31, s13, $0xb8;
	[tilespmem:$0xED80] =	vst v63  }
0xb5: {  	s23 =	simm.s32 $0x9580  }
0xb6: {  	[tilespmem:s23], [sflag:$0x1] =	stream.indirect.gather [hbm4b:s2+s13], $0x10, s18, s13, $0xb8;
	[tilespmem:$0xED80] =	vst v63  }
0xb7: {  	s25 =	simm.s32 $0x9D80  }
0xb8: {  	[tilespmem:s25], [sflag:$0x1] =	stream.indirect.gather [hbm4b:s2+s13], $0x10, s6, s13, $0xb8;
	[tilespmem:$0xED80] =	vst v63  }
0xb9: {  	s3 =	simm.s32 $0xA580  }
0xba: {  	[tilespmem:s3], [sflag:$0x1] =	stream.indirect.gather [hbm4b:s2+s13], $0x10, s26, s13, $0xb8;
	[tilespmem:$0xED80] =	vst v63  }
0xbb: {  	s21 =	simm.s32 $0xAD80  }
0xbc: {  	[tilespmem:s21], [sflag:$0x1] =	stream.indirect.gather [hbm4b:s2+s13], $0x10, s10, s13, $0xb8;
	[tilespmem:$0xED80] =	vst v63  }
0xbd: {  	s23 =	simm.s32 $0xB580  }
0xbe: {  	[tilespmem:s23], [sflag:$0x1] =	stream.indirect.gather [hbm4b:s2+s13], $0x10, s11, s13, $0xb8;
	[tilespmem:$0xED80] =	vst v63  }
0xbf: {  	s25 =	simm.s32 $0xBD80  }
0xc0: {  	[tilespmem:s25], [sflag:$0x1] =	stream.indirect.gather [hbm4b:s2+s13], $0x10, s15, s13, $0xb8;
	[tilespmem:$0xED80] =	vst v63  }
0xc1: {  	s3 =	simm.s32 $0xC580  }
0xc2: {  	[tilespmem:s3], [sflag:$0x1] =	stream.indirect.gather [hbm4b:s2+s13], $0x10, s12, s13, $0xb8;
	[tilespmem:$0xED80] =	vst v63  }
0xc3: {  	s21 =	simm.s32 $0xCD80  }
0xc4: {  	[tilespmem:s21], [sflag:$0x1] =	stream.indirect.gather [hbm4b:s2+s13], $0x10, s5, s13, $0xb8;
	[tilespmem:$0xED80] =	vst v63  }
0xc5: {  	s23 =	simm.s32 $0xD580  }
0xc6: {  	[tilespmem:s23], [sflag:$0x1] =	stream.indirect.gather [hbm4b:s2+s13], $0x10, s28, s13, $0xb8;
	[tilespmem:$0xED80] =	vst v63  }
0xc7: {  	s25 =	simm.s32 $0xDD80  }
0xc8: {  	[tilespmem:s25], [sflag:$0x1] =	stream.indirect.gather [hbm4b:s2+s13], $0x10, s7, s13, $0xb8;
	[tilespmem:$0xED80] =	vst v63  }
0xc9: {  	s28 =	simm.s32 $0xE580  }
0xca: {  	[tilespmem:s28], [sflag:$0x1] =	stream.indirect.gather [hbm4b:s2+s13], $0x10, s9, s13, $0xb8;
	[tilespmem:$0xED80] =	vst v63  }
0xcb: {  	_ =	swait.ge [sflag:s17], $0x800  }
0xcc: {  	[sflag:s17] =	ssyncset.done $0x0  }
0xcd: {  	[sflag:s17] =	ssyncadd.s32 $0xFFFFF800  }
0xce: {  	_ =	swait.ge [sflag:s17], $0x800  }
0xcf: {  	[sflag:s17] =	ssyncset.done $0x0  }
0xd0: {  	[sflag:s17] =	ssyncadd.s32 $0xFFFFF800  }
0xd1: {  	_ =	swait.ge [sflag:s17], $0x800  }
0xd2: {  	[sflag:s17] =	ssyncset.done $0x0  }
0xd3: {  	[sflag:s17] =	ssyncadd.s32 $0xFFFFF800  }
0xd4: {  	_ =	swait.ge [sflag:s17], $0x800  }
0xd5: {  	[sflag:s17] =	ssyncset.done $0x0  }
0xd6: {  	[sflag:s17] =	ssyncadd.s32 $0xFFFFF800  }
0xd7: {  	_ =	swait.ge [sflag:s17], $0x800  }
0xd8: {  	[sflag:s17] =	ssyncset.done $0x0  }
0xd9: {  	[sflag:s17] =	ssyncadd.s32 $0xFFFFF800  }
0xda: {  	_ =	swait.ge [sflag:s17], $0x800  }
0xdb: {  	[sflag:s17] =	ssyncset.done $0x0  }
0xdc: {  	[sflag:s17] =	ssyncadd.s32 $0xFFFFF800  }
0xdd: {  	_ =	swait.ge [sflag:s17], $0x800  }
0xde: {  	[sflag:s17] =	ssyncset.done $0x0  }
0xdf: {  	[sflag:s17] =	ssyncadd.s32 $0xFFFFF800  }
0xe0: {  	_ =	swait.ge [sflag:s17], $0x800  }
0xe1: {  	[sflag:s17] =	ssyncset.done $0x0  }
0xe2: {  	[sflag:s17] =	ssyncadd.s32 $0xFFFFF800  }
0xe3: {  	_ =	swait.ge [sflag:s17], $0x800  }
0xe4: {  	[sflag:s17] =	ssyncset.done $0x0  }
0xe5: {  	[sflag:s17] =	ssyncadd.s32 $0xFFFFF800  }
0xe6: {  	_ =	swait.ge [sflag:s17], $0x800  }
0xe7: {  	[sflag:s17] =	ssyncset.done $0x0  }
0xe8: {  	[sflag:s17] =	ssyncadd.s32 $0xFFFFF800  }
0xe9: {  	_ =	swait.ge [sflag:s17], $0x800  }
0xea: {  	[sflag:s17] =	ssyncset.done $0x0  }
0xeb: {  	[sflag:s17] =	ssyncadd.s32 $0xFFFFF800  }
0xec: {  	_ =	swait.ge [sflag:s17], $0x800  }
0xed: {  	[sflag:s17] =	ssyncset.done $0x0  }
0xee: {  	[sflag:s17] =	ssyncadd.s32 $0xFFFFF800  }
0xef: {  	_ =	swait.ge [sflag:s17], $0x800  }
0xf0: {  	[sflag:s17] =	ssyncset.done $0x0  }
0xf1: {  	[sflag:s17] =	ssyncadd.s32 $0xFFFFF800  }
0xf2: {  	_ =	swait.ge [sflag:s17], $0x800  }
0xf3: {  	[sflag:s17] =	ssyncset.done $0x0  }
0xf4: {  	[sflag:s17] =	ssyncadd.s32 $0xFFFFF800  }
0xf5: {  	_ =	swait.ge [sflag:s17], $0x800  }
0xf6: {  	[sflag:s17] =	ssyncset.done $0x0  }
0xf7: {  	[sflag:s17] =	ssyncadd.s32 $0xFFFFF800  }
0xf8: {  	_ =	swait.ge [sflag:s17], $0x800  }
0xf9: {  	[sflag:s17] =	ssyncset.done $0x0  }
0xfa: {  	[sflag:s17] =	ssyncadd.s32 $0xFFFFF800  }
0xfb: {  	_ =	swait.ge [sflag:s17], $0x800  }
0xfc: {  	[sflag:s17] =	ssyncset.done $0x0  }
0xfd: {  	[sflag:s17] =	ssyncadd.s32 $0xFFFFF800  }
0xfe: {  	_ =	swait.ge [sflag:s17], $0x800  }
0xff: {  	[sflag:s17] =	ssyncset.done $0x0  }
0x100: {  	[sflag:s17] =	ssyncadd.s32 $0xFFFFF800  }
0x101: {  	_ =	swait.ge [sflag:s17], $0x800  }
0x102: {  	[sflag:s17] =	ssyncset.done $0x0  }
0x103: {  	[sflag:s17] =	ssyncadd.s32 $0xFFFFF800  }
0x104: {  	_ =	swait.ge [sflag:s17], $0x800  }
0x105: {  	[sflag:s17] =	ssyncset.done $0x0  }
0x106: {  	[sflag:s17] =	ssyncadd.s32 $0xFFFFF800  }
0x107: {  	_ =	swait.ge [sflag:s17], $0x800  }
0x108: {  	[sflag:s17] =	ssyncset.done $0x0  }
0x109: {  	[sflag:s17] =	ssyncadd.s32 $0xFFFFF800  }
0x10a: {  	_ =	swait.ge [sflag:s17], $0x800  }
0x10b: {  	[sflag:s17] =	ssyncset.done $0x0  }
0x10c: {  	[sflag:s17] =	ssyncadd.s32 $0xFFFFF800  }
0x10d: {  	_ =	swait.ge [sflag:s17], $0x800  }
0x10e: {  	[sflag:s17] =	ssyncset.done $0x0  }
0x10f: {  	[sflag:s17] =	ssyncadd.s32 $0xFFFFF800  }
0x110: {  	_ =	swait.ge [sflag:s17], $0x800  }
0x111: {  	[sflag:s17] =	ssyncset.done $0x0  }
0x112: {  	[sflag:s17] =	ssyncadd.s32 $0xFFFFF800  }
0x113: {  	s1 =	simm.s32 $0x2;
	_ =	swait.ge [sflag:s17], $0x800  }
0x114: {  	s0 =	simm.s32 $0x2580;
	[sflag:s17] =	ssyncset.done $0x0;
	s5 =	rddreg [dreg:$0x5]  }
0x115: {  	s3 =	simm.s32 $0x10;
	s9 =	rddreg [dreg:$0x6];
	[sflag:s17] =	ssyncadd.s32 $0xFFFFF800  }
.LBB2_9:
0x116: {  	s21 =	sshll.u32 s19, $0x5  }
0x117: {  	s21 =	sand.u32 $0x60, s21  }
0x118: {  	s19 =	sadd.s32 $0x1, s19;
	s21 =	sor.u32 s9, s21  }
0x119: {  	p0 =	sne.s32 s19, $0x1C;
	s21 =	sshrl.u32 s21, $0x4  }
.Ltmp3:
0x11a: {  	s23 =	simm.s32 $0x40;
	s21 =	sadd.s32 s5, s21;
	(pc) =	sbr.rel @!p0 .LBB2_10-.Ltmp3, $4  }
0x11b: {  	[hbm4b:s21+s3] =	stream.strided.scatter [tilespmem:s0], [sflag:$0x2], $0xC800, s23, s3, $0x38;
	[tilespmem:$0xED80] =	vst v63  }
0x11c: {  	_ =	swait.ge [sflag:s1], $0xC800  }
0x11d: {  	[sflag:s1] =	ssyncset.done $0x0  }
0x11e: {  	[sflag:s1] =	ssyncadd.s32 $0xFFFF3800  }
.LBB2_2:
0x11f: {  	p0 =	seq.s32 s19, $0x1B  }
.Ltmp4:
0x120: {  	_ = 	snop;
	(pc) =	sbr.rel @!p0 .LBB2_3-.Ltmp4, $2  }
0x121: {  	_ =	sdelay $0x2  }
0x122: {  	s21 =	simm.s32 $0x0  }
0x123: {  	s23 =	sand.u32 $0x3E000, s21;
	s25 =	sand.u32 $0xFE0, s21  }
0x124: {  	s23 =	sshrl.u32 s23, $0x2;
	s25 =	sshrl.u32 s25, $0x1  }
0x125: {  	s25 =	sor.u32 s25, s23  }
0x126: {  	s23 =	sadd.s32 $0x40, s21;
	[tilespmem:s25+$0x2580] =	vst v0  }
.LBB2_7:
0x127: {  	p0 =	seq.s32 s23, $0x31FC0  }
.Ltmp5:
0x128: {  	s25 =	sand.u32 $0x3E000, s23;
	s21 =	sadd.s32 $0x20, s21;
	(pc) =	sbr.rel @!p0 .LBB2_7-.Ltmp5, $4  }
0x129: {  	s23 =	sadd.s32 $0x40, s23;
	s28 =	sand.u32 $0xFE0, s21  }
0x12a: {  	s25 =	sshrl.u32 s25, $0x2;
	s28 =	sshrl.u32 s28, $0x1  }
0x12b: {  	s25 =	sor.u32 s28, s25  }
0x12c: {  	[tilespmem:s25+$0x2580] =	vst v0  }
.Ltmp6:
0x12d: {  	(pc) =	sbr.rel .LBB2_9-.Ltmp6, $2  }
0x12e: {  	_ =	sdelay $0x2  }
0x12f: {  	s3 =	simm.s32 $0x10  }
.LBB2_3:
0x130: {  	s21 =	smul.u32 $0xAB, s19;
	_ =	sdelay $0x1  }
0x131: {  	s21 =	sshrl.u32 s21, $0x9  }
0x132: {  	s21 =	sand.u32 $0x7F, s21  }
0x133: {  	s23 =	smul.u32 $0x56, s21  }
0x134: {  	s25 =	smul.u32 $0x39, s19  }
0x135: {  	s23 =	sshrl.u32 s23, $0x8  }
0x136: {  	s25 =	sshrl.u32 s25, $0x9;
	s23 =	smul.u32 $0x3, s23  }
0x137: {  	s25 =	smul.u32 $0x42, s25  }
0x138: {  	s23 =	ssub.s32 s21, s23  }
0x139: {  	s25 =	sand.u32 $0xFE, s25;
	s21 =	smul.u32 $0x3, s21;
	s23 =	sand.u32 $0xFF, s23  }
0x13a: {  	s23 =	sadd.s32 s23, s25  }
0x13b: {  	s21 =	ssub.s32 s19, s21;
	s23 =	smul.u32 $0x42, s23  }
0x13c: {  	s21 =	sand.u32 $0xFF, s21  }
0x13d: {  	s21 =	sadd.s32 s23, s21  }
0x13e: {  	s21 =	sadd.s32 $0xFFFFEEB9, s21  }
0x13f: {  	v1 =	vmov s21;
	s21 =	simm.s32 $0x0  }
0x140: {  	s23 =	simm.s32 $0x40;
	v2 =	vld [tilespmem:s21+$0x0]  }
.LBB2_4:
0x141: {  	p0 =	sne.s32 s23, $0x31C0  }
.Ltmp7:
0x142: {  	_ = 	snop;
	(pc) =	sbr.rel @p0 .LBB2_4-.Ltmp7, $3  }
0x143: {  	_ =	sdelay $0x1  }
0x144: {  	s25 =	sshra.s32 s23, $0x2;
	s23 =	sadd.s32 $0x40, s23;
	v3 =	vadd.s32 v1, v2  }
0x145: {  	v2 =	vld [tilespmem:s25+$0x0];
	[tilespmem:s21+$0xC80] =	vst v3;
	s21 =	smov.u32 s25  }
.Ltmp8:
0x146: {  	_ = 	snop;
	(pc) =	sbr.rel .LBB2_5-.Ltmp8, $1  }
0x147: {  	_ =	sdelay $0x3  }
.LBB2_11:
0x148: {  	_ =	sfence.sel $0x180000  }
0x149: {  	[bflag:$0x0] =	sbarrier.arrive $0xFFFF  }
0x14a: {  	_ =	strace $0x9000005C  }
0x14b: {  	s0 =	stileid.u32;
	[bflag:$0x2] =	sbarrier.arrive $0xFFFF  }
0x14c: {  	p0 =	sne.s32 s0, $0x0;
	s0 =	rddreg [dreg:$0x2]  }
0x14d: {  	s0 =	sadd.s32 @!p0 $0x100000, s0  }
0x14e: {  	[sflag:s0] =	ssyncadd.tile.s32 @!p0 $0x1;
	_ =	shalt  }
.Lfunc_end2:
_tile_overlayer_lowered:
.L_overlay_start_2:
0x14f: {  	(tag) =	ssettag $0x2  }
0x150: {  	s0 =	rddreg [dreg:$0x0];
	s2 =	stileid.u32  }
0x151: {  	s1 =	rddreg [dreg:$0x1];
	p0 =	sne.s32 s2, $0x0  }
0x152: {  	s3 =	rddreg [dreg:$0x2];
	[bflag:$0x3] =	sbarrier.arrive $0xFFFF;
	s2 =	simm.s32 @!p0 $0x1C02  }
0x153: {  	[timem:s3], [sflag:s2] =	dma.local @!p0 [hbm:s0], s1  }
0x154: {  	s0 =	simm.s32 @!p0 $0x2  }
0x155: {  	_ =	swait.ge @!p0 [sflag:s0], s1  }
0x156: {  	s1 =	ssub.s32 @!p0 $0x0, s1;
	[sflag:s0] =	ssyncset.done @!p0 $0x0  }
0x157: {  	[sflag:s0] =	ssyncadd.s32 @!p0 s1  }
0x158: {  	[bflag:$0x3] =	sbarrier.arrive $0xFFFF  }
0x159: {  	_ =	shalt  }

</sc_bundles>
